<compile_context>
chip_gen: v7x
topology: tpu7x:2x2x1
jax: 0.10.2.dev20260603
libtpu: 0.0.44.dev20260713+nightly
codegen_flags: <defaults>
</compile_context>

<pallas_src>
import functools

import jax
import jax.numpy as jnp
from jax import lax
from jax.experimental import pallas as pl
from jax.experimental.pallas import tpu as pltpu
from jax.experimental.pallas import tpu_sc as plsc

N = 10000
E = 320000
D = 128

NC = 2
NS = 16
NW = NC * NS
EPW = E // NW
EC = 40
NCH = EPW // EC
NP = 10240
RPT = NP // NS
OC = 80

NBLK = 400
NGRID = N // NBLK
EBLK = 3200
EGRID = E // EBLK


def _sc_seg_body(a_hbm, b_hbm, c_hbm, src_hbm, dst_hbm, out_hbm,
                 srcv, dstv, av, bv, cv, xv, zbuf, acc,
                 sidx, sga, sgb, sgc, ssc):
    cid = lax.axis_index("c")
    sid = lax.axis_index("s")
    wid = cid * NS + sid
    base0 = wid * EPW

    def idx_start(i4, qbase):
        pltpu.async_copy(src_hbm.at[pl.ds(qbase, EC)], srcv[i4], sidx[i4])
        pltpu.async_copy(dst_hbm.at[pl.ds(qbase, EC)], dstv[i4], sidx[i4])

    def idx_wait(i4, qbase):
        pltpu.make_async_copy(src_hbm.at[pl.ds(qbase, EC)], srcv[i4],
                              sidx[i4]).wait()
        pltpu.make_async_copy(dst_hbm.at[pl.ds(qbase, EC)], dstv[i4],
                              sidx[i4]).wait()

    def gathers_start(i4, p, qbase):
        pltpu.async_copy(a_hbm.at[srcv[i4]], av[p], sga[p])
        pltpu.async_copy(b_hbm.at[dstv[i4]], bv[p], sgb[p])
        pltpu.async_copy(c_hbm.at[pl.ds(qbase, EC)], cv[p], sgc[p])

    def gathers_wait(i4, p, qbase):
        pltpu.make_async_copy(a_hbm.at[srcv[i4]], av[p], sga[p]).wait()
        pltpu.make_async_copy(b_hbm.at[dstv[i4]], bv[p], sgb[p]).wait()
        pltpu.make_async_copy(c_hbm.at[pl.ds(qbase, EC)], cv[p], sgc[p]).wait()

    def scatter_wait(i4, p):
        pltpu.make_async_copy(xv[p], acc.at[srcv[i4]], ssc[p]).wait()

    idx_start(0, base0)
    idx_start(1, base0 + EC)
    idx_wait(0, base0)
    gathers_start(0, 0, base0)

    def zloop(e, carry):
        for j in range(8):
            zbuf[e, pl.ds(j * 16, 16)] = jnp.zeros((16,), jnp.float32)
        return carry

    lax.fori_loop(0, EC, zloop, 0)
    for k in range(RPT // EC):
        pltpu.sync_copy(zbuf, acc.at[pl.ds(sid * RPT + k * EC, EC)])
    plsc.subcore_barrier()

    def stage(t, carry):
        for r in range(4):
            q = 4 * t + r
            p = r % 2
            qb = base0 + q * EC

            @pl.when(jnp.logical_and(q >= 1, q < NCH))
            def _():
                scatter_wait((r - 1) % 4, (r - 1) % 2)

            @pl.when(q + 2 < NCH)
            def _():
                idx_start((r + 2) % 4, qb + 2 * EC)

            @pl.when(q + 1 < NCH)
            def _():
                idx_wait((r + 1) % 4, qb + EC)
                gathers_start((r + 1) % 4, (r + 1) % 2, qb + EC)

            @pl.when(q < NCH)
            def _():
                gathers_wait(r, p, qb)

                def compute(e, c2):
                    for j in range(8):
                        sl = pl.ds(j * 16, 16)
                        xv[p][e, sl] = jnp.maximum(
                            av[p][e, sl] + bv[p][e, sl] + cv[p][e, sl], 0.0)
                    return c2

                lax.fori_loop(0, EC, compute, 0)
                pltpu.async_copy(xv[p], acc.at[srcv[r]], ssc[p], add=True)
        return carry

    lax.fori_loop(0, (NCH + 3) // 4, stage, 0)
    scatter_wait((NCH - 1) % 4, (NCH - 1) % 2)
    plsc.subcore_barrier()
    for k in range(RPT // OC):
        r0 = sid * RPT + k * OC

        @pl.when(r0 < N)
        def _():
            pltpu.sync_copy(acc.at[pl.ds(r0, OC)],
                            out_hbm.at[cid, pl.ds(r0, OC)])


def _sc_segment_pass(a_tab, b_tab, c_tab, src, dst):
    mesh = plsc.VectorSubcoreMesh(core_axis_name="c", subcore_axis_name="s")
    f = pl.kernel(
        _sc_seg_body,
        out_type=jax.ShapeDtypeStruct((NC, N, D), jnp.float32),
        mesh=mesh,
        scratch_types=[
            [pltpu.VMEM((EC,), jnp.int32) for _ in range(4)],
            [pltpu.VMEM((EC,), jnp.int32) for _ in range(4)],
            [pltpu.VMEM((EC, D), jnp.float32) for _ in range(2)],
            [pltpu.VMEM((EC, D), jnp.float32) for _ in range(2)],
            [pltpu.VMEM((EC, D), jnp.float32) for _ in range(2)],
            [pltpu.VMEM((EC, D), jnp.float32) for _ in range(2)],
            pltpu.VMEM((EC, D), jnp.float32),
            pltpu.VMEM_SHARED((NP, D), jnp.float32),
            [pltpu.SemaphoreType.DMA for _ in range(4)],
            [pltpu.SemaphoreType.DMA for _ in range(2)],
            [pltpu.SemaphoreType.DMA for _ in range(2)],
            [pltpu.SemaphoreType.DMA for _ in range(2)],
            [pltpu.SemaphoreType.DMA for _ in range(2)],
        ],
    )
    return f(a_tab, b_tab, c_tab, src, dst)


def _sc_sum_body(a_hbm, b_hbm, c_hbm, src_hbm, dst_hbm, out_hbm,
                 srcv, dstv, av, bv, cv, accb, sidx, sga, sgb, sgc):
    cid = lax.axis_index("c")
    sid = lax.axis_index("s")
    wid = cid * NS + sid
    base0 = wid * EPW

    def idx_start(i4, qbase):
        pltpu.async_copy(src_hbm.at[pl.ds(qbase, EC)], srcv[i4], sidx[i4])
        pltpu.async_copy(dst_hbm.at[pl.ds(qbase, EC)], dstv[i4], sidx[i4])

    def idx_wait(i4, qbase):
        pltpu.make_async_copy(src_hbm.at[pl.ds(qbase, EC)], srcv[i4],
                              sidx[i4]).wait()
        pltpu.make_async_copy(dst_hbm.at[pl.ds(qbase, EC)], dstv[i4],
                              sidx[i4]).wait()

    def gathers_start(i4, p, qbase):
        pltpu.async_copy(a_hbm.at[srcv[i4]], av[p], sga[p])
        pltpu.async_copy(b_hbm.at[dstv[i4]], bv[p], sgb[p])
        pltpu.async_copy(c_hbm.at[pl.ds(qbase, EC)], cv[p], sgc[p])

    def gathers_wait(i4, p, qbase):
        pltpu.make_async_copy(a_hbm.at[srcv[i4]], av[p], sga[p]).wait()
        pltpu.make_async_copy(b_hbm.at[dstv[i4]], bv[p], sgb[p]).wait()
        pltpu.make_async_copy(c_hbm.at[pl.ds(qbase, EC)], cv[p], sgc[p]).wait()

    def chunk_sum(p, acc):
        def compute(e, a8):
            out = []
            for j in range(8):
                sl = pl.ds(j * 16, 16)
                x = jnp.maximum(
                    av[p][e, sl] + bv[p][e, sl] + cv[p][e, sl], 0.0)
                out.append(a8[j] + x)
            return tuple(out)

        return lax.fori_loop(0, EC, compute, acc)

    idx_start(0, base0)
    idx_start(1, base0 + EC)
    idx_wait(0, base0)
    gathers_start(0, 0, base0)
    zero = jnp.zeros((16,), jnp.float32)
    acc0 = (zero,) * 8

    def stage(t, acc):
        for r in range(4):
            q = 4 * t + r
            p = r % 2
            qb = base0 + q * EC
            idx_start((r + 2) % 4, qb + 2 * EC)
            idx_wait((r + 1) % 4, qb + EC)
            gathers_start((r + 1) % 4, (r + 1) % 2, qb + EC)
            gathers_wait(r, p, qb)
            acc = chunk_sum(p, acc)
        return acc

    acc = lax.fori_loop(0, (NCH - 2) // 4, stage, acc0)
    qb = base0 + (NCH - 2) * EC
    idx_wait((NCH - 1) % 4, qb + EC)
    gathers_start((NCH - 1) % 4, 1, qb + EC)
    gathers_wait((NCH - 2) % 4, 0, qb)
    acc = chunk_sum(0, acc)
    gathers_wait((NCH - 1) % 4, 1, qb + EC)
    acc = chunk_sum(1, acc)
    for j in range(8):
        accb[0, pl.ds(j * 16, 16)] = acc[j]
    pltpu.sync_copy(accb, out_hbm.at[wid])


def _sc_sum_pass(a_tab, b_tab, c_tab, src, dst):
    mesh = plsc.VectorSubcoreMesh(core_axis_name="c", subcore_axis_name="s")
    f = pl.kernel(
        _sc_sum_body,
        out_type=jax.ShapeDtypeStruct((NW, 8, D), jnp.float32),
        mesh=mesh,
        scratch_types=[
            [pltpu.VMEM((EC,), jnp.int32) for _ in range(4)],
            [pltpu.VMEM((EC,), jnp.int32) for _ in range(4)],
            [pltpu.VMEM((EC, D), jnp.float32) for _ in range(2)],
            [pltpu.VMEM((EC, D), jnp.float32) for _ in range(2)],
            [pltpu.VMEM((EC, D), jnp.float32) for _ in range(2)],
            pltpu.VMEM((8, D), jnp.float32),
            [pltpu.SemaphoreType.DMA for _ in range(4)],
            [pltpu.SemaphoreType.DMA for _ in range(2)],
            [pltpu.SemaphoreType.DMA for _ in range(2)],
            [pltpu.SemaphoreType.DMA for _ in range(2)],
        ],
    )
    return f(a_tab, b_tab, c_tab, src, dst)


def _nodes0_body(cf_ref, ex_ref, wc_ref, bc_ref, ws_ref, wd_ref,
                 a_ref, b_ref, psum_ref, esum_ref):
    i = pl.program_id(0)
    h = jnp.maximum(cf_ref[...] @ wc_ref[...] + bc_ref[...], 0.0) * ex_ref[...]
    a_ref[...] = h @ ws_ref[...]
    b_ref[...] = h @ wd_ref[...]

    @pl.when(i == 0)
    def _():
        psum_ref[...] = jnp.zeros_like(psum_ref)
        esum_ref[...] = jnp.zeros_like(esum_ref)

    psum_ref[...] += jnp.sum(h, axis=0, keepdims=True)
    esum_ref[...] += jnp.sum(ex_ref[...], axis=0, keepdims=True)


def _nodes0(cf, ex, w_child, bc, ws, wd):
    return pl.pallas_call(
        _nodes0_body,
        grid=(NGRID,),
        in_specs=[
            pl.BlockSpec((NBLK, D), lambda i: (i, 0)),
            pl.BlockSpec((NBLK, 1), lambda i: (i, 0)),
            pl.BlockSpec((D, D), lambda i: (0, 0)),
            pl.BlockSpec((1, D), lambda i: (0, 0)),
            pl.BlockSpec((D, D), lambda i: (0, 0)),
            pl.BlockSpec((D, D), lambda i: (0, 0)),
        ],
        out_specs=[
            pl.BlockSpec((NBLK, D), lambda i: (i, 0)),
            pl.BlockSpec((NBLK, D), lambda i: (i, 0)),
            pl.BlockSpec((1, D), lambda i: (0, 0)),
            pl.BlockSpec((1, 1), lambda i: (0, 0)),
        ],
        out_shape=[
            jax.ShapeDtypeStruct((N, D), jnp.float32),
            jax.ShapeDtypeStruct((N, D), jnp.float32),
            jax.ShapeDtypeStruct((1, D), jnp.float32),
            jax.ShapeDtypeStruct((1, 1), jnp.float32),
        ],
    )(cf, ex, w_child, bc, ws, wd)


def _edges_body(et_ref, efe_ref, wt_ref, wf_ref, b_ref, c_ref):
    dn = (((0,), (0,)), ((), ()))
    c_ref[...] = (lax.dot_general(et_ref[...], wt_ref[...], dn)
                  + lax.dot_general(efe_ref[...], wf_ref[...], dn)
                  + b_ref[...])


def _edges(ett, eft, wt, wf, b):
    return pl.pallas_call(
        _edges_body,
        grid=(EGRID,),
        in_specs=[
            pl.BlockSpec((4, EBLK), lambda i: (0, i)),
            pl.BlockSpec((16, EBLK), lambda i: (0, i)),
            pl.BlockSpec((4, D), lambda i: (0, 0)),
            pl.BlockSpec((16, D), lambda i: (0, 0)),
            pl.BlockSpec((1, D), lambda i: (0, 0)),
        ],
        out_specs=pl.BlockSpec((EBLK, D), lambda i: (i, 0)),
        out_shape=jax.ShapeDtypeStruct((E, D), jnp.float32),
    )(ett, eft, wt, wf, b)


def _nodes1_body(hp_ref, ws_ref, wd_ref, a_ref, b_ref, psum_ref):
    i = pl.program_id(0)
    h = hp_ref[0] + hp_ref[1]
    a_ref[...] = h @ ws_ref[...]
    b_ref[...] = h @ wd_ref[...]

    @pl.when(i == 0)
    def _():
        psum_ref[...] = jnp.zeros_like(psum_ref)

    psum_ref[...] += jnp.sum(h, axis=0, keepdims=True)


def _nodes1(hp, ws, wd):
    return pl.pallas_call(
        _nodes1_body,
        grid=(NGRID,),
        in_specs=[
            pl.BlockSpec((NC, NBLK, D), lambda i: (0, i, 0)),
            pl.BlockSpec((D, D), lambda i: (0, 0)),
            pl.BlockSpec((D, D), lambda i: (0, 0)),
        ],
        out_specs=[
            pl.BlockSpec((NBLK, D), lambda i: (i, 0)),
            pl.BlockSpec((NBLK, D), lambda i: (i, 0)),
            pl.BlockSpec((1, D), lambda i: (0, 0)),
        ],
        out_shape=[
            jax.ShapeDtypeStruct((N, D), jnp.float32),
            jax.ShapeDtypeStruct((N, D), jnp.float32),
            jax.ShapeDtypeStruct((1, D), jnp.float32),
        ],
    )(hp, ws, wd)


def _final_body(p2r_ref, p0_ref, p1_ref, esum_ref, wp0_ref, wp1_ref, wp2_ref,
                bp_ref, out_ref):
    p2 = jnp.sum(p2r_ref[:, 0, :], axis=0, keepdims=True)
    s = (p0_ref[...] @ wp0_ref[...]
         + p1_ref[...] @ wp1_ref[...]
         + p2 @ wp2_ref[...]) / esum_ref[...] + bp_ref[...]
    out_ref[...] = jnp.maximum(s, 0.0)


def _final(p2r, p0, p1, esum, wp0, wp1, wp2, bp):
    return pl.pallas_call(
        _final_body,
        grid=(1,),
        in_specs=[
            pl.BlockSpec((NW, 8, D), lambda i: (0, 0, 0)),
            pl.BlockSpec((1, D), lambda i: (0, 0)),
            pl.BlockSpec((1, D), lambda i: (0, 0)),
            pl.BlockSpec((1, 1), lambda i: (0, 0)),
            pl.BlockSpec((D, D), lambda i: (0, 0)),
            pl.BlockSpec((D, D), lambda i: (0, 0)),
            pl.BlockSpec((D, D), lambda i: (0, 0)),
            pl.BlockSpec((1, D), lambda i: (0, 0)),
        ],
        out_specs=pl.BlockSpec((1, D), lambda i: (0, 0)),
        out_shape=jax.ShapeDtypeStruct((1, D), jnp.float32),
    )(p2r, p0, p1, esum, wp0, wp1, wp2, bp)


def kernel(child_feats, child_exists, edge_type_onehot, edge_feats,
           edge_indices, W_child, b_child, W_ne0, b_ne0, W_ne1, b_ne1,
           W_parent, b_parent):
    cf = child_feats[0]
    ex = child_exists[0]
    ett = edge_type_onehot[0].T
    eft = edge_feats[0].T
    eit = edge_indices[0].T.astype(jnp.int32)
    src = eit[0]
    dst = eit[1]

    ws0, wd0 = W_ne0[:D], W_ne0[D:2 * D]
    wt0, wf0 = W_ne0[2 * D:2 * D + 4], W_ne0[2 * D + 4:]
    ws1, wd1 = W_ne1[:D], W_ne1[D:2 * D]
    wt1, wf1 = W_ne1[2 * D:2 * D + 4], W_ne1[2 * D + 4:]
    b0 = b_ne0.reshape(1, D)
    b1 = b_ne1.reshape(1, D)
    bc = b_child.reshape(1, D)
    wp0, wp1, wp2 = W_parent[:D], W_parent[D:2 * D], W_parent[2 * D:]
    bp = b_parent.reshape(1, D)

    a0, b0t, p0, esum = _nodes0(cf, ex, W_child, bc, ws0, wd0)
    c0 = _edges(ett, eft, wt0, wf0, b0)
    c1 = _edges(ett, eft, wt1, wf1, b1)
    h1p = _sc_segment_pass(a0, b0t, c0, src, dst)
    a1, b1t, p1 = _nodes1(h1p, ws1, wd1)
    p2r = _sc_sum_pass(a1, b1t, c1, src, dst)
    return _final(p2r, p0, p1, esum, wp0, wp1, wp2, bp)

# --- scband reference (transcript-rebuilt; emitter-appended) ---
"""Pipeline reference for scband-gnnchild-encoder-26577257628365 (READ-ONLY COPY).

The authoritative reference and input builder live on the scoring server;
editing this copy changes nothing except your own understanding.
"""

import jax, jax.numpy as jnp
import numpy as np

NODE_FEAT = 128
NUM_SEM = 0
HIDDEN = 128
EDGE_FEAT = 16
EDGE_TYPE_NUM = 4
NUM_ITER = 2
MAX_CHILDS = 10000
NUM_EDGES = 320000


def setup_inputs(seed: int = 0) -> dict:
    key = jax.random.key(seed)
    ks = jax.random.split(key, 16)
    child_feats = jax.random.normal(ks[0], (1, MAX_CHILDS, NODE_FEAT + NUM_SEM), dtype=jnp.float32)
    child_exists = jnp.ones((1, MAX_CHILDS, 1), dtype=jnp.float32)
    edge_type_onehot = jax.random.uniform(ks[1], (1, NUM_EDGES, EDGE_TYPE_NUM), dtype=jnp.float32)
    edge_feats = jax.random.normal(ks[2], (1, NUM_EDGES, EDGE_FEAT), dtype=jnp.float32)
    edge_indices = jax.random.randint(ks[3], (1, NUM_EDGES, 2), 0, MAX_CHILDS, dtype=jnp.int64 if jax.config.read('jax_enable_x64') else jnp.int32)
    d_in_child = NODE_FEAT + NUM_SEM
    d_in_ne = HIDDEN * 2 + EDGE_FEAT + EDGE_TYPE_NUM
    d_in_parent = HIDDEN * (NUM_ITER + 1)
    W_child = jax.random.normal(ks[4], (d_in_child, HIDDEN), dtype=jnp.float32) / np.sqrt(d_in_child)
    b_child = jnp.zeros((HIDDEN,), dtype=jnp.float32)
    W_ne0 = jax.random.normal(ks[5], (d_in_ne, HIDDEN), dtype=jnp.float32) / np.sqrt(d_in_ne)
    b_ne0 = jnp.zeros((HIDDEN,), dtype=jnp.float32)
    W_ne1 = jax.random.normal(ks[6], (d_in_ne, HIDDEN), dtype=jnp.float32) / np.sqrt(d_in_ne)
    b_ne1 = jnp.zeros((HIDDEN,), dtype=jnp.float32)
    W_parent = jax.random.normal(ks[7], (d_in_parent, NODE_FEAT), dtype=jnp.float32) / np.sqrt(d_in_parent)
    b_parent = jnp.zeros((NODE_FEAT,), dtype=jnp.float32)
    return {
        'child_feats': child_feats,
        'child_exists': child_exists,
        'edge_type_onehot': edge_type_onehot,
        'edge_feats': edge_feats,
        'edge_indices': edge_indices,
        'W_child': W_child, 'b_child': b_child,
        'W_ne0': W_ne0, 'b_ne0': b_ne0,
        'W_ne1': W_ne1, 'b_ne1': b_ne1,
        'W_parent': W_parent, 'b_parent': b_parent,
    }


def reference(child_feats, child_exists, edge_type_onehot, edge_feats, edge_indices,
              W_child, b_child, W_ne0, b_ne0, W_ne1, b_ne1, W_parent, b_parent):
    max_childs = child_feats.shape[1]
    h = jax.nn.relu(child_feats @ W_child + b_child)
    h = h * child_exists
    h = h.reshape(1, max_childs, -1)
    exists_sum = child_exists.sum(axis=1)  # [1, 1]
    iter_parent_feats = [h.sum(axis=1) / exists_sum]
    ef = jnp.concatenate([edge_type_onehot, edge_feats], axis=2)[0]  # [E, et+ef]
    src = edge_indices[0, :, 0]
    dst = edge_indices[0, :, 1]
    for (W, b) in ((W_ne0, b_ne0), (W_ne1, b_ne1)):
        node_edge_feats = jnp.concatenate([jnp.take(h[0], src, axis=0),
                                           jnp.take(h[0], dst, axis=0),
                                           ef], axis=1)
        node_edge_feats = jax.nn.relu(node_edge_feats @ W + b)
        new_h = jax.ops.segment_sum(node_edge_feats, src, num_segments=max_childs)
        h = new_h.reshape(1, max_childs, -1)
        iter_parent_feats.append(h.sum(axis=1) / exists_sum)
    parent_feat = jnp.concatenate(iter_parent_feats, axis=1)
    parent_feat = jax.nn.relu(parent_feat @ W_parent + b_parent)
    return parent_feat

if __name__ == "__main__":
    import jax
    _d = setup_inputs()
    print(jax.jit(kernel)(*tuple(_d.values())))

</pallas_src>

<mosaic_0001>
#map = affine_map<(d0, d1) -> (0, 0)>
#map1 = affine_map<(d0, d1) -> (0)>
#map2 = affine_map<(d0, d1) -> (0, 0, 0)>
module attributes {stable_mosaic.version = 14 : i64} {
  func.func @_sc_sum_body(%arg0: i32, %arg1: i32, %arg2: memref<10000x128xf32, #tpu.memory_space<hbm>>, %arg3: memref<10000x128xf32, #tpu.memory_space<hbm>>, %arg4: memref<320000x128xf32, #tpu.memory_space<hbm>>, %arg5: memref<320000xi32, #tpu.memory_space<hbm>>, %arg6: memref<320000xi32, #tpu.memory_space<hbm>>, %arg7: memref<32x8x128xf32, #tpu.memory_space<hbm>>, %arg8: memref<40xi32, #tpu.memory_space<vmem>>, %arg9: memref<40xi32, #tpu.memory_space<vmem>>, %arg10: memref<40xi32, #tpu.memory_space<vmem>>, %arg11: memref<40xi32, #tpu.memory_space<vmem>>, %arg12: memref<40xi32, #tpu.memory_space<vmem>>, %arg13: memref<40xi32, #tpu.memory_space<vmem>>, %arg14: memref<40xi32, #tpu.memory_space<vmem>>, %arg15: memref<40xi32, #tpu.memory_space<vmem>>, %arg16: memref<40x128xf32, #tpu.memory_space<vmem>>, %arg17: memref<40x128xf32, #tpu.memory_space<vmem>>, %arg18: memref<40x128xf32, #tpu.memory_space<vmem>>, %arg19: memref<40x128xf32, #tpu.memory_space<vmem>>, %arg20: memref<40x128xf32, #tpu.memory_space<vmem>>, %arg21: memref<40x128xf32, #tpu.memory_space<vmem>>, %arg22: memref<8x128xf32, #tpu.memory_space<vmem>>, %arg23: memref<!tpu.dma_semaphore, #tpu.memory_space<semaphore_mem>>, %arg24: memref<!tpu.dma_semaphore, #tpu.memory_space<semaphore_mem>>, %arg25: memref<!tpu.dma_semaphore, #tpu.memory_space<semaphore_mem>>, %arg26: memref<!tpu.dma_semaphore, #tpu.memory_space<semaphore_mem>>, %arg27: memref<!tpu.dma_semaphore, #tpu.memory_space<semaphore_mem>>, %arg28: memref<!tpu.dma_semaphore, #tpu.memory_space<semaphore_mem>>, %arg29: memref<!tpu.dma_semaphore, #tpu.memory_space<semaphore_mem>>, %arg30: memref<!tpu.dma_semaphore, #tpu.memory_space<semaphore_mem>>, %arg31: memref<!tpu.dma_semaphore, #tpu.memory_space<semaphore_mem>>, %arg32: memref<!tpu.dma_semaphore, #tpu.memory_space<semaphore_mem>>) attributes {dimension_semantics = [#tpu.dimension_semantics<core_parallel>, #tpu.dimension_semantics<subcore_parallel>], iteration_bounds = array<i64: 2, 16>, scalar_prefetch = 0 : i64, scratch_operands = 25 : i64, tpu.core_type = #tpu.core_type<sc_vector_subcore>, window_params = [{transform_indices = #map}, {transform_indices = #map}, {transform_indices = #map}, {transform_indices = #map1}, {transform_indices = #map1}, {transform_indices = #map2}]} {
    %mul3A = arith.constant 16 : i32
    %mul3A_0 = arith.muli %arg0, %mul3A : i32
    %add3A = arith.addi %mul3A_0, %arg1 : i32
    %mul3A_1 = arith.constant 10000 : i32
    %mul3A_2 = arith.muli %add3A, %mul3A_1 : i32
    %dma_start3A = tpu.memref_slice %arg5[%mul3A_2] : memref<320000xi32, #tpu.memory_space<hbm>> -> memref<40xi32, #tpu.memory_space<hbm>>
    %dma_start3A_3 = tpu.memref_slice %arg5[%mul3A_2] : memref<320000xi32, #tpu.memory_space<hbm>> -> memref<40xi32, #tpu.memory_space<hbm>>
    tpu.enqueue_dma source(%dma_start3A_3 : memref<40xi32, #tpu.memory_space<hbm>>) target(%arg8 : memref<40xi32, #tpu.memory_space<vmem>>) target_semaphore(%arg23 : memref<!tpu.dma_semaphore, #tpu.memory_space<semaphore_mem>>)
    %dma_start3A_4 = tpu.memref_slice %arg6[%mul3A_2] : memref<320000xi32, #tpu.memory_space<hbm>> -> memref<40xi32, #tpu.memory_space<hbm>>
    %dma_start3A_5 = tpu.memref_slice %arg6[%mul3A_2] : memref<320000xi32, #tpu.memory_space<hbm>> -> memref<40xi32, #tpu.memory_space<hbm>>
    tpu.enqueue_dma source(%dma_start3A_5 : memref<40xi32, #tpu.memory_space<hbm>>) target(%arg12 : memref<40xi32, #tpu.memory_space<vmem>>) target_semaphore(%arg23 : memref<!tpu.dma_semaphore, #tpu.memory_space<semaphore_mem>>)
    %add3A_6 = arith.constant 40 : i32
    %add3A_7 = arith.addi %mul3A_2, %add3A_6 : i32
    %dma_start3A_8 = tpu.memref_slice %arg5[%add3A_7] : memref<320000xi32, #tpu.memory_space<hbm>> -> memref<40xi32, #tpu.memory_space<hbm>>
    %dma_start3A_9 = tpu.memref_slice %arg5[%add3A_7] : memref<320000xi32, #tpu.memory_space<hbm>> -> memref<40xi32, #tpu.memory_space<hbm>>
    tpu.enqueue_dma source(%dma_start3A_9 : memref<40xi32, #tpu.memory_space<hbm>>) target(%arg9 : memref<40xi32, #tpu.memory_space<vmem>>) target_semaphore(%arg24 : memref<!tpu.dma_semaphore, #tpu.memory_space<semaphore_mem>>)
    %dma_start3A_10 = tpu.memref_slice %arg6[%add3A_7] : memref<320000xi32, #tpu.memory_space<hbm>> -> memref<40xi32, #tpu.memory_space<hbm>>
    %dma_start3A_11 = tpu.memref_slice %arg6[%add3A_7] : memref<320000xi32, #tpu.memory_space<hbm>> -> memref<40xi32, #tpu.memory_space<hbm>>
    tpu.enqueue_dma source(%dma_start3A_11 : memref<40xi32, #tpu.memory_space<hbm>>) target(%arg13 : memref<40xi32, #tpu.memory_space<vmem>>) target_semaphore(%arg24 : memref<!tpu.dma_semaphore, #tpu.memory_space<semaphore_mem>>)
    %dma_wait3A = tpu.memref_slice %arg5[%mul3A_2] : memref<320000xi32, #tpu.memory_space<hbm>> -> memref<40xi32, #tpu.memory_space<hbm>>
    %dma_wait3A_12 = tpu.memref_slice %arg5[%mul3A_2] : memref<320000xi32, #tpu.memory_space<hbm>> -> memref<40xi32, #tpu.memory_space<hbm>>
    tpu.wait_dma2 semaphore(%arg23 : memref<!tpu.dma_semaphore, #tpu.memory_space<semaphore_mem>>) src(%dma_wait3A_12 : memref<40xi32, #tpu.memory_space<hbm>>) dst(%arg8 : memref<40xi32, #tpu.memory_space<vmem>>)
    %dma_wait3A_13 = tpu.memref_slice %arg6[%mul3A_2] : memref<320000xi32, #tpu.memory_space<hbm>> -> memref<40xi32, #tpu.memory_space<hbm>>
    %dma_wait3A_14 = tpu.memref_slice %arg6[%mul3A_2] : memref<320000xi32, #tpu.memory_space<hbm>> -> memref<40xi32, #tpu.memory_space<hbm>>
    tpu.wait_dma2 semaphore(%arg23 : memref<!tpu.dma_semaphore, #tpu.memory_space<semaphore_mem>>) src(%dma_wait3A_14 : memref<40xi32, #tpu.memory_space<hbm>>) dst(%arg12 : memref<40xi32, #tpu.memory_space<vmem>>)
    %dma_start3A_15 = arith.constant 0 : i32
    %dma_start3A_16 = arith.constant 0 : i32
    %dma_start3A_17 = tpu.memref_slice %arg2[%dma_start3A_15, %dma_start3A_16] : memref<10000x128xf32, #tpu.memory_space<hbm>> -> memref<10000x128xf32, #tpu.memory_space<hbm>>
    tpu.enqueue_indirect_dma source(%dma_start3A_17 : memref<10000x128xf32, #tpu.memory_space<hbm>>) target(%arg16 : memref<40x128xf32, #tpu.memory_space<vmem>>) offsets(%arg8 : memref<40xi32, #tpu.memory_space<vmem>>) semaphore(%arg27 : memref<!tpu.dma_semaphore, #tpu.memory_space<semaphore_mem>>)
    %dma_start3A_18 = arith.constant 0 : i32
    %dma_start3A_19 = arith.constant 0 : i32
    %dma_start3A_20 = tpu.memref_slice %arg3[%dma_start3A_18, %dma_start3A_19] : memref<10000x128xf32, #tpu.memory_space<hbm>> -> memref<10000x128xf32, #tpu.memory_space<hbm>>
    tpu.enqueue_indirect_dma source(%dma_start3A_20 : memref<10000x128xf32, #tpu.memory_space<hbm>>) target(%arg18 : memref<40x128xf32, #tpu.memory_space<vmem>>) offsets(%arg12 : memref<40xi32, #tpu.memory_space<vmem>>) semaphore(%arg29 : memref<!tpu.dma_semaphore, #tpu.memory_space<semaphore_mem>>)
    %dma_start3A_21 = arith.constant 0 : i32
    %dma_start3A_22 = tpu.memref_slice %arg4[%mul3A_2, %dma_start3A_21] : memref<320000x128xf32, #tpu.memory_space<hbm>> -> memref<40x128xf32, #tpu.memory_space<hbm>>
    %dma_start3A_23 = arith.constant 0 : i32
    %dma_start3A_24 = tpu.memref_slice %arg4[%mul3A_2, %dma_start3A_23] : memref<320000x128xf32, #tpu.memory_space<hbm>> -> memref<40x128xf32, #tpu.memory_space<hbm>>
    tpu.enqueue_dma source(%dma_start3A_24 : memref<40x128xf32, #tpu.memory_space<hbm>>) target(%arg20 : memref<40x128xf32, #tpu.memory_space<vmem>>) target_semaphore(%arg31 : memref<!tpu.dma_semaphore, #tpu.memory_space<semaphore_mem>>)
    %broadcast_in_dim3A = arith.constant 0.000000e+00 : f32
    %broadcast_in_dim3A_25 = vector.broadcast %broadcast_in_dim3A : f32 to vector<16xf32>
    %scan3A = arith.constant 0 : i32
    %scan3A_26 = arith.constant 62 : i32
    %scan3A_27 = arith.addi %scan3A, %scan3A_26 : i32
    %scan3A_28 = arith.constant 1 : i32
    %scan3A_29:8 = scf.for %scan3A_132 = %scan3A to %scan3A_27 step %scan3A_28 iter_args(%scan3A_133 = %broadcast_in_dim3A_25, %scan3A_134 = %broadcast_in_dim3A_25, %scan3A_135 = %broadcast_in_dim3A_25, %scan3A_136 = %broadcast_in_dim3A_25, %scan3A_137 = %broadcast_in_dim3A_25, %scan3A_138 = %broadcast_in_dim3A_25, %scan3A_139 = %broadcast_in_dim3A_25, %scan3A_140 = %broadcast_in_dim3A_25) -> (vector<16xf32>, vector<16xf32>, vector<16xf32>, vector<16xf32>, vector<16xf32>, vector<16xf32>, vector<16xf32>, vector<16xf32>)  : i32 {
      %mul3A_141 = arith.constant 4 : i32
      %mul3A_142 = arith.muli %mul3A_141, %scan3A_132 : i32
      %add3A_143 = arith.constant 0 : i32
      %add3A_144 = arith.addi %mul3A_142, %add3A_143 : i32
      %mul3A_145 = arith.constant 40 : i32
      %mul3A_146 = arith.muli %add3A_144, %mul3A_145 : i32
      %add3A_147 = arith.addi %mul3A_2, %mul3A_146 : i32
      %add3A_148 = arith.constant 80 : i32
      %add3A_149 = arith.addi %add3A_147, %add3A_148 : i32
      %dma_start3A_150 = tpu.memref_slice %arg5[%add3A_149] : memref<320000xi32, #tpu.memory_space<hbm>> -> memref<40xi32, #tpu.memory_space<hbm>>
      %dma_start3A_151 = tpu.memref_slice %arg5[%add3A_149] : memref<320000xi32, #tpu.memory_space<hbm>> -> memref<40xi32, #tpu.memory_space<hbm>>
      tpu.enqueue_dma source(%dma_start3A_151 : memref<40xi32, #tpu.memory_space<hbm>>) target(%arg10 : memref<40xi32, #tpu.memory_space<vmem>>) target_semaphore(%arg25 : memref<!tpu.dma_semaphore, #tpu.memory_space<semaphore_mem>>)
      %dma_start3A_152 = tpu.memref_slice %arg6[%add3A_149] : memref<320000xi32, #tpu.memory_space<hbm>> -> memref<40xi32, #tpu.memory_space<hbm>>
      %dma_start3A_153 = tpu.memref_slice %arg6[%add3A_149] : memref<320000xi32, #tpu.memory_space<hbm>> -> memref<40xi32, #tpu.memory_space<hbm>>
      tpu.enqueue_dma source(%dma_start3A_153 : memref<40xi32, #tpu.memory_space<hbm>>) target(%arg14 : memref<40xi32, #tpu.memory_space<vmem>>) target_semaphore(%arg25 : memref<!tpu.dma_semaphore, #tpu.memory_space<semaphore_mem>>)
      %add3A_154 = arith.constant 40 : i32
      %add3A_155 = arith.addi %add3A_147, %add3A_154 : i32
      %dma_wait3A_156 = tpu.memref_slice %arg5[%add3A_155] : memref<320000xi32, #tpu.memory_space<hbm>> -> memref<40xi32, #tpu.memory_space<hbm>>
      %dma_wait3A_157 = tpu.memref_slice %arg5[%add3A_155] : memref<320000xi32, #tpu.memory_space<hbm>> -> memref<40xi32, #tpu.memory_space<hbm>>
      tpu.wait_dma2 semaphore(%arg24 : memref<!tpu.dma_semaphore, #tpu.memory_space<semaphore_mem>>) src(%dma_wait3A_157 : memref<40xi32, #tpu.memory_space<hbm>>) dst(%arg9 : memref<40xi32, #tpu.memory_space<vmem>>)
      %dma_wait3A_158 = tpu.memref_slice %arg6[%add3A_155] : memref<320000xi32, #tpu.memory_space<hbm>> -> memref<40xi32, #tpu.memory_space<hbm>>
      %dma_wait3A_159 = tpu.memref_slice %arg6[%add3A_155] : memref<320000xi32, #tpu.memory_space<hbm>> -> memref<40xi32, #tpu.memory_space<hbm>>
      tpu.wait_dma2 semaphore(%arg24 : memref<!tpu.dma_semaphore, #tpu.memory_space<semaphore_mem>>) src(%dma_wait3A_159 : memref<40xi32, #tpu.memory_space<hbm>>) dst(%arg13 : memref<40xi32, #tpu.memory_space<vmem>>)
      %add3A_160 = arith.constant 40 : i32
      %add3A_161 = arith.addi %add3A_147, %add3A_160 : i32
      %dma_start3A_162 = arith.constant 0 : i32
      %dma_start3A_163 = arith.constant 0 : i32
      %dma_start3A_164 = tpu.memref_slice %arg2[%dma_start3A_162, %dma_start3A_163] : memref<10000x128xf32, #tpu.memory_space<hbm>> -> memref<10000x128xf32, #tpu.memory_space<hbm>>
      tpu.enqueue_indirect_dma source(%dma_start3A_164 : memref<10000x128xf32, #tpu.memory_space<hbm>>) target(%arg17 : memref<40x128xf32, #tpu.memory_space<vmem>>) offsets(%arg9 : memref<40xi32, #tpu.memory_space<vmem>>) semaphore(%arg28 : memref<!tpu.dma_semaphore, #tpu.memory_space<semaphore_mem>>)
      %dma_start3A_165 = arith.constant 0 : i32
      %dma_start3A_166 = arith.constant 0 : i32
      %dma_start3A_167 = tpu.memref_slice %arg3[%dma_start3A_165, %dma_start3A_166] : memref<10000x128xf32, #tpu.memory_space<hbm>> -> memref<10000x128xf32, #tpu.memory_space<hbm>>
      tpu.enqueue_indirect_dma source(%dma_start3A_167 : memref<10000x128xf32, #tpu.memory_space<hbm>>) target(%arg19 : memref<40x128xf32, #tpu.memory_space<vmem>>) offsets(%arg13 : memref<40xi32, #tpu.memory_space<vmem>>) semaphore(%arg30 : memref<!tpu.dma_semaphore, #tpu.memory_space<semaphore_mem>>)
      %dma_start3A_168 = arith.constant 0 : i32
      %dma_start3A_169 = tpu.memref_slice %arg4[%add3A_161, %dma_start3A_168] : memref<320000x128xf32, #tpu.memory_space<hbm>> -> memref<40x128xf32, #tpu.memory_space<hbm>>
      %dma_start3A_170 = arith.constant 0 : i32
      %dma_start3A_171 = tpu.memref_slice %arg4[%add3A_161, %dma_start3A_170] : memref<320000x128xf32, #tpu.memory_space<hbm>> -> memref<40x128xf32, #tpu.memory_space<hbm>>
      tpu.enqueue_dma source(%dma_start3A_171 : memref<40x128xf32, #tpu.memory_space<hbm>>) target(%arg21 : memref<40x128xf32, #tpu.memory_space<vmem>>) target_semaphore(%arg32 : memref<!tpu.dma_semaphore, #tpu.memory_space<semaphore_mem>>)
      %dma_wait3A_172 = arith.constant 0 : i32
      %dma_wait3A_173 = arith.constant 0 : i32
      %dma_wait3A_174 = tpu.memref_slice %arg2[%dma_wait3A_172, %dma_wait3A_173] : memref<10000x128xf32, #tpu.memory_space<hbm>> -> memref<10000x128xf32, #tpu.memory_space<hbm>>
      tpu.wait_indirect_dma semaphore(%arg27 : memref<!tpu.dma_semaphore, #tpu.memory_space<semaphore_mem>>) src(%dma_wait3A_174 : memref<10000x128xf32, #tpu.memory_space<hbm>>) dst(%arg16 : memref<40x128xf32, #tpu.memory_space<vmem>>)
      %dma_wait3A_175 = arith.constant 0 : i32
      %dma_wait3A_176 = arith.constant 0 : i32
      %dma_wait3A_177 = tpu.memref_slice %arg3[%dma_wait3A_175, %dma_wait3A_176] : memref<10000x128xf32, #tpu.memory_space<hbm>> -> memref<10000x128xf32, #tpu.memory_space<hbm>>
      tpu.wait_indirect_dma semaphore(%arg29 : memref<!tpu.dma_semaphore, #tpu.memory_space<semaphore_mem>>) src(%dma_wait3A_177 : memref<10000x128xf32, #tpu.memory_space<hbm>>) dst(%arg18 : memref<40x128xf32, #tpu.memory_space<vmem>>)
      %dma_wait3A_178 = arith.constant 0 : i32
      %dma_wait3A_179 = tpu.memref_slice %arg4[%add3A_147, %dma_wait3A_178] : memref<320000x128xf32, #tpu.memory_space<hbm>> -> memref<40x128xf32, #tpu.memory_space<hbm>>
      %dma_wait3A_180 = arith.constant 0 : i32
      %dma_wait3A_181 = tpu.memref_slice %arg4[%add3A_147, %dma_wait3A_180] : memref<320000x128xf32, #tpu.memory_space<hbm>> -> memref<40x128xf32, #tpu.memory_space<hbm>>
      tpu.wait_dma2 semaphore(%arg31 : memref<!tpu.dma_semaphore, #tpu.memory_space<semaphore_mem>>) src(%dma_wait3A_181 : memref<40x128xf32, #tpu.memory_space<hbm>>) dst(%arg20 : memref<40x128xf32, #tpu.memory_space<vmem>>)
      %scan3A_182 = arith.constant 0 : i32
      %scan3A_183 = arith.constant 40 : i32
      %scan3A_184 = arith.addi %scan3A_182, %scan3A_183 : i32
      %scan3A_185 = arith.constant 1 : i32
      %scan3A_186:8 = scf.for %scan3A_329 = %scan3A_182 to %scan3A_184 step %scan3A_185 iter_args(%scan3A_330 = %scan3A_133, %scan3A_331 = %scan3A_134, %scan3A_332 = %scan3A_135, %scan3A_333 = %scan3A_136, %scan3A_334 = %scan3A_137, %scan3A_335 = %scan3A_138, %scan3A_336 = %scan3A_139, %scan3A_337 = %scan3A_140) -> (vector<16xf32>, vector<16xf32>, vector<16xf32>, vector<16xf32>, vector<16xf32>, vector<16xf32>, vector<16xf32>, vector<16xf32>)  : i32 {
        %get3A = arith.index_cast %scan3A_329 : i32 to index
        %get3A_338 = arith.constant 0 : index
        %get3A_339 = tpu.vector_load %arg16[%get3A, %get3A_338] {strides = array<i32>} : memref<40x128xf32, #tpu.memory_space<vmem>>, vector<1x16xf32>,
        %get3A_340 = vector.shape_cast %get3A_339 : vector<1x16xf32> to vector<16xf32>
        %get3A_341 = arith.index_cast %scan3A_329 : i32 to index
        %get3A_342 = arith.constant 0 : index
        %get3A_343 = tpu.vector_load %arg18[%get3A_341, %get3A_342] {strides = array<i32>} : memref<40x128xf32, #tpu.memory_space<vmem>>, vector<1x16xf32>,
        %get3A_344 = vector.shape_cast %get3A_343 : vector<1x16xf32> to vector<16xf32>
        %add3A_345 = arith.addf %get3A_340, %get3A_344 : vector<16xf32>
        %get3A_346 = arith.index_cast %scan3A_329 : i32 to index
        %get3A_347 = arith.constant 0 : index
        %get3A_348 = tpu.vector_load %arg20[%get3A_346, %get3A_347] {strides = array<i32>} : memref<40x128xf32, #tpu.memory_space<vmem>>, vector<1x16xf32>,
        %get3A_349 = vector.shape_cast %get3A_348 : vector<1x16xf32> to vector<16xf32>
        %add3A_350 = arith.addf %add3A_345, %get3A_349 : vector<16xf32>
        %max3A = arith.constant 0.000000e+00 : f32
        %max3A_351 = vector.broadcast %max3A : f32 to vector<16xf32>
        %max3A_352 = arith.maximumf %add3A_350, %max3A_351 : vector<16xf32>
        %add3A_353 = arith.addf %scan3A_330, %max3A_352 : vector<16xf32>
        %get3A_354 = arith.index_cast %scan3A_329 : i32 to index
        %get3A_355 = arith.constant 16 : index
        %get3A_356 = tpu.vector_load %arg16[%get3A_354, %get3A_355] {strides = array<i32>} : memref<40x128xf32, #tpu.memory_space<vmem>>, vector<1x16xf32>,
        %get3A_357 = vector.shape_cast %get3A_356 : vector<1x16xf32> to vector<16xf32>
        %get3A_358 = arith.index_cast %scan3A_329 : i32 to index
        %get3A_359 = arith.constant 16 : index
        %get3A_360 = tpu.vector_load %arg18[%get3A_358, %get3A_359] {strides = array<i32>} : memref<40x128xf32, #tpu.memory_space<vmem>>, vector<1x16xf32>,
        %get3A_361 = vector.shape_cast %get3A_360 : vector<1x16xf32> to vector<16xf32>
        %add3A_362 = arith.addf %get3A_357, %get3A_361 : vector<16xf32>
        %get3A_363 = arith.index_cast %scan3A_329 : i32 to index
        %get3A_364 = arith.constant 16 : index
        %get3A_365 = tpu.vector_load %arg20[%get3A_363, %get3A_364] {strides = array<i32>} : memref<40x128xf32, #tpu.memory_space<vmem>>, vector<1x16xf32>,
        %get3A_366 = vector.shape_cast %get3A_365 : vector<1x16xf32> to vector<16xf32>
        %add3A_367 = arith.addf %add3A_362, %get3A_366 : vector<16xf32>
        %max3A_368 = arith.constant 0.000000e+00 : f32
        %max3A_369 = vector.broadcast %max3A_368 : f32 to vector<16xf32>
        %max3A_370 = arith.maximumf %add3A_367, %max3A_369 : vector<16xf32>
        %add3A_371 = arith.addf %scan3A_331, %max3A_370 : vector<16xf32>
        %get3A_372 = arith.index_cast %scan3A_329 : i32 to index
        %get3A_373 = arith.constant 32 : index
        %get3A_374 = tpu.vector_load %arg16[%get3A_372, %get3A_373] {strides = array<i32>} : memref<40x128xf32, #tpu.memory_space<vmem>>, vector<1x16xf32>,
        %get3A_375 = vector.shape_cast %get3A_374 : vector<1x16xf32> to vector<16xf32>
        %get3A_376 = arith.index_cast %scan3A_329 : i32 to index
        %get3A_377 = arith.constant 32 : index
        %get3A_378 = tpu.vector_load %arg18[%get3A_376, %get3A_377] {strides = array<i32>} : memref<40x128xf32, #tpu.memory_space<vmem>>, vector<1x16xf32>,
        %get3A_379 = vector.shape_cast %get3A_378 : vector<1x16xf32> to vector<16xf32>
        %add3A_380 = arith.addf %get3A_375, %get3A_379 : vector<16xf32>
        %get3A_381 = arith.index_cast %scan3A_329 : i32 to index
        %get3A_382 = arith.constant 32 : index
        %get3A_383 = tpu.vector_load %arg20[%get3A_381, %get3A_382] {strides = array<i32>} : memref<40x128xf32, #tpu.memory_space<vmem>>, vector<1x16xf32>,
        %get3A_384 = vector.shape_cast %get3A_383 : vector<1x16xf32> to vector<16xf32>
        %add3A_385 = arith.addf %add3A_380, %get3A_384 : vector<16xf32>
        %max3A_386 = arith.constant 0.000000e+00 : f32
        %max3A_387 = vector.broadcast %max3A_386 : f32 to vector<16xf32>
        %max3A_388 = arith.maximumf %add3A_385, %max3A_387 : vector<16xf32>
        %add3A_389 = arith.addf %scan3A_332, %max3A_388 : vector<16xf32>
        %get3A_390 = arith.index_cast %scan3A_329 : i32 to index
        %get3A_391 = arith.constant 48 : index
        %get3A_392 = tpu.vector_load %arg16[%get3A_390, %get3A_391] {strides = array<i32>} : memref<40x128xf32, #tpu.memory_space<vmem>>, vector<1x16xf32>,
        %get3A_393 = vector.shape_cast %get3A_392 : vector<1x16xf32> to vector<16xf32>
        %get3A_394 = arith.index_cast %scan3A_329 : i32 to index
        %get3A_395 = arith.constant 48 : index
        %get3A_396 = tpu.vector_load %arg18[%get3A_394, %get3A_395] {strides = array<i32>} : memref<40x128xf32, #tpu.memory_space<vmem>>, vector<1x16xf32>,
        %get3A_397 = vector.shape_cast %get3A_396 : vector<1x16xf32> to vector<16xf32>
        %add3A_398 = arith.addf %get3A_393, %get3A_397 : vector<16xf32>
        %get3A_399 = arith.index_cast %scan3A_329 : i32 to index
        %get3A_400 = arith.constant 48 : index
        %get3A_401 = tpu.vector_load %arg20[%get3A_399, %get3A_400] {strides = array<i32>} : memref<40x128xf32, #tpu.memory_space<vmem>>, vector<1x16xf32>,
        %get3A_402 = vector.shape_cast %get3A_401 : vector<1x16xf32> to vector<16xf32>
        %add3A_403 = arith.addf %add3A_398, %get3A_402 : vector<16xf32>
        %max3A_404 = arith.constant 0.000000e+00 : f32
        %max3A_405 = vector.broadcast %max3A_404 : f32 to vector<16xf32>
        %max3A_406 = arith.maximumf %add3A_403, %max3A_405 : vector<16xf32>
        %add3A_407 = arith.addf %scan3A_333, %max3A_406 : vector<16xf32>
        %get3A_408 = arith.index_cast %scan3A_329 : i32 to index
        %get3A_409 = arith.constant 64 : index
        %get3A_410 = tpu.vector_load %arg16[%get3A_408, %get3A_409] {strides = array<i32>} : memref<40x128xf32, #tpu.memory_space<vmem>>, vector<1x16xf32>,
        %get3A_411 = vector.shape_cast %get3A_410 : vector<1x16xf32> to vector<16xf32>
        %get3A_412 = arith.index_cast %scan3A_329 : i32 to index
        %get3A_413 = arith.constant 64 : index
        %get3A_414 = tpu.vector_load %arg18[%get3A_412, %get3A_413] {strides = array<i32>} : memref<40x128xf32, #tpu.memory_space<vmem>>, vector<1x16xf32>,
        %get3A_415 = vector.shape_cast %get3A_414 : vector<1x16xf32> to vector<16xf32>
        %add3A_416 = arith.addf %get3A_411, %get3A_415 : vector<16xf32>
        %get3A_417 = arith.index_cast %scan3A_329 : i32 to index
        %get3A_418 = arith.constant 64 : index
        %get3A_419 = tpu.vector_load %arg20[%get3A_417, %get3A_418] {strides = array<i32>} : memref<40x128xf32, #tpu.memory_space<vmem>>, vector<1x16xf32>,
        %get3A_420 = vector.shape_cast %get3A_419 : vector<1x16xf32> to vector<16xf32>
        %add3A_421 = arith.addf %add3A_416, %get3A_420 : vector<16xf32>
        %max3A_422 = arith.constant 0.000000e+00 : f32
        %max3A_423 = vector.broadcast %max3A_422 : f32 to vector<16xf32>
        %max3A_424 = arith.maximumf %add3A_421, %max3A_423 : vector<16xf32>
        %add3A_425 = arith.addf %scan3A_334, %max3A_424 : vector<16xf32>
        %get3A_426 = arith.index_cast %scan3A_329 : i32 to index
        %get3A_427 = arith.constant 80 : index
        %get3A_428 = tpu.vector_load %arg16[%get3A_426, %get3A_427] {strides = array<i32>} : memref<40x128xf32, #tpu.memory_space<vmem>>, vector<1x16xf32>,
        %get3A_429 = vector.shape_cast %get3A_428 : vector<1x16xf32> to vector<16xf32>
        %get3A_430 = arith.index_cast %scan3A_329 : i32 to index
        %get3A_431 = arith.constant 80 : index
        %get3A_432 = tpu.vector_load %arg18[%get3A_430, %get3A_431] {strides = array<i32>} : memref<40x128xf32, #tpu.memory_space<vmem>>, vector<1x16xf32>,
        %get3A_433 = vector.shape_cast %get3A_432 : vector<1x16xf32> to vector<16xf32>
        %add3A_434 = arith.addf %get3A_429, %get3A_433 : vector<16xf32>
        %get3A_435 = arith.index_cast %scan3A_329 : i32 to index
        %get3A_436 = arith.constant 80 : index
        %get3A_437 = tpu.vector_load %arg20[%get3A_435, %get3A_436] {strides = array<i32>} : memref<40x128xf32, #tpu.memory_space<vmem>>, vector<1x16xf32>,
        %get3A_438 = vector.shape_cast %get3A_437 : vector<1x16xf32> to vector<16xf32>
        %add3A_439 = arith.addf %add3A_434, %get3A_438 : vector<16xf32>
        %max3A_440 = arith.constant 0.000000e+00 : f32
        %max3A_441 = vector.broadcast %max3A_440 : f32 to vector<16xf32>
        %max3A_442 = arith.maximumf %add3A_439, %max3A_441 : vector<16xf32>
        %add3A_443 = arith.addf %scan3A_335, %max3A_442 : vector<16xf32>
        %get3A_444 = arith.index_cast %scan3A_329 : i32 to index
        %get3A_445 = arith.constant 96 : index
        %get3A_446 = tpu.vector_load %arg16[%get3A_444, %get3A_445] {strides = array<i32>} : memref<40x128xf32, #tpu.memory_space<vmem>>, vector<1x16xf32>,
        %get3A_447 = vector.shape_cast %get3A_446 : vector<1x16xf32> to vector<16xf32>
        %get3A_448 = arith.index_cast %scan3A_329 : i32 to index
        %get3A_449 = arith.constant 96 : index
        %get3A_450 = tpu.vector_load %arg18[%get3A_448, %get3A_449] {strides = array<i32>} : memref<40x128xf32, #tpu.memory_space<vmem>>, vector<1x16xf32>,
        %get3A_451 = vector.shape_cast %get3A_450 : vector<1x16xf32> to vector<16xf32>
        %add3A_452 = arith.addf %get3A_447, %get3A_451 : vector<16xf32>
        %get3A_453 = arith.index_cast %scan3A_329 : i32 to index
        %get3A_454 = arith.constant 96 : index
        %get3A_455 = tpu.vector_load %arg20[%get3A_453, %get3A_454] {strides = array<i32>} : memref<40x128xf32, #tpu.memory_space<vmem>>, vector<1x16xf32>,
        %get3A_456 = vector.shape_cast %get3A_455 : vector<1x16xf32> to vector<16xf32>
        %add3A_457 = arith.addf %add3A_452, %get3A_456 : vector<16xf32>
        %max3A_458 = arith.constant 0.000000e+00 : f32
        %max3A_459 = vector.broadcast %max3A_458 : f32 to vector<16xf32>
        %max3A_460 = arith.maximumf %add3A_457, %max3A_459 : vector<16xf32>
        %add3A_461 = arith.addf %scan3A_336, %max3A_460 : vector<16xf32>
        %get3A_462 = arith.index_cast %scan3A_329 : i32 to index
        %get3A_463 = arith.constant 112 : index
        %get3A_464 = tpu.vector_load %arg16[%get3A_462, %get3A_463] {strides = array<i32>} : memref<40x128xf32, #tpu.memory_space<vmem>>, vector<1x16xf32>,
        %get3A_465 = vector.shape_cast %get3A_464 : vector<1x16xf32> to vector<16xf32>
        %get3A_466 = arith.index_cast %scan3A_329 : i32 to index
        %get3A_467 = arith.constant 112 : index
        %get3A_468 = tpu.vector_load %arg18[%get3A_466, %get3A_467] {strides = array<i32>} : memref<40x128xf32, #tpu.memory_space<vmem>>, vector<1x16xf32>,
        %get3A_469 = vector.shape_cast %get3A_468 : vector<1x16xf32> to vector<16xf32>
        %add3A_470 = arith.addf %get3A_465, %get3A_469 : vector<16xf32>
        %get3A_471 = arith.index_cast %scan3A_329 : i32 to index
        %get3A_472 = arith.constant 112 : index
        %get3A_473 = tpu.vector_load %arg20[%get3A_471, %get3A_472] {strides = array<i32>} : memref<40x128xf32, #tpu.memory_space<vmem>>, vector<1x16xf32>,
        %get3A_474 = vector.shape_cast %get3A_473 : vector<1x16xf32> to vector<16xf32>
        %add3A_475 = arith.addf %add3A_470, %get3A_474 : vector<16xf32>
        %max3A_476 = arith.constant 0.000000e+00 : f32
        %max3A_477 = vector.broadcast %max3A_476 : f32 to vector<16xf32>
        %max3A_478 = arith.maximumf %add3A_475, %max3A_477 : vector<16xf32>
        %add3A_479 = arith.addf %scan3A_337, %max3A_478 : vector<16xf32>
        scf.yield %add3A_353, %add3A_371, %add3A_389, %add3A_407, %add3A_425, %add3A_443, %add3A_461, %add3A_479 : vector<16xf32>, vector<16xf32>, vector<16xf32>, vector<16xf32>, vector<16xf32>, vector<16xf32>, vector<16xf32>, vector<16xf32>
      }
      %scan3A_187 = arith.constant 40 : i32
      %mul3A_188 = arith.constant 4 : i32
      %mul3A_189 = arith.muli %mul3A_188, %scan3A_132 : i32
      %add3A_190 = arith.constant 1 : i32
      %add3A_191 = arith.addi %mul3A_189, %add3A_190 : i32
      %mul3A_192 = arith.constant 40 : i32
      %mul3A_193 = arith.muli %add3A_191, %mul3A_192 : i32
      %add3A_194 = arith.addi %mul3A_2, %mul3A_193 : i32
      %add3A_195 = arith.constant 80 : i32
      %add3A_196 = arith.addi %add3A_194, %add3A_195 : i32
      %dma_start3A_197 = tpu.memref_slice %arg5[%add3A_196] : memref<320000xi32, #tpu.memory_space<hbm>> -> memref<40xi32, #tpu.memory_space<hbm>>
      %dma_start3A_198 = tpu.memref_slice %arg5[%add3A_196] : memref<320000xi32, #tpu.memory_space<hbm>> -> memref<40xi32, #tpu.memory_space<hbm>>
      tpu.enqueue_dma source(%dma_start3A_198 : memref<40xi32, #tpu.memory_space<hbm>>) target(%arg11 : memref<40xi32, #tpu.memory_space<vmem>>) target_semaphore(%arg26 : memref<!tpu.dma_semaphore, #tpu.memory_space<semaphore_mem>>)
      %dma_start3A_199 = tpu.memref_slice %arg6[%add3A_196] : memref<320000xi32, #tpu.memory_space<hbm>> -> memref<40xi32, #tpu.memory_space<hbm>>
      %dma_start3A_200 = tpu.memref_slice %arg6[%add3A_196] : memref<320000xi32, #tpu.memory_space<hbm>> -> memref<40xi32, #tpu.memory_space<hbm>>
      tpu.enqueue_dma source(%dma_start3A_200 : memref<40xi32, #tpu.memory_space<hbm>>) target(%arg15 : memref<40xi32, #tpu.memory_space<vmem>>) target_semaphore(%arg26 : memref<!tpu.dma_semaphore, #tpu.memory_space<semaphore_mem>>)
      %add3A_201 = arith.constant 40 : i32
      %add3A_202 = arith.addi %add3A_194, %add3A_201 : i32
      %dma_wait3A_203 = tpu.memref_slice %arg5[%add3A_202] : memref<320000xi32, #tpu.memory_space<hbm>> -> memref<40xi32, #tpu.memory_space<hbm>>
      %dma_wait3A_204 = tpu.memref_slice %arg5[%add3A_202] : memref<320000xi32, #tpu.memory_space<hbm>> -> memref<40xi32, #tpu.memory_space<hbm>>
      tpu.wait_dma2 semaphore(%arg25 : memref<!tpu.dma_semaphore, #tpu.memory_space<semaphore_mem>>) src(%dma_wait3A_204 : memref<40xi32, #tpu.memory_space<hbm>>) dst(%arg10 : memref<40xi32, #tpu.memory_space<vmem>>)
      %dma_wait3A_205 = tpu.memref_slice %arg6[%add3A_202] : memref<320000xi32, #tpu.memory_space<hbm>> -> memref<40xi32, #tpu.memory_space<hbm>>
      %dma_wait3A_206 = tpu.memref_slice %arg6[%add3A_202] : memref<320000xi32, #tpu.memory_space<hbm>> -> memref<40xi32, #tpu.memory_space<hbm>>
      tpu.wait_dma2 semaphore(%arg25 : memref<!tpu.dma_semaphore, #tpu.memory_space<semaphore_mem>>) src(%dma_wait3A_206 : memref<40xi32, #tpu.memory_space<hbm>>) dst(%arg14 : memref<40xi32, #tpu.memory_space<vmem>>)
      %add3A_207 = arith.constant 40 : i32
      %add3A_208 = arith.addi %add3A_194, %add3A_207 : i32
      %dma_start3A_209 = arith.constant 0 : i32
      %dma_start3A_210 = arith.constant 0 : i32
      %dma_start3A_211 = tpu.memref_slice %arg2[%dma_start3A_209, %dma_start3A_210] : memref<10000x128xf32, #tpu.memory_space<hbm>> -> memref<10000x128xf32, #tpu.memory_space<hbm>>
      tpu.enqueue_indirect_dma source(%dma_start3A_211 : memref<10000x128xf32, #tpu.memory_space<hbm>>) target(%arg16 : memref<40x128xf32, #tpu.memory_space<vmem>>) offsets(%arg10 : memref<40xi32, #tpu.memory_space<vmem>>) semaphore(%arg27 : memref<!tpu.dma_semaphore, #tpu.memory_space<semaphore_mem>>)
      %dma_start3A_212 = arith.constant 0 : i32
      %dma_start3A_213 = arith.constant 0 : i32
      %dma_start3A_214 = tpu.memref_slice %arg3[%dma_start3A_212, %dma_start3A_213] : memref<10000x128xf32, #tpu.memory_space<hbm>> -> memref<10000x128xf32, #tpu.memory_space<hbm>>
      tpu.enqueue_indirect_dma source(%dma_start3A_214 : memref<10000x128xf32, #tpu.memory_space<hbm>>) target(%arg18 : memref<40x128xf32, #tpu.memory_space<vmem>>) offsets(%arg14 : memref<40xi32, #tpu.memory_space<vmem>>) semaphore(%arg29 : memref<!tpu.dma_semaphore, #tpu.memory_space<semaphore_mem>>)
      %dma_start3A_215 = arith.constant 0 : i32
      %dma_start3A_216 = tpu.memref_slice %arg4[%add3A_208, %dma_start3A_215] : memref<320000x128xf32, #tpu.memory_space<hbm>> -> memref<40x128xf32, #tpu.memory_space<hbm>>
      %dma_start3A_217 = arith.constant 0 : i32
      %dma_start3A_218 = tpu.memref_slice %arg4[%add3A_208, %dma_start3A_217] : memref<320000x128xf32, #tpu.memory_space<hbm>> -> memref<40x128xf32, #tpu.memory_space<hbm>>
      tpu.enqueue_dma source(%dma_start3A_218 : memref<40x128xf32, #tpu.memory_space<hbm>>) target(%arg20 : memref<40x128xf32, #tpu.memory_space<vmem>>) target_semaphore(%arg31 : memref<!tpu.dma_semaphore, #tpu.memory_space<semaphore_mem>>)
      %dma_wait3A_219 = arith.constant 0 : i32
      %dma_wait3A_220 = arith.constant 0 : i32
      %dma_wait3A_221 = tpu.memref_slice %arg2[%dma_wait3A_219, %dma_wait3A_220] : memref<10000x128xf32, #tpu.memory_space<hbm>> -> memref<10000x128xf32, #tpu.memory_space<hbm>>
      tpu.wait_indirect_dma semaphore(%arg28 : memref<!tpu.dma_semaphore, #tpu.memory_space<semaphore_mem>>) src(%dma_wait3A_221 : memref<10000x128xf32, #tpu.memory_space<hbm>>) dst(%arg17 : memref<40x128xf32, #tpu.memory_space<vmem>>)
      %dma_wait3A_222 = arith.constant 0 : i32
      %dma_wait3A_223 = arith.constant 0 : i32
      %dma_wait3A_224 = tpu.memref_slice %arg3[%dma_wait3A_222, %dma_wait3A_223] : memref<10000x128xf32, #tpu.memory_space<hbm>> -> memref<10000x128xf32, #tpu.memory_space<hbm>>
      tpu.wait_indirect_dma semaphore(%arg30 : memref<!tpu.dma_semaphore, #tpu.memory_space<semaphore_mem>>) src(%dma_wait3A_224 : memref<10000x128xf32, #tpu.memory_space<hbm>>) dst(%arg19 : memref<40x128xf32, #tpu.memory_space<vmem>>)
      %dma_wait3A_225 = arith.constant 0 : i32
      %dma_wait3A_226 = tpu.memref_slice %arg4[%add3A_194, %dma_wait3A_225] : memref<320000x128xf32, #tpu.memory_space<hbm>> -> memref<40x128xf32, #tpu.memory_space<hbm>>
      %dma_wait3A_227 = arith.constant 0 : i32
      %dma_wait3A_228 = tpu.memref_slice %arg4[%add3A_194, %dma_wait3A_227] : memref<320000x128xf32, #tpu.memory_space<hbm>> -> memref<40x128xf32, #tpu.memory_space<hbm>>
      tpu.wait_dma2 semaphore(%arg32 : memref<!tpu.dma_semaphore, #tpu.memory_space<semaphore_mem>>) src(%dma_wait3A_228 : memref<40x128xf32, #tpu.memory_space<hbm>>) dst(%arg21 : memref<40x128xf32, #tpu.memory_space<vmem>>)
      %scan3A_229 = arith.constant 0 : i32
      %scan3A_230 = arith.constant 40 : i32
      %scan3A_231 = arith.addi %scan3A_229, %scan3A_230 : i32
      %scan3A_232 = arith.constant 1 : i32
      %scan3A_233:8 = scf.for %scan3A_329 = %scan3A_229 to %scan3A_231 step %scan3A_232 iter_args(%scan3A_330 = %scan3A_186#0, %scan3A_331 = %scan3A_186#1, %scan3A_332 = %scan3A_186#2, %scan3A_333 = %scan3A_186#3, %scan3A_334 = %scan3A_186#4, %scan3A_335 = %scan3A_186#5, %scan3A_336 = %scan3A_186#6, %scan3A_337 = %scan3A_186#7) -> (vector<16xf32>, vector<16xf32>, vector<16xf32>, vector<16xf32>, vector<16xf32>, vector<16xf32>, vector<16xf32>, vector<16xf32>)  : i32 {
        %get3A = arith.index_cast %scan3A_329 : i32 to index
        %get3A_338 = arith.constant 0 : index
        %get3A_339 = tpu.vector_load %arg17[%get3A, %get3A_338] {strides = array<i32>} : memref<40x128xf32, #tpu.memory_space<vmem>>, vector<1x16xf32>,
        %get3A_340 = vector.shape_cast %get3A_339 : vector<1x16xf32> to vector<16xf32>
        %get3A_341 = arith.index_cast %scan3A_329 : i32 to index
        %get3A_342 = arith.constant 0 : index
        %get3A_343 = tpu.vector_load %arg19[%get3A_341, %get3A_342] {strides = array<i32>} : memref<40x128xf32, #tpu.memory_space<vmem>>, vector<1x16xf32>,
        %get3A_344 = vector.shape_cast %get3A_343 : vector<1x16xf32> to vector<16xf32>
        %add3A_345 = arith.addf %get3A_340, %get3A_344 : vector<16xf32>
        %get3A_346 = arith.index_cast %scan3A_329 : i32 to index
        %get3A_347 = arith.constant 0 : index
        %get3A_348 = tpu.vector_load %arg21[%get3A_346, %get3A_347] {strides = array<i32>} : memref<40x128xf32, #tpu.memory_space<vmem>>, vector<1x16xf32>,
        %get3A_349 = vector.shape_cast %get3A_348 : vector<1x16xf32> to vector<16xf32>
        %add3A_350 = arith.addf %add3A_345, %get3A_349 : vector<16xf32>
        %max3A = arith.constant 0.000000e+00 : f32
        %max3A_351 = vector.broadcast %max3A : f32 to vector<16xf32>
        %max3A_352 = arith.maximumf %add3A_350, %max3A_351 : vector<16xf32>
        %add3A_353 = arith.addf %scan3A_330, %max3A_352 : vector<16xf32>
        %get3A_354 = arith.index_cast %scan3A_329 : i32 to index
        %get3A_355 = arith.constant 16 : index
        %get3A_356 = tpu.vector_load %arg17[%get3A_354, %get3A_355] {strides = array<i32>} : memref<40x128xf32, #tpu.memory_space<vmem>>, vector<1x16xf32>,
        %get3A_357 = vector.shape_cast %get3A_356 : vector<1x16xf32> to vector<16xf32>
        %get3A_358 = arith.index_cast %scan3A_329 : i32 to index
        %get3A_359 = arith.constant 16 : index
        %get3A_360 = tpu.vector_load %arg19[%get3A_358, %get3A_359] {strides = array<i32>} : memref<40x128xf32, #tpu.memory_space<vmem>>, vector<1x16xf32>,
        %get3A_361 = vector.shape_cast %get3A_360 : vector<1x16xf32> to vector<16xf32>
        %add3A_362 = arith.addf %get3A_357, %get3A_361 : vector<16xf32>
        %get3A_363 = arith.index_cast %scan3A_329 : i32 to index
        %get3A_364 = arith.constant 16 : index
        %get3A_365 = tpu.vector_load %arg21[%get3A_363, %get3A_364] {strides = array<i32>} : memref<40x128xf32, #tpu.memory_space<vmem>>, vector<1x16xf32>,
        %get3A_366 = vector.shape_cast %get3A_365 : vector<1x16xf32> to vector<16xf32>
        %add3A_367 = arith.addf %add3A_362, %get3A_366 : vector<16xf32>
        %max3A_368 = arith.constant 0.000000e+00 : f32
        %max3A_369 = vector.broadcast %max3A_368 : f32 to vector<16xf32>
        %max3A_370 = arith.maximumf %add3A_367, %max3A_369 : vector<16xf32>
        %add3A_371 = arith.addf %scan3A_331, %max3A_370 : vector<16xf32>
        %get3A_372 = arith.index_cast %scan3A_329 : i32 to index
        %get3A_373 = arith.constant 32 : index
        %get3A_374 = tpu.vector_load %arg17[%get3A_372, %get3A_373] {strides = array<i32>} : memref<40x128xf32, #tpu.memory_space<vmem>>, vector<1x16xf32>,
        %get3A_375 = vector.shape_cast %get3A_374 : vector<1x16xf32> to vector<16xf32>
        %get3A_376 = arith.index_cast %scan3A_329 : i32 to index
        %get3A_377 = arith.constant 32 : index
        %get3A_378 = tpu.vector_load %arg19[%get3A_376, %get3A_377] {strides = array<i32>} : memref<40x128xf32, #tpu.memory_space<vmem>>, vector<1x16xf32>,
        %get3A_379 = vector.shape_cast %get3A_378 : vector<1x16xf32> to vector<16xf32>
        %add3A_380 = arith.addf %get3A_375, %get3A_379 : vector<16xf32>
        %get3A_381 = arith.index_cast %scan3A_329 : i32 to index
        %get3A_382 = arith.constant 32 : index
        %get3A_383 = tpu.vector_load %arg21[%get3A_381, %get3A_382] {strides = array<i32>} : memref<40x128xf32, #tpu.memory_space<vmem>>, vector<1x16xf32>,
        %get3A_384 = vector.shape_cast %get3A_383 : vector<1x16xf32> to vector<16xf32>
        %add3A_385 = arith.addf %add3A_380, %get3A_384 : vector<16xf32>
        %max3A_386 = arith.constant 0.000000e+00 : f32
        %max3A_387 = vector.broadcast %max3A_386 : f32 to vector<16xf32>
        %max3A_388 = arith.maximumf %add3A_385, %max3A_387 : vector<16xf32>
        %add3A_389 = arith.addf %scan3A_332, %max3A_388 : vector<16xf32>
        %get3A_390 = arith.index_cast %scan3A_329 : i32 to index
        %get3A_391 = arith.constant 48 : index
        %get3A_392 = tpu.vector_load %arg17[%get3A_390, %get3A_391] {strides = array<i32>} : memref<40x128xf32, #tpu.memory_space<vmem>>, vector<1x16xf32>,
        %get3A_393 = vector.shape_cast %get3A_392 : vector<1x16xf32> to vector<16xf32>
        %get3A_394 = arith.index_cast %scan3A_329 : i32 to index
        %get3A_395 = arith.constant 48 : index
        %get3A_396 = tpu.vector_load %arg19[%get3A_394, %get3A_395] {strides = array<i32>} : memref<40x128xf32, #tpu.memory_space<vmem>>, vector<1x16xf32>,
        %get3A_397 = vector.shape_cast %get3A_396 : vector<1x16xf32> to vector<16xf32>
        %add3A_398 = arith.addf %get3A_393, %get3A_397 : vector<16xf32>
        %get3A_399 = arith.index_cast %scan3A_329 : i32 to index
        %get3A_400 = arith.constant 48 : index
        %get3A_401 = tpu.vector_load %arg21[%get3A_399, %get3A_400] {strides = array<i32>} : memref<40x128xf32, #tpu.memory_space<vmem>>, vector<1x16xf32>,
        %get3A_402 = vector.shape_cast %get3A_401 : vector<1x16xf32> to vector<16xf32>
        %add3A_403 = arith.addf %add3A_398, %get3A_402 : vector<16xf32>
        %max3A_404 = arith.constant 0.000000e+00 : f32
        %max3A_405 = vector.broadcast %max3A_404 : f32 to vector<16xf32>
        %max3A_406 = arith.maximumf %add3A_403, %max3A_405 : vector<16xf32>
        %add3A_407 = arith.addf %scan3A_333, %max3A_406 : vector<16xf32>
        %get3A_408 = arith.index_cast %scan3A_329 : i32 to index
        %get3A_409 = arith.constant 64 : index
        %get3A_410 = tpu.vector_load %arg17[%get3A_408, %get3A_409] {strides = array<i32>} : memref<40x128xf32, #tpu.memory_space<vmem>>, vector<1x16xf32>,
        %get3A_411 = vector.shape_cast %get3A_410 : vector<1x16xf32> to vector<16xf32>
        %get3A_412 = arith.index_cast %scan3A_329 : i32 to index
        %get3A_413 = arith.constant 64 : index
        %get3A_414 = tpu.vector_load %arg19[%get3A_412, %get3A_413] {strides = array<i32>} : memref<40x128xf32, #tpu.memory_space<vmem>>, vector<1x16xf32>,
        %get3A_415 = vector.shape_cast %get3A_414 : vector<1x16xf32> to vector<16xf32>
        %add3A_416 = arith.addf %get3A_411, %get3A_415 : vector<16xf32>
        %get3A_417 = arith.index_cast %scan3A_329 : i32 to index
        %get3A_418 = arith.constant 64 : index
        %get3A_419 = tpu.vector_load %arg21[%get3A_417, %get3A_418] {strides = array<i32>} : memref<40x128xf32, #tpu.memory_space<vmem>>, vector<1x16xf32>,
        %get3A_420 = vector.shape_cast %get3A_419 : vector<1x16xf32> to vector<16xf32>
        %add3A_421 = arith.addf %add3A_416, %get3A_420 : vector<16xf32>
        %max3A_422 = arith.constant 0.000000e+00 : f32
        %max3A_423 = vector.broadcast %max3A_422 : f32 to vector<16xf32>
        %max3A_424 = arith.maximumf %add3A_421, %max3A_423 : vector<16xf32>
        %add3A_425 = arith.addf %scan3A_334, %max3A_424 : vector<16xf32>
        %get3A_426 = arith.index_cast %scan3A_329 : i32 to index
        %get3A_427 = arith.constant 80 : index
        %get3A_428 = tpu.vector_load %arg17[%get3A_426, %get3A_427] {strides = array<i32>} : memref<40x128xf32, #tpu.memory_space<vmem>>, vector<1x16xf32>,
        %get3A_429 = vector.shape_cast %get3A_428 : vector<1x16xf32> to vector<16xf32>
        %get3A_430 = arith.index_cast %scan3A_329 : i32 to index
        %get3A_431 = arith.constant 80 : index
        %get3A_432 = tpu.vector_load %arg19[%get3A_430, %get3A_431] {strides = array<i32>} : memref<40x128xf32, #tpu.memory_space<vmem>>, vector<1x16xf32>,
        %get3A_433 = vector.shape_cast %get3A_432 : vector<1x16xf32> to vector<16xf32>
        %add3A_434 = arith.addf %get3A_429, %get3A_433 : vector<16xf32>
        %get3A_435 = arith.index_cast %scan3A_329 : i32 to index
        %get3A_436 = arith.constant 80 : index
        %get3A_437 = tpu.vector_load %arg21[%get3A_435, %get3A_436] {strides = array<i32>} : memref<40x128xf32, #tpu.memory_space<vmem>>, vector<1x16xf32>,
        %get3A_438 = vector.shape_cast %get3A_437 : vector<1x16xf32> to vector<16xf32>
        %add3A_439 = arith.addf %add3A_434, %get3A_438 : vector<16xf32>
        %max3A_440 = arith.constant 0.000000e+00 : f32
        %max3A_441 = vector.broadcast %max3A_440 : f32 to vector<16xf32>
        %max3A_442 = arith.maximumf %add3A_439, %max3A_441 : vector<16xf32>
        %add3A_443 = arith.addf %scan3A_335, %max3A_442 : vector<16xf32>
        %get3A_444 = arith.index_cast %scan3A_329 : i32 to index
        %get3A_445 = arith.constant 96 : index
        %get3A_446 = tpu.vector_load %arg17[%get3A_444, %get3A_445] {strides = array<i32>} : memref<40x128xf32, #tpu.memory_space<vmem>>, vector<1x16xf32>,
        %get3A_447 = vector.shape_cast %get3A_446 : vector<1x16xf32> to vector<16xf32>
        %get3A_448 = arith.index_cast %scan3A_329 : i32 to index
        %get3A_449 = arith.constant 96 : index
        %get3A_450 = tpu.vector_load %arg19[%get3A_448, %get3A_449] {strides = array<i32>} : memref<40x128xf32, #tpu.memory_space<vmem>>, vector<1x16xf32>,
        %get3A_451 = vector.shape_cast %get3A_450 : vector<1x16xf32> to vector<16xf32>
        %add3A_452 = arith.addf %get3A_447, %get3A_451 : vector<16xf32>
        %get3A_453 = arith.index_cast %scan3A_329 : i32 to index
        %get3A_454 = arith.constant 96 : index
        %get3A_455 = tpu.vector_load %arg21[%get3A_453, %get3A_454] {strides = array<i32>} : memref<40x128xf32, #tpu.memory_space<vmem>>, vector<1x16xf32>,
        %get3A_456 = vector.shape_cast %get3A_455 : vector<1x16xf32> to vector<16xf32>
        %add3A_457 = arith.addf %add3A_452, %get3A_456 : vector<16xf32>
        %max3A_458 = arith.constant 0.000000e+00 : f32
        %max3A_459 = vector.broadcast %max3A_458 : f32 to vector<16xf32>
        %max3A_460 = arith.maximumf %add3A_457, %max3A_459 : vector<16xf32>
        %add3A_461 = arith.addf %scan3A_336, %max3A_460 : vector<16xf32>
        %get3A_462 = arith.index_cast %scan3A_329 : i32 to index
        %get3A_463 = arith.constant 112 : index
        %get3A_464 = tpu.vector_load %arg17[%get3A_462, %get3A_463] {strides = array<i32>} : memref<40x128xf32, #tpu.memory_space<vmem>>, vector<1x16xf32>,
        %get3A_465 = vector.shape_cast %get3A_464 : vector<1x16xf32> to vector<16xf32>
        %get3A_466 = arith.index_cast %scan3A_329 : i32 to index
        %get3A_467 = arith.constant 112 : index
        %get3A_468 = tpu.vector_load %arg19[%get3A_466, %get3A_467] {strides = array<i32>} : memref<40x128xf32, #tpu.memory_space<vmem>>, vector<1x16xf32>,
        %get3A_469 = vector.shape_cast %get3A_468 : vector<1x16xf32> to vector<16xf32>
        %add3A_470 = arith.addf %get3A_465, %get3A_469 : vector<16xf32>
        %get3A_471 = arith.index_cast %scan3A_329 : i32 to index
        %get3A_472 = arith.constant 112 : index
        %get3A_473 = tpu.vector_load %arg21[%get3A_471, %get3A_472] {strides = array<i32>} : memref<40x128xf32, #tpu.memory_space<vmem>>, vector<1x16xf32>,
        %get3A_474 = vector.shape_cast %get3A_473 : vector<1x16xf32> to vector<16xf32>
        %add3A_475 = arith.addf %add3A_470, %get3A_474 : vector<16xf32>
        %max3A_476 = arith.constant 0.000000e+00 : f32
        %max3A_477 = vector.broadcast %max3A_476 : f32 to vector<16xf32>
        %max3A_478 = arith.maximumf %add3A_475, %max3A_477 : vector<16xf32>
        %add3A_479 = arith.addf %scan3A_337, %max3A_478 : vector<16xf32>
        scf.yield %add3A_353, %add3A_371, %add3A_389, %add3A_407, %add3A_425, %add3A_443, %add3A_461, %add3A_479 : vector<16xf32>, vector<16xf32>, vector<16xf32>, vector<16xf32>, vector<16xf32>, vector<16xf32>, vector<16xf32>, vector<16xf32>
      }
      %scan3A_234 = arith.constant 40 : i32
      %mul3A_235 = arith.constant 4 : i32
      %mul3A_236 = arith.muli %mul3A_235, %scan3A_132 : i32
      %add3A_237 = arith.constant 2 : i32
      %add3A_238 = arith.addi %mul3A_236, %add3A_237 : i32
      %mul3A_239 = arith.constant 40 : i32
      %mul3A_240 = arith.muli %add3A_238, %mul3A_239 : i32
      %add3A_241 = arith.addi %mul3A_2, %mul3A_240 : i32
      %add3A_242 = arith.constant 80 : i32
      %add3A_243 = arith.addi %add3A_241, %add3A_242 : i32
      %dma_start3A_244 = tpu.memref_slice %arg5[%add3A_243] : memref<320000xi32, #tpu.memory_space<hbm>> -> memref<40xi32, #tpu.memory_space<hbm>>
      %dma_start3A_245 = tpu.memref_slice %arg5[%add3A_243] : memref<320000xi32, #tpu.memory_space<hbm>> -> memref<40xi32, #tpu.memory_space<hbm>>
      tpu.enqueue_dma source(%dma_start3A_245 : memref<40xi32, #tpu.memory_space<hbm>>) target(%arg8 : memref<40xi32, #tpu.memory_space<vmem>>) target_semaphore(%arg23 : memref<!tpu.dma_semaphore, #tpu.memory_space<semaphore_mem>>)
      %dma_start3A_246 = tpu.memref_slice %arg6[%add3A_243] : memref<320000xi32, #tpu.memory_space<hbm>> -> memref<40xi32, #tpu.memory_space<hbm>>
      %dma_start3A_247 = tpu.memref_slice %arg6[%add3A_243] : memref<320000xi32, #tpu.memory_space<hbm>> -> memref<40xi32, #tpu.memory_space<hbm>>
      tpu.enqueue_dma source(%dma_start3A_247 : memref<40xi32, #tpu.memory_space<hbm>>) target(%arg12 : memref<40xi32, #tpu.memory_space<vmem>>) target_semaphore(%arg23 : memref<!tpu.dma_semaphore, #tpu.memory_space<semaphore_mem>>)
      %add3A_248 = arith.constant 40 : i32
      %add3A_249 = arith.addi %add3A_241, %add3A_248 : i32
      %dma_wait3A_250 = tpu.memref_slice %arg5[%add3A_249] : memref<320000xi32, #tpu.memory_space<hbm>> -> memref<40xi32, #tpu.memory_space<hbm>>
      %dma_wait3A_251 = tpu.memref_slice %arg5[%add3A_249] : memref<320000xi32, #tpu.memory_space<hbm>> -> memref<40xi32, #tpu.memory_space<hbm>>
      tpu.wait_dma2 semaphore(%arg26 : memref<!tpu.dma_semaphore, #tpu.memory_space<semaphore_mem>>) src(%dma_wait3A_251 : memref<40xi32, #tpu.memory_space<hbm>>) dst(%arg11 : memref<40xi32, #tpu.memory_space<vmem>>)
      %dma_wait3A_252 = tpu.memref_slice %arg6[%add3A_249] : memref<320000xi32, #tpu.memory_space<hbm>> -> memref<40xi32, #tpu.memory_space<hbm>>
      %dma_wait3A_253 = tpu.memref_slice %arg6[%add3A_249] : memref<320000xi32, #tpu.memory_space<hbm>> -> memref<40xi32, #tpu.memory_space<hbm>>
      tpu.wait_dma2 semaphore(%arg26 : memref<!tpu.dma_semaphore, #tpu.memory_space<semaphore_mem>>) src(%dma_wait3A_253 : memref<40xi32, #tpu.memory_space<hbm>>) dst(%arg15 : memref<40xi32, #tpu.memory_space<vmem>>)
      %add3A_254 = arith.constant 40 : i32
      %add3A_255 = arith.addi %add3A_241, %add3A_254 : i32
      %dma_start3A_256 = arith.constant 0 : i32
      %dma_start3A_257 = arith.constant 0 : i32
      %dma_start3A_258 = tpu.memref_slice %arg2[%dma_start3A_256, %dma_start3A_257] : memref<10000x128xf32, #tpu.memory_space<hbm>> -> memref<10000x128xf32, #tpu.memory_space<hbm>>
      tpu.enqueue_indirect_dma source(%dma_start3A_258 : memref<10000x128xf32, #tpu.memory_space<hbm>>) target(%arg17 : memref<40x128xf32, #tpu.memory_space<vmem>>) offsets(%arg11 : memref<40xi32, #tpu.memory_space<vmem>>) semaphore(%arg28 : memref<!tpu.dma_semaphore, #tpu.memory_space<semaphore_mem>>)
      %dma_start3A_259 = arith.constant 0 : i32
      %dma_start3A_260 = arith.constant 0 : i32
      %dma_start3A_261 = tpu.memref_slice %arg3[%dma_start3A_259, %dma_start3A_260] : memref<10000x128xf32, #tpu.memory_space<hbm>> -> memref<10000x128xf32, #tpu.memory_space<hbm>>
      tpu.enqueue_indirect_dma source(%dma_start3A_261 : memref<10000x128xf32, #tpu.memory_space<hbm>>) target(%arg19 : memref<40x128xf32, #tpu.memory_space<vmem>>) offsets(%arg15 : memref<40xi32, #tpu.memory_space<vmem>>) semaphore(%arg30 : memref<!tpu.dma_semaphore, #tpu.memory_space<semaphore_mem>>)
      %dma_start3A_262 = arith.constant 0 : i32
      %dma_start3A_263 = tpu.memref_slice %arg4[%add3A_255, %dma_start3A_262] : memref<320000x128xf32, #tpu.memory_space<hbm>> -> memref<40x128xf32, #tpu.memory_space<hbm>>
      %dma_start3A_264 = arith.constant 0 : i32
      %dma_start3A_265 = tpu.memref_slice %arg4[%add3A_255, %dma_start3A_264] : memref<320000x128xf32, #tpu.memory_space<hbm>> -> memref<40x128xf32, #tpu.memory_space<hbm>>
      tpu.enqueue_dma source(%dma_start3A_265 : memref<40x128xf32, #tpu.memory_space<hbm>>) target(%arg21 : memref<40x128xf32, #tpu.memory_space<vmem>>) target_semaphore(%arg32 : memref<!tpu.dma_semaphore, #tpu.memory_space<semaphore_mem>>)
      %dma_wait3A_266 = arith.constant 0 : i32
      %dma_wait3A_267 = arith.constant 0 : i32
      %dma_wait3A_268 = tpu.memref_slice %arg2[%dma_wait3A_266, %dma_wait3A_267] : memref<10000x128xf32, #tpu.memory_space<hbm>> -> memref<10000x128xf32, #tpu.memory_space<hbm>>
      tpu.wait_indirect_dma semaphore(%arg27 : memref<!tpu.dma_semaphore, #tpu.memory_space<semaphore_mem>>) src(%dma_wait3A_268 : memref<10000x128xf32, #tpu.memory_space<hbm>>) dst(%arg16 : memref<40x128xf32, #tpu.memory_space<vmem>>)
      %dma_wait3A_269 = arith.constant 0 : i32
      %dma_wait3A_270 = arith.constant 0 : i32
      %dma_wait3A_271 = tpu.memref_slice %arg3[%dma_wait3A_269, %dma_wait3A_270] : memref<10000x128xf32, #tpu.memory_space<hbm>> -> memref<10000x128xf32, #tpu.memory_space<hbm>>
      tpu.wait_indirect_dma semaphore(%arg29 : memref<!tpu.dma_semaphore, #tpu.memory_space<semaphore_mem>>) src(%dma_wait3A_271 : memref<10000x128xf32, #tpu.memory_space<hbm>>) dst(%arg18 : memref<40x128xf32, #tpu.memory_space<vmem>>)
      %dma_wait3A_272 = arith.constant 0 : i32
      %dma_wait3A_273 = tpu.memref_slice %arg4[%add3A_241, %dma_wait3A_272] : memref<320000x128xf32, #tpu.memory_space<hbm>> -> memref<40x128xf32, #tpu.memory_space<hbm>>
      %dma_wait3A_274 = arith.constant 0 : i32
      %dma_wait3A_275 = tpu.memref_slice %arg4[%add3A_241, %dma_wait3A_274] : memref<320000x128xf32, #tpu.memory_space<hbm>> -> memref<40x128xf32, #tpu.memory_space<hbm>>
      tpu.wait_dma2 semaphore(%arg31 : memref<!tpu.dma_semaphore, #tpu.memory_space<semaphore_mem>>) src(%dma_wait3A_275 : memref<40x128xf32, #tpu.memory_space<hbm>>) dst(%arg20 : memref<40x128xf32, #tpu.memory_space<vmem>>)
      %scan3A_276 = arith.constant 0 : i32
      %scan3A_277 = arith.constant 40 : i32
      %scan3A_278 = arith.addi %scan3A_276, %scan3A_277 : i32
      %scan3A_279 = arith.constant 1 : i32
      %scan3A_280:8 = scf.for %scan3A_329 = %scan3A_276 to %scan3A_278 step %scan3A_279 iter_args(%scan3A_330 = %scan3A_233#0, %scan3A_331 = %scan3A_233#1, %scan3A_332 = %scan3A_233#2, %scan3A_333 = %scan3A_233#3, %scan3A_334 = %scan3A_233#4, %scan3A_335 = %scan3A_233#5, %scan3A_336 = %scan3A_233#6, %scan3A_337 = %scan3A_233#7) -> (vector<16xf32>, vector<16xf32>, vector<16xf32>, vector<16xf32>, vector<16xf32>, vector<16xf32>, vector<16xf32>, vector<16xf32>)  : i32 {
        %get3A = arith.index_cast %scan3A_329 : i32 to index
        %get3A_338 = arith.constant 0 : index
        %get3A_339 = tpu.vector_load %arg16[%get3A, %get3A_338] {strides = array<i32>} : memref<40x128xf32, #tpu.memory_space<vmem>>, vector<1x16xf32>,
        %get3A_340 = vector.shape_cast %get3A_339 : vector<1x16xf32> to vector<16xf32>
        %get3A_341 = arith.index_cast %scan3A_329 : i32 to index
        %get3A_342 = arith.constant 0 : index
        %get3A_343 = tpu.vector_load %arg18[%get3A_341, %get3A_342] {strides = array<i32>} : memref<40x128xf32, #tpu.memory_space<vmem>>, vector<1x16xf32>,
        %get3A_344 = vector.shape_cast %get3A_343 : vector<1x16xf32> to vector<16xf32>
        %add3A_345 = arith.addf %get3A_340, %get3A_344 : vector<16xf32>
        %get3A_346 = arith.index_cast %scan3A_329 : i32 to index
        %get3A_347 = arith.constant 0 : index
        %get3A_348 = tpu.vector_load %arg20[%get3A_346, %get3A_347] {strides = array<i32>} : memref<40x128xf32, #tpu.memory_space<vmem>>, vector<1x16xf32>,
        %get3A_349 = vector.shape_cast %get3A_348 : vector<1x16xf32> to vector<16xf32>
        %add3A_350 = arith.addf %add3A_345, %get3A_349 : vector<16xf32>
        %max3A = arith.constant 0.000000e+00 : f32
        %max3A_351 = vector.broadcast %max3A : f32 to vector<16xf32>
        %max3A_352 = arith.maximumf %add3A_350, %max3A_351 : vector<16xf32>
        %add3A_353 = arith.addf %scan3A_330, %max3A_352 : vector<16xf32>
        %get3A_354 = arith.index_cast %scan3A_329 : i32 to index
        %get3A_355 = arith.constant 16 : index
        %get3A_356 = tpu.vector_load %arg16[%get3A_354, %get3A_355] {strides = array<i32>} : memref<40x128xf32, #tpu.memory_space<vmem>>, vector<1x16xf32>,
        %get3A_357 = vector.shape_cast %get3A_356 : vector<1x16xf32> to vector<16xf32>
        %get3A_358 = arith.index_cast %scan3A_329 : i32 to index
        %get3A_359 = arith.constant 16 : index
        %get3A_360 = tpu.vector_load %arg18[%get3A_358, %get3A_359] {strides = array<i32>} : memref<40x128xf32, #tpu.memory_space<vmem>>, vector<1x16xf32>,
        %get3A_361 = vector.shape_cast %get3A_360 : vector<1x16xf32> to vector<16xf32>
        %add3A_362 = arith.addf %get3A_357, %get3A_361 : vector<16xf32>
        %get3A_363 = arith.index_cast %scan3A_329 : i32 to index
        %get3A_364 = arith.constant 16 : index
        %get3A_365 = tpu.vector_load %arg20[%get3A_363, %get3A_364] {strides = array<i32>} : memref<40x128xf32, #tpu.memory_space<vmem>>, vector<1x16xf32>,
        %get3A_366 = vector.shape_cast %get3A_365 : vector<1x16xf32> to vector<16xf32>
        %add3A_367 = arith.addf %add3A_362, %get3A_366 : vector<16xf32>
        %max3A_368 = arith.constant 0.000000e+00 : f32
        %max3A_369 = vector.broadcast %max3A_368 : f32 to vector<16xf32>
        %max3A_370 = arith.maximumf %add3A_367, %max3A_369 : vector<16xf32>
        %add3A_371 = arith.addf %scan3A_331, %max3A_370 : vector<16xf32>
        %get3A_372 = arith.index_cast %scan3A_329 : i32 to index
        %get3A_373 = arith.constant 32 : index
        %get3A_374 = tpu.vector_load %arg16[%get3A_372, %get3A_373] {strides = array<i32>} : memref<40x128xf32, #tpu.memory_space<vmem>>, vector<1x16xf32>,
        %get3A_375 = vector.shape_cast %get3A_374 : vector<1x16xf32> to vector<16xf32>
        %get3A_376 = arith.index_cast %scan3A_329 : i32 to index
        %get3A_377 = arith.constant 32 : index
        %get3A_378 = tpu.vector_load %arg18[%get3A_376, %get3A_377] {strides = array<i32>} : memref<40x128xf32, #tpu.memory_space<vmem>>, vector<1x16xf32>,
        %get3A_379 = vector.shape_cast %get3A_378 : vector<1x16xf32> to vector<16xf32>
        %add3A_380 = arith.addf %get3A_375, %get3A_379 : vector<16xf32>
        %get3A_381 = arith.index_cast %scan3A_329 : i32 to index
        %get3A_382 = arith.constant 32 : index
        %get3A_383 = tpu.vector_load %arg20[%get3A_381, %get3A_382] {strides = array<i32>} : memref<40x128xf32, #tpu.memory_space<vmem>>, vector<1x16xf32>,
        %get3A_384 = vector.shape_cast %get3A_383 : vector<1x16xf32> to vector<16xf32>
        %add3A_385 = arith.addf %add3A_380, %get3A_384 : vector<16xf32>
        %max3A_386 = arith.constant 0.000000e+00 : f32
        %max3A_387 = vector.broadcast %max3A_386 : f32 to vector<16xf32>
        %max3A_388 = arith.maximumf %add3A_385, %max3A_387 : vector<16xf32>
        %add3A_389 = arith.addf %scan3A_332, %max3A_388 : vector<16xf32>
        %get3A_390 = arith.index_cast %scan3A_329 : i32 to index
        %get3A_391 = arith.constant 48 : index
        %get3A_392 = tpu.vector_load %arg16[%get3A_390, %get3A_391] {strides = array<i32>} : memref<40x128xf32, #tpu.memory_space<vmem>>, vector<1x16xf32>,
        %get3A_393 = vector.shape_cast %get3A_392 : vector<1x16xf32> to vector<16xf32>
        %get3A_394 = arith.index_cast %scan3A_329 : i32 to index
        %get3A_395 = arith.constant 48 : index
        %get3A_396 = tpu.vector_load %arg18[%get3A_394, %get3A_395] {strides = array<i32>} : memref<40x128xf32, #tpu.memory_space<vmem>>, vector<1x16xf32>,
        %get3A_397 = vector.shape_cast %get3A_396 : vector<1x16xf32> to vector<16xf32>
        %add3A_398 = arith.addf %get3A_393, %get3A_397 : vector<16xf32>
        %get3A_399 = arith.index_cast %scan3A_329 : i32 to index
        %get3A_400 = arith.constant 48 : index
        %get3A_401 = tpu.vector_load %arg20[%get3A_399, %get3A_400] {strides = array<i32>} : memref<40x128xf32, #tpu.memory_space<vmem>>, vector<1x16xf32>,
        %get3A_402 = vector.shape_cast %get3A_401 : vector<1x16xf32> to vector<16xf32>
        %add3A_403 = arith.addf %add3A_398, %get3A_402 : vector<16xf32>
        %max3A_404 = arith.constant 0.000000e+00 : f32
        %max3A_405 = vector.broadcast %max3A_404 : f32 to vector<16xf32>
        %max3A_406 = arith.maximumf %add3A_403, %max3A_405 : vector<16xf32>
        %add3A_407 = arith.addf %scan3A_333, %max3A_406 : vector<16xf32>
        %get3A_408 = arith.index_cast %scan3A_329 : i32 to index
        %get3A_409 = arith.constant 64 : index
        %get3A_410 = tpu.vector_load %arg16[%get3A_408, %get3A_409] {strides = array<i32>} : memref<40x128xf32, #tpu.memory_space<vmem>>, vector<1x16xf32>,
        %get3A_411 = vector.shape_cast %get3A_410 : vector<1x16xf32> to vector<16xf32>
        %get3A_412 = arith.index_cast %scan3A_329 : i32 to index
        %get3A_413 = arith.constant 64 : index
        %get3A_414 = tpu.vector_load %arg18[%get3A_412, %get3A_413] {strides = array<i32>} : memref<40x128xf32, #tpu.memory_space<vmem>>, vector<1x16xf32>,
        %get3A_415 = vector.shape_cast %get3A_414 : vector<1x16xf32> to vector<16xf32>
        %add3A_416 = arith.addf %get3A_411, %get3A_415 : vector<16xf32>
        %get3A_417 = arith.index_cast %scan3A_329 : i32 to index
        %get3A_418 = arith.constant 64 : index
        %get3A_419 = tpu.vector_load %arg20[%get3A_417, %get3A_418] {strides = array<i32>} : memref<40x128xf32, #tpu.memory_space<vmem>>, vector<1x16xf32>,
        %get3A_420 = vector.shape_cast %get3A_419 : vector<1x16xf32> to vector<16xf32>
        %add3A_421 = arith.addf %add3A_416, %get3A_420 : vector<16xf32>
        %max3A_422 = arith.constant 0.000000e+00 : f32
        %max3A_423 = vector.broadcast %max3A_422 : f32 to vector<16xf32>
        %max3A_424 = arith.maximumf %add3A_421, %max3A_423 : vector<16xf32>
        %add3A_425 = arith.addf %scan3A_334, %max3A_424 : vector<16xf32>
        %get3A_426 = arith.index_cast %scan3A_329 : i32 to index
        %get3A_427 = arith.constant 80 : index
        %get3A_428 = tpu.vector_load %arg16[%get3A_426, %get3A_427] {strides = array<i32>} : memref<40x128xf32, #tpu.memory_space<vmem>>, vector<1x16xf32>,
        %get3A_429 = vector.shape_cast %get3A_428 : vector<1x16xf32> to vector<16xf32>
        %get3A_430 = arith.index_cast %scan3A_329 : i32 to index
        %get3A_431 = arith.constant 80 : index
        %get3A_432 = tpu.vector_load %arg18[%get3A_430, %get3A_431] {strides = array<i32>} : memref<40x128xf32, #tpu.memory_space<vmem>>, vector<1x16xf32>,
        %get3A_433 = vector.shape_cast %get3A_432 : vector<1x16xf32> to vector<16xf32>
        %add3A_434 = arith.addf %get3A_429, %get3A_433 : vector<16xf32>
        %get3A_435 = arith.index_cast %scan3A_329 : i32 to index
        %get3A_436 = arith.constant 80 : index
        %get3A_437 = tpu.vector_load %arg20[%get3A_435, %get3A_436] {strides = array<i32>} : memref<40x128xf32, #tpu.memory_space<vmem>>, vector<1x16xf32>,
        %get3A_438 = vector.shape_cast %get3A_437 : vector<1x16xf32> to vector<16xf32>
        %add3A_439 = arith.addf %add3A_434, %get3A_438 : vector<16xf32>
        %max3A_440 = arith.constant 0.000000e+00 : f32
        %max3A_441 = vector.broadcast %max3A_440 : f32 to vector<16xf32>
        %max3A_442 = arith.maximumf %add3A_439, %max3A_441 : vector<16xf32>
        %add3A_443 = arith.addf %scan3A_335, %max3A_442 : vector<16xf32>
        %get3A_444 = arith.index_cast %scan3A_329 : i32 to index
        %get3A_445 = arith.constant 96 : index
        %get3A_446 = tpu.vector_load %arg16[%get3A_444, %get3A_445] {strides = array<i32>} : memref<40x128xf32, #tpu.memory_space<vmem>>, vector<1x16xf32>,
        %get3A_447 = vector.shape_cast %get3A_446 : vector<1x16xf32> to vector<16xf32>
        %get3A_448 = arith.index_cast %scan3A_329 : i32 to index
        %get3A_449 = arith.constant 96 : index
        %get3A_450 = tpu.vector_load %arg18[%get3A_448, %get3A_449] {strides = array<i32>} : memref<40x128xf32, #tpu.memory_space<vmem>>, vector<1x16xf32>,
        %get3A_451 = vector.shape_cast %get3A_450 : vector<1x16xf32> to vector<16xf32>
        %add3A_452 = arith.addf %get3A_447, %get3A_451 : vector<16xf32>
        %get3A_453 = arith.index_cast %scan3A_329 : i32 to index
        %get3A_454 = arith.constant 96 : index
        %get3A_455 = tpu.vector_load %arg20[%get3A_453, %get3A_454] {strides = array<i32>} : memref<40x128xf32, #tpu.memory_space<vmem>>, vector<1x16xf32>,
        %get3A_456 = vector.shape_cast %get3A_455 : vector<1x16xf32> to vector<16xf32>
        %add3A_457 = arith.addf %add3A_452, %get3A_456 : vector<16xf32>
        %max3A_458 = arith.constant 0.000000e+00 : f32
        %max3A_459 = vector.broadcast %max3A_458 : f32 to vector<16xf32>
        %max3A_460 = arith.maximumf %add3A_457, %max3A_459 : vector<16xf32>
        %add3A_461 = arith.addf %scan3A_336, %max3A_460 : vector<16xf32>
        %get3A_462 = arith.index_cast %scan3A_329 : i32 to index
        %get3A_463 = arith.constant 112 : index
        %get3A_464 = tpu.vector_load %arg16[%get3A_462, %get3A_463] {strides = array<i32>} : memref<40x128xf32, #tpu.memory_space<vmem>>, vector<1x16xf32>,
        %get3A_465 = vector.shape_cast %get3A_464 : vector<1x16xf32> to vector<16xf32>
        %get3A_466 = arith.index_cast %scan3A_329 : i32 to index
        %get3A_467 = arith.constant 112 : index
        %get3A_468 = tpu.vector_load %arg18[%get3A_466, %get3A_467] {strides = array<i32>} : memref<40x128xf32, #tpu.memory_space<vmem>>, vector<1x16xf32>,
        %get3A_469 = vector.shape_cast %get3A_468 : vector<1x16xf32> to vector<16xf32>
        %add3A_470 = arith.addf %get3A_465, %get3A_469 : vector<16xf32>
        %get3A_471 = arith.index_cast %scan3A_329 : i32 to index
        %get3A_472 = arith.constant 112 : index
        %get3A_473 = tpu.vector_load %arg20[%get3A_471, %get3A_472] {strides = array<i32>} : memref<40x128xf32, #tpu.memory_space<vmem>>, vector<1x16xf32>,
        %get3A_474 = vector.shape_cast %get3A_473 : vector<1x16xf32> to vector<16xf32>
        %add3A_475 = arith.addf %add3A_470, %get3A_474 : vector<16xf32>
        %max3A_476 = arith.constant 0.000000e+00 : f32
        %max3A_477 = vector.broadcast %max3A_476 : f32 to vector<16xf32>
        %max3A_478 = arith.maximumf %add3A_475, %max3A_477 : vector<16xf32>
        %add3A_479 = arith.addf %scan3A_337, %max3A_478 : vector<16xf32>
        scf.yield %add3A_353, %add3A_371, %add3A_389, %add3A_407, %add3A_425, %add3A_443, %add3A_461, %add3A_479 : vector<16xf32>, vector<16xf32>, vector<16xf32>, vector<16xf32>, vector<16xf32>, vector<16xf32>, vector<16xf32>, vector<16xf32>
      }
      %scan3A_281 = arith.constant 40 : i32
      %mul3A_282 = arith.constant 4 : i32
      %mul3A_283 = arith.muli %mul3A_282, %scan3A_132 : i32
      %add3A_284 = arith.constant 3 : i32
      %add3A_285 = arith.addi %mul3A_283, %add3A_284 : i32
      %mul3A_286 = arith.constant 40 : i32
      %mul3A_287 = arith.muli %add3A_285, %mul3A_286 : i32
      %add3A_288 = arith.addi %mul3A_2, %mul3A_287 : i32
      %add3A_289 = arith.constant 80 : i32
      %add3A_290 = arith.addi %add3A_288, %add3A_289 : i32
      %dma_start3A_291 = tpu.memref_slice %arg5[%add3A_290] : memref<320000xi32, #tpu.memory_space<hbm>> -> memref<40xi32, #tpu.memory_space<hbm>>
      %dma_start3A_292 = tpu.memref_slice %arg5[%add3A_290] : memref<320000xi32, #tpu.memory_space<hbm>> -> memref<40xi32, #tpu.memory_space<hbm>>
      tpu.enqueue_dma source(%dma_start3A_292 : memref<40xi32, #tpu.memory_space<hbm>>) target(%arg9 : memref<40xi32, #tpu.memory_space<vmem>>) target_semaphore(%arg24 : memref<!tpu.dma_semaphore, #tpu.memory_space<semaphore_mem>>)
      %dma_start3A_293 = tpu.memref_slice %arg6[%add3A_290] : memref<320000xi32, #tpu.memory_space<hbm>> -> memref<40xi32, #tpu.memory_space<hbm>>
      %dma_start3A_294 = tpu.memref_slice %arg6[%add3A_290] : memref<320000xi32, #tpu.memory_space<hbm>> -> memref<40xi32, #tpu.memory_space<hbm>>
      tpu.enqueue_dma source(%dma_start3A_294 : memref<40xi32, #tpu.memory_space<hbm>>) target(%arg13 : memref<40xi32, #tpu.memory_space<vmem>>) target_semaphore(%arg24 : memref<!tpu.dma_semaphore, #tpu.memory_space<semaphore_mem>>)
      %add3A_295 = arith.constant 40 : i32
      %add3A_296 = arith.addi %add3A_288, %add3A_295 : i32
      %dma_wait3A_297 = tpu.memref_slice %arg5[%add3A_296] : memref<320000xi32, #tpu.memory_space<hbm>> -> memref<40xi32, #tpu.memory_space<hbm>>
      %dma_wait3A_298 = tpu.memref_slice %arg5[%add3A_296] : memref<320000xi32, #tpu.memory_space<hbm>> -> memref<40xi32, #tpu.memory_space<hbm>>
      tpu.wait_dma2 semaphore(%arg23 : memref<!tpu.dma_semaphore, #tpu.memory_space<semaphore_mem>>) src(%dma_wait3A_298 : memref<40xi32, #tpu.memory_space<hbm>>) dst(%arg8 : memref<40xi32, #tpu.memory_space<vmem>>)
      %dma_wait3A_299 = tpu.memref_slice %arg6[%add3A_296] : memref<320000xi32, #tpu.memory_space<hbm>> -> memref<40xi32, #tpu.memory_space<hbm>>
      %dma_wait3A_300 = tpu.memref_slice %arg6[%add3A_296] : memref<320000xi32, #tpu.memory_space<hbm>> -> memref<40xi32, #tpu.memory_space<hbm>>
      tpu.wait_dma2 semaphore(%arg23 : memref<!tpu.dma_semaphore, #tpu.memory_space<semaphore_mem>>) src(%dma_wait3A_300 : memref<40xi32, #tpu.memory_space<hbm>>) dst(%arg12 : memref<40xi32, #tpu.memory_space<vmem>>)
      %add3A_301 = arith.constant 40 : i32
      %add3A_302 = arith.addi %add3A_288, %add3A_301 : i32
      %dma_start3A_303 = arith.constant 0 : i32
      %dma_start3A_304 = arith.constant 0 : i32
      %dma_start3A_305 = tpu.memref_slice %arg2[%dma_start3A_303, %dma_start3A_304] : memref<10000x128xf32, #tpu.memory_space<hbm>> -> memref<10000x128xf32, #tpu.memory_space<hbm>>
      tpu.enqueue_indirect_dma source(%dma_start3A_305 : memref<10000x128xf32, #tpu.memory_space<hbm>>) target(%arg16 : memref<40x128xf32, #tpu.memory_space<vmem>>) offsets(%arg8 : memref<40xi32, #tpu.memory_space<vmem>>) semaphore(%arg27 : memref<!tpu.dma_semaphore, #tpu.memory_space<semaphore_mem>>)
      %dma_start3A_306 = arith.constant 0 : i32
      %dma_start3A_307 = arith.constant 0 : i32
      %dma_start3A_308 = tpu.memref_slice %arg3[%dma_start3A_306, %dma_start3A_307] : memref<10000x128xf32, #tpu.memory_space<hbm>> -> memref<10000x128xf32, #tpu.memory_space<hbm>>
      tpu.enqueue_indirect_dma source(%dma_start3A_308 : memref<10000x128xf32, #tpu.memory_space<hbm>>) target(%arg18 : memref<40x128xf32, #tpu.memory_space<vmem>>) offsets(%arg12 : memref<40xi32, #tpu.memory_space<vmem>>) semaphore(%arg29 : memref<!tpu.dma_semaphore, #tpu.memory_space<semaphore_mem>>)
      %dma_start3A_309 = arith.constant 0 : i32
      %dma_start3A_310 = tpu.memref_slice %arg4[%add3A_302, %dma_start3A_309] : memref<320000x128xf32, #tpu.memory_space<hbm>> -> memref<40x128xf32, #tpu.memory_space<hbm>>
      %dma_start3A_311 = arith.constant 0 : i32
      %dma_start3A_312 = tpu.memref_slice %arg4[%add3A_302, %dma_start3A_311] : memref<320000x128xf32, #tpu.memory_space<hbm>> -> memref<40x128xf32, #tpu.memory_space<hbm>>
      tpu.enqueue_dma source(%dma_start3A_312 : memref<40x128xf32, #tpu.memory_space<hbm>>) target(%arg20 : memref<40x128xf32, #tpu.memory_space<vmem>>) target_semaphore(%arg31 : memref<!tpu.dma_semaphore, #tpu.memory_space<semaphore_mem>>)
      %dma_wait3A_313 = arith.constant 0 : i32
      %dma_wait3A_314 = arith.constant 0 : i32
      %dma_wait3A_315 = tpu.memref_slice %arg2[%dma_wait3A_313, %dma_wait3A_314] : memref<10000x128xf32, #tpu.memory_space<hbm>> -> memref<10000x128xf32, #tpu.memory_space<hbm>>
      tpu.wait_indirect_dma semaphore(%arg28 : memref<!tpu.dma_semaphore, #tpu.memory_space<semaphore_mem>>) src(%dma_wait3A_315 : memref<10000x128xf32, #tpu.memory_space<hbm>>) dst(%arg17 : memref<40x128xf32, #tpu.memory_space<vmem>>)
      %dma_wait3A_316 = arith.constant 0 : i32
      %dma_wait3A_317 = arith.constant 0 : i32
      %dma_wait3A_318 = tpu.memref_slice %arg3[%dma_wait3A_316, %dma_wait3A_317] : memref<10000x128xf32, #tpu.memory_space<hbm>> -> memref<10000x128xf32, #tpu.memory_space<hbm>>
      tpu.wait_indirect_dma semaphore(%arg30 : memref<!tpu.dma_semaphore, #tpu.memory_space<semaphore_mem>>) src(%dma_wait3A_318 : memref<10000x128xf32, #tpu.memory_space<hbm>>) dst(%arg19 : memref<40x128xf32, #tpu.memory_space<vmem>>)
      %dma_wait3A_319 = arith.constant 0 : i32
      %dma_wait3A_320 = tpu.memref_slice %arg4[%add3A_288, %dma_wait3A_319] : memref<320000x128xf32, #tpu.memory_space<hbm>> -> memref<40x128xf32, #tpu.memory_space<hbm>>
      %dma_wait3A_321 = arith.constant 0 : i32
      %dma_wait3A_322 = tpu.memref_slice %arg4[%add3A_288, %dma_wait3A_321] : memref<320000x128xf32, #tpu.memory_space<hbm>> -> memref<40x128xf32, #tpu.memory_space<hbm>>
      tpu.wait_dma2 semaphore(%arg32 : memref<!tpu.dma_semaphore, #tpu.memory_space<semaphore_mem>>) src(%dma_wait3A_322 : memref<40x128xf32, #tpu.memory_space<hbm>>) dst(%arg21 : memref<40x128xf32, #tpu.memory_space<vmem>>)
      %scan3A_323 = arith.constant 0 : i32
      %scan3A_324 = arith.constant 40 : i32
      %scan3A_325 = arith.addi %scan3A_323, %scan3A_324 : i32
      %scan3A_326 = arith.constant 1 : i32
      %scan3A_327:8 = scf.for %scan3A_329 = %scan3A_323 to %scan3A_325 step %scan3A_326 iter_args(%scan3A_330 = %scan3A_280#0, %scan3A_331 = %scan3A_280#1, %scan3A_332 = %scan3A_280#2, %scan3A_333 = %scan3A_280#3, %scan3A_334 = %scan3A_280#4, %scan3A_335 = %scan3A_280#5, %scan3A_336 = %scan3A_280#6, %scan3A_337 = %scan3A_280#7) -> (vector<16xf32>, vector<16xf32>, vector<16xf32>, vector<16xf32>, vector<16xf32>, vector<16xf32>, vector<16xf32>, vector<16xf32>)  : i32 {
        %get3A = arith.index_cast %scan3A_329 : i32 to index
        %get3A_338 = arith.constant 0 : index
        %get3A_339 = tpu.vector_load %arg17[%get3A, %get3A_338] {strides = array<i32>} : memref<40x128xf32, #tpu.memory_space<vmem>>, vector<1x16xf32>,
        %get3A_340 = vector.shape_cast %get3A_339 : vector<1x16xf32> to vector<16xf32>
        %get3A_341 = arith.index_cast %scan3A_329 : i32 to index
        %get3A_342 = arith.constant 0 : index
        %get3A_343 = tpu.vector_load %arg19[%get3A_341, %get3A_342] {strides = array<i32>} : memref<40x128xf32, #tpu.memory_space<vmem>>, vector<1x16xf32>,
        %get3A_344 = vector.shape_cast %get3A_343 : vector<1x16xf32> to vector<16xf32>
        %add3A_345 = arith.addf %get3A_340, %get3A_344 : vector<16xf32>
        %get3A_346 = arith.index_cast %scan3A_329 : i32 to index
        %get3A_347 = arith.constant 0 : index
        %get3A_348 = tpu.vector_load %arg21[%get3A_346, %get3A_347] {strides = array<i32>} : memref<40x128xf32, #tpu.memory_space<vmem>>, vector<1x16xf32>,
        %get3A_349 = vector.shape_cast %get3A_348 : vector<1x16xf32> to vector<16xf32>
        %add3A_350 = arith.addf %add3A_345, %get3A_349 : vector<16xf32>
        %max3A = arith.constant 0.000000e+00 : f32
        %max3A_351 = vector.broadcast %max3A : f32 to vector<16xf32>
        %max3A_352 = arith.maximumf %add3A_350, %max3A_351 : vector<16xf32>
        %add3A_353 = arith.addf %scan3A_330, %max3A_352 : vector<16xf32>
        %get3A_354 = arith.index_cast %scan3A_329 : i32 to index
        %get3A_355 = arith.constant 16 : index
        %get3A_356 = tpu.vector_load %arg17[%get3A_354, %get3A_355] {strides = array<i32>} : memref<40x128xf32, #tpu.memory_space<vmem>>, vector<1x16xf32>,
        %get3A_357 = vector.shape_cast %get3A_356 : vector<1x16xf32> to vector<16xf32>
        %get3A_358 = arith.index_cast %scan3A_329 : i32 to index
        %get3A_359 = arith.constant 16 : index
        %get3A_360 = tpu.vector_load %arg19[%get3A_358, %get3A_359] {strides = array<i32>} : memref<40x128xf32, #tpu.memory_space<vmem>>, vector<1x16xf32>,
        %get3A_361 = vector.shape_cast %get3A_360 : vector<1x16xf32> to vector<16xf32>
        %add3A_362 = arith.addf %get3A_357, %get3A_361 : vector<16xf32>
        %get3A_363 = arith.index_cast %scan3A_329 : i32 to index
        %get3A_364 = arith.constant 16 : index
        %get3A_365 = tpu.vector_load %arg21[%get3A_363, %get3A_364] {strides = array<i32>} : memref<40x128xf32, #tpu.memory_space<vmem>>, vector<1x16xf32>,
        %get3A_366 = vector.shape_cast %get3A_365 : vector<1x16xf32> to vector<16xf32>
        %add3A_367 = arith.addf %add3A_362, %get3A_366 : vector<16xf32>
        %max3A_368 = arith.constant 0.000000e+00 : f32
        %max3A_369 = vector.broadcast %max3A_368 : f32 to vector<16xf32>
        %max3A_370 = arith.maximumf %add3A_367, %max3A_369 : vector<16xf32>
        %add3A_371 = arith.addf %scan3A_331, %max3A_370 : vector<16xf32>
        %get3A_372 = arith.index_cast %scan3A_329 : i32 to index
        %get3A_373 = arith.constant 32 : index
        %get3A_374 = tpu.vector_load %arg17[%get3A_372, %get3A_373] {strides = array<i32>} : memref<40x128xf32, #tpu.memory_space<vmem>>, vector<1x16xf32>,
        %get3A_375 = vector.shape_cast %get3A_374 : vector<1x16xf32> to vector<16xf32>
        %get3A_376 = arith.index_cast %scan3A_329 : i32 to index
        %get3A_377 = arith.constant 32 : index
        %get3A_378 = tpu.vector_load %arg19[%get3A_376, %get3A_377] {strides = array<i32>} : memref<40x128xf32, #tpu.memory_space<vmem>>, vector<1x16xf32>,
        %get3A_379 = vector.shape_cast %get3A_378 : vector<1x16xf32> to vector<16xf32>
        %add3A_380 = arith.addf %get3A_375, %get3A_379 : vector<16xf32>
        %get3A_381 = arith.index_cast %scan3A_329 : i32 to index
        %get3A_382 = arith.constant 32 : index
        %get3A_383 = tpu.vector_load %arg21[%get3A_381, %get3A_382] {strides = array<i32>} : memref<40x128xf32, #tpu.memory_space<vmem>>, vector<1x16xf32>,
        %get3A_384 = vector.shape_cast %get3A_383 : vector<1x16xf32> to vector<16xf32>
        %add3A_385 = arith.addf %add3A_380, %get3A_384 : vector<16xf32>
        %max3A_386 = arith.constant 0.000000e+00 : f32
        %max3A_387 = vector.broadcast %max3A_386 : f32 to vector<16xf32>
        %max3A_388 = arith.maximumf %add3A_385, %max3A_387 : vector<16xf32>
        %add3A_389 = arith.addf %scan3A_332, %max3A_388 : vector<16xf32>
        %get3A_390 = arith.index_cast %scan3A_329 : i32 to index
        %get3A_391 = arith.constant 48 : index
        %get3A_392 = tpu.vector_load %arg17[%get3A_390, %get3A_391] {strides = array<i32>} : memref<40x128xf32, #tpu.memory_space<vmem>>, vector<1x16xf32>,
        %get3A_393 = vector.shape_cast %get3A_392 : vector<1x16xf32> to vector<16xf32>
        %get3A_394 = arith.index_cast %scan3A_329 : i32 to index
        %get3A_395 = arith.constant 48 : index
        %get3A_396 = tpu.vector_load %arg19[%get3A_394, %get3A_395] {strides = array<i32>} : memref<40x128xf32, #tpu.memory_space<vmem>>, vector<1x16xf32>,
        %get3A_397 = vector.shape_cast %get3A_396 : vector<1x16xf32> to vector<16xf32>
        %add3A_398 = arith.addf %get3A_393, %get3A_397 : vector<16xf32>
        %get3A_399 = arith.index_cast %scan3A_329 : i32 to index
        %get3A_400 = arith.constant 48 : index
        %get3A_401 = tpu.vector_load %arg21[%get3A_399, %get3A_400] {strides = array<i32>} : memref<40x128xf32, #tpu.memory_space<vmem>>, vector<1x16xf32>,
        %get3A_402 = vector.shape_cast %get3A_401 : vector<1x16xf32> to vector<16xf32>
        %add3A_403 = arith.addf %add3A_398, %get3A_402 : vector<16xf32>
        %max3A_404 = arith.constant 0.000000e+00 : f32
        %max3A_405 = vector.broadcast %max3A_404 : f32 to vector<16xf32>
        %max3A_406 = arith.maximumf %add3A_403, %max3A_405 : vector<16xf32>
        %add3A_407 = arith.addf %scan3A_333, %max3A_406 : vector<16xf32>
        %get3A_408 = arith.index_cast %scan3A_329 : i32 to index
        %get3A_409 = arith.constant 64 : index
        %get3A_410 = tpu.vector_load %arg17[%get3A_408, %get3A_409] {strides = array<i32>} : memref<40x128xf32, #tpu.memory_space<vmem>>, vector<1x16xf32>,
        %get3A_411 = vector.shape_cast %get3A_410 : vector<1x16xf32> to vector<16xf32>
        %get3A_412 = arith.index_cast %scan3A_329 : i32 to index
        %get3A_413 = arith.constant 64 : index
        %get3A_414 = tpu.vector_load %arg19[%get3A_412, %get3A_413] {strides = array<i32>} : memref<40x128xf32, #tpu.memory_space<vmem>>, vector<1x16xf32>,
        %get3A_415 = vector.shape_cast %get3A_414 : vector<1x16xf32> to vector<16xf32>
        %add3A_416 = arith.addf %get3A_411, %get3A_415 : vector<16xf32>
        %get3A_417 = arith.index_cast %scan3A_329 : i32 to index
        %get3A_418 = arith.constant 64 : index
        %get3A_419 = tpu.vector_load %arg21[%get3A_417, %get3A_418] {strides = array<i32>} : memref<40x128xf32, #tpu.memory_space<vmem>>, vector<1x16xf32>,
        %get3A_420 = vector.shape_cast %get3A_419 : vector<1x16xf32> to vector<16xf32>
        %add3A_421 = arith.addf %add3A_416, %get3A_420 : vector<16xf32>
        %max3A_422 = arith.constant 0.000000e+00 : f32
        %max3A_423 = vector.broadcast %max3A_422 : f32 to vector<16xf32>
        %max3A_424 = arith.maximumf %add3A_421, %max3A_423 : vector<16xf32>
        %add3A_425 = arith.addf %scan3A_334, %max3A_424 : vector<16xf32>
        %get3A_426 = arith.index_cast %scan3A_329 : i32 to index
        %get3A_427 = arith.constant 80 : index
        %get3A_428 = tpu.vector_load %arg17[%get3A_426, %get3A_427] {strides = array<i32>} : memref<40x128xf32, #tpu.memory_space<vmem>>, vector<1x16xf32>,
        %get3A_429 = vector.shape_cast %get3A_428 : vector<1x16xf32> to vector<16xf32>
        %get3A_430 = arith.index_cast %scan3A_329 : i32 to index
        %get3A_431 = arith.constant 80 : index
        %get3A_432 = tpu.vector_load %arg19[%get3A_430, %get3A_431] {strides = array<i32>} : memref<40x128xf32, #tpu.memory_space<vmem>>, vector<1x16xf32>,
        %get3A_433 = vector.shape_cast %get3A_432 : vector<1x16xf32> to vector<16xf32>
        %add3A_434 = arith.addf %get3A_429, %get3A_433 : vector<16xf32>
        %get3A_435 = arith.index_cast %scan3A_329 : i32 to index
        %get3A_436 = arith.constant 80 : index
        %get3A_437 = tpu.vector_load %arg21[%get3A_435, %get3A_436] {strides = array<i32>} : memref<40x128xf32, #tpu.memory_space<vmem>>, vector<1x16xf32>,
        %get3A_438 = vector.shape_cast %get3A_437 : vector<1x16xf32> to vector<16xf32>
        %add3A_439 = arith.addf %add3A_434, %get3A_438 : vector<16xf32>
        %max3A_440 = arith.constant 0.000000e+00 : f32
        %max3A_441 = vector.broadcast %max3A_440 : f32 to vector<16xf32>
        %max3A_442 = arith.maximumf %add3A_439, %max3A_441 : vector<16xf32>
        %add3A_443 = arith.addf %scan3A_335, %max3A_442 : vector<16xf32>
        %get3A_444 = arith.index_cast %scan3A_329 : i32 to index
        %get3A_445 = arith.constant 96 : index
        %get3A_446 = tpu.vector_load %arg17[%get3A_444, %get3A_445] {strides = array<i32>} : memref<40x128xf32, #tpu.memory_space<vmem>>, vector<1x16xf32>,
        %get3A_447 = vector.shape_cast %get3A_446 : vector<1x16xf32> to vector<16xf32>
        %get3A_448 = arith.index_cast %scan3A_329 : i32 to index
        %get3A_449 = arith.constant 96 : index
        %get3A_450 = tpu.vector_load %arg19[%get3A_448, %get3A_449] {strides = array<i32>} : memref<40x128xf32, #tpu.memory_space<vmem>>, vector<1x16xf32>,
        %get3A_451 = vector.shape_cast %get3A_450 : vector<1x16xf32> to vector<16xf32>
        %add3A_452 = arith.addf %get3A_447, %get3A_451 : vector<16xf32>
        %get3A_453 = arith.index_cast %scan3A_329 : i32 to index
        %get3A_454 = arith.constant 96 : index
        %get3A_455 = tpu.vector_load %arg21[%get3A_453, %get3A_454] {strides = array<i32>} : memref<40x128xf32, #tpu.memory_space<vmem>>, vector<1x16xf32>,
        %get3A_456 = vector.shape_cast %get3A_455 : vector<1x16xf32> to vector<16xf32>
        %add3A_457 = arith.addf %add3A_452, %get3A_456 : vector<16xf32>
        %max3A_458 = arith.constant 0.000000e+00 : f32
        %max3A_459 = vector.broadcast %max3A_458 : f32 to vector<16xf32>
        %max3A_460 = arith.maximumf %add3A_457, %max3A_459 : vector<16xf32>
        %add3A_461 = arith.addf %scan3A_336, %max3A_460 : vector<16xf32>
        %get3A_462 = arith.index_cast %scan3A_329 : i32 to index
        %get3A_463 = arith.constant 112 : index
        %get3A_464 = tpu.vector_load %arg17[%get3A_462, %get3A_463] {strides = array<i32>} : memref<40x128xf32, #tpu.memory_space<vmem>>, vector<1x16xf32>,
        %get3A_465 = vector.shape_cast %get3A_464 : vector<1x16xf32> to vector<16xf32>
        %get3A_466 = arith.index_cast %scan3A_329 : i32 to index
        %get3A_467 = arith.constant 112 : index
        %get3A_468 = tpu.vector_load %arg19[%get3A_466, %get3A_467] {strides = array<i32>} : memref<40x128xf32, #tpu.memory_space<vmem>>, vector<1x16xf32>,
        %get3A_469 = vector.shape_cast %get3A_468 : vector<1x16xf32> to vector<16xf32>
        %add3A_470 = arith.addf %get3A_465, %get3A_469 : vector<16xf32>
        %get3A_471 = arith.index_cast %scan3A_329 : i32 to index
        %get3A_472 = arith.constant 112 : index
        %get3A_473 = tpu.vector_load %arg21[%get3A_471, %get3A_472] {strides = array<i32>} : memref<40x128xf32, #tpu.memory_space<vmem>>, vector<1x16xf32>,
        %get3A_474 = vector.shape_cast %get3A_473 : vector<1x16xf32> to vector<16xf32>
        %add3A_475 = arith.addf %add3A_470, %get3A_474 : vector<16xf32>
        %max3A_476 = arith.constant 0.000000e+00 : f32
        %max3A_477 = vector.broadcast %max3A_476 : f32 to vector<16xf32>
        %max3A_478 = arith.maximumf %add3A_475, %max3A_477 : vector<16xf32>
        %add3A_479 = arith.addf %scan3A_337, %max3A_478 : vector<16xf32>
        scf.yield %add3A_353, %add3A_371, %add3A_389, %add3A_407, %add3A_425, %add3A_443, %add3A_461, %add3A_479 : vector<16xf32>, vector<16xf32>, vector<16xf32>, vector<16xf32>, vector<16xf32>, vector<16xf32>, vector<16xf32>, vector<16xf32>
      }
      %scan3A_328 = arith.constant 40 : i32
      scf.yield %scan3A_327#0, %scan3A_327#1, %scan3A_327#2, %scan3A_327#3, %scan3A_327#4, %scan3A_327#5, %scan3A_327#6, %scan3A_327#7 : vector<16xf32>, vector<16xf32>, vector<16xf32>, vector<16xf32>, vector<16xf32>, vector<16xf32>, vector<16xf32>, vector<16xf32>
    }
    %scan3A_30 = arith.constant 62 : i32
    %add3A_31 = arith.constant 9920 : i32
    %add3A_32 = arith.addi %mul3A_2, %add3A_31 : i32
    %add3A_33 = arith.constant 40 : i32
    %add3A_34 = arith.addi %add3A_32, %add3A_33 : i32
    %dma_wait3A_35 = tpu.memref_slice %arg5[%add3A_34] : memref<320000xi32, #tpu.memory_space<hbm>> -> memref<40xi32, #tpu.memory_space<hbm>>
    %dma_wait3A_36 = tpu.memref_slice %arg5[%add3A_34] : memref<320000xi32, #tpu.memory_space<hbm>> -> memref<40xi32, #tpu.memory_space<hbm>>
    tpu.wait_dma2 semaphore(%arg24 : memref<!tpu.dma_semaphore, #tpu.memory_space<semaphore_mem>>) src(%dma_wait3A_36 : memref<40xi32, #tpu.memory_space<hbm>>) dst(%arg9 : memref<40xi32, #tpu.memory_space<vmem>>)
    %dma_wait3A_37 = tpu.memref_slice %arg6[%add3A_34] : memref<320000xi32, #tpu.memory_space<hbm>> -> memref<40xi32, #tpu.memory_space<hbm>>
    %dma_wait3A_38 = tpu.memref_slice %arg6[%add3A_34] : memref<320000xi32, #tpu.memory_space<hbm>> -> memref<40xi32, #tpu.memory_space<hbm>>
    tpu.wait_dma2 semaphore(%arg24 : memref<!tpu.dma_semaphore, #tpu.memory_space<semaphore_mem>>) src(%dma_wait3A_38 : memref<40xi32, #tpu.memory_space<hbm>>) dst(%arg13 : memref<40xi32, #tpu.memory_space<vmem>>)
    %add3A_39 = arith.constant 40 : i32
    %add3A_40 = arith.addi %add3A_32, %add3A_39 : i32
    %dma_start3A_41 = arith.constant 0 : i32
    %dma_start3A_42 = arith.constant 0 : i32
    %dma_start3A_43 = tpu.memref_slice %arg2[%dma_start3A_41, %dma_start3A_42] : memref<10000x128xf32, #tpu.memory_space<hbm>> -> memref<10000x128xf32, #tpu.memory_space<hbm>>
    tpu.enqueue_indirect_dma source(%dma_start3A_43 : memref<10000x128xf32, #tpu.memory_space<hbm>>) target(%arg17 : memref<40x128xf32, #tpu.memory_space<vmem>>) offsets(%arg9 : memref<40xi32, #tpu.memory_space<vmem>>) semaphore(%arg28 : memref<!tpu.dma_semaphore, #tpu.memory_space<semaphore_mem>>)
    %dma_start3A_44 = arith.constant 0 : i32
    %dma_start3A_45 = arith.constant 0 : i32
    %dma_start3A_46 = tpu.memref_slice %arg3[%dma_start3A_44, %dma_start3A_45] : memref<10000x128xf32, #tpu.memory_space<hbm>> -> memref<10000x128xf32, #tpu.memory_space<hbm>>
    tpu.enqueue_indirect_dma source(%dma_start3A_46 : memref<10000x128xf32, #tpu.memory_space<hbm>>) target(%arg19 : memref<40x128xf32, #tpu.memory_space<vmem>>) offsets(%arg13 : memref<40xi32, #tpu.memory_space<vmem>>) semaphore(%arg30 : memref<!tpu.dma_semaphore, #tpu.memory_space<semaphore_mem>>)
    %dma_start3A_47 = arith.constant 0 : i32
    %dma_start3A_48 = tpu.memref_slice %arg4[%add3A_40, %dma_start3A_47] : memref<320000x128xf32, #tpu.memory_space<hbm>> -> memref<40x128xf32, #tpu.memory_space<hbm>>
    %dma_start3A_49 = arith.constant 0 : i32
    %dma_start3A_50 = tpu.memref_slice %arg4[%add3A_40, %dma_start3A_49] : memref<320000x128xf32, #tpu.memory_space<hbm>> -> memref<40x128xf32, #tpu.memory_space<hbm>>
    tpu.enqueue_dma source(%dma_start3A_50 : memref<40x128xf32, #tpu.memory_space<hbm>>) target(%arg21 : memref<40x128xf32, #tpu.memory_space<vmem>>) target_semaphore(%arg32 : memref<!tpu.dma_semaphore, #tpu.memory_space<semaphore_mem>>)
    %dma_wait3A_51 = arith.constant 0 : i32
    %dma_wait3A_52 = arith.constant 0 : i32
    %dma_wait3A_53 = tpu.memref_slice %arg2[%dma_wait3A_51, %dma_wait3A_52] : memref<10000x128xf32, #tpu.memory_space<hbm>> -> memref<10000x128xf32, #tpu.memory_space<hbm>>
    tpu.wait_indirect_dma semaphore(%arg27 : memref<!tpu.dma_semaphore, #tpu.memory_space<semaphore_mem>>) src(%dma_wait3A_53 : memref<10000x128xf32, #tpu.memory_space<hbm>>) dst(%arg16 : memref<40x128xf32, #tpu.memory_space<vmem>>)
    %dma_wait3A_54 = arith.constant 0 : i32
    %dma_wait3A_55 = arith.constant 0 : i32
    %dma_wait3A_56 = tpu.memref_slice %arg3[%dma_wait3A_54, %dma_wait3A_55] : memref<10000x128xf32, #tpu.memory_space<hbm>> -> memref<10000x128xf32, #tpu.memory_space<hbm>>
    tpu.wait_indirect_dma semaphore(%arg29 : memref<!tpu.dma_semaphore, #tpu.memory_space<semaphore_mem>>) src(%dma_wait3A_56 : memref<10000x128xf32, #tpu.memory_space<hbm>>) dst(%arg18 : memref<40x128xf32, #tpu.memory_space<vmem>>)
    %dma_wait3A_57 = arith.constant 0 : i32
    %dma_wait3A_58 = tpu.memref_slice %arg4[%add3A_32, %dma_wait3A_57] : memref<320000x128xf32, #tpu.memory_space<hbm>> -> memref<40x128xf32, #tpu.memory_space<hbm>>
    %dma_wait3A_59 = arith.constant 0 : i32
    %dma_wait3A_60 = tpu.memref_slice %arg4[%add3A_32, %dma_wait3A_59] : memref<320000x128xf32, #tpu.memory_space<hbm>> -> memref<40x128xf32, #tpu.memory_space<hbm>>
    tpu.wait_dma2 semaphore(%arg31 : memref<!tpu.dma_semaphore, #tpu.memory_space<semaphore_mem>>) src(%dma_wait3A_60 : memref<40x128xf32, #tpu.memory_space<hbm>>) dst(%arg20 : memref<40x128xf32, #tpu.memory_space<vmem>>)
    %scan3A_61 = arith.constant 0 : i32
    %scan3A_62 = arith.constant 40 : i32
    %scan3A_63 = arith.addi %scan3A_61, %scan3A_62 : i32
    %scan3A_64 = arith.constant 1 : i32
    %scan3A_65:8 = scf.for %scan3A_132 = %scan3A_61 to %scan3A_63 step %scan3A_64 iter_args(%scan3A_133 = %scan3A_29#0, %scan3A_134 = %scan3A_29#1, %scan3A_135 = %scan3A_29#2, %scan3A_136 = %scan3A_29#3, %scan3A_137 = %scan3A_29#4, %scan3A_138 = %scan3A_29#5, %scan3A_139 = %scan3A_29#6, %scan3A_140 = %scan3A_29#7) -> (vector<16xf32>, vector<16xf32>, vector<16xf32>, vector<16xf32>, vector<16xf32>, vector<16xf32>, vector<16xf32>, vector<16xf32>)  : i32 {
      %get3A = arith.index_cast %scan3A_132 : i32 to index
      %get3A_141 = arith.constant 0 : index
      %get3A_142 = tpu.vector_load %arg16[%get3A, %get3A_141] {strides = array<i32>} : memref<40x128xf32, #tpu.memory_space<vmem>>, vector<1x16xf32>,
      %get3A_143 = vector.shape_cast %get3A_142 : vector<1x16xf32> to vector<16xf32>
      %get3A_144 = arith.index_cast %scan3A_132 : i32 to index
      %get3A_145 = arith.constant 0 : index
      %get3A_146 = tpu.vector_load %arg18[%get3A_144, %get3A_145] {strides = array<i32>} : memref<40x128xf32, #tpu.memory_space<vmem>>, vector<1x16xf32>,
      %get3A_147 = vector.shape_cast %get3A_146 : vector<1x16xf32> to vector<16xf32>
      %add3A_148 = arith.addf %get3A_143, %get3A_147 : vector<16xf32>
      %get3A_149 = arith.index_cast %scan3A_132 : i32 to index
      %get3A_150 = arith.constant 0 : index
      %get3A_151 = tpu.vector_load %arg20[%get3A_149, %get3A_150] {strides = array<i32>} : memref<40x128xf32, #tpu.memory_space<vmem>>, vector<1x16xf32>,
      %get3A_152 = vector.shape_cast %get3A_151 : vector<1x16xf32> to vector<16xf32>
      %add3A_153 = arith.addf %add3A_148, %get3A_152 : vector<16xf32>
      %max3A = arith.constant 0.000000e+00 : f32
      %max3A_154 = vector.broadcast %max3A : f32 to vector<16xf32>
      %max3A_155 = arith.maximumf %add3A_153, %max3A_154 : vector<16xf32>
      %add3A_156 = arith.addf %scan3A_133, %max3A_155 : vector<16xf32>
      %get3A_157 = arith.index_cast %scan3A_132 : i32 to index
      %get3A_158 = arith.constant 16 : index
      %get3A_159 = tpu.vector_load %arg16[%get3A_157, %get3A_158] {strides = array<i32>} : memref<40x128xf32, #tpu.memory_space<vmem>>, vector<1x16xf32>,
      %get3A_160 = vector.shape_cast %get3A_159 : vector<1x16xf32> to vector<16xf32>
      %get3A_161 = arith.index_cast %scan3A_132 : i32 to index
      %get3A_162 = arith.constant 16 : index
      %get3A_163 = tpu.vector_load %arg18[%get3A_161, %get3A_162] {strides = array<i32>} : memref<40x128xf32, #tpu.memory_space<vmem>>, vector<1x16xf32>,
      %get3A_164 = vector.shape_cast %get3A_163 : vector<1x16xf32> to vector<16xf32>
      %add3A_165 = arith.addf %get3A_160, %get3A_164 : vector<16xf32>
      %get3A_166 = arith.index_cast %scan3A_132 : i32 to index
      %get3A_167 = arith.constant 16 : index
      %get3A_168 = tpu.vector_load %arg20[%get3A_166, %get3A_167] {strides = array<i32>} : memref<40x128xf32, #tpu.memory_space<vmem>>, vector<1x16xf32>,
      %get3A_169 = vector.shape_cast %get3A_168 : vector<1x16xf32> to vector<16xf32>
      %add3A_170 = arith.addf %add3A_165, %get3A_169 : vector<16xf32>
      %max3A_171 = arith.constant 0.000000e+00 : f32
      %max3A_172 = vector.broadcast %max3A_171 : f32 to vector<16xf32>
      %max3A_173 = arith.maximumf %add3A_170, %max3A_172 : vector<16xf32>
      %add3A_174 = arith.addf %scan3A_134, %max3A_173 : vector<16xf32>
      %get3A_175 = arith.index_cast %scan3A_132 : i32 to index
      %get3A_176 = arith.constant 32 : index
      %get3A_177 = tpu.vector_load %arg16[%get3A_175, %get3A_176] {strides = array<i32>} : memref<40x128xf32, #tpu.memory_space<vmem>>, vector<1x16xf32>,
      %get3A_178 = vector.shape_cast %get3A_177 : vector<1x16xf32> to vector<16xf32>
      %get3A_179 = arith.index_cast %scan3A_132 : i32 to index
      %get3A_180 = arith.constant 32 : index
      %get3A_181 = tpu.vector_load %arg18[%get3A_179, %get3A_180] {strides = array<i32>} : memref<40x128xf32, #tpu.memory_space<vmem>>, vector<1x16xf32>,
      %get3A_182 = vector.shape_cast %get3A_181 : vector<1x16xf32> to vector<16xf32>
      %add3A_183 = arith.addf %get3A_178, %get3A_182 : vector<16xf32>
      %get3A_184 = arith.index_cast %scan3A_132 : i32 to index
      %get3A_185 = arith.constant 32 : index
      %get3A_186 = tpu.vector_load %arg20[%get3A_184, %get3A_185] {strides = array<i32>} : memref<40x128xf32, #tpu.memory_space<vmem>>, vector<1x16xf32>,
      %get3A_187 = vector.shape_cast %get3A_186 : vector<1x16xf32> to vector<16xf32>
      %add3A_188 = arith.addf %add3A_183, %get3A_187 : vector<16xf32>
      %max3A_189 = arith.constant 0.000000e+00 : f32
      %max3A_190 = vector.broadcast %max3A_189 : f32 to vector<16xf32>
      %max3A_191 = arith.maximumf %add3A_188, %max3A_190 : vector<16xf32>
      %add3A_192 = arith.addf %scan3A_135, %max3A_191 : vector<16xf32>
      %get3A_193 = arith.index_cast %scan3A_132 : i32 to index
      %get3A_194 = arith.constant 48 : index
      %get3A_195 = tpu.vector_load %arg16[%get3A_193, %get3A_194] {strides = array<i32>} : memref<40x128xf32, #tpu.memory_space<vmem>>, vector<1x16xf32>,
      %get3A_196 = vector.shape_cast %get3A_195 : vector<1x16xf32> to vector<16xf32>
      %get3A_197 = arith.index_cast %scan3A_132 : i32 to index
      %get3A_198 = arith.constant 48 : index
      %get3A_199 = tpu.vector_load %arg18[%get3A_197, %get3A_198] {strides = array<i32>} : memref<40x128xf32, #tpu.memory_space<vmem>>, vector<1x16xf32>,
      %get3A_200 = vector.shape_cast %get3A_199 : vector<1x16xf32> to vector<16xf32>
      %add3A_201 = arith.addf %get3A_196, %get3A_200 : vector<16xf32>
      %get3A_202 = arith.index_cast %scan3A_132 : i32 to index
      %get3A_203 = arith.constant 48 : index
      %get3A_204 = tpu.vector_load %arg20[%get3A_202, %get3A_203] {strides = array<i32>} : memref<40x128xf32, #tpu.memory_space<vmem>>, vector<1x16xf32>,
      %get3A_205 = vector.shape_cast %get3A_204 : vector<1x16xf32> to vector<16xf32>
      %add3A_206 = arith.addf %add3A_201, %get3A_205 : vector<16xf32>
      %max3A_207 = arith.constant 0.000000e+00 : f32
      %max3A_208 = vector.broadcast %max3A_207 : f32 to vector<16xf32>
      %max3A_209 = arith.maximumf %add3A_206, %max3A_208 : vector<16xf32>
      %add3A_210 = arith.addf %scan3A_136, %max3A_209 : vector<16xf32>
      %get3A_211 = arith.index_cast %scan3A_132 : i32 to index
      %get3A_212 = arith.constant 64 : index
      %get3A_213 = tpu.vector_load %arg16[%get3A_211, %get3A_212] {strides = array<i32>} : memref<40x128xf32, #tpu.memory_space<vmem>>, vector<1x16xf32>,
      %get3A_214 = vector.shape_cast %get3A_213 : vector<1x16xf32> to vector<16xf32>
      %get3A_215 = arith.index_cast %scan3A_132 : i32 to index
      %get3A_216 = arith.constant 64 : index
      %get3A_217 = tpu.vector_load %arg18[%get3A_215, %get3A_216] {strides = array<i32>} : memref<40x128xf32, #tpu.memory_space<vmem>>, vector<1x16xf32>,
      %get3A_218 = vector.shape_cast %get3A_217 : vector<1x16xf32> to vector<16xf32>
      %add3A_219 = arith.addf %get3A_214, %get3A_218 : vector<16xf32>
      %get3A_220 = arith.index_cast %scan3A_132 : i32 to index
      %get3A_221 = arith.constant 64 : index
      %get3A_222 = tpu.vector_load %arg20[%get3A_220, %get3A_221] {strides = array<i32>} : memref<40x128xf32, #tpu.memory_space<vmem>>, vector<1x16xf32>,
      %get3A_223 = vector.shape_cast %get3A_222 : vector<1x16xf32> to vector<16xf32>
      %add3A_224 = arith.addf %add3A_219, %get3A_223 : vector<16xf32>
      %max3A_225 = arith.constant 0.000000e+00 : f32
      %max3A_226 = vector.broadcast %max3A_225 : f32 to vector<16xf32>
      %max3A_227 = arith.maximumf %add3A_224, %max3A_226 : vector<16xf32>
      %add3A_228 = arith.addf %scan3A_137, %max3A_227 : vector<16xf32>
      %get3A_229 = arith.index_cast %scan3A_132 : i32 to index
      %get3A_230 = arith.constant 80 : index
      %get3A_231 = tpu.vector_load %arg16[%get3A_229, %get3A_230] {strides = array<i32>} : memref<40x128xf32, #tpu.memory_space<vmem>>, vector<1x16xf32>,
      %get3A_232 = vector.shape_cast %get3A_231 : vector<1x16xf32> to vector<16xf32>
      %get3A_233 = arith.index_cast %scan3A_132 : i32 to index
      %get3A_234 = arith.constant 80 : index
      %get3A_235 = tpu.vector_load %arg18[%get3A_233, %get3A_234] {strides = array<i32>} : memref<40x128xf32, #tpu.memory_space<vmem>>, vector<1x16xf32>,
      %get3A_236 = vector.shape_cast %get3A_235 : vector<1x16xf32> to vector<16xf32>
      %add3A_237 = arith.addf %get3A_232, %get3A_236 : vector<16xf32>
      %get3A_238 = arith.index_cast %scan3A_132 : i32 to index
      %get3A_239 = arith.constant 80 : index
      %get3A_240 = tpu.vector_load %arg20[%get3A_238, %get3A_239] {strides = array<i32>} : memref<40x128xf32, #tpu.memory_space<vmem>>, vector<1x16xf32>,
      %get3A_241 = vector.shape_cast %get3A_240 : vector<1x16xf32> to vector<16xf32>
      %add3A_242 = arith.addf %add3A_237, %get3A_241 : vector<16xf32>
      %max3A_243 = arith.constant 0.000000e+00 : f32
      %max3A_244 = vector.broadcast %max3A_243 : f32 to vector<16xf32>
      %max3A_245 = arith.maximumf %add3A_242, %max3A_244 : vector<16xf32>
      %add3A_246 = arith.addf %scan3A_138, %max3A_245 : vector<16xf32>
      %get3A_247 = arith.index_cast %scan3A_132 : i32 to index
      %get3A_248 = arith.constant 96 : index
      %get3A_249 = tpu.vector_load %arg16[%get3A_247, %get3A_248] {strides = array<i32>} : memref<40x128xf32, #tpu.memory_space<vmem>>, vector<1x16xf32>,
      %get3A_250 = vector.shape_cast %get3A_249 : vector<1x16xf32> to vector<16xf32>
      %get3A_251 = arith.index_cast %scan3A_132 : i32 to index
      %get3A_252 = arith.constant 96 : index
      %get3A_253 = tpu.vector_load %arg18[%get3A_251, %get3A_252] {strides = array<i32>} : memref<40x128xf32, #tpu.memory_space<vmem>>, vector<1x16xf32>,
      %get3A_254 = vector.shape_cast %get3A_253 : vector<1x16xf32> to vector<16xf32>
      %add3A_255 = arith.addf %get3A_250, %get3A_254 : vector<16xf32>
      %get3A_256 = arith.index_cast %scan3A_132 : i32 to index
      %get3A_257 = arith.constant 96 : index
      %get3A_258 = tpu.vector_load %arg20[%get3A_256, %get3A_257] {strides = array<i32>} : memref<40x128xf32, #tpu.memory_space<vmem>>, vector<1x16xf32>,
      %get3A_259 = vector.shape_cast %get3A_258 : vector<1x16xf32> to vector<16xf32>
      %add3A_260 = arith.addf %add3A_255, %get3A_259 : vector<16xf32>
      %max3A_261 = arith.constant 0.000000e+00 : f32
      %max3A_262 = vector.broadcast %max3A_261 : f32 to vector<16xf32>
      %max3A_263 = arith.maximumf %add3A_260, %max3A_262 : vector<16xf32>
      %add3A_264 = arith.addf %scan3A_139, %max3A_263 : vector<16xf32>
      %get3A_265 = arith.index_cast %scan3A_132 : i32 to index
      %get3A_266 = arith.constant 112 : index
      %get3A_267 = tpu.vector_load %arg16[%get3A_265, %get3A_266] {strides = array<i32>} : memref<40x128xf32, #tpu.memory_space<vmem>>, vector<1x16xf32>,
      %get3A_268 = vector.shape_cast %get3A_267 : vector<1x16xf32> to vector<16xf32>
      %get3A_269 = arith.index_cast %scan3A_132 : i32 to index
      %get3A_270 = arith.constant 112 : index
      %get3A_271 = tpu.vector_load %arg18[%get3A_269, %get3A_270] {strides = array<i32>} : memref<40x128xf32, #tpu.memory_space<vmem>>, vector<1x16xf32>,
      %get3A_272 = vector.shape_cast %get3A_271 : vector<1x16xf32> to vector<16xf32>
      %add3A_273 = arith.addf %get3A_268, %get3A_272 : vector<16xf32>
      %get3A_274 = arith.index_cast %scan3A_132 : i32 to index
      %get3A_275 = arith.constant 112 : index
      %get3A_276 = tpu.vector_load %arg20[%get3A_274, %get3A_275] {strides = array<i32>} : memref<40x128xf32, #tpu.memory_space<vmem>>, vector<1x16xf32>,
      %get3A_277 = vector.shape_cast %get3A_276 : vector<1x16xf32> to vector<16xf32>
      %add3A_278 = arith.addf %add3A_273, %get3A_277 : vector<16xf32>
      %max3A_279 = arith.constant 0.000000e+00 : f32
      %max3A_280 = vector.broadcast %max3A_279 : f32 to vector<16xf32>
      %max3A_281 = arith.maximumf %add3A_278, %max3A_280 : vector<16xf32>
      %add3A_282 = arith.addf %scan3A_140, %max3A_281 : vector<16xf32>
      scf.yield %add3A_156, %add3A_174, %add3A_192, %add3A_210, %add3A_228, %add3A_246, %add3A_264, %add3A_282 : vector<16xf32>, vector<16xf32>, vector<16xf32>, vector<16xf32>, vector<16xf32>, vector<16xf32>, vector<16xf32>, vector<16xf32>
    }
    %scan3A_66 = arith.constant 40 : i32
    %add3A_67 = arith.constant 40 : i32
    %add3A_68 = arith.addi %add3A_32, %add3A_67 : i32
    %dma_wait3A_69 = arith.constant 0 : i32
    %dma_wait3A_70 = arith.constant 0 : i32
    %dma_wait3A_71 = tpu.memref_slice %arg2[%dma_wait3A_69, %dma_wait3A_70] : memref<10000x128xf32, #tpu.memory_space<hbm>> -> memref<10000x128xf32, #tpu.memory_space<hbm>>
    tpu.wait_indirect_dma semaphore(%arg28 : memref<!tpu.dma_semaphore, #tpu.memory_space<semaphore_mem>>) src(%dma_wait3A_71 : memref<10000x128xf32, #tpu.memory_space<hbm>>) dst(%arg17 : memref<40x128xf32, #tpu.memory_space<vmem>>)
    %dma_wait3A_72 = arith.constant 0 : i32
    %dma_wait3A_73 = arith.constant 0 : i32
    %dma_wait3A_74 = tpu.memref_slice %arg3[%dma_wait3A_72, %dma_wait3A_73] : memref<10000x128xf32, #tpu.memory_space<hbm>> -> memref<10000x128xf32, #tpu.memory_space<hbm>>
    tpu.wait_indirect_dma semaphore(%arg30 : memref<!tpu.dma_semaphore, #tpu.memory_space<semaphore_mem>>) src(%dma_wait3A_74 : memref<10000x128xf32, #tpu.memory_space<hbm>>) dst(%arg19 : memref<40x128xf32, #tpu.memory_space<vmem>>)
    %dma_wait3A_75 = arith.constant 0 : i32
    %dma_wait3A_76 = tpu.memref_slice %arg4[%add3A_68, %dma_wait3A_75] : memref<320000x128xf32, #tpu.memory_space<hbm>> -> memref<40x128xf32, #tpu.memory_space<hbm>>
    %dma_wait3A_77 = arith.constant 0 : i32
    %dma_wait3A_78 = tpu.memref_slice %arg4[%add3A_68, %dma_wait3A_77] : memref<320000x128xf32, #tpu.memory_space<hbm>> -> memref<40x128xf32, #tpu.memory_space<hbm>>
    tpu.wait_dma2 semaphore(%arg32 : memref<!tpu.dma_semaphore, #tpu.memory_space<semaphore_mem>>) src(%dma_wait3A_78 : memref<40x128xf32, #tpu.memory_space<hbm>>) dst(%arg21 : memref<40x128xf32, #tpu.memory_space<vmem>>)
    %scan3A_79 = arith.constant 0 : i32
    %scan3A_80 = arith.constant 40 : i32
    %scan3A_81 = arith.addi %scan3A_79, %scan3A_80 : i32
    %scan3A_82 = arith.constant 1 : i32
    %scan3A_83:8 = scf.for %scan3A_132 = %scan3A_79 to %scan3A_81 step %scan3A_82 iter_args(%scan3A_133 = %scan3A_65#0, %scan3A_134 = %scan3A_65#1, %scan3A_135 = %scan3A_65#2, %scan3A_136 = %scan3A_65#3, %scan3A_137 = %scan3A_65#4, %scan3A_138 = %scan3A_65#5, %scan3A_139 = %scan3A_65#6, %scan3A_140 = %scan3A_65#7) -> (vector<16xf32>, vector<16xf32>, vector<16xf32>, vector<16xf32>, vector<16xf32>, vector<16xf32>, vector<16xf32>, vector<16xf32>)  : i32 {
      %get3A = arith.index_cast %scan3A_132 : i32 to index
      %get3A_141 = arith.constant 0 : index
      %get3A_142 = tpu.vector_load %arg17[%get3A, %get3A_141] {strides = array<i32>} : memref<40x128xf32, #tpu.memory_space<vmem>>, vector<1x16xf32>,
      %get3A_143 = vector.shape_cast %get3A_142 : vector<1x16xf32> to vector<16xf32>
      %get3A_144 = arith.index_cast %scan3A_132 : i32 to index
      %get3A_145 = arith.constant 0 : index
      %get3A_146 = tpu.vector_load %arg19[%get3A_144, %get3A_145] {strides = array<i32>} : memref<40x128xf32, #tpu.memory_space<vmem>>, vector<1x16xf32>,
      %get3A_147 = vector.shape_cast %get3A_146 : vector<1x16xf32> to vector<16xf32>
      %add3A_148 = arith.addf %get3A_143, %get3A_147 : vector<16xf32>
      %get3A_149 = arith.index_cast %scan3A_132 : i32 to index
      %get3A_150 = arith.constant 0 : index
      %get3A_151 = tpu.vector_load %arg21[%get3A_149, %get3A_150] {strides = array<i32>} : memref<40x128xf32, #tpu.memory_space<vmem>>, vector<1x16xf32>,
      %get3A_152 = vector.shape_cast %get3A_151 : vector<1x16xf32> to vector<16xf32>
      %add3A_153 = arith.addf %add3A_148, %get3A_152 : vector<16xf32>
      %max3A = arith.constant 0.000000e+00 : f32
      %max3A_154 = vector.broadcast %max3A : f32 to vector<16xf32>
      %max3A_155 = arith.maximumf %add3A_153, %max3A_154 : vector<16xf32>
      %add3A_156 = arith.addf %scan3A_133, %max3A_155 : vector<16xf32>
      %get3A_157 = arith.index_cast %scan3A_132 : i32 to index
      %get3A_158 = arith.constant 16 : index
      %get3A_159 = tpu.vector_load %arg17[%get3A_157, %get3A_158] {strides = array<i32>} : memref<40x128xf32, #tpu.memory_space<vmem>>, vector<1x16xf32>,
      %get3A_160 = vector.shape_cast %get3A_159 : vector<1x16xf32> to vector<16xf32>
      %get3A_161 = arith.index_cast %scan3A_132 : i32 to index
      %get3A_162 = arith.constant 16 : index
      %get3A_163 = tpu.vector_load %arg19[%get3A_161, %get3A_162] {strides = array<i32>} : memref<40x128xf32, #tpu.memory_space<vmem>>, vector<1x16xf32>,
      %get3A_164 = vector.shape_cast %get3A_163 : vector<1x16xf32> to vector<16xf32>
      %add3A_165 = arith.addf %get3A_160, %get3A_164 : vector<16xf32>
      %get3A_166 = arith.index_cast %scan3A_132 : i32 to index
      %get3A_167 = arith.constant 16 : index
      %get3A_168 = tpu.vector_load %arg21[%get3A_166, %get3A_167] {strides = array<i32>} : memref<40x128xf32, #tpu.memory_space<vmem>>, vector<1x16xf32>,
      %get3A_169 = vector.shape_cast %get3A_168 : vector<1x16xf32> to vector<16xf32>
      %add3A_170 = arith.addf %add3A_165, %get3A_169 : vector<16xf32>
      %max3A_171 = arith.constant 0.000000e+00 : f32
      %max3A_172 = vector.broadcast %max3A_171 : f32 to vector<16xf32>
      %max3A_173 = arith.maximumf %add3A_170, %max3A_172 : vector<16xf32>
      %add3A_174 = arith.addf %scan3A_134, %max3A_173 : vector<16xf32>
      %get3A_175 = arith.index_cast %scan3A_132 : i32 to index
      %get3A_176 = arith.constant 32 : index
      %get3A_177 = tpu.vector_load %arg17[%get3A_175, %get3A_176] {strides = array<i32>} : memref<40x128xf32, #tpu.memory_space<vmem>>, vector<1x16xf32>,
      %get3A_178 = vector.shape_cast %get3A_177 : vector<1x16xf32> to vector<16xf32>
      %get3A_179 = arith.index_cast %scan3A_132 : i32 to index
      %get3A_180 = arith.constant 32 : index
      %get3A_181 = tpu.vector_load %arg19[%get3A_179, %get3A_180] {strides = array<i32>} : memref<40x128xf32, #tpu.memory_space<vmem>>, vector<1x16xf32>,
      %get3A_182 = vector.shape_cast %get3A_181 : vector<1x16xf32> to vector<16xf32>
      %add3A_183 = arith.addf %get3A_178, %get3A_182 : vector<16xf32>
      %get3A_184 = arith.index_cast %scan3A_132 : i32 to index
      %get3A_185 = arith.constant 32 : index
      %get3A_186 = tpu.vector_load %arg21[%get3A_184, %get3A_185] {strides = array<i32>} : memref<40x128xf32, #tpu.memory_space<vmem>>, vector<1x16xf32>,
      %get3A_187 = vector.shape_cast %get3A_186 : vector<1x16xf32> to vector<16xf32>
      %add3A_188 = arith.addf %add3A_183, %get3A_187 : vector<16xf32>
      %max3A_189 = arith.constant 0.000000e+00 : f32
      %max3A_190 = vector.broadcast %max3A_189 : f32 to vector<16xf32>
      %max3A_191 = arith.maximumf %add3A_188, %max3A_190 : vector<16xf32>
      %add3A_192 = arith.addf %scan3A_135, %max3A_191 : vector<16xf32>
      %get3A_193 = arith.index_cast %scan3A_132 : i32 to index
      %get3A_194 = arith.constant 48 : index
      %get3A_195 = tpu.vector_load %arg17[%get3A_193, %get3A_194] {strides = array<i32>} : memref<40x128xf32, #tpu.memory_space<vmem>>, vector<1x16xf32>,
      %get3A_196 = vector.shape_cast %get3A_195 : vector<1x16xf32> to vector<16xf32>
      %get3A_197 = arith.index_cast %scan3A_132 : i32 to index
      %get3A_198 = arith.constant 48 : index
      %get3A_199 = tpu.vector_load %arg19[%get3A_197, %get3A_198] {strides = array<i32>} : memref<40x128xf32, #tpu.memory_space<vmem>>, vector<1x16xf32>,
      %get3A_200 = vector.shape_cast %get3A_199 : vector<1x16xf32> to vector<16xf32>
      %add3A_201 = arith.addf %get3A_196, %get3A_200 : vector<16xf32>
      %get3A_202 = arith.index_cast %scan3A_132 : i32 to index
      %get3A_203 = arith.constant 48 : index
      %get3A_204 = tpu.vector_load %arg21[%get3A_202, %get3A_203] {strides = array<i32>} : memref<40x128xf32, #tpu.memory_space<vmem>>, vector<1x16xf32>,
      %get3A_205 = vector.shape_cast %get3A_204 : vector<1x16xf32> to vector<16xf32>
      %add3A_206 = arith.addf %add3A_201, %get3A_205 : vector<16xf32>
      %max3A_207 = arith.constant 0.000000e+00 : f32
      %max3A_208 = vector.broadcast %max3A_207 : f32 to vector<16xf32>
      %max3A_209 = arith.maximumf %add3A_206, %max3A_208 : vector<16xf32>
      %add3A_210 = arith.addf %scan3A_136, %max3A_209 : vector<16xf32>
      %get3A_211 = arith.index_cast %scan3A_132 : i32 to index
      %get3A_212 = arith.constant 64 : index
      %get3A_213 = tpu.vector_load %arg17[%get3A_211, %get3A_212] {strides = array<i32>} : memref<40x128xf32, #tpu.memory_space<vmem>>, vector<1x16xf32>,
      %get3A_214 = vector.shape_cast %get3A_213 : vector<1x16xf32> to vector<16xf32>
      %get3A_215 = arith.index_cast %scan3A_132 : i32 to index
      %get3A_216 = arith.constant 64 : index
      %get3A_217 = tpu.vector_load %arg19[%get3A_215, %get3A_216] {strides = array<i32>} : memref<40x128xf32, #tpu.memory_space<vmem>>, vector<1x16xf32>,
      %get3A_218 = vector.shape_cast %get3A_217 : vector<1x16xf32> to vector<16xf32>
      %add3A_219 = arith.addf %get3A_214, %get3A_218 : vector<16xf32>
      %get3A_220 = arith.index_cast %scan3A_132 : i32 to index
      %get3A_221 = arith.constant 64 : index
      %get3A_222 = tpu.vector_load %arg21[%get3A_220, %get3A_221] {strides = array<i32>} : memref<40x128xf32, #tpu.memory_space<vmem>>, vector<1x16xf32>,
      %get3A_223 = vector.shape_cast %get3A_222 : vector<1x16xf32> to vector<16xf32>
      %add3A_224 = arith.addf %add3A_219, %get3A_223 : vector<16xf32>
      %max3A_225 = arith.constant 0.000000e+00 : f32
      %max3A_226 = vector.broadcast %max3A_225 : f32 to vector<16xf32>
      %max3A_227 = arith.maximumf %add3A_224, %max3A_226 : vector<16xf32>
      %add3A_228 = arith.addf %scan3A_137, %max3A_227 : vector<16xf32>
      %get3A_229 = arith.index_cast %scan3A_132 : i32 to index
      %get3A_230 = arith.constant 80 : index
      %get3A_231 = tpu.vector_load %arg17[%get3A_229, %get3A_230] {strides = array<i32>} : memref<40x128xf32, #tpu.memory_space<vmem>>, vector<1x16xf32>,
      %get3A_232 = vector.shape_cast %get3A_231 : vector<1x16xf32> to vector<16xf32>
      %get3A_233 = arith.index_cast %scan3A_132 : i32 to index
      %get3A_234 = arith.constant 80 : index
      %get3A_235 = tpu.vector_load %arg19[%get3A_233, %get3A_234] {strides = array<i32>} : memref<40x128xf32, #tpu.memory_space<vmem>>, vector<1x16xf32>,
      %get3A_236 = vector.shape_cast %get3A_235 : vector<1x16xf32> to vector<16xf32>
      %add3A_237 = arith.addf %get3A_232, %get3A_236 : vector<16xf32>
      %get3A_238 = arith.index_cast %scan3A_132 : i32 to index
      %get3A_239 = arith.constant 80 : index
      %get3A_240 = tpu.vector_load %arg21[%get3A_238, %get3A_239] {strides = array<i32>} : memref<40x128xf32, #tpu.memory_space<vmem>>, vector<1x16xf32>,
      %get3A_241 = vector.shape_cast %get3A_240 : vector<1x16xf32> to vector<16xf32>
      %add3A_242 = arith.addf %add3A_237, %get3A_241 : vector<16xf32>
      %max3A_243 = arith.constant 0.000000e+00 : f32
      %max3A_244 = vector.broadcast %max3A_243 : f32 to vector<16xf32>
      %max3A_245 = arith.maximumf %add3A_242, %max3A_244 : vector<16xf32>
      %add3A_246 = arith.addf %scan3A_138, %max3A_245 : vector<16xf32>
      %get3A_247 = arith.index_cast %scan3A_132 : i32 to index
      %get3A_248 = arith.constant 96 : index
      %get3A_249 = tpu.vector_load %arg17[%get3A_247, %get3A_248] {strides = array<i32>} : memref<40x128xf32, #tpu.memory_space<vmem>>, vector<1x16xf32>,
      %get3A_250 = vector.shape_cast %get3A_249 : vector<1x16xf32> to vector<16xf32>
      %get3A_251 = arith.index_cast %scan3A_132 : i32 to index
      %get3A_252 = arith.constant 96 : index
      %get3A_253 = tpu.vector_load %arg19[%get3A_251, %get3A_252] {strides = array<i32>} : memref<40x128xf32, #tpu.memory_space<vmem>>, vector<1x16xf32>,
      %get3A_254 = vector.shape_cast %get3A_253 : vector<1x16xf32> to vector<16xf32>
      %add3A_255 = arith.addf %get3A_250, %get3A_254 : vector<16xf32>
      %get3A_256 = arith.index_cast %scan3A_132 : i32 to index
      %get3A_257 = arith.constant 96 : index
      %get3A_258 = tpu.vector_load %arg21[%get3A_256, %get3A_257] {strides = array<i32>} : memref<40x128xf32, #tpu.memory_space<vmem>>, vector<1x16xf32>,
      %get3A_259 = vector.shape_cast %get3A_258 : vector<1x16xf32> to vector<16xf32>
      %add3A_260 = arith.addf %add3A_255, %get3A_259 : vector<16xf32>
      %max3A_261 = arith.constant 0.000000e+00 : f32
      %max3A_262 = vector.broadcast %max3A_261 : f32 to vector<16xf32>
      %max3A_263 = arith.maximumf %add3A_260, %max3A_262 : vector<16xf32>
      %add3A_264 = arith.addf %scan3A_139, %max3A_263 : vector<16xf32>
      %get3A_265 = arith.index_cast %scan3A_132 : i32 to index
      %get3A_266 = arith.constant 112 : index
      %get3A_267 = tpu.vector_load %arg17[%get3A_265, %get3A_266] {strides = array<i32>} : memref<40x128xf32, #tpu.memory_space<vmem>>, vector<1x16xf32>,
      %get3A_268 = vector.shape_cast %get3A_267 : vector<1x16xf32> to vector<16xf32>
      %get3A_269 = arith.index_cast %scan3A_132 : i32 to index
      %get3A_270 = arith.constant 112 : index
      %get3A_271 = tpu.vector_load %arg19[%get3A_269, %get3A_270] {strides = array<i32>} : memref<40x128xf32, #tpu.memory_space<vmem>>, vector<1x16xf32>,
      %get3A_272 = vector.shape_cast %get3A_271 : vector<1x16xf32> to vector<16xf32>
      %add3A_273 = arith.addf %get3A_268, %get3A_272 : vector<16xf32>
      %get3A_274 = arith.index_cast %scan3A_132 : i32 to index
      %get3A_275 = arith.constant 112 : index
      %get3A_276 = tpu.vector_load %arg21[%get3A_274, %get3A_275] {strides = array<i32>} : memref<40x128xf32, #tpu.memory_space<vmem>>, vector<1x16xf32>,
      %get3A_277 = vector.shape_cast %get3A_276 : vector<1x16xf32> to vector<16xf32>
      %add3A_278 = arith.addf %add3A_273, %get3A_277 : vector<16xf32>
      %max3A_279 = arith.constant 0.000000e+00 : f32
      %max3A_280 = vector.broadcast %max3A_279 : f32 to vector<16xf32>
      %max3A_281 = arith.maximumf %add3A_278, %max3A_280 : vector<16xf32>
      %add3A_282 = arith.addf %scan3A_140, %max3A_281 : vector<16xf32>
      scf.yield %add3A_156, %add3A_174, %add3A_192, %add3A_210, %add3A_228, %add3A_246, %add3A_264, %add3A_282 : vector<16xf32>, vector<16xf32>, vector<16xf32>, vector<16xf32>, vector<16xf32>, vector<16xf32>, vector<16xf32>, vector<16xf32>
    }
    %scan3A_84 = arith.constant 40 : i32
    %swap3A = arith.constant 0 : i32
    %swap3A_85 = arith.index_cast %swap3A : i32 to index
    %swap3A_86 = arith.constant 0 : index
    %swap3A_87 = tpu.vector_load %arg22[%swap3A_85, %swap3A_86] {strides = array<i32>} : memref<8x128xf32, #tpu.memory_space<vmem>>, vector<1x16xf32>,
    %swap3A_88 = vector.shape_cast %swap3A_87 : vector<1x16xf32> to vector<16xf32>
    %swap3A_89 = vector.shape_cast %scan3A_83#0 : vector<16xf32> to vector<1x16xf32>
    tpu.vector_store %arg22[%swap3A_85, %swap3A_86], %swap3A_89 {strides = array<i32>} : memref<8x128xf32, #tpu.memory_space<vmem>>, vector<1x16xf32>,
    %swap3A_90 = arith.constant 0 : i32
    %swap3A_91 = arith.index_cast %swap3A_90 : i32 to index
    %swap3A_92 = arith.constant 16 : index
    %swap3A_93 = tpu.vector_load %arg22[%swap3A_91, %swap3A_92] {strides = array<i32>} : memref<8x128xf32, #tpu.memory_space<vmem>>, vector<1x16xf32>,
    %swap3A_94 = vector.shape_cast %swap3A_93 : vector<1x16xf32> to vector<16xf32>
    %swap3A_95 = vector.shape_cast %scan3A_83#1 : vector<16xf32> to vector<1x16xf32>
    tpu.vector_store %arg22[%swap3A_91, %swap3A_92], %swap3A_95 {strides = array<i32>} : memref<8x128xf32, #tpu.memory_space<vmem>>, vector<1x16xf32>,
    %swap3A_96 = arith.constant 0 : i32
    %swap3A_97 = arith.index_cast %swap3A_96 : i32 to index
    %swap3A_98 = arith.constant 32 : index
    %swap3A_99 = tpu.vector_load %arg22[%swap3A_97, %swap3A_98] {strides = array<i32>} : memref<8x128xf32, #tpu.memory_space<vmem>>, vector<1x16xf32>,
    %swap3A_100 = vector.shape_cast %swap3A_99 : vector<1x16xf32> to vector<16xf32>
    %swap3A_101 = vector.shape_cast %scan3A_83#2 : vector<16xf32> to vector<1x16xf32>
    tpu.vector_store %arg22[%swap3A_97, %swap3A_98], %swap3A_101 {strides = array<i32>} : memref<8x128xf32, #tpu.memory_space<vmem>>, vector<1x16xf32>,
    %swap3A_102 = arith.constant 0 : i32
    %swap3A_103 = arith.index_cast %swap3A_102 : i32 to index
    %swap3A_104 = arith.constant 48 : index
    %swap3A_105 = tpu.vector_load %arg22[%swap3A_103, %swap3A_104] {strides = array<i32>} : memref<8x128xf32, #tpu.memory_space<vmem>>, vector<1x16xf32>,
    %swap3A_106 = vector.shape_cast %swap3A_105 : vector<1x16xf32> to vector<16xf32>
    %swap3A_107 = vector.shape_cast %scan3A_83#3 : vector<16xf32> to vector<1x16xf32>
    tpu.vector_store %arg22[%swap3A_103, %swap3A_104], %swap3A_107 {strides = array<i32>} : memref<8x128xf32, #tpu.memory_space<vmem>>, vector<1x16xf32>,
    %swap3A_108 = arith.constant 0 : i32
    %swap3A_109 = arith.index_cast %swap3A_108 : i32 to index
    %swap3A_110 = arith.constant 64 : index
    %swap3A_111 = tpu.vector_load %arg22[%swap3A_109, %swap3A_110] {strides = array<i32>} : memref<8x128xf32, #tpu.memory_space<vmem>>, vector<1x16xf32>,
    %swap3A_112 = vector.shape_cast %swap3A_111 : vector<1x16xf32> to vector<16xf32>
    %swap3A_113 = vector.shape_cast %scan3A_83#4 : vector<16xf32> to vector<1x16xf32>
    tpu.vector_store %arg22[%swap3A_109, %swap3A_110], %swap3A_113 {strides = array<i32>} : memref<8x128xf32, #tpu.memory_space<vmem>>, vector<1x16xf32>,
    %swap3A_114 = arith.constant 0 : i32
    %swap3A_115 = arith.index_cast %swap3A_114 : i32 to index
    %swap3A_116 = arith.constant 80 : index
    %swap3A_117 = tpu.vector_load %arg22[%swap3A_115, %swap3A_116] {strides = array<i32>} : memref<8x128xf32, #tpu.memory_space<vmem>>, vector<1x16xf32>,
    %swap3A_118 = vector.shape_cast %swap3A_117 : vector<1x16xf32> to vector<16xf32>
    %swap3A_119 = vector.shape_cast %scan3A_83#5 : vector<16xf32> to vector<1x16xf32>
    tpu.vector_store %arg22[%swap3A_115, %swap3A_116], %swap3A_119 {strides = array<i32>} : memref<8x128xf32, #tpu.memory_space<vmem>>, vector<1x16xf32>,
    %swap3A_120 = arith.constant 0 : i32
    %swap3A_121 = arith.index_cast %swap3A_120 : i32 to index
    %swap3A_122 = arith.constant 96 : index
    %swap3A_123 = tpu.vector_load %arg22[%swap3A_121, %swap3A_122] {strides = array<i32>} : memref<8x128xf32, #tpu.memory_space<vmem>>, vector<1x16xf32>,
    %swap3A_124 = vector.shape_cast %swap3A_123 : vector<1x16xf32> to vector<16xf32>
    %swap3A_125 = vector.shape_cast %scan3A_83#6 : vector<16xf32> to vector<1x16xf32>
    tpu.vector_store %arg22[%swap3A_121, %swap3A_122], %swap3A_125 {strides = array<i32>} : memref<8x128xf32, #tpu.memory_space<vmem>>, vector<1x16xf32>,
    %swap3A_126 = arith.constant 0 : i32
    %swap3A_127 = arith.index_cast %swap3A_126 : i32 to index
    %swap3A_128 = arith.constant 112 : index
    %swap3A_129 = tpu.vector_load %arg22[%swap3A_127, %swap3A_128] {strides = array<i32>} : memref<8x128xf32, #tpu.memory_space<vmem>>, vector<1x16xf32>,
    %swap3A_130 = vector.shape_cast %swap3A_129 : vector<1x16xf32> to vector<16xf32>
    %swap3A_131 = vector.shape_cast %scan3A_83#7 : vector<16xf32> to vector<1x16xf32>
    tpu.vector_store %arg22[%swap3A_127, %swap3A_128], %swap3A_131 {strides = array<i32>} : memref<8x128xf32, #tpu.memory_space<vmem>>, vector<1x16xf32>,
    "tpu.region"() ({
      %run_scoped3A = tpu.sem_alloc : memref<!tpu.dma_semaphore, #tpu.memory_space<semaphore_mem>>
      %dma_start3A_132 = arith.constant 0 : i32
      %dma_start3A_133 = arith.constant 0 : i32
      %dma_start3A_134 = tpu.memref_slice %arg7[%add3A, %dma_start3A_132, %dma_start3A_133] : memref<32x8x128xf32, #tpu.memory_space<hbm>> -> memref<1x8x128xf32, #tpu.memory_space<hbm>>
      %dma_start3A_135 = tpu.memref_squeeze %dma_start3A_134 : memref<1x8x128xf32, #tpu.memory_space<hbm>> -> memref<8x128xf32, #tpu.memory_space<hbm>>
      %dma_start3A_136 = arith.constant 0 : i32
      %dma_start3A_137 = arith.constant 0 : i32
      %dma_start3A_138 = tpu.memref_slice %arg7[%add3A, %dma_start3A_136, %dma_start3A_137] : memref<32x8x128xf32, #tpu.memory_space<hbm>> -> memref<1x8x128xf32, #tpu.memory_space<hbm>>
      %dma_start3A_139 = tpu.memref_squeeze %dma_start3A_138 : memref<1x8x128xf32, #tpu.memory_space<hbm>> -> memref<8x128xf32, #tpu.memory_space<hbm>>
      tpu.enqueue_dma source(%arg22 : memref<8x128xf32, #tpu.memory_space<vmem>>) target(%dma_start3A_139 : memref<8x128xf32, #tpu.memory_space<hbm>>) target_semaphore(%run_scoped3A : memref<!tpu.dma_semaphore, #tpu.memory_space<semaphore_mem>>)
      %dma_wait3A_140 = arith.constant 0 : i32
      %dma_wait3A_141 = arith.constant 0 : i32
      %dma_wait3A_142 = tpu.memref_slice %arg7[%add3A, %dma_wait3A_140, %dma_wait3A_141] : memref<32x8x128xf32, #tpu.memory_space<hbm>> -> memref<1x8x128xf32, #tpu.memory_space<hbm>>
      %dma_wait3A_143 = tpu.memref_squeeze %dma_wait3A_142 : memref<1x8x128xf32, #tpu.memory_space<hbm>> -> memref<8x128xf32, #tpu.memory_space<hbm>>
      %dma_wait3A_144 = arith.constant 0 : i32
      %dma_wait3A_145 = arith.constant 0 : i32
      %dma_wait3A_146 = tpu.memref_slice %arg7[%add3A, %dma_wait3A_144, %dma_wait3A_145] : memref<32x8x128xf32, #tpu.memory_space<hbm>> -> memref<1x8x128xf32, #tpu.memory_space<hbm>>
      %dma_wait3A_147 = tpu.memref_squeeze %dma_wait3A_146 : memref<1x8x128xf32, #tpu.memory_space<hbm>> -> memref<8x128xf32, #tpu.memory_space<hbm>>
      tpu.wait_dma2 semaphore(%run_scoped3A : memref<!tpu.dma_semaphore, #tpu.memory_space<semaphore_mem>>) src(%arg22 : memref<8x128xf32, #tpu.memory_space<vmem>>) dst(%dma_wait3A_147 : memref<8x128xf32, #tpu.memory_space<hbm>>)
      tpu.yield
    }) : () -> ()
    return
  }
}

#map = affine_map<(d0, d1) -> (0, 0)>
#map1 = affine_map<(d0, d1) -> (0)>
#map2 = affine_map<(d0, d1) -> (0, 0, 0)>
module attributes {stable_mosaic.version = 14 : i64} {
  func.func @_sc_seg_body(%arg0: i32, %arg1: i32, %arg2: memref<10000x128xf32, #tpu.memory_space<hbm>>, %arg3: memref<10000x128xf32, #tpu.memory_space<hbm>>, %arg4: memref<320000x128xf32, #tpu.memory_space<hbm>>, %arg5: memref<320000xi32, #tpu.memory_space<hbm>>, %arg6: memref<320000xi32, #tpu.memory_space<hbm>>, %arg7: memref<2x10000x128xf32, #tpu.memory_space<hbm>>, %arg8: memref<40xi32, #tpu.memory_space<vmem>>, %arg9: memref<40xi32, #tpu.memory_space<vmem>>, %arg10: memref<40xi32, #tpu.memory_space<vmem>>, %arg11: memref<40xi32, #tpu.memory_space<vmem>>, %arg12: memref<40xi32, #tpu.memory_space<vmem>>, %arg13: memref<40xi32, #tpu.memory_space<vmem>>, %arg14: memref<40xi32, #tpu.memory_space<vmem>>, %arg15: memref<40xi32, #tpu.memory_space<vmem>>, %arg16: memref<40x128xf32, #tpu.memory_space<vmem>>, %arg17: memref<40x128xf32, #tpu.memory_space<vmem>>, %arg18: memref<40x128xf32, #tpu.memory_space<vmem>>, %arg19: memref<40x128xf32, #tpu.memory_space<vmem>>, %arg20: memref<40x128xf32, #tpu.memory_space<vmem>>, %arg21: memref<40x128xf32, #tpu.memory_space<vmem>>, %arg22: memref<40x128xf32, #tpu.memory_space<vmem>>, %arg23: memref<40x128xf32, #tpu.memory_space<vmem>>, %arg24: memref<40x128xf32, #tpu.memory_space<vmem>>, %arg25: memref<10240x128xf32, #tpu.memory_space<vmem_shared>>, %arg26: memref<!tpu.dma_semaphore, #tpu.memory_space<semaphore_mem>>, %arg27: memref<!tpu.dma_semaphore, #tpu.memory_space<semaphore_mem>>, %arg28: memref<!tpu.dma_semaphore, #tpu.memory_space<semaphore_mem>>, %arg29: memref<!tpu.dma_semaphore, #tpu.memory_space<semaphore_mem>>, %arg30: memref<!tpu.dma_semaphore, #tpu.memory_space<semaphore_mem>>, %arg31: memref<!tpu.dma_semaphore, #tpu.memory_space<semaphore_mem>>, %arg32: memref<!tpu.dma_semaphore, #tpu.memory_space<semaphore_mem>>, %arg33: memref<!tpu.dma_semaphore, #tpu.memory_space<semaphore_mem>>, %arg34: memref<!tpu.dma_semaphore, #tpu.memory_space<semaphore_mem>>, %arg35: memref<!tpu.dma_semaphore, #tpu.memory_space<semaphore_mem>>, %arg36: memref<!tpu.dma_semaphore, #tpu.memory_space<semaphore_mem>>, %arg37: memref<!tpu.dma_semaphore, #tpu.memory_space<semaphore_mem>>) attributes {dimension_semantics = [#tpu.dimension_semantics<core_parallel>, #tpu.dimension_semantics<subcore_parallel>], iteration_bounds = array<i64: 2, 16>, scalar_prefetch = 0 : i64, scratch_operands = 30 : i64, tpu.core_type = #tpu.core_type<sc_vector_subcore>, window_params = [{transform_indices = #map}, {transform_indices = #map}, {transform_indices = #map}, {transform_indices = #map1}, {transform_indices = #map1}, {transform_indices = #map2}]} {
    %mul3A = arith.constant 16 : i32
    %mul3A_0 = arith.muli %arg0, %mul3A : i32
    %add3A = arith.addi %mul3A_0, %arg1 : i32
    %mul3A_1 = arith.constant 10000 : i32
    %mul3A_2 = arith.muli %add3A, %mul3A_1 : i32
    %dma_start3A = tpu.memref_slice %arg5[%mul3A_2] : memref<320000xi32, #tpu.memory_space<hbm>> -> memref<40xi32, #tpu.memory_space<hbm>>
    %dma_start3A_3 = tpu.memref_slice %arg5[%mul3A_2] : memref<320000xi32, #tpu.memory_space<hbm>> -> memref<40xi32, #tpu.memory_space<hbm>>
    tpu.enqueue_dma source(%dma_start3A_3 : memref<40xi32, #tpu.memory_space<hbm>>) target(%arg8 : memref<40xi32, #tpu.memory_space<vmem>>) target_semaphore(%arg26 : memref<!tpu.dma_semaphore, #tpu.memory_space<semaphore_mem>>)
    %dma_start3A_4 = tpu.memref_slice %arg6[%mul3A_2] : memref<320000xi32, #tpu.memory_space<hbm>> -> memref<40xi32, #tpu.memory_space<hbm>>
    %dma_start3A_5 = tpu.memref_slice %arg6[%mul3A_2] : memref<320000xi32, #tpu.memory_space<hbm>> -> memref<40xi32, #tpu.memory_space<hbm>>
    tpu.enqueue_dma source(%dma_start3A_5 : memref<40xi32, #tpu.memory_space<hbm>>) target(%arg12 : memref<40xi32, #tpu.memory_space<vmem>>) target_semaphore(%arg26 : memref<!tpu.dma_semaphore, #tpu.memory_space<semaphore_mem>>)
    %add3A_6 = arith.constant 40 : i32
    %add3A_7 = arith.addi %mul3A_2, %add3A_6 : i32
    %dma_start3A_8 = tpu.memref_slice %arg5[%add3A_7] : memref<320000xi32, #tpu.memory_space<hbm>> -> memref<40xi32, #tpu.memory_space<hbm>>
    %dma_start3A_9 = tpu.memref_slice %arg5[%add3A_7] : memref<320000xi32, #tpu.memory_space<hbm>> -> memref<40xi32, #tpu.memory_space<hbm>>
    tpu.enqueue_dma source(%dma_start3A_9 : memref<40xi32, #tpu.memory_space<hbm>>) target(%arg9 : memref<40xi32, #tpu.memory_space<vmem>>) target_semaphore(%arg27 : memref<!tpu.dma_semaphore, #tpu.memory_space<semaphore_mem>>)
    %dma_start3A_10 = tpu.memref_slice %arg6[%add3A_7] : memref<320000xi32, #tpu.memory_space<hbm>> -> memref<40xi32, #tpu.memory_space<hbm>>
    %dma_start3A_11 = tpu.memref_slice %arg6[%add3A_7] : memref<320000xi32, #tpu.memory_space<hbm>> -> memref<40xi32, #tpu.memory_space<hbm>>
    tpu.enqueue_dma source(%dma_start3A_11 : memref<40xi32, #tpu.memory_space<hbm>>) target(%arg13 : memref<40xi32, #tpu.memory_space<vmem>>) target_semaphore(%arg27 : memref<!tpu.dma_semaphore, #tpu.memory_space<semaphore_mem>>)
    %dma_wait3A = tpu.memref_slice %arg5[%mul3A_2] : memref<320000xi32, #tpu.memory_space<hbm>> -> memref<40xi32, #tpu.memory_space<hbm>>
    %dma_wait3A_12 = tpu.memref_slice %arg5[%mul3A_2] : memref<320000xi32, #tpu.memory_space<hbm>> -> memref<40xi32, #tpu.memory_space<hbm>>
    tpu.wait_dma2 semaphore(%arg26 : memref<!tpu.dma_semaphore, #tpu.memory_space<semaphore_mem>>) src(%dma_wait3A_12 : memref<40xi32, #tpu.memory_space<hbm>>) dst(%arg8 : memref<40xi32, #tpu.memory_space<vmem>>)
    %dma_wait3A_13 = tpu.memref_slice %arg6[%mul3A_2] : memref<320000xi32, #tpu.memory_space<hbm>> -> memref<40xi32, #tpu.memory_space<hbm>>
    %dma_wait3A_14 = tpu.memref_slice %arg6[%mul3A_2] : memref<320000xi32, #tpu.memory_space<hbm>> -> memref<40xi32, #tpu.memory_space<hbm>>
    tpu.wait_dma2 semaphore(%arg26 : memref<!tpu.dma_semaphore, #tpu.memory_space<semaphore_mem>>) src(%dma_wait3A_14 : memref<40xi32, #tpu.memory_space<hbm>>) dst(%arg12 : memref<40xi32, #tpu.memory_space<vmem>>)
    %dma_start3A_15 = arith.constant 0 : i32
    %dma_start3A_16 = arith.constant 0 : i32
    %dma_start3A_17 = tpu.memref_slice %arg2[%dma_start3A_15, %dma_start3A_16] : memref<10000x128xf32, #tpu.memory_space<hbm>> -> memref<10000x128xf32, #tpu.memory_space<hbm>>
    tpu.enqueue_indirect_dma source(%dma_start3A_17 : memref<10000x128xf32, #tpu.memory_space<hbm>>) target(%arg16 : memref<40x128xf32, #tpu.memory_space<vmem>>) offsets(%arg8 : memref<40xi32, #tpu.memory_space<vmem>>) semaphore(%arg30 : memref<!tpu.dma_semaphore, #tpu.memory_space<semaphore_mem>>)
    %dma_start3A_18 = arith.constant 0 : i32
    %dma_start3A_19 = arith.constant 0 : i32
    %dma_start3A_20 = tpu.memref_slice %arg3[%dma_start3A_18, %dma_start3A_19] : memref<10000x128xf32, #tpu.memory_space<hbm>> -> memref<10000x128xf32, #tpu.memory_space<hbm>>
    tpu.enqueue_indirect_dma source(%dma_start3A_20 : memref<10000x128xf32, #tpu.memory_space<hbm>>) target(%arg18 : memref<40x128xf32, #tpu.memory_space<vmem>>) offsets(%arg12 : memref<40xi32, #tpu.memory_space<vmem>>) semaphore(%arg32 : memref<!tpu.dma_semaphore, #tpu.memory_space<semaphore_mem>>)
    %dma_start3A_21 = arith.constant 0 : i32
    %dma_start3A_22 = tpu.memref_slice %arg4[%mul3A_2, %dma_start3A_21] : memref<320000x128xf32, #tpu.memory_space<hbm>> -> memref<40x128xf32, #tpu.memory_space<hbm>>
    %dma_start3A_23 = arith.constant 0 : i32
    %dma_start3A_24 = tpu.memref_slice %arg4[%mul3A_2, %dma_start3A_23] : memref<320000x128xf32, #tpu.memory_space<hbm>> -> memref<40x128xf32, #tpu.memory_space<hbm>>
    tpu.enqueue_dma source(%dma_start3A_24 : memref<40x128xf32, #tpu.memory_space<hbm>>) target(%arg20 : memref<40x128xf32, #tpu.memory_space<vmem>>) target_semaphore(%arg34 : memref<!tpu.dma_semaphore, #tpu.memory_space<semaphore_mem>>)
    %scan3A = arith.constant 0 : i32
    %scan3A_25 = arith.constant 0 : i32
    %scan3A_26 = arith.constant 40 : i32
    %scan3A_27 = arith.addi %scan3A_25, %scan3A_26 : i32
    %scan3A_28 = arith.constant 1 : i32
    scf.for %scan3A_173 = %scan3A_25 to %scan3A_27 step %scan3A_28  : i32 {
      %broadcast_in_dim3A = arith.constant 0.000000e+00 : f32
      %broadcast_in_dim3A_174 = vector.broadcast %broadcast_in_dim3A : f32 to vector<16xf32>
      %swap3A = arith.index_cast %scan3A_173 : i32 to index
      %swap3A_175 = arith.constant 0 : index
      %swap3A_176 = tpu.vector_load %arg24[%swap3A, %swap3A_175] {strides = array<i32>} : memref<40x128xf32, #tpu.memory_space<vmem>>, vector<1x16xf32>,
      %swap3A_177 = vector.shape_cast %swap3A_176 : vector<1x16xf32> to vector<16xf32>
      %swap3A_178 = vector.shape_cast %broadcast_in_dim3A_174 : vector<16xf32> to vector<1x16xf32>
      tpu.vector_store %arg24[%swap3A, %swap3A_175], %swap3A_178 {strides = array<i32>} : memref<40x128xf32, #tpu.memory_space<vmem>>, vector<1x16xf32>,
      %broadcast_in_dim3A_179 = arith.constant 0.000000e+00 : f32
      %broadcast_in_dim3A_180 = vector.broadcast %broadcast_in_dim3A_179 : f32 to vector<16xf32>
      %swap3A_181 = arith.index_cast %scan3A_173 : i32 to index
      %swap3A_182 = arith.constant 16 : index
      %swap3A_183 = tpu.vector_load %arg24[%swap3A_181, %swap3A_182] {strides = array<i32>} : memref<40x128xf32, #tpu.memory_space<vmem>>, vector<1x16xf32>,
      %swap3A_184 = vector.shape_cast %swap3A_183 : vector<1x16xf32> to vector<16xf32>
      %swap3A_185 = vector.shape_cast %broadcast_in_dim3A_180 : vector<16xf32> to vector<1x16xf32>
      tpu.vector_store %arg24[%swap3A_181, %swap3A_182], %swap3A_185 {strides = array<i32>} : memref<40x128xf32, #tpu.memory_space<vmem>>, vector<1x16xf32>,
      %broadcast_in_dim3A_186 = arith.constant 0.000000e+00 : f32
      %broadcast_in_dim3A_187 = vector.broadcast %broadcast_in_dim3A_186 : f32 to vector<16xf32>
      %swap3A_188 = arith.index_cast %scan3A_173 : i32 to index
      %swap3A_189 = arith.constant 32 : index
      %swap3A_190 = tpu.vector_load %arg24[%swap3A_188, %swap3A_189] {strides = array<i32>} : memref<40x128xf32, #tpu.memory_space<vmem>>, vector<1x16xf32>,
      %swap3A_191 = vector.shape_cast %swap3A_190 : vector<1x16xf32> to vector<16xf32>
      %swap3A_192 = vector.shape_cast %broadcast_in_dim3A_187 : vector<16xf32> to vector<1x16xf32>
      tpu.vector_store %arg24[%swap3A_188, %swap3A_189], %swap3A_192 {strides = array<i32>} : memref<40x128xf32, #tpu.memory_space<vmem>>, vector<1x16xf32>,
      %broadcast_in_dim3A_193 = arith.constant 0.000000e+00 : f32
      %broadcast_in_dim3A_194 = vector.broadcast %broadcast_in_dim3A_193 : f32 to vector<16xf32>
      %swap3A_195 = arith.index_cast %scan3A_173 : i32 to index
      %swap3A_196 = arith.constant 48 : index
      %swap3A_197 = tpu.vector_load %arg24[%swap3A_195, %swap3A_196] {strides = array<i32>} : memref<40x128xf32, #tpu.memory_space<vmem>>, vector<1x16xf32>,
      %swap3A_198 = vector.shape_cast %swap3A_197 : vector<1x16xf32> to vector<16xf32>
      %swap3A_199 = vector.shape_cast %broadcast_in_dim3A_194 : vector<16xf32> to vector<1x16xf32>
      tpu.vector_store %arg24[%swap3A_195, %swap3A_196], %swap3A_199 {strides = array<i32>} : memref<40x128xf32, #tpu.memory_space<vmem>>, vector<1x16xf32>,
      %broadcast_in_dim3A_200 = arith.constant 0.000000e+00 : f32
      %broadcast_in_dim3A_201 = vector.broadcast %broadcast_in_dim3A_200 : f32 to vector<16xf32>
      %swap3A_202 = arith.index_cast %scan3A_173 : i32 to index
      %swap3A_203 = arith.constant 64 : index
      %swap3A_204 = tpu.vector_load %arg24[%swap3A_202, %swap3A_203] {strides = array<i32>} : memref<40x128xf32, #tpu.memory_space<vmem>>, vector<1x16xf32>,
      %swap3A_205 = vector.shape_cast %swap3A_204 : vector<1x16xf32> to vector<16xf32>
      %swap3A_206 = vector.shape_cast %broadcast_in_dim3A_201 : vector<16xf32> to vector<1x16xf32>
      tpu.vector_store %arg24[%swap3A_202, %swap3A_203], %swap3A_206 {strides = array<i32>} : memref<40x128xf32, #tpu.memory_space<vmem>>, vector<1x16xf32>,
      %broadcast_in_dim3A_207 = arith.constant 0.000000e+00 : f32
      %broadcast_in_dim3A_208 = vector.broadcast %broadcast_in_dim3A_207 : f32 to vector<16xf32>
      %swap3A_209 = arith.index_cast %scan3A_173 : i32 to index
      %swap3A_210 = arith.constant 80 : index
      %swap3A_211 = tpu.vector_load %arg24[%swap3A_209, %swap3A_210] {strides = array<i32>} : memref<40x128xf32, #tpu.memory_space<vmem>>, vector<1x16xf32>,
      %swap3A_212 = vector.shape_cast %swap3A_211 : vector<1x16xf32> to vector<16xf32>
      %swap3A_213 = vector.shape_cast %broadcast_in_dim3A_208 : vector<16xf32> to vector<1x16xf32>
      tpu.vector_store %arg24[%swap3A_209, %swap3A_210], %swap3A_213 {strides = array<i32>} : memref<40x128xf32, #tpu.memory_space<vmem>>, vector<1x16xf32>,
      %broadcast_in_dim3A_214 = arith.constant 0.000000e+00 : f32
      %broadcast_in_dim3A_215 = vector.broadcast %broadcast_in_dim3A_214 : f32 to vector<16xf32>
      %swap3A_216 = arith.index_cast %scan3A_173 : i32 to index
      %swap3A_217 = arith.constant 96 : index
      %swap3A_218 = tpu.vector_load %arg24[%swap3A_216, %swap3A_217] {strides = array<i32>} : memref<40x128xf32, #tpu.memory_space<vmem>>, vector<1x16xf32>,
      %swap3A_219 = vector.shape_cast %swap3A_218 : vector<1x16xf32> to vector<16xf32>
      %swap3A_220 = vector.shape_cast %broadcast_in_dim3A_215 : vector<16xf32> to vector<1x16xf32>
      tpu.vector_store %arg24[%swap3A_216, %swap3A_217], %swap3A_220 {strides = array<i32>} : memref<40x128xf32, #tpu.memory_space<vmem>>, vector<1x16xf32>,
      %broadcast_in_dim3A_221 = arith.constant 0.000000e+00 : f32
      %broadcast_in_dim3A_222 = vector.broadcast %broadcast_in_dim3A_221 : f32 to vector<16xf32>
      %swap3A_223 = arith.index_cast %scan3A_173 : i32 to index
      %swap3A_224 = arith.constant 112 : index
      %swap3A_225 = tpu.vector_load %arg24[%swap3A_223, %swap3A_224] {strides = array<i32>} : memref<40x128xf32, #tpu.memory_space<vmem>>, vector<1x16xf32>,
      %swap3A_226 = vector.shape_cast %swap3A_225 : vector<1x16xf32> to vector<16xf32>
      %swap3A_227 = vector.shape_cast %broadcast_in_dim3A_222 : vector<16xf32> to vector<1x16xf32>
      tpu.vector_store %arg24[%swap3A_223, %swap3A_224], %swap3A_227 {strides = array<i32>} : memref<40x128xf32, #tpu.memory_space<vmem>>, vector<1x16xf32>,
    }
    %scan3A_29 = arith.constant 40 : i32
    %mul3A_30 = arith.constant 640 : i32
    %mul3A_31 = arith.muli %arg1, %mul3A_30 : i32
    %add3A_32 = arith.constant 0 : i32
    %add3A_33 = arith.addi %mul3A_31, %add3A_32 : i32
    "tpu.region"() ({
      %run_scoped3A = tpu.sem_alloc : memref<!tpu.dma_semaphore, #tpu.memory_space<semaphore_mem>>
      %dma_start3A_173 = arith.constant 0 : i32
      %dma_start3A_174 = tpu.memref_slice %arg25[%add3A_33, %dma_start3A_173] : memref<10240x128xf32, #tpu.memory_space<vmem_shared>> -> memref<40x128xf32, #tpu.memory_space<vmem_shared>>
      %dma_start3A_175 = arith.constant 0 : i32
      %dma_start3A_176 = tpu.memref_slice %arg25[%add3A_33, %dma_start3A_175] : memref<10240x128xf32, #tpu.memory_space<vmem_shared>> -> memref<40x128xf32, #tpu.memory_space<vmem_shared>>
      tpu.enqueue_dma source(%arg24 : memref<40x128xf32, #tpu.memory_space<vmem>>) target(%dma_start3A_176 : memref<40x128xf32, #tpu.memory_space<vmem_shared>>) target_semaphore(%run_scoped3A : memref<!tpu.dma_semaphore, #tpu.memory_space<semaphore_mem>>)
      %dma_wait3A_177 = arith.constant 0 : i32
      %dma_wait3A_178 = tpu.memref_slice %arg25[%add3A_33, %dma_wait3A_177] : memref<10240x128xf32, #tpu.memory_space<vmem_shared>> -> memref<40x128xf32, #tpu.memory_space<vmem_shared>>
      %dma_wait3A_179 = arith.constant 0 : i32
      %dma_wait3A_180 = tpu.memref_slice %arg25[%add3A_33, %dma_wait3A_179] : memref<10240x128xf32, #tpu.memory_space<vmem_shared>> -> memref<40x128xf32, #tpu.memory_space<vmem_shared>>
      tpu.wait_dma2 semaphore(%run_scoped3A : memref<!tpu.dma_semaphore, #tpu.memory_space<semaphore_mem>>) src(%arg24 : memref<40x128xf32, #tpu.memory_space<vmem>>) dst(%dma_wait3A_180 : memref<40x128xf32, #tpu.memory_space<vmem_shared>>)
      tpu.yield
    }) : () -> ()
    %mul3A_34 = arith.constant 640 : i32
    %mul3A_35 = arith.muli %arg1, %mul3A_34 : i32
    %add3A_36 = arith.constant 40 : i32
    %add3A_37 = arith.addi %mul3A_35, %add3A_36 : i32
    "tpu.region"() ({
      %run_scoped3A = tpu.sem_alloc : memref<!tpu.dma_semaphore, #tpu.memory_space<semaphore_mem>>
      %dma_start3A_173 = arith.constant 0 : i32
      %dma_start3A_174 = tpu.memref_slice %arg25[%add3A_37, %dma_start3A_173] : memref<10240x128xf32, #tpu.memory_space<vmem_shared>> -> memref<40x128xf32, #tpu.memory_space<vmem_shared>>
      %dma_start3A_175 = arith.constant 0 : i32
      %dma_start3A_176 = tpu.memref_slice %arg25[%add3A_37, %dma_start3A_175] : memref<10240x128xf32, #tpu.memory_space<vmem_shared>> -> memref<40x128xf32, #tpu.memory_space<vmem_shared>>
      tpu.enqueue_dma source(%arg24 : memref<40x128xf32, #tpu.memory_space<vmem>>) target(%dma_start3A_176 : memref<40x128xf32, #tpu.memory_space<vmem_shared>>) target_semaphore(%run_scoped3A : memref<!tpu.dma_semaphore, #tpu.memory_space<semaphore_mem>>)
      %dma_wait3A_177 = arith.constant 0 : i32
      %dma_wait3A_178 = tpu.memref_slice %arg25[%add3A_37, %dma_wait3A_177] : memref<10240x128xf32, #tpu.memory_space<vmem_shared>> -> memref<40x128xf32, #tpu.memory_space<vmem_shared>>
      %dma_wait3A_179 = arith.constant 0 : i32
      %dma_wait3A_180 = tpu.memref_slice %arg25[%add3A_37, %dma_wait3A_179] : memref<10240x128xf32, #tpu.memory_space<vmem_shared>> -> memref<40x128xf32, #tpu.memory_space<vmem_shared>>
      tpu.wait_dma2 semaphore(%run_scoped3A : memref<!tpu.dma_semaphore, #tpu.memory_space<semaphore_mem>>) src(%arg24 : memref<40x128xf32, #tpu.memory_space<vmem>>) dst(%dma_wait3A_180 : memref<40x128xf32, #tpu.memory_space<vmem_shared>>)
      tpu.yield
    }) : () -> ()
    %mul3A_38 = arith.constant 640 : i32
    %mul3A_39 = arith.muli %arg1, %mul3A_38 : i32
    %add3A_40 = arith.constant 80 : i32
    %add3A_41 = arith.addi %mul3A_39, %add3A_40 : i32
    "tpu.region"() ({
      %run_scoped3A = tpu.sem_alloc : memref<!tpu.dma_semaphore, #tpu.memory_space<semaphore_mem>>
      %dma_start3A_173 = arith.constant 0 : i32
      %dma_start3A_174 = tpu.memref_slice %arg25[%add3A_41, %dma_start3A_173] : memref<10240x128xf32, #tpu.memory_space<vmem_shared>> -> memref<40x128xf32, #tpu.memory_space<vmem_shared>>
      %dma_start3A_175 = arith.constant 0 : i32
      %dma_start3A_176 = tpu.memref_slice %arg25[%add3A_41, %dma_start3A_175] : memref<10240x128xf32, #tpu.memory_space<vmem_shared>> -> memref<40x128xf32, #tpu.memory_space<vmem_shared>>
      tpu.enqueue_dma source(%arg24 : memref<40x128xf32, #tpu.memory_space<vmem>>) target(%dma_start3A_176 : memref<40x128xf32, #tpu.memory_space<vmem_shared>>) target_semaphore(%run_scoped3A : memref<!tpu.dma_semaphore, #tpu.memory_space<semaphore_mem>>)
      %dma_wait3A_177 = arith.constant 0 : i32
      %dma_wait3A_178 = tpu.memref_slice %arg25[%add3A_41, %dma_wait3A_177] : memref<10240x128xf32, #tpu.memory_space<vmem_shared>> -> memref<40x128xf32, #tpu.memory_space<vmem_shared>>
      %dma_wait3A_179 = arith.constant 0 : i32
      %dma_wait3A_180 = tpu.memref_slice %arg25[%add3A_41, %dma_wait3A_179] : memref<10240x128xf32, #tpu.memory_space<vmem_shared>> -> memref<40x128xf32, #tpu.memory_space<vmem_shared>>
      tpu.wait_dma2 semaphore(%run_scoped3A : memref<!tpu.dma_semaphore, #tpu.memory_space<semaphore_mem>>) src(%arg24 : memref<40x128xf32, #tpu.memory_space<vmem>>) dst(%dma_wait3A_180 : memref<40x128xf32, #tpu.memory_space<vmem_shared>>)
      tpu.yield
    }) : () -> ()
    %mul3A_42 = arith.constant 640 : i32
    %mul3A_43 = arith.muli %arg1, %mul3A_42 : i32
    %add3A_44 = arith.constant 120 : i32
    %add3A_45 = arith.addi %mul3A_43, %add3A_44 : i32
    "tpu.region"() ({
      %run_scoped3A = tpu.sem_alloc : memref<!tpu.dma_semaphore, #tpu.memory_space<semaphore_mem>>
      %dma_start3A_173 = arith.constant 0 : i32
      %dma_start3A_174 = tpu.memref_slice %arg25[%add3A_45, %dma_start3A_173] : memref<10240x128xf32, #tpu.memory_space<vmem_shared>> -> memref<40x128xf32, #tpu.memory_space<vmem_shared>>
      %dma_start3A_175 = arith.constant 0 : i32
      %dma_start3A_176 = tpu.memref_slice %arg25[%add3A_45, %dma_start3A_175] : memref<10240x128xf32, #tpu.memory_space<vmem_shared>> -> memref<40x128xf32, #tpu.memory_space<vmem_shared>>
      tpu.enqueue_dma source(%arg24 : memref<40x128xf32, #tpu.memory_space<vmem>>) target(%dma_start3A_176 : memref<40x128xf32, #tpu.memory_space<vmem_shared>>) target_semaphore(%run_scoped3A : memref<!tpu.dma_semaphore, #tpu.memory_space<semaphore_mem>>)
      %dma_wait3A_177 = arith.constant 0 : i32
      %dma_wait3A_178 = tpu.memref_slice %arg25[%add3A_45, %dma_wait3A_177] : memref<10240x128xf32, #tpu.memory_space<vmem_shared>> -> memref<40x128xf32, #tpu.memory_space<vmem_shared>>
      %dma_wait3A_179 = arith.constant 0 : i32
      %dma_wait3A_180 = tpu.memref_slice %arg25[%add3A_45, %dma_wait3A_179] : memref<10240x128xf32, #tpu.memory_space<vmem_shared>> -> memref<40x128xf32, #tpu.memory_space<vmem_shared>>
      tpu.wait_dma2 semaphore(%run_scoped3A : memref<!tpu.dma_semaphore, #tpu.memory_space<semaphore_mem>>) src(%arg24 : memref<40x128xf32, #tpu.memory_space<vmem>>) dst(%dma_wait3A_180 : memref<40x128xf32, #tpu.memory_space<vmem_shared>>)
      tpu.yield
    }) : () -> ()
    %mul3A_46 = arith.constant 640 : i32
    %mul3A_47 = arith.muli %arg1, %mul3A_46 : i32
    %add3A_48 = arith.constant 160 : i32
    %add3A_49 = arith.addi %mul3A_47, %add3A_48 : i32
    "tpu.region"() ({
      %run_scoped3A = tpu.sem_alloc : memref<!tpu.dma_semaphore, #tpu.memory_space<semaphore_mem>>
      %dma_start3A_173 = arith.constant 0 : i32
      %dma_start3A_174 = tpu.memref_slice %arg25[%add3A_49, %dma_start3A_173] : memref<10240x128xf32, #tpu.memory_space<vmem_shared>> -> memref<40x128xf32, #tpu.memory_space<vmem_shared>>
      %dma_start3A_175 = arith.constant 0 : i32
      %dma_start3A_176 = tpu.memref_slice %arg25[%add3A_49, %dma_start3A_175] : memref<10240x128xf32, #tpu.memory_space<vmem_shared>> -> memref<40x128xf32, #tpu.memory_space<vmem_shared>>
      tpu.enqueue_dma source(%arg24 : memref<40x128xf32, #tpu.memory_space<vmem>>) target(%dma_start3A_176 : memref<40x128xf32, #tpu.memory_space<vmem_shared>>) target_semaphore(%run_scoped3A : memref<!tpu.dma_semaphore, #tpu.memory_space<semaphore_mem>>)
      %dma_wait3A_177 = arith.constant 0 : i32
      %dma_wait3A_178 = tpu.memref_slice %arg25[%add3A_49, %dma_wait3A_177] : memref<10240x128xf32, #tpu.memory_space<vmem_shared>> -> memref<40x128xf32, #tpu.memory_space<vmem_shared>>
      %dma_wait3A_179 = arith.constant 0 : i32
      %dma_wait3A_180 = tpu.memref_slice %arg25[%add3A_49, %dma_wait3A_179] : memref<10240x128xf32, #tpu.memory_space<vmem_shared>> -> memref<40x128xf32, #tpu.memory_space<vmem_shared>>
      tpu.wait_dma2 semaphore(%run_scoped3A : memref<!tpu.dma_semaphore, #tpu.memory_space<semaphore_mem>>) src(%arg24 : memref<40x128xf32, #tpu.memory_space<vmem>>) dst(%dma_wait3A_180 : memref<40x128xf32, #tpu.memory_space<vmem_shared>>)
      tpu.yield
    }) : () -> ()
    %mul3A_50 = arith.constant 640 : i32
    %mul3A_51 = arith.muli %arg1, %mul3A_50 : i32
    %add3A_52 = arith.constant 200 : i32
    %add3A_53 = arith.addi %mul3A_51, %add3A_52 : i32
    "tpu.region"() ({
      %run_scoped3A = tpu.sem_alloc : memref<!tpu.dma_semaphore, #tpu.memory_space<semaphore_mem>>
      %dma_start3A_173 = arith.constant 0 : i32
      %dma_start3A_174 = tpu.memref_slice %arg25[%add3A_53, %dma_start3A_173] : memref<10240x128xf32, #tpu.memory_space<vmem_shared>> -> memref<40x128xf32, #tpu.memory_space<vmem_shared>>
      %dma_start3A_175 = arith.constant 0 : i32
      %dma_start3A_176 = tpu.memref_slice %arg25[%add3A_53, %dma_start3A_175] : memref<10240x128xf32, #tpu.memory_space<vmem_shared>> -> memref<40x128xf32, #tpu.memory_space<vmem_shared>>
      tpu.enqueue_dma source(%arg24 : memref<40x128xf32, #tpu.memory_space<vmem>>) target(%dma_start3A_176 : memref<40x128xf32, #tpu.memory_space<vmem_shared>>) target_semaphore(%run_scoped3A : memref<!tpu.dma_semaphore, #tpu.memory_space<semaphore_mem>>)
      %dma_wait3A_177 = arith.constant 0 : i32
      %dma_wait3A_178 = tpu.memref_slice %arg25[%add3A_53, %dma_wait3A_177] : memref<10240x128xf32, #tpu.memory_space<vmem_shared>> -> memref<40x128xf32, #tpu.memory_space<vmem_shared>>
      %dma_wait3A_179 = arith.constant 0 : i32
      %dma_wait3A_180 = tpu.memref_slice %arg25[%add3A_53, %dma_wait3A_179] : memref<10240x128xf32, #tpu.memory_space<vmem_shared>> -> memref<40x128xf32, #tpu.memory_space<vmem_shared>>
      tpu.wait_dma2 semaphore(%run_scoped3A : memref<!tpu.dma_semaphore, #tpu.memory_space<semaphore_mem>>) src(%arg24 : memref<40x128xf32, #tpu.memory_space<vmem>>) dst(%dma_wait3A_180 : memref<40x128xf32, #tpu.memory_space<vmem_shared>>)
      tpu.yield
    }) : () -> ()
    %mul3A_54 = arith.constant 640 : i32
    %mul3A_55 = arith.muli %arg1, %mul3A_54 : i32
    %add3A_56 = arith.constant 240 : i32
    %add3A_57 = arith.addi %mul3A_55, %add3A_56 : i32
    "tpu.region"() ({
      %run_scoped3A = tpu.sem_alloc : memref<!tpu.dma_semaphore, #tpu.memory_space<semaphore_mem>>
      %dma_start3A_173 = arith.constant 0 : i32
      %dma_start3A_174 = tpu.memref_slice %arg25[%add3A_57, %dma_start3A_173] : memref<10240x128xf32, #tpu.memory_space<vmem_shared>> -> memref<40x128xf32, #tpu.memory_space<vmem_shared>>
      %dma_start3A_175 = arith.constant 0 : i32
      %dma_start3A_176 = tpu.memref_slice %arg25[%add3A_57, %dma_start3A_175] : memref<10240x128xf32, #tpu.memory_space<vmem_shared>> -> memref<40x128xf32, #tpu.memory_space<vmem_shared>>
      tpu.enqueue_dma source(%arg24 : memref<40x128xf32, #tpu.memory_space<vmem>>) target(%dma_start3A_176 : memref<40x128xf32, #tpu.memory_space<vmem_shared>>) target_semaphore(%run_scoped3A : memref<!tpu.dma_semaphore, #tpu.memory_space<semaphore_mem>>)
      %dma_wait3A_177 = arith.constant 0 : i32
      %dma_wait3A_178 = tpu.memref_slice %arg25[%add3A_57, %dma_wait3A_177] : memref<10240x128xf32, #tpu.memory_space<vmem_shared>> -> memref<40x128xf32, #tpu.memory_space<vmem_shared>>
      %dma_wait3A_179 = arith.constant 0 : i32
      %dma_wait3A_180 = tpu.memref_slice %arg25[%add3A_57, %dma_wait3A_179] : memref<10240x128xf32, #tpu.memory_space<vmem_shared>> -> memref<40x128xf32, #tpu.memory_space<vmem_shared>>
      tpu.wait_dma2 semaphore(%run_scoped3A : memref<!tpu.dma_semaphore, #tpu.memory_space<semaphore_mem>>) src(%arg24 : memref<40x128xf32, #tpu.memory_space<vmem>>) dst(%dma_wait3A_180 : memref<40x128xf32, #tpu.memory_space<vmem_shared>>)
      tpu.yield
    }) : () -> ()
    %mul3A_58 = arith.constant 640 : i32
    %mul3A_59 = arith.muli %arg1, %mul3A_58 : i32
    %add3A_60 = arith.constant 280 : i32
    %add3A_61 = arith.addi %mul3A_59, %add3A_60 : i32
    "tpu.region"() ({
      %run_scoped3A = tpu.sem_alloc : memref<!tpu.dma_semaphore, #tpu.memory_space<semaphore_mem>>
      %dma_start3A_173 = arith.constant 0 : i32
      %dma_start3A_174 = tpu.memref_slice %arg25[%add3A_61, %dma_start3A_173] : memref<10240x128xf32, #tpu.memory_space<vmem_shared>> -> memref<40x128xf32, #tpu.memory_space<vmem_shared>>
      %dma_start3A_175 = arith.constant 0 : i32
      %dma_start3A_176 = tpu.memref_slice %arg25[%add3A_61, %dma_start3A_175] : memref<10240x128xf32, #tpu.memory_space<vmem_shared>> -> memref<40x128xf32, #tpu.memory_space<vmem_shared>>
      tpu.enqueue_dma source(%arg24 : memref<40x128xf32, #tpu.memory_space<vmem>>) target(%dma_start3A_176 : memref<40x128xf32, #tpu.memory_space<vmem_shared>>) target_semaphore(%run_scoped3A : memref<!tpu.dma_semaphore, #tpu.memory_space<semaphore_mem>>)
      %dma_wait3A_177 = arith.constant 0 : i32
      %dma_wait3A_178 = tpu.memref_slice %arg25[%add3A_61, %dma_wait3A_177] : memref<10240x128xf32, #tpu.memory_space<vmem_shared>> -> memref<40x128xf32, #tpu.memory_space<vmem_shared>>
      %dma_wait3A_179 = arith.constant 0 : i32
      %dma_wait3A_180 = tpu.memref_slice %arg25[%add3A_61, %dma_wait3A_179] : memref<10240x128xf32, #tpu.memory_space<vmem_shared>> -> memref<40x128xf32, #tpu.memory_space<vmem_shared>>
      tpu.wait_dma2 semaphore(%run_scoped3A : memref<!tpu.dma_semaphore, #tpu.memory_space<semaphore_mem>>) src(%arg24 : memref<40x128xf32, #tpu.memory_space<vmem>>) dst(%dma_wait3A_180 : memref<40x128xf32, #tpu.memory_space<vmem_shared>>)
      tpu.yield
    }) : () -> ()
    %mul3A_62 = arith.constant 640 : i32
    %mul3A_63 = arith.muli %arg1, %mul3A_62 : i32
    %add3A_64 = arith.constant 320 : i32
    %add3A_65 = arith.addi %mul3A_63, %add3A_64 : i32
    "tpu.region"() ({
      %run_scoped3A = tpu.sem_alloc : memref<!tpu.dma_semaphore, #tpu.memory_space<semaphore_mem>>
      %dma_start3A_173 = arith.constant 0 : i32
      %dma_start3A_174 = tpu.memref_slice %arg25[%add3A_65, %dma_start3A_173] : memref<10240x128xf32, #tpu.memory_space<vmem_shared>> -> memref<40x128xf32, #tpu.memory_space<vmem_shared>>
      %dma_start3A_175 = arith.constant 0 : i32
      %dma_start3A_176 = tpu.memref_slice %arg25[%add3A_65, %dma_start3A_175] : memref<10240x128xf32, #tpu.memory_space<vmem_shared>> -> memref<40x128xf32, #tpu.memory_space<vmem_shared>>
      tpu.enqueue_dma source(%arg24 : memref<40x128xf32, #tpu.memory_space<vmem>>) target(%dma_start3A_176 : memref<40x128xf32, #tpu.memory_space<vmem_shared>>) target_semaphore(%run_scoped3A : memref<!tpu.dma_semaphore, #tpu.memory_space<semaphore_mem>>)
      %dma_wait3A_177 = arith.constant 0 : i32
      %dma_wait3A_178 = tpu.memref_slice %arg25[%add3A_65, %dma_wait3A_177] : memref<10240x128xf32, #tpu.memory_space<vmem_shared>> -> memref<40x128xf32, #tpu.memory_space<vmem_shared>>
      %dma_wait3A_179 = arith.constant 0 : i32
      %dma_wait3A_180 = tpu.memref_slice %arg25[%add3A_65, %dma_wait3A_179] : memref<10240x128xf32, #tpu.memory_space<vmem_shared>> -> memref<40x128xf32, #tpu.memory_space<vmem_shared>>
      tpu.wait_dma2 semaphore(%run_scoped3A : memref<!tpu.dma_semaphore, #tpu.memory_space<semaphore_mem>>) src(%arg24 : memref<40x128xf32, #tpu.memory_space<vmem>>) dst(%dma_wait3A_180 : memref<40x128xf32, #tpu.memory_space<vmem_shared>>)
      tpu.yield
    }) : () -> ()
    %mul3A_66 = arith.constant 640 : i32
    %mul3A_67 = arith.muli %arg1, %mul3A_66 : i32
    %add3A_68 = arith.constant 360 : i32
    %add3A_69 = arith.addi %mul3A_67, %add3A_68 : i32
    "tpu.region"() ({
      %run_scoped3A = tpu.sem_alloc : memref<!tpu.dma_semaphore, #tpu.memory_space<semaphore_mem>>
      %dma_start3A_173 = arith.constant 0 : i32
      %dma_start3A_174 = tpu.memref_slice %arg25[%add3A_69, %dma_start3A_173] : memref<10240x128xf32, #tpu.memory_space<vmem_shared>> -> memref<40x128xf32, #tpu.memory_space<vmem_shared>>
      %dma_start3A_175 = arith.constant 0 : i32
      %dma_start3A_176 = tpu.memref_slice %arg25[%add3A_69, %dma_start3A_175] : memref<10240x128xf32, #tpu.memory_space<vmem_shared>> -> memref<40x128xf32, #tpu.memory_space<vmem_shared>>
      tpu.enqueue_dma source(%arg24 : memref<40x128xf32, #tpu.memory_space<vmem>>) target(%dma_start3A_176 : memref<40x128xf32, #tpu.memory_space<vmem_shared>>) target_semaphore(%run_scoped3A : memref<!tpu.dma_semaphore, #tpu.memory_space<semaphore_mem>>)
      %dma_wait3A_177 = arith.constant 0 : i32
      %dma_wait3A_178 = tpu.memref_slice %arg25[%add3A_69, %dma_wait3A_177] : memref<10240x128xf32, #tpu.memory_space<vmem_shared>> -> memref<40x128xf32, #tpu.memory_space<vmem_shared>>
      %dma_wait3A_179 = arith.constant 0 : i32
      %dma_wait3A_180 = tpu.memref_slice %arg25[%add3A_69, %dma_wait3A_179] : memref<10240x128xf32, #tpu.memory_space<vmem_shared>> -> memref<40x128xf32, #tpu.memory_space<vmem_shared>>
      tpu.wait_dma2 semaphore(%run_scoped3A : memref<!tpu.dma_semaphore, #tpu.memory_space<semaphore_mem>>) src(%arg24 : memref<40x128xf32, #tpu.memory_space<vmem>>) dst(%dma_wait3A_180 : memref<40x128xf32, #tpu.memory_space<vmem_shared>>)
      tpu.yield
    }) : () -> ()
    %mul3A_70 = arith.constant 640 : i32
    %mul3A_71 = arith.muli %arg1, %mul3A_70 : i32
    %add3A_72 = arith.constant 400 : i32
    %add3A_73 = arith.addi %mul3A_71, %add3A_72 : i32
    "tpu.region"() ({
      %run_scoped3A = tpu.sem_alloc : memref<!tpu.dma_semaphore, #tpu.memory_space<semaphore_mem>>
      %dma_start3A_173 = arith.constant 0 : i32
      %dma_start3A_174 = tpu.memref_slice %arg25[%add3A_73, %dma_start3A_173] : memref<10240x128xf32, #tpu.memory_space<vmem_shared>> -> memref<40x128xf32, #tpu.memory_space<vmem_shared>>
      %dma_start3A_175 = arith.constant 0 : i32
      %dma_start3A_176 = tpu.memref_slice %arg25[%add3A_73, %dma_start3A_175] : memref<10240x128xf32, #tpu.memory_space<vmem_shared>> -> memref<40x128xf32, #tpu.memory_space<vmem_shared>>
      tpu.enqueue_dma source(%arg24 : memref<40x128xf32, #tpu.memory_space<vmem>>) target(%dma_start3A_176 : memref<40x128xf32, #tpu.memory_space<vmem_shared>>) target_semaphore(%run_scoped3A : memref<!tpu.dma_semaphore, #tpu.memory_space<semaphore_mem>>)
      %dma_wait3A_177 = arith.constant 0 : i32
      %dma_wait3A_178 = tpu.memref_slice %arg25[%add3A_73, %dma_wait3A_177] : memref<10240x128xf32, #tpu.memory_space<vmem_shared>> -> memref<40x128xf32, #tpu.memory_space<vmem_shared>>
      %dma_wait3A_179 = arith.constant 0 : i32
      %dma_wait3A_180 = tpu.memref_slice %arg25[%add3A_73, %dma_wait3A_179] : memref<10240x128xf32, #tpu.memory_space<vmem_shared>> -> memref<40x128xf32, #tpu.memory_space<vmem_shared>>
      tpu.wait_dma2 semaphore(%run_scoped3A : memref<!tpu.dma_semaphore, #tpu.memory_space<semaphore_mem>>) src(%arg24 : memref<40x128xf32, #tpu.memory_space<vmem>>) dst(%dma_wait3A_180 : memref<40x128xf32, #tpu.memory_space<vmem_shared>>)
      tpu.yield
    }) : () -> ()
    %mul3A_74 = arith.constant 640 : i32
    %mul3A_75 = arith.muli %arg1, %mul3A_74 : i32
    %add3A_76 = arith.constant 440 : i32
    %add3A_77 = arith.addi %mul3A_75, %add3A_76 : i32
    "tpu.region"() ({
      %run_scoped3A = tpu.sem_alloc : memref<!tpu.dma_semaphore, #tpu.memory_space<semaphore_mem>>
      %dma_start3A_173 = arith.constant 0 : i32
      %dma_start3A_174 = tpu.memref_slice %arg25[%add3A_77, %dma_start3A_173] : memref<10240x128xf32, #tpu.memory_space<vmem_shared>> -> memref<40x128xf32, #tpu.memory_space<vmem_shared>>
      %dma_start3A_175 = arith.constant 0 : i32
      %dma_start3A_176 = tpu.memref_slice %arg25[%add3A_77, %dma_start3A_175] : memref<10240x128xf32, #tpu.memory_space<vmem_shared>> -> memref<40x128xf32, #tpu.memory_space<vmem_shared>>
      tpu.enqueue_dma source(%arg24 : memref<40x128xf32, #tpu.memory_space<vmem>>) target(%dma_start3A_176 : memref<40x128xf32, #tpu.memory_space<vmem_shared>>) target_semaphore(%run_scoped3A : memref<!tpu.dma_semaphore, #tpu.memory_space<semaphore_mem>>)
      %dma_wait3A_177 = arith.constant 0 : i32
      %dma_wait3A_178 = tpu.memref_slice %arg25[%add3A_77, %dma_wait3A_177] : memref<10240x128xf32, #tpu.memory_space<vmem_shared>> -> memref<40x128xf32, #tpu.memory_space<vmem_shared>>
      %dma_wait3A_179 = arith.constant 0 : i32
      %dma_wait3A_180 = tpu.memref_slice %arg25[%add3A_77, %dma_wait3A_179] : memref<10240x128xf32, #tpu.memory_space<vmem_shared>> -> memref<40x128xf32, #tpu.memory_space<vmem_shared>>
      tpu.wait_dma2 semaphore(%run_scoped3A : memref<!tpu.dma_semaphore, #tpu.memory_space<semaphore_mem>>) src(%arg24 : memref<40x128xf32, #tpu.memory_space<vmem>>) dst(%dma_wait3A_180 : memref<40x128xf32, #tpu.memory_space<vmem_shared>>)
      tpu.yield
    }) : () -> ()
    %mul3A_78 = arith.constant 640 : i32
    %mul3A_79 = arith.muli %arg1, %mul3A_78 : i32
    %add3A_80 = arith.constant 480 : i32
    %add3A_81 = arith.addi %mul3A_79, %add3A_80 : i32
    "tpu.region"() ({
      %run_scoped3A = tpu.sem_alloc : memref<!tpu.dma_semaphore, #tpu.memory_space<semaphore_mem>>
      %dma_start3A_173 = arith.constant 0 : i32
      %dma_start3A_174 = tpu.memref_slice %arg25[%add3A_81, %dma_start3A_173] : memref<10240x128xf32, #tpu.memory_space<vmem_shared>> -> memref<40x128xf32, #tpu.memory_space<vmem_shared>>
      %dma_start3A_175 = arith.constant 0 : i32
      %dma_start3A_176 = tpu.memref_slice %arg25[%add3A_81, %dma_start3A_175] : memref<10240x128xf32, #tpu.memory_space<vmem_shared>> -> memref<40x128xf32, #tpu.memory_space<vmem_shared>>
      tpu.enqueue_dma source(%arg24 : memref<40x128xf32, #tpu.memory_space<vmem>>) target(%dma_start3A_176 : memref<40x128xf32, #tpu.memory_space<vmem_shared>>) target_semaphore(%run_scoped3A : memref<!tpu.dma_semaphore, #tpu.memory_space<semaphore_mem>>)
      %dma_wait3A_177 = arith.constant 0 : i32
      %dma_wait3A_178 = tpu.memref_slice %arg25[%add3A_81, %dma_wait3A_177] : memref<10240x128xf32, #tpu.memory_space<vmem_shared>> -> memref<40x128xf32, #tpu.memory_space<vmem_shared>>
      %dma_wait3A_179 = arith.constant 0 : i32
      %dma_wait3A_180 = tpu.memref_slice %arg25[%add3A_81, %dma_wait3A_179] : memref<10240x128xf32, #tpu.memory_space<vmem_shared>> -> memref<40x128xf32, #tpu.memory_space<vmem_shared>>
      tpu.wait_dma2 semaphore(%run_scoped3A : memref<!tpu.dma_semaphore, #tpu.memory_space<semaphore_mem>>) src(%arg24 : memref<40x128xf32, #tpu.memory_space<vmem>>) dst(%dma_wait3A_180 : memref<40x128xf32, #tpu.memory_space<vmem_shared>>)
      tpu.yield
    }) : () -> ()
    %mul3A_82 = arith.constant 640 : i32
    %mul3A_83 = arith.muli %arg1, %mul3A_82 : i32
    %add3A_84 = arith.constant 520 : i32
    %add3A_85 = arith.addi %mul3A_83, %add3A_84 : i32
    "tpu.region"() ({
      %run_scoped3A = tpu.sem_alloc : memref<!tpu.dma_semaphore, #tpu.memory_space<semaphore_mem>>
      %dma_start3A_173 = arith.constant 0 : i32
      %dma_start3A_174 = tpu.memref_slice %arg25[%add3A_85, %dma_start3A_173] : memref<10240x128xf32, #tpu.memory_space<vmem_shared>> -> memref<40x128xf32, #tpu.memory_space<vmem_shared>>
      %dma_start3A_175 = arith.constant 0 : i32
      %dma_start3A_176 = tpu.memref_slice %arg25[%add3A_85, %dma_start3A_175] : memref<10240x128xf32, #tpu.memory_space<vmem_shared>> -> memref<40x128xf32, #tpu.memory_space<vmem_shared>>
      tpu.enqueue_dma source(%arg24 : memref<40x128xf32, #tpu.memory_space<vmem>>) target(%dma_start3A_176 : memref<40x128xf32, #tpu.memory_space<vmem_shared>>) target_semaphore(%run_scoped3A : memref<!tpu.dma_semaphore, #tpu.memory_space<semaphore_mem>>)
      %dma_wait3A_177 = arith.constant 0 : i32
      %dma_wait3A_178 = tpu.memref_slice %arg25[%add3A_85, %dma_wait3A_177] : memref<10240x128xf32, #tpu.memory_space<vmem_shared>> -> memref<40x128xf32, #tpu.memory_space<vmem_shared>>
      %dma_wait3A_179 = arith.constant 0 : i32
      %dma_wait3A_180 = tpu.memref_slice %arg25[%add3A_85, %dma_wait3A_179] : memref<10240x128xf32, #tpu.memory_space<vmem_shared>> -> memref<40x128xf32, #tpu.memory_space<vmem_shared>>
      tpu.wait_dma2 semaphore(%run_scoped3A : memref<!tpu.dma_semaphore, #tpu.memory_space<semaphore_mem>>) src(%arg24 : memref<40x128xf32, #tpu.memory_space<vmem>>) dst(%dma_wait3A_180 : memref<40x128xf32, #tpu.memory_space<vmem_shared>>)
      tpu.yield
    }) : () -> ()
    %mul3A_86 = arith.constant 640 : i32
    %mul3A_87 = arith.muli %arg1, %mul3A_86 : i32
    %add3A_88 = arith.constant 560 : i32
    %add3A_89 = arith.addi %mul3A_87, %add3A_88 : i32
    "tpu.region"() ({
      %run_scoped3A = tpu.sem_alloc : memref<!tpu.dma_semaphore, #tpu.memory_space<semaphore_mem>>
      %dma_start3A_173 = arith.constant 0 : i32
      %dma_start3A_174 = tpu.memref_slice %arg25[%add3A_89, %dma_start3A_173] : memref<10240x128xf32, #tpu.memory_space<vmem_shared>> -> memref<40x128xf32, #tpu.memory_space<vmem_shared>>
      %dma_start3A_175 = arith.constant 0 : i32
      %dma_start3A_176 = tpu.memref_slice %arg25[%add3A_89, %dma_start3A_175] : memref<10240x128xf32, #tpu.memory_space<vmem_shared>> -> memref<40x128xf32, #tpu.memory_space<vmem_shared>>
      tpu.enqueue_dma source(%arg24 : memref<40x128xf32, #tpu.memory_space<vmem>>) target(%dma_start3A_176 : memref<40x128xf32, #tpu.memory_space<vmem_shared>>) target_semaphore(%run_scoped3A : memref<!tpu.dma_semaphore, #tpu.memory_space<semaphore_mem>>)
      %dma_wait3A_177 = arith.constant 0 : i32
      %dma_wait3A_178 = tpu.memref_slice %arg25[%add3A_89, %dma_wait3A_177] : memref<10240x128xf32, #tpu.memory_space<vmem_shared>> -> memref<40x128xf32, #tpu.memory_space<vmem_shared>>
      %dma_wait3A_179 = arith.constant 0 : i32
      %dma_wait3A_180 = tpu.memref_slice %arg25[%add3A_89, %dma_wait3A_179] : memref<10240x128xf32, #tpu.memory_space<vmem_shared>> -> memref<40x128xf32, #tpu.memory_space<vmem_shared>>
      tpu.wait_dma2 semaphore(%run_scoped3A : memref<!tpu.dma_semaphore, #tpu.memory_space<semaphore_mem>>) src(%arg24 : memref<40x128xf32, #tpu.memory_space<vmem>>) dst(%dma_wait3A_180 : memref<40x128xf32, #tpu.memory_space<vmem_shared>>)
      tpu.yield
    }) : () -> ()
    %mul3A_90 = arith.constant 640 : i32
    %mul3A_91 = arith.muli %arg1, %mul3A_90 : i32
    %add3A_92 = arith.constant 600 : i32
    %add3A_93 = arith.addi %mul3A_91, %add3A_92 : i32
    "tpu.region"() ({
      %run_scoped3A = tpu.sem_alloc : memref<!tpu.dma_semaphore, #tpu.memory_space<semaphore_mem>>
      %dma_start3A_173 = arith.constant 0 : i32
      %dma_start3A_174 = tpu.memref_slice %arg25[%add3A_93, %dma_start3A_173] : memref<10240x128xf32, #tpu.memory_space<vmem_shared>> -> memref<40x128xf32, #tpu.memory_space<vmem_shared>>
      %dma_start3A_175 = arith.constant 0 : i32
      %dma_start3A_176 = tpu.memref_slice %arg25[%add3A_93, %dma_start3A_175] : memref<10240x128xf32, #tpu.memory_space<vmem_shared>> -> memref<40x128xf32, #tpu.memory_space<vmem_shared>>
      tpu.enqueue_dma source(%arg24 : memref<40x128xf32, #tpu.memory_space<vmem>>) target(%dma_start3A_176 : memref<40x128xf32, #tpu.memory_space<vmem_shared>>) target_semaphore(%run_scoped3A : memref<!tpu.dma_semaphore, #tpu.memory_space<semaphore_mem>>)
      %dma_wait3A_177 = arith.constant 0 : i32
      %dma_wait3A_178 = tpu.memref_slice %arg25[%add3A_93, %dma_wait3A_177] : memref<10240x128xf32, #tpu.memory_space<vmem_shared>> -> memref<40x128xf32, #tpu.memory_space<vmem_shared>>
      %dma_wait3A_179 = arith.constant 0 : i32
      %dma_wait3A_180 = tpu.memref_slice %arg25[%add3A_93, %dma_wait3A_179] : memref<10240x128xf32, #tpu.memory_space<vmem_shared>> -> memref<40x128xf32, #tpu.memory_space<vmem_shared>>
      tpu.wait_dma2 semaphore(%run_scoped3A : memref<!tpu.dma_semaphore, #tpu.memory_space<semaphore_mem>>) src(%arg24 : memref<40x128xf32, #tpu.memory_space<vmem>>) dst(%dma_wait3A_180 : memref<40x128xf32, #tpu.memory_space<vmem_shared>>)
      tpu.yield
    }) : () -> ()
    %barrier3A = arith.constant 0 : index
    tpu.barrier barrier_id(%barrier3A)
    %scan3A_94 = arith.constant 0 : i32
    %scan3A_95 = arith.constant 0 : i32
    %scan3A_96 = arith.constant 63 : i32
    %scan3A_97 = arith.addi %scan3A_95, %scan3A_96 : i32
    %scan3A_98 = arith.constant 1 : i32
    scf.for %scan3A_173 = %scan3A_95 to %scan3A_97 step %scan3A_98  : i32 {
      %mul3A_174 = arith.constant 4 : i32
      %mul3A_175 = arith.muli %mul3A_174, %scan3A_173 : i32
      %add3A_176 = arith.constant 0 : i32
      %add3A_177 = arith.addi %mul3A_175, %add3A_176 : i32
      %mul3A_178 = arith.constant 40 : i32
      %mul3A_179 = arith.muli %add3A_177, %mul3A_178 : i32
      %add3A_180 = arith.addi %mul3A_2, %mul3A_179 : i32
      %ge3A = arith.constant 1 : i32
      %ge3A_181 = arith.cmpi sge, %add3A_177, %ge3A : i32
      %lt3A_182 = arith.constant 250 : i32
      %lt3A_183 = arith.cmpi slt, %add3A_177, %lt3A_182 : i32
      %and3A = arith.andi %ge3A_181, %lt3A_183 : i1
      %convert_element_type3A_184 = arith.extui %and3A : i1 to i32
      %cond3A_185 = arith.constant 0 : i32
      %cond3A_186 = arith.cmpi ne, %convert_element_type3A_184, %cond3A_185 : i32
      scf.if %cond3A_186 {
        %dma_wait3A_308 = arith.constant 0 : i32
        %dma_wait3A_309 = arith.constant 0 : i32
        %dma_wait3A_310 = tpu.memref_slice %arg25[%dma_wait3A_308, %dma_wait3A_309] : memref<10240x128xf32, #tpu.memory_space<vmem_shared>> -> memref<10240x128xf32, #tpu.memory_space<vmem_shared>>
        tpu.wait_indirect_dma semaphore(%arg37 : memref<!tpu.dma_semaphore, #tpu.memory_space<semaphore_mem>>) src(%arg23 : memref<40x128xf32, #tpu.memory_space<vmem>>) dst(%dma_wait3A_310 : memref<10240x128xf32, #tpu.memory_space<vmem_shared>>)
      } else {
      }
      %add3A_187 = arith.constant 2 : i32
      %add3A_188 = arith.addi %add3A_177, %add3A_187 : i32
      %lt3A_189 = arith.constant 250 : i32
      %lt3A_190 = arith.cmpi slt, %add3A_188, %lt3A_189 : i32
      %convert_element_type3A_191 = arith.extui %lt3A_190 : i1 to i32
      %cond3A_192 = arith.constant 0 : i32
      %cond3A_193 = arith.cmpi ne, %convert_element_type3A_191, %cond3A_192 : i32
      scf.if %cond3A_193 {
        %add3A_308 = arith.constant 80 : i32
        %add3A_309 = arith.addi %add3A_180, %add3A_308 : i32
        %dma_start3A_310 = tpu.memref_slice %arg5[%add3A_309] : memref<320000xi32, #tpu.memory_space<hbm>> -> memref<40xi32, #tpu.memory_space<hbm>>
        %dma_start3A_311 = tpu.memref_slice %arg5[%add3A_309] : memref<320000xi32, #tpu.memory_space<hbm>> -> memref<40xi32, #tpu.memory_space<hbm>>
        tpu.enqueue_dma source(%dma_start3A_311 : memref<40xi32, #tpu.memory_space<hbm>>) target(%arg10 : memref<40xi32, #tpu.memory_space<vmem>>) target_semaphore(%arg28 : memref<!tpu.dma_semaphore, #tpu.memory_space<semaphore_mem>>)
        %dma_start3A_312 = tpu.memref_slice %arg6[%add3A_309] : memref<320000xi32, #tpu.memory_space<hbm>> -> memref<40xi32, #tpu.memory_space<hbm>>
        %dma_start3A_313 = tpu.memref_slice %arg6[%add3A_309] : memref<320000xi32, #tpu.memory_space<hbm>> -> memref<40xi32, #tpu.memory_space<hbm>>
        tpu.enqueue_dma source(%dma_start3A_313 : memref<40xi32, #tpu.memory_space<hbm>>) target(%arg14 : memref<40xi32, #tpu.memory_space<vmem>>) target_semaphore(%arg28 : memref<!tpu.dma_semaphore, #tpu.memory_space<semaphore_mem>>)
      } else {
      }
      %add3A_194 = arith.constant 1 : i32
      %add3A_195 = arith.addi %add3A_177, %add3A_194 : i32
      %lt3A_196 = arith.constant 250 : i32
      %lt3A_197 = arith.cmpi slt, %add3A_195, %lt3A_196 : i32
      %convert_element_type3A_198 = arith.extui %lt3A_197 : i1 to i32
      %cond3A_199 = arith.constant 0 : i32
      %cond3A_200 = arith.cmpi ne, %convert_element_type3A_198, %cond3A_199 : i32
      scf.if %cond3A_200 {
        %add3A_308 = arith.constant 40 : i32
        %add3A_309 = arith.addi %add3A_180, %add3A_308 : i32
        %dma_wait3A_310 = tpu.memref_slice %arg5[%add3A_309] : memref<320000xi32, #tpu.memory_space<hbm>> -> memref<40xi32, #tpu.memory_space<hbm>>
        %dma_wait3A_311 = tpu.memref_slice %arg5[%add3A_309] : memref<320000xi32, #tpu.memory_space<hbm>> -> memref<40xi32, #tpu.memory_space<hbm>>
        tpu.wait_dma2 semaphore(%arg27 : memref<!tpu.dma_semaphore, #tpu.memory_space<semaphore_mem>>) src(%dma_wait3A_311 : memref<40xi32, #tpu.memory_space<hbm>>) dst(%arg9 : memref<40xi32, #tpu.memory_space<vmem>>)
        %dma_wait3A_312 = tpu.memref_slice %arg6[%add3A_309] : memref<320000xi32, #tpu.memory_space<hbm>> -> memref<40xi32, #tpu.memory_space<hbm>>
        %dma_wait3A_313 = tpu.memref_slice %arg6[%add3A_309] : memref<320000xi32, #tpu.memory_space<hbm>> -> memref<40xi32, #tpu.memory_space<hbm>>
        tpu.wait_dma2 semaphore(%arg27 : memref<!tpu.dma_semaphore, #tpu.memory_space<semaphore_mem>>) src(%dma_wait3A_313 : memref<40xi32, #tpu.memory_space<hbm>>) dst(%arg13 : memref<40xi32, #tpu.memory_space<vmem>>)
        %add3A_314 = arith.constant 40 : i32
        %add3A_315 = arith.addi %add3A_180, %add3A_314 : i32
        %dma_start3A_316 = arith.constant 0 : i32
        %dma_start3A_317 = arith.constant 0 : i32
        %dma_start3A_318 = tpu.memref_slice %arg2[%dma_start3A_316, %dma_start3A_317] : memref<10000x128xf32, #tpu.memory_space<hbm>> -> memref<10000x128xf32, #tpu.memory_space<hbm>>
        tpu.enqueue_indirect_dma source(%dma_start3A_318 : memref<10000x128xf32, #tpu.memory_space<hbm>>) target(%arg17 : memref<40x128xf32, #tpu.memory_space<vmem>>) offsets(%arg9 : memref<40xi32, #tpu.memory_space<vmem>>) semaphore(%arg31 : memref<!tpu.dma_semaphore, #tpu.memory_space<semaphore_mem>>)
        %dma_start3A_319 = arith.constant 0 : i32
        %dma_start3A_320 = arith.constant 0 : i32
        %dma_start3A_321 = tpu.memref_slice %arg3[%dma_start3A_319, %dma_start3A_320] : memref<10000x128xf32, #tpu.memory_space<hbm>> -> memref<10000x128xf32, #tpu.memory_space<hbm>>
        tpu.enqueue_indirect_dma source(%dma_start3A_321 : memref<10000x128xf32, #tpu.memory_space<hbm>>) target(%arg19 : memref<40x128xf32, #tpu.memory_space<vmem>>) offsets(%arg13 : memref<40xi32, #tpu.memory_space<vmem>>) semaphore(%arg33 : memref<!tpu.dma_semaphore, #tpu.memory_space<semaphore_mem>>)
        %dma_start3A_322 = arith.constant 0 : i32
        %dma_start3A_323 = tpu.memref_slice %arg4[%add3A_315, %dma_start3A_322] : memref<320000x128xf32, #tpu.memory_space<hbm>> -> memref<40x128xf32, #tpu.memory_space<hbm>>
        %dma_start3A_324 = arith.constant 0 : i32
        %dma_start3A_325 = tpu.memref_slice %arg4[%add3A_315, %dma_start3A_324] : memref<320000x128xf32, #tpu.memory_space<hbm>> -> memref<40x128xf32, #tpu.memory_space<hbm>>
        tpu.enqueue_dma source(%dma_start3A_325 : memref<40x128xf32, #tpu.memory_space<hbm>>) target(%arg21 : memref<40x128xf32, #tpu.memory_space<vmem>>) target_semaphore(%arg35 : memref<!tpu.dma_semaphore, #tpu.memory_space<semaphore_mem>>)
      } else {
      }
      %lt3A_201 = arith.constant 250 : i32
      %lt3A_202 = arith.cmpi slt, %add3A_177, %lt3A_201 : i32
      %convert_element_type3A_203 = arith.extui %lt3A_202 : i1 to i32
      %cond3A_204 = arith.constant 0 : i32
      %cond3A_205 = arith.cmpi ne, %convert_element_type3A_203, %cond3A_204 : i32
      scf.if %cond3A_205 {
        %dma_wait3A_308 = arith.constant 0 : i32
        %dma_wait3A_309 = arith.constant 0 : i32
        %dma_wait3A_310 = tpu.memref_slice %arg2[%dma_wait3A_308, %dma_wait3A_309] : memref<10000x128xf32, #tpu.memory_space<hbm>> -> memref<10000x128xf32, #tpu.memory_space<hbm>>
        tpu.wait_indirect_dma semaphore(%arg30 : memref<!tpu.dma_semaphore, #tpu.memory_space<semaphore_mem>>) src(%dma_wait3A_310 : memref<10000x128xf32, #tpu.memory_space<hbm>>) dst(%arg16 : memref<40x128xf32, #tpu.memory_space<vmem>>)
        %dma_wait3A_311 = arith.constant 0 : i32
        %dma_wait3A_312 = arith.constant 0 : i32
        %dma_wait3A_313 = tpu.memref_slice %arg3[%dma_wait3A_311, %dma_wait3A_312] : memref<10000x128xf32, #tpu.memory_space<hbm>> -> memref<10000x128xf32, #tpu.memory_space<hbm>>
        tpu.wait_indirect_dma semaphore(%arg32 : memref<!tpu.dma_semaphore, #tpu.memory_space<semaphore_mem>>) src(%dma_wait3A_313 : memref<10000x128xf32, #tpu.memory_space<hbm>>) dst(%arg18 : memref<40x128xf32, #tpu.memory_space<vmem>>)
        %dma_wait3A_314 = arith.constant 0 : i32
        %dma_wait3A_315 = tpu.memref_slice %arg4[%add3A_180, %dma_wait3A_314] : memref<320000x128xf32, #tpu.memory_space<hbm>> -> memref<40x128xf32, #tpu.memory_space<hbm>>
        %dma_wait3A_316 = arith.constant 0 : i32
        %dma_wait3A_317 = tpu.memref_slice %arg4[%add3A_180, %dma_wait3A_316] : memref<320000x128xf32, #tpu.memory_space<hbm>> -> memref<40x128xf32, #tpu.memory_space<hbm>>
        tpu.wait_dma2 semaphore(%arg34 : memref<!tpu.dma_semaphore, #tpu.memory_space<semaphore_mem>>) src(%dma_wait3A_317 : memref<40x128xf32, #tpu.memory_space<hbm>>) dst(%arg20 : memref<40x128xf32, #tpu.memory_space<vmem>>)
        %scan3A_318 = arith.constant 0 : i32
        %scan3A_319 = arith.constant 0 : i32
        %scan3A_320 = arith.constant 40 : i32
        %scan3A_321 = arith.addi %scan3A_319, %scan3A_320 : i32
        %scan3A_322 = arith.constant 1 : i32
        scf.for %scan3A_327 = %scan3A_319 to %scan3A_321 step %scan3A_322  : i32 {
          %get3A = arith.index_cast %scan3A_327 : i32 to index
          %get3A_328 = arith.constant 0 : index
          %get3A_329 = tpu.vector_load %arg16[%get3A, %get3A_328] {strides = array<i32>} : memref<40x128xf32, #tpu.memory_space<vmem>>, vector<1x16xf32>,
          %get3A_330 = vector.shape_cast %get3A_329 : vector<1x16xf32> to vector<16xf32>
          %get3A_331 = arith.index_cast %scan3A_327 : i32 to index
          %get3A_332 = arith.constant 0 : index
          %get3A_333 = tpu.vector_load %arg18[%get3A_331, %get3A_332] {strides = array<i32>} : memref<40x128xf32, #tpu.memory_space<vmem>>, vector<1x16xf32>,
          %get3A_334 = vector.shape_cast %get3A_333 : vector<1x16xf32> to vector<16xf32>
          %add3A_335 = arith.addf %get3A_330, %get3A_334 : vector<16xf32>
          %get3A_336 = arith.index_cast %scan3A_327 : i32 to index
          %get3A_337 = arith.constant 0 : index
          %get3A_338 = tpu.vector_load %arg20[%get3A_336, %get3A_337] {strides = array<i32>} : memref<40x128xf32, #tpu.memory_space<vmem>>, vector<1x16xf32>,
          %get3A_339 = vector.shape_cast %get3A_338 : vector<1x16xf32> to vector<16xf32>
          %add3A_340 = arith.addf %add3A_335, %get3A_339 : vector<16xf32>
          %max3A = arith.constant 0.000000e+00 : f32
          %max3A_341 = vector.broadcast %max3A : f32 to vector<16xf32>
          %max3A_342 = arith.maximumf %add3A_340, %max3A_341 : vector<16xf32>
          %swap3A = arith.index_cast %scan3A_327 : i32 to index
          %swap3A_343 = arith.constant 0 : index
          %swap3A_344 = tpu.vector_load %arg22[%swap3A, %swap3A_343] {strides = array<i32>} : memref<40x128xf32, #tpu.memory_space<vmem>>, vector<1x16xf32>,
          %swap3A_345 = vector.shape_cast %swap3A_344 : vector<1x16xf32> to vector<16xf32>
          %swap3A_346 = vector.shape_cast %max3A_342 : vector<16xf32> to vector<1x16xf32>
          tpu.vector_store %arg22[%swap3A, %swap3A_343], %swap3A_346 {strides = array<i32>} : memref<40x128xf32, #tpu.memory_space<vmem>>, vector<1x16xf32>,
          %get3A_347 = arith.index_cast %scan3A_327 : i32 to index
          %get3A_348 = arith.constant 16 : index
          %get3A_349 = tpu.vector_load %arg16[%get3A_347, %get3A_348] {strides = array<i32>} : memref<40x128xf32, #tpu.memory_space<vmem>>, vector<1x16xf32>,
          %get3A_350 = vector.shape_cast %get3A_349 : vector<1x16xf32> to vector<16xf32>
          %get3A_351 = arith.index_cast %scan3A_327 : i32 to index
          %get3A_352 = arith.constant 16 : index
          %get3A_353 = tpu.vector_load %arg18[%get3A_351, %get3A_352] {strides = array<i32>} : memref<40x128xf32, #tpu.memory_space<vmem>>, vector<1x16xf32>,
          %get3A_354 = vector.shape_cast %get3A_353 : vector<1x16xf32> to vector<16xf32>
          %add3A_355 = arith.addf %get3A_350, %get3A_354 : vector<16xf32>
          %get3A_356 = arith.index_cast %scan3A_327 : i32 to index
          %get3A_357 = arith.constant 16 : index
          %get3A_358 = tpu.vector_load %arg20[%get3A_356, %get3A_357] {strides = array<i32>} : memref<40x128xf32, #tpu.memory_space<vmem>>, vector<1x16xf32>,
          %get3A_359 = vector.shape_cast %get3A_358 : vector<1x16xf32> to vector<16xf32>
          %add3A_360 = arith.addf %add3A_355, %get3A_359 : vector<16xf32>
          %max3A_361 = arith.constant 0.000000e+00 : f32
          %max3A_362 = vector.broadcast %max3A_361 : f32 to vector<16xf32>
          %max3A_363 = arith.maximumf %add3A_360, %max3A_362 : vector<16xf32>
          %swap3A_364 = arith.index_cast %scan3A_327 : i32 to index
          %swap3A_365 = arith.constant 16 : index
          %swap3A_366 = tpu.vector_load %arg22[%swap3A_364, %swap3A_365] {strides = array<i32>} : memref<40x128xf32, #tpu.memory_space<vmem>>, vector<1x16xf32>,
          %swap3A_367 = vector.shape_cast %swap3A_366 : vector<1x16xf32> to vector<16xf32>
          %swap3A_368 = vector.shape_cast %max3A_363 : vector<16xf32> to vector<1x16xf32>
          tpu.vector_store %arg22[%swap3A_364, %swap3A_365], %swap3A_368 {strides = array<i32>} : memref<40x128xf32, #tpu.memory_space<vmem>>, vector<1x16xf32>,
          %get3A_369 = arith.index_cast %scan3A_327 : i32 to index
          %get3A_370 = arith.constant 32 : index
          %get3A_371 = tpu.vector_load %arg16[%get3A_369, %get3A_370] {strides = array<i32>} : memref<40x128xf32, #tpu.memory_space<vmem>>, vector<1x16xf32>,
          %get3A_372 = vector.shape_cast %get3A_371 : vector<1x16xf32> to vector<16xf32>
          %get3A_373 = arith.index_cast %scan3A_327 : i32 to index
          %get3A_374 = arith.constant 32 : index
          %get3A_375 = tpu.vector_load %arg18[%get3A_373, %get3A_374] {strides = array<i32>} : memref<40x128xf32, #tpu.memory_space<vmem>>, vector<1x16xf32>,
          %get3A_376 = vector.shape_cast %get3A_375 : vector<1x16xf32> to vector<16xf32>
          %add3A_377 = arith.addf %get3A_372, %get3A_376 : vector<16xf32>
          %get3A_378 = arith.index_cast %scan3A_327 : i32 to index
          %get3A_379 = arith.constant 32 : index
          %get3A_380 = tpu.vector_load %arg20[%get3A_378, %get3A_379] {strides = array<i32>} : memref<40x128xf32, #tpu.memory_space<vmem>>, vector<1x16xf32>,
          %get3A_381 = vector.shape_cast %get3A_380 : vector<1x16xf32> to vector<16xf32>
          %add3A_382 = arith.addf %add3A_377, %get3A_381 : vector<16xf32>
          %max3A_383 = arith.constant 0.000000e+00 : f32
          %max3A_384 = vector.broadcast %max3A_383 : f32 to vector<16xf32>
          %max3A_385 = arith.maximumf %add3A_382, %max3A_384 : vector<16xf32>
          %swap3A_386 = arith.index_cast %scan3A_327 : i32 to index
          %swap3A_387 = arith.constant 32 : index
          %swap3A_388 = tpu.vector_load %arg22[%swap3A_386, %swap3A_387] {strides = array<i32>} : memref<40x128xf32, #tpu.memory_space<vmem>>, vector<1x16xf32>,
          %swap3A_389 = vector.shape_cast %swap3A_388 : vector<1x16xf32> to vector<16xf32>
          %swap3A_390 = vector.shape_cast %max3A_385 : vector<16xf32> to vector<1x16xf32>
          tpu.vector_store %arg22[%swap3A_386, %swap3A_387], %swap3A_390 {strides = array<i32>} : memref<40x128xf32, #tpu.memory_space<vmem>>, vector<1x16xf32>,
          %get3A_391 = arith.index_cast %scan3A_327 : i32 to index
          %get3A_392 = arith.constant 48 : index
          %get3A_393 = tpu.vector_load %arg16[%get3A_391, %get3A_392] {strides = array<i32>} : memref<40x128xf32, #tpu.memory_space<vmem>>, vector<1x16xf32>,
          %get3A_394 = vector.shape_cast %get3A_393 : vector<1x16xf32> to vector<16xf32>
          %get3A_395 = arith.index_cast %scan3A_327 : i32 to index
          %get3A_396 = arith.constant 48 : index
          %get3A_397 = tpu.vector_load %arg18[%get3A_395, %get3A_396] {strides = array<i32>} : memref<40x128xf32, #tpu.memory_space<vmem>>, vector<1x16xf32>,
          %get3A_398 = vector.shape_cast %get3A_397 : vector<1x16xf32> to vector<16xf32>
          %add3A_399 = arith.addf %get3A_394, %get3A_398 : vector<16xf32>
          %get3A_400 = arith.index_cast %scan3A_327 : i32 to index
          %get3A_401 = arith.constant 48 : index
          %get3A_402 = tpu.vector_load %arg20[%get3A_400, %get3A_401] {strides = array<i32>} : memref<40x128xf32, #tpu.memory_space<vmem>>, vector<1x16xf32>,
          %get3A_403 = vector.shape_cast %get3A_402 : vector<1x16xf32> to vector<16xf32>
          %add3A_404 = arith.addf %add3A_399, %get3A_403 : vector<16xf32>
          %max3A_405 = arith.constant 0.000000e+00 : f32
          %max3A_406 = vector.broadcast %max3A_405 : f32 to vector<16xf32>
          %max3A_407 = arith.maximumf %add3A_404, %max3A_406 : vector<16xf32>
          %swap3A_408 = arith.index_cast %scan3A_327 : i32 to index
          %swap3A_409 = arith.constant 48 : index
          %swap3A_410 = tpu.vector_load %arg22[%swap3A_408, %swap3A_409] {strides = array<i32>} : memref<40x128xf32, #tpu.memory_space<vmem>>, vector<1x16xf32>,
          %swap3A_411 = vector.shape_cast %swap3A_410 : vector<1x16xf32> to vector<16xf32>
          %swap3A_412 = vector.shape_cast %max3A_407 : vector<16xf32> to vector<1x16xf32>
          tpu.vector_store %arg22[%swap3A_408, %swap3A_409], %swap3A_412 {strides = array<i32>} : memref<40x128xf32, #tpu.memory_space<vmem>>, vector<1x16xf32>,
          %get3A_413 = arith.index_cast %scan3A_327 : i32 to index
          %get3A_414 = arith.constant 64 : index
          %get3A_415 = tpu.vector_load %arg16[%get3A_413, %get3A_414] {strides = array<i32>} : memref<40x128xf32, #tpu.memory_space<vmem>>, vector<1x16xf32>,
          %get3A_416 = vector.shape_cast %get3A_415 : vector<1x16xf32> to vector<16xf32>
          %get3A_417 = arith.index_cast %scan3A_327 : i32 to index
          %get3A_418 = arith.constant 64 : index
          %get3A_419 = tpu.vector_load %arg18[%get3A_417, %get3A_418] {strides = array<i32>} : memref<40x128xf32, #tpu.memory_space<vmem>>, vector<1x16xf32>,
          %get3A_420 = vector.shape_cast %get3A_419 : vector<1x16xf32> to vector<16xf32>
          %add3A_421 = arith.addf %get3A_416, %get3A_420 : vector<16xf32>
          %get3A_422 = arith.index_cast %scan3A_327 : i32 to index
          %get3A_423 = arith.constant 64 : index
          %get3A_424 = tpu.vector_load %arg20[%get3A_422, %get3A_423] {strides = array<i32>} : memref<40x128xf32, #tpu.memory_space<vmem>>, vector<1x16xf32>,
          %get3A_425 = vector.shape_cast %get3A_424 : vector<1x16xf32> to vector<16xf32>
          %add3A_426 = arith.addf %add3A_421, %get3A_425 : vector<16xf32>
          %max3A_427 = arith.constant 0.000000e+00 : f32
          %max3A_428 = vector.broadcast %max3A_427 : f32 to vector<16xf32>
          %max3A_429 = arith.maximumf %add3A_426, %max3A_428 : vector<16xf32>
          %swap3A_430 = arith.index_cast %scan3A_327 : i32 to index
          %swap3A_431 = arith.constant 64 : index
          %swap3A_432 = tpu.vector_load %arg22[%swap3A_430, %swap3A_431] {strides = array<i32>} : memref<40x128xf32, #tpu.memory_space<vmem>>, vector<1x16xf32>,
          %swap3A_433 = vector.shape_cast %swap3A_432 : vector<1x16xf32> to vector<16xf32>
          %swap3A_434 = vector.shape_cast %max3A_429 : vector<16xf32> to vector<1x16xf32>
          tpu.vector_store %arg22[%swap3A_430, %swap3A_431], %swap3A_434 {strides = array<i32>} : memref<40x128xf32, #tpu.memory_space<vmem>>, vector<1x16xf32>,
          %get3A_435 = arith.index_cast %scan3A_327 : i32 to index
          %get3A_436 = arith.constant 80 : index
          %get3A_437 = tpu.vector_load %arg16[%get3A_435, %get3A_436] {strides = array<i32>} : memref<40x128xf32, #tpu.memory_space<vmem>>, vector<1x16xf32>,
          %get3A_438 = vector.shape_cast %get3A_437 : vector<1x16xf32> to vector<16xf32>
          %get3A_439 = arith.index_cast %scan3A_327 : i32 to index
          %get3A_440 = arith.constant 80 : index
          %get3A_441 = tpu.vector_load %arg18[%get3A_439, %get3A_440] {strides = array<i32>} : memref<40x128xf32, #tpu.memory_space<vmem>>, vector<1x16xf32>,
          %get3A_442 = vector.shape_cast %get3A_441 : vector<1x16xf32> to vector<16xf32>
          %add3A_443 = arith.addf %get3A_438, %get3A_442 : vector<16xf32>
          %get3A_444 = arith.index_cast %scan3A_327 : i32 to index
          %get3A_445 = arith.constant 80 : index
          %get3A_446 = tpu.vector_load %arg20[%get3A_444, %get3A_445] {strides = array<i32>} : memref<40x128xf32, #tpu.memory_space<vmem>>, vector<1x16xf32>,
          %get3A_447 = vector.shape_cast %get3A_446 : vector<1x16xf32> to vector<16xf32>
          %add3A_448 = arith.addf %add3A_443, %get3A_447 : vector<16xf32>
          %max3A_449 = arith.constant 0.000000e+00 : f32
          %max3A_450 = vector.broadcast %max3A_449 : f32 to vector<16xf32>
          %max3A_451 = arith.maximumf %add3A_448, %max3A_450 : vector<16xf32>
          %swap3A_452 = arith.index_cast %scan3A_327 : i32 to index
          %swap3A_453 = arith.constant 80 : index
          %swap3A_454 = tpu.vector_load %arg22[%swap3A_452, %swap3A_453] {strides = array<i32>} : memref<40x128xf32, #tpu.memory_space<vmem>>, vector<1x16xf32>,
          %swap3A_455 = vector.shape_cast %swap3A_454 : vector<1x16xf32> to vector<16xf32>
          %swap3A_456 = vector.shape_cast %max3A_451 : vector<16xf32> to vector<1x16xf32>
          tpu.vector_store %arg22[%swap3A_452, %swap3A_453], %swap3A_456 {strides = array<i32>} : memref<40x128xf32, #tpu.memory_space<vmem>>, vector<1x16xf32>,
          %get3A_457 = arith.index_cast %scan3A_327 : i32 to index
          %get3A_458 = arith.constant 96 : index
          %get3A_459 = tpu.vector_load %arg16[%get3A_457, %get3A_458] {strides = array<i32>} : memref<40x128xf32, #tpu.memory_space<vmem>>, vector<1x16xf32>,
          %get3A_460 = vector.shape_cast %get3A_459 : vector<1x16xf32> to vector<16xf32>
          %get3A_461 = arith.index_cast %scan3A_327 : i32 to index
          %get3A_462 = arith.constant 96 : index
          %get3A_463 = tpu.vector_load %arg18[%get3A_461, %get3A_462] {strides = array<i32>} : memref<40x128xf32, #tpu.memory_space<vmem>>, vector<1x16xf32>,
          %get3A_464 = vector.shape_cast %get3A_463 : vector<1x16xf32> to vector<16xf32>
          %add3A_465 = arith.addf %get3A_460, %get3A_464 : vector<16xf32>
          %get3A_466 = arith.index_cast %scan3A_327 : i32 to index
          %get3A_467 = arith.constant 96 : index
          %get3A_468 = tpu.vector_load %arg20[%get3A_466, %get3A_467] {strides = array<i32>} : memref<40x128xf32, #tpu.memory_space<vmem>>, vector<1x16xf32>,
          %get3A_469 = vector.shape_cast %get3A_468 : vector<1x16xf32> to vector<16xf32>
          %add3A_470 = arith.addf %add3A_465, %get3A_469 : vector<16xf32>
          %max3A_471 = arith.constant 0.000000e+00 : f32
          %max3A_472 = vector.broadcast %max3A_471 : f32 to vector<16xf32>
          %max3A_473 = arith.maximumf %add3A_470, %max3A_472 : vector<16xf32>
          %swap3A_474 = arith.index_cast %scan3A_327 : i32 to index
          %swap3A_475 = arith.constant 96 : index
          %swap3A_476 = tpu.vector_load %arg22[%swap3A_474, %swap3A_475] {strides = array<i32>} : memref<40x128xf32, #tpu.memory_space<vmem>>, vector<1x16xf32>,
          %swap3A_477 = vector.shape_cast %swap3A_476 : vector<1x16xf32> to vector<16xf32>
          %swap3A_478 = vector.shape_cast %max3A_473 : vector<16xf32> to vector<1x16xf32>
          tpu.vector_store %arg22[%swap3A_474, %swap3A_475], %swap3A_478 {strides = array<i32>} : memref<40x128xf32, #tpu.memory_space<vmem>>, vector<1x16xf32>,
          %get3A_479 = arith.index_cast %scan3A_327 : i32 to index
          %get3A_480 = arith.constant 112 : index
          %get3A_481 = tpu.vector_load %arg16[%get3A_479, %get3A_480] {strides = array<i32>} : memref<40x128xf32, #tpu.memory_space<vmem>>, vector<1x16xf32>,
          %get3A_482 = vector.shape_cast %get3A_481 : vector<1x16xf32> to vector<16xf32>
          %get3A_483 = arith.index_cast %scan3A_327 : i32 to index
          %get3A_484 = arith.constant 112 : index
          %get3A_485 = tpu.vector_load %arg18[%get3A_483, %get3A_484] {strides = array<i32>} : memref<40x128xf32, #tpu.memory_space<vmem>>, vector<1x16xf32>,
          %get3A_486 = vector.shape_cast %get3A_485 : vector<1x16xf32> to vector<16xf32>
          %add3A_487 = arith.addf %get3A_482, %get3A_486 : vector<16xf32>
          %get3A_488 = arith.index_cast %scan3A_327 : i32 to index
          %get3A_489 = arith.constant 112 : index
          %get3A_490 = tpu.vector_load %arg20[%get3A_488, %get3A_489] {strides = array<i32>} : memref<40x128xf32, #tpu.memory_space<vmem>>, vector<1x16xf32>,
          %get3A_491 = vector.shape_cast %get3A_490 : vector<1x16xf32> to vector<16xf32>
          %add3A_492 = arith.addf %add3A_487, %get3A_491 : vector<16xf32>
          %max3A_493 = arith.constant 0.000000e+00 : f32
          %max3A_494 = vector.broadcast %max3A_493 : f32 to vector<16xf32>
          %max3A_495 = arith.maximumf %add3A_492, %max3A_494 : vector<16xf32>
          %swap3A_496 = arith.index_cast %scan3A_327 : i32 to index
          %swap3A_497 = arith.constant 112 : index
          %swap3A_498 = tpu.vector_load %arg22[%swap3A_496, %swap3A_497] {strides = array<i32>} : memref<40x128xf32, #tpu.memory_space<vmem>>, vector<1x16xf32>,
          %swap3A_499 = vector.shape_cast %swap3A_498 : vector<1x16xf32> to vector<16xf32>
          %swap3A_500 = vector.shape_cast %max3A_495 : vector<16xf32> to vector<1x16xf32>
          tpu.vector_store %arg22[%swap3A_496, %swap3A_497], %swap3A_500 {strides = array<i32>} : memref<40x128xf32, #tpu.memory_space<vmem>>, vector<1x16xf32>,
        }
        %scan3A_323 = arith.constant 40 : i32
        %dma_start3A_324 = arith.constant 0 : i32
        %dma_start3A_325 = arith.constant 0 : i32
        %dma_start3A_326 = tpu.memref_slice %arg25[%dma_start3A_324, %dma_start3A_325] : memref<10240x128xf32, #tpu.memory_space<vmem_shared>> -> memref<10240x128xf32, #tpu.memory_space<vmem_shared>>
        tpu.enqueue_indirect_dma source(%arg22 : memref<40x128xf32, #tpu.memory_space<vmem>>) target(%dma_start3A_326 : memref<10240x128xf32, #tpu.memory_space<vmem_shared>>) offsets(%arg8 : memref<40xi32, #tpu.memory_space<vmem>>) semaphore(%arg36 : memref<!tpu.dma_semaphore, #tpu.memory_space<semaphore_mem>>) {add = true}
      } else {
      }
      %mul3A_206 = arith.constant 4 : i32
      %mul3A_207 = arith.muli %mul3A_206, %scan3A_173 : i32
      %add3A_208 = arith.constant 1 : i32
      %add3A_209 = arith.addi %mul3A_207, %add3A_208 : i32
      %mul3A_210 = arith.constant 40 : i32
      %mul3A_211 = arith.muli %add3A_209, %mul3A_210 : i32
      %add3A_212 = arith.addi %mul3A_2, %mul3A_211 : i32
      %ge3A_213 = arith.constant 1 : i32
      %ge3A_214 = arith.cmpi sge, %add3A_209, %ge3A_213 : i32
      %lt3A_215 = arith.constant 250 : i32
      %lt3A_216 = arith.cmpi slt, %add3A_209, %lt3A_215 : i32
      %and3A_217 = arith.andi %ge3A_214, %lt3A_216 : i1
      %convert_element_type3A_218 = arith.extui %and3A_217 : i1 to i32
      %cond3A_219 = arith.constant 0 : i32
      %cond3A_220 = arith.cmpi ne, %convert_element_type3A_218, %cond3A_219 : i32
      scf.if %cond3A_220 {
        %dma_wait3A_308 = arith.constant 0 : i32
        %dma_wait3A_309 = arith.constant 0 : i32
        %dma_wait3A_310 = tpu.memref_slice %arg25[%dma_wait3A_308, %dma_wait3A_309] : memref<10240x128xf32, #tpu.memory_space<vmem_shared>> -> memref<10240x128xf32, #tpu.memory_space<vmem_shared>>
        tpu.wait_indirect_dma semaphore(%arg36 : memref<!tpu.dma_semaphore, #tpu.memory_space<semaphore_mem>>) src(%arg22 : memref<40x128xf32, #tpu.memory_space<vmem>>) dst(%dma_wait3A_310 : memref<10240x128xf32, #tpu.memory_space<vmem_shared>>)
      } else {
      }
      %add3A_221 = arith.constant 2 : i32
      %add3A_222 = arith.addi %add3A_209, %add3A_221 : i32
      %lt3A_223 = arith.constant 250 : i32
      %lt3A_224 = arith.cmpi slt, %add3A_222, %lt3A_223 : i32
      %convert_element_type3A_225 = arith.extui %lt3A_224 : i1 to i32
      %cond3A_226 = arith.constant 0 : i32
      %cond3A_227 = arith.cmpi ne, %convert_element_type3A_225, %cond3A_226 : i32
      scf.if %cond3A_227 {
        %add3A_308 = arith.constant 80 : i32
        %add3A_309 = arith.addi %add3A_212, %add3A_308 : i32
        %dma_start3A_310 = tpu.memref_slice %arg5[%add3A_309] : memref<320000xi32, #tpu.memory_space<hbm>> -> memref<40xi32, #tpu.memory_space<hbm>>
        %dma_start3A_311 = tpu.memref_slice %arg5[%add3A_309] : memref<320000xi32, #tpu.memory_space<hbm>> -> memref<40xi32, #tpu.memory_space<hbm>>
        tpu.enqueue_dma source(%dma_start3A_311 : memref<40xi32, #tpu.memory_space<hbm>>) target(%arg11 : memref<40xi32, #tpu.memory_space<vmem>>) target_semaphore(%arg29 : memref<!tpu.dma_semaphore, #tpu.memory_space<semaphore_mem>>)
        %dma_start3A_312 = tpu.memref_slice %arg6[%add3A_309] : memref<320000xi32, #tpu.memory_space<hbm>> -> memref<40xi32, #tpu.memory_space<hbm>>
        %dma_start3A_313 = tpu.memref_slice %arg6[%add3A_309] : memref<320000xi32, #tpu.memory_space<hbm>> -> memref<40xi32, #tpu.memory_space<hbm>>
        tpu.enqueue_dma source(%dma_start3A_313 : memref<40xi32, #tpu.memory_space<hbm>>) target(%arg15 : memref<40xi32, #tpu.memory_space<vmem>>) target_semaphore(%arg29 : memref<!tpu.dma_semaphore, #tpu.memory_space<semaphore_mem>>)
      } else {
      }
      %add3A_228 = arith.constant 1 : i32
      %add3A_229 = arith.addi %add3A_209, %add3A_228 : i32
      %lt3A_230 = arith.constant 250 : i32
      %lt3A_231 = arith.cmpi slt, %add3A_229, %lt3A_230 : i32
      %convert_element_type3A_232 = arith.extui %lt3A_231 : i1 to i32
      %cond3A_233 = arith.constant 0 : i32
      %cond3A_234 = arith.cmpi ne, %convert_element_type3A_232, %cond3A_233 : i32
      scf.if %cond3A_234 {
        %add3A_308 = arith.constant 40 : i32
        %add3A_309 = arith.addi %add3A_212, %add3A_308 : i32
        %dma_wait3A_310 = tpu.memref_slice %arg5[%add3A_309] : memref<320000xi32, #tpu.memory_space<hbm>> -> memref<40xi32, #tpu.memory_space<hbm>>
        %dma_wait3A_311 = tpu.memref_slice %arg5[%add3A_309] : memref<320000xi32, #tpu.memory_space<hbm>> -> memref<40xi32, #tpu.memory_space<hbm>>
        tpu.wait_dma2 semaphore(%arg28 : memref<!tpu.dma_semaphore, #tpu.memory_space<semaphore_mem>>) src(%dma_wait3A_311 : memref<40xi32, #tpu.memory_space<hbm>>) dst(%arg10 : memref<40xi32, #tpu.memory_space<vmem>>)
        %dma_wait3A_312 = tpu.memref_slice %arg6[%add3A_309] : memref<320000xi32, #tpu.memory_space<hbm>> -> memref<40xi32, #tpu.memory_space<hbm>>
        %dma_wait3A_313 = tpu.memref_slice %arg6[%add3A_309] : memref<320000xi32, #tpu.memory_space<hbm>> -> memref<40xi32, #tpu.memory_space<hbm>>
        tpu.wait_dma2 semaphore(%arg28 : memref<!tpu.dma_semaphore, #tpu.memory_space<semaphore_mem>>) src(%dma_wait3A_313 : memref<40xi32, #tpu.memory_space<hbm>>) dst(%arg14 : memref<40xi32, #tpu.memory_space<vmem>>)
        %add3A_314 = arith.constant 40 : i32
        %add3A_315 = arith.addi %add3A_212, %add3A_314 : i32
        %dma_start3A_316 = arith.constant 0 : i32
        %dma_start3A_317 = arith.constant 0 : i32
        %dma_start3A_318 = tpu.memref_slice %arg2[%dma_start3A_316, %dma_start3A_317] : memref<10000x128xf32, #tpu.memory_space<hbm>> -> memref<10000x128xf32, #tpu.memory_space<hbm>>
        tpu.enqueue_indirect_dma source(%dma_start3A_318 : memref<10000x128xf32, #tpu.memory_space<hbm>>) target(%arg16 : memref<40x128xf32, #tpu.memory_space<vmem>>) offsets(%arg10 : memref<40xi32, #tpu.memory_space<vmem>>) semaphore(%arg30 : memref<!tpu.dma_semaphore, #tpu.memory_space<semaphore_mem>>)
        %dma_start3A_319 = arith.constant 0 : i32
        %dma_start3A_320 = arith.constant 0 : i32
        %dma_start3A_321 = tpu.memref_slice %arg3[%dma_start3A_319, %dma_start3A_320] : memref<10000x128xf32, #tpu.memory_space<hbm>> -> memref<10000x128xf32, #tpu.memory_space<hbm>>
        tpu.enqueue_indirect_dma source(%dma_start3A_321 : memref<10000x128xf32, #tpu.memory_space<hbm>>) target(%arg18 : memref<40x128xf32, #tpu.memory_space<vmem>>) offsets(%arg14 : memref<40xi32, #tpu.memory_space<vmem>>) semaphore(%arg32 : memref<!tpu.dma_semaphore, #tpu.memory_space<semaphore_mem>>)
        %dma_start3A_322 = arith.constant 0 : i32
        %dma_start3A_323 = tpu.memref_slice %arg4[%add3A_315, %dma_start3A_322] : memref<320000x128xf32, #tpu.memory_space<hbm>> -> memref<40x128xf32, #tpu.memory_space<hbm>>
        %dma_start3A_324 = arith.constant 0 : i32
        %dma_start3A_325 = tpu.memref_slice %arg4[%add3A_315, %dma_start3A_324] : memref<320000x128xf32, #tpu.memory_space<hbm>> -> memref<40x128xf32, #tpu.memory_space<hbm>>
        tpu.enqueue_dma source(%dma_start3A_325 : memref<40x128xf32, #tpu.memory_space<hbm>>) target(%arg20 : memref<40x128xf32, #tpu.memory_space<vmem>>) target_semaphore(%arg34 : memref<!tpu.dma_semaphore, #tpu.memory_space<semaphore_mem>>)
      } else {
      }
      %lt3A_235 = arith.constant 250 : i32
      %lt3A_236 = arith.cmpi slt, %add3A_209, %lt3A_235 : i32
      %convert_element_type3A_237 = arith.extui %lt3A_236 : i1 to i32
      %cond3A_238 = arith.constant 0 : i32
      %cond3A_239 = arith.cmpi ne, %convert_element_type3A_237, %cond3A_238 : i32
      scf.if %cond3A_239 {
        %dma_wait3A_308 = arith.constant 0 : i32
        %dma_wait3A_309 = arith.constant 0 : i32
        %dma_wait3A_310 = tpu.memref_slice %arg2[%dma_wait3A_308, %dma_wait3A_309] : memref<10000x128xf32, #tpu.memory_space<hbm>> -> memref<10000x128xf32, #tpu.memory_space<hbm>>
        tpu.wait_indirect_dma semaphore(%arg31 : memref<!tpu.dma_semaphore, #tpu.memory_space<semaphore_mem>>) src(%dma_wait3A_310 : memref<10000x128xf32, #tpu.memory_space<hbm>>) dst(%arg17 : memref<40x128xf32, #tpu.memory_space<vmem>>)
        %dma_wait3A_311 = arith.constant 0 : i32
        %dma_wait3A_312 = arith.constant 0 : i32
        %dma_wait3A_313 = tpu.memref_slice %arg3[%dma_wait3A_311, %dma_wait3A_312] : memref<10000x128xf32, #tpu.memory_space<hbm>> -> memref<10000x128xf32, #tpu.memory_space<hbm>>
        tpu.wait_indirect_dma semaphore(%arg33 : memref<!tpu.dma_semaphore, #tpu.memory_space<semaphore_mem>>) src(%dma_wait3A_313 : memref<10000x128xf32, #tpu.memory_space<hbm>>) dst(%arg19 : memref<40x128xf32, #tpu.memory_space<vmem>>)
        %dma_wait3A_314 = arith.constant 0 : i32
        %dma_wait3A_315 = tpu.memref_slice %arg4[%add3A_212, %dma_wait3A_314] : memref<320000x128xf32, #tpu.memory_space<hbm>> -> memref<40x128xf32, #tpu.memory_space<hbm>>
        %dma_wait3A_316 = arith.constant 0 : i32
        %dma_wait3A_317 = tpu.memref_slice %arg4[%add3A_212, %dma_wait3A_316] : memref<320000x128xf32, #tpu.memory_space<hbm>> -> memref<40x128xf32, #tpu.memory_space<hbm>>
        tpu.wait_dma2 semaphore(%arg35 : memref<!tpu.dma_semaphore, #tpu.memory_space<semaphore_mem>>) src(%dma_wait3A_317 : memref<40x128xf32, #tpu.memory_space<hbm>>) dst(%arg21 : memref<40x128xf32, #tpu.memory_space<vmem>>)
        %scan3A_318 = arith.constant 0 : i32
        %scan3A_319 = arith.constant 0 : i32
        %scan3A_320 = arith.constant 40 : i32
        %scan3A_321 = arith.addi %scan3A_319, %scan3A_320 : i32
        %scan3A_322 = arith.constant 1 : i32
        scf.for %scan3A_327 = %scan3A_319 to %scan3A_321 step %scan3A_322  : i32 {
          %get3A = arith.index_cast %scan3A_327 : i32 to index
          %get3A_328 = arith.constant 0 : index
          %get3A_329 = tpu.vector_load %arg17[%get3A, %get3A_328] {strides = array<i32>} : memref<40x128xf32, #tpu.memory_space<vmem>>, vector<1x16xf32>,
          %get3A_330 = vector.shape_cast %get3A_329 : vector<1x16xf32> to vector<16xf32>
          %get3A_331 = arith.index_cast %scan3A_327 : i32 to index
          %get3A_332 = arith.constant 0 : index
          %get3A_333 = tpu.vector_load %arg19[%get3A_331, %get3A_332] {strides = array<i32>} : memref<40x128xf32, #tpu.memory_space<vmem>>, vector<1x16xf32>,
          %get3A_334 = vector.shape_cast %get3A_333 : vector<1x16xf32> to vector<16xf32>
          %add3A_335 = arith.addf %get3A_330, %get3A_334 : vector<16xf32>
          %get3A_336 = arith.index_cast %scan3A_327 : i32 to index
          %get3A_337 = arith.constant 0 : index
          %get3A_338 = tpu.vector_load %arg21[%get3A_336, %get3A_337] {strides = array<i32>} : memref<40x128xf32, #tpu.memory_space<vmem>>, vector<1x16xf32>,
          %get3A_339 = vector.shape_cast %get3A_338 : vector<1x16xf32> to vector<16xf32>
          %add3A_340 = arith.addf %add3A_335, %get3A_339 : vector<16xf32>
          %max3A = arith.constant 0.000000e+00 : f32
          %max3A_341 = vector.broadcast %max3A : f32 to vector<16xf32>
          %max3A_342 = arith.maximumf %add3A_340, %max3A_341 : vector<16xf32>
          %swap3A = arith.index_cast %scan3A_327 : i32 to index
          %swap3A_343 = arith.constant 0 : index
          %swap3A_344 = tpu.vector_load %arg23[%swap3A, %swap3A_343] {strides = array<i32>} : memref<40x128xf32, #tpu.memory_space<vmem>>, vector<1x16xf32>,
          %swap3A_345 = vector.shape_cast %swap3A_344 : vector<1x16xf32> to vector<16xf32>
          %swap3A_346 = vector.shape_cast %max3A_342 : vector<16xf32> to vector<1x16xf32>
          tpu.vector_store %arg23[%swap3A, %swap3A_343], %swap3A_346 {strides = array<i32>} : memref<40x128xf32, #tpu.memory_space<vmem>>, vector<1x16xf32>,
          %get3A_347 = arith.index_cast %scan3A_327 : i32 to index
          %get3A_348 = arith.constant 16 : index
          %get3A_349 = tpu.vector_load %arg17[%get3A_347, %get3A_348] {strides = array<i32>} : memref<40x128xf32, #tpu.memory_space<vmem>>, vector<1x16xf32>,
          %get3A_350 = vector.shape_cast %get3A_349 : vector<1x16xf32> to vector<16xf32>
          %get3A_351 = arith.index_cast %scan3A_327 : i32 to index
          %get3A_352 = arith.constant 16 : index
          %get3A_353 = tpu.vector_load %arg19[%get3A_351, %get3A_352] {strides = array<i32>} : memref<40x128xf32, #tpu.memory_space<vmem>>, vector<1x16xf32>,
          %get3A_354 = vector.shape_cast %get3A_353 : vector<1x16xf32> to vector<16xf32>
          %add3A_355 = arith.addf %get3A_350, %get3A_354 : vector<16xf32>
          %get3A_356 = arith.index_cast %scan3A_327 : i32 to index
          %get3A_357 = arith.constant 16 : index
          %get3A_358 = tpu.vector_load %arg21[%get3A_356, %get3A_357] {strides = array<i32>} : memref<40x128xf32, #tpu.memory_space<vmem>>, vector<1x16xf32>,
          %get3A_359 = vector.shape_cast %get3A_358 : vector<1x16xf32> to vector<16xf32>
          %add3A_360 = arith.addf %add3A_355, %get3A_359 : vector<16xf32>
          %max3A_361 = arith.constant 0.000000e+00 : f32
          %max3A_362 = vector.broadcast %max3A_361 : f32 to vector<16xf32>
          %max3A_363 = arith.maximumf %add3A_360, %max3A_362 : vector<16xf32>
          %swap3A_364 = arith.index_cast %scan3A_327 : i32 to index
          %swap3A_365 = arith.constant 16 : index
          %swap3A_366 = tpu.vector_load %arg23[%swap3A_364, %swap3A_365] {strides = array<i32>} : memref<40x128xf32, #tpu.memory_space<vmem>>, vector<1x16xf32>,
          %swap3A_367 = vector.shape_cast %swap3A_366 : vector<1x16xf32> to vector<16xf32>
          %swap3A_368 = vector.shape_cast %max3A_363 : vector<16xf32> to vector<1x16xf32>
          tpu.vector_store %arg23[%swap3A_364, %swap3A_365], %swap3A_368 {strides = array<i32>} : memref<40x128xf32, #tpu.memory_space<vmem>>, vector<1x16xf32>,
          %get3A_369 = arith.index_cast %scan3A_327 : i32 to index
          %get3A_370 = arith.constant 32 : index
          %get3A_371 = tpu.vector_load %arg17[%get3A_369, %get3A_370] {strides = array<i32>} : memref<40x128xf32, #tpu.memory_space<vmem>>, vector<1x16xf32>,
          %get3A_372 = vector.shape_cast %get3A_371 : vector<1x16xf32> to vector<16xf32>
          %get3A_373 = arith.index_cast %scan3A_327 : i32 to index
          %get3A_374 = arith.constant 32 : index
          %get3A_375 = tpu.vector_load %arg19[%get3A_373, %get3A_374] {strides = array<i32>} : memref<40x128xf32, #tpu.memory_space<vmem>>, vector<1x16xf32>,
          %get3A_376 = vector.shape_cast %get3A_375 : vector<1x16xf32> to vector<16xf32>
          %add3A_377 = arith.addf %get3A_372, %get3A_376 : vector<16xf32>
          %get3A_378 = arith.index_cast %scan3A_327 : i32 to index
          %get3A_379 = arith.constant 32 : index
          %get3A_380 = tpu.vector_load %arg21[%get3A_378, %get3A_379] {strides = array<i32>} : memref<40x128xf32, #tpu.memory_space<vmem>>, vector<1x16xf32>,
          %get3A_381 = vector.shape_cast %get3A_380 : vector<1x16xf32> to vector<16xf32>
          %add3A_382 = arith.addf %add3A_377, %get3A_381 : vector<16xf32>
          %max3A_383 = arith.constant 0.000000e+00 : f32
          %max3A_384 = vector.broadcast %max3A_383 : f32 to vector<16xf32>
          %max3A_385 = arith.maximumf %add3A_382, %max3A_384 : vector<16xf32>
          %swap3A_386 = arith.index_cast %scan3A_327 : i32 to index
          %swap3A_387 = arith.constant 32 : index
          %swap3A_388 = tpu.vector_load %arg23[%swap3A_386, %swap3A_387] {strides = array<i32>} : memref<40x128xf32, #tpu.memory_space<vmem>>, vector<1x16xf32>,
          %swap3A_389 = vector.shape_cast %swap3A_388 : vector<1x16xf32> to vector<16xf32>
          %swap3A_390 = vector.shape_cast %max3A_385 : vector<16xf32> to vector<1x16xf32>
          tpu.vector_store %arg23[%swap3A_386, %swap3A_387], %swap3A_390 {strides = array<i32>} : memref<40x128xf32, #tpu.memory_space<vmem>>, vector<1x16xf32>,
          %get3A_391 = arith.index_cast %scan3A_327 : i32 to index
          %get3A_392 = arith.constant 48 : index
          %get3A_393 = tpu.vector_load %arg17[%get3A_391, %get3A_392] {strides = array<i32>} : memref<40x128xf32, #tpu.memory_space<vmem>>, vector<1x16xf32>,
          %get3A_394 = vector.shape_cast %get3A_393 : vector<1x16xf32> to vector<16xf32>
          %get3A_395 = arith.index_cast %scan3A_327 : i32 to index
          %get3A_396 = arith.constant 48 : index
          %get3A_397 = tpu.vector_load %arg19[%get3A_395, %get3A_396] {strides = array<i32>} : memref<40x128xf32, #tpu.memory_space<vmem>>, vector<1x16xf32>,
          %get3A_398 = vector.shape_cast %get3A_397 : vector<1x16xf32> to vector<16xf32>
          %add3A_399 = arith.addf %get3A_394, %get3A_398 : vector<16xf32>
          %get3A_400 = arith.index_cast %scan3A_327 : i32 to index
          %get3A_401 = arith.constant 48 : index
          %get3A_402 = tpu.vector_load %arg21[%get3A_400, %get3A_401] {strides = array<i32>} : memref<40x128xf32, #tpu.memory_space<vmem>>, vector<1x16xf32>,
          %get3A_403 = vector.shape_cast %get3A_402 : vector<1x16xf32> to vector<16xf32>
          %add3A_404 = arith.addf %add3A_399, %get3A_403 : vector<16xf32>
          %max3A_405 = arith.constant 0.000000e+00 : f32
          %max3A_406 = vector.broadcast %max3A_405 : f32 to vector<16xf32>
          %max3A_407 = arith.maximumf %add3A_404, %max3A_406 : vector<16xf32>
          %swap3A_408 = arith.index_cast %scan3A_327 : i32 to index
          %swap3A_409 = arith.constant 48 : index
          %swap3A_410 = tpu.vector_load %arg23[%swap3A_408, %swap3A_409] {strides = array<i32>} : memref<40x128xf32, #tpu.memory_space<vmem>>, vector<1x16xf32>,
          %swap3A_411 = vector.shape_cast %swap3A_410 : vector<1x16xf32> to vector<16xf32>
          %swap3A_412 = vector.shape_cast %max3A_407 : vector<16xf32> to vector<1x16xf32>
          tpu.vector_store %arg23[%swap3A_408, %swap3A_409], %swap3A_412 {strides = array<i32>} : memref<40x128xf32, #tpu.memory_space<vmem>>, vector<1x16xf32>,
          %get3A_413 = arith.index_cast %scan3A_327 : i32 to index
          %get3A_414 = arith.constant 64 : index
          %get3A_415 = tpu.vector_load %arg17[%get3A_413, %get3A_414] {strides = array<i32>} : memref<40x128xf32, #tpu.memory_space<vmem>>, vector<1x16xf32>,
          %get3A_416 = vector.shape_cast %get3A_415 : vector<1x16xf32> to vector<16xf32>
          %get3A_417 = arith.index_cast %scan3A_327 : i32 to index
          %get3A_418 = arith.constant 64 : index
          %get3A_419 = tpu.vector_load %arg19[%get3A_417, %get3A_418] {strides = array<i32>} : memref<40x128xf32, #tpu.memory_space<vmem>>, vector<1x16xf32>,
          %get3A_420 = vector.shape_cast %get3A_419 : vector<1x16xf32> to vector<16xf32>
          %add3A_421 = arith.addf %get3A_416, %get3A_420 : vector<16xf32>
          %get3A_422 = arith.index_cast %scan3A_327 : i32 to index
          %get3A_423 = arith.constant 64 : index
          %get3A_424 = tpu.vector_load %arg21[%get3A_422, %get3A_423] {strides = array<i32>} : memref<40x128xf32, #tpu.memory_space<vmem>>, vector<1x16xf32>,
          %get3A_425 = vector.shape_cast %get3A_424 : vector<1x16xf32> to vector<16xf32>
          %add3A_426 = arith.addf %add3A_421, %get3A_425 : vector<16xf32>
          %max3A_427 = arith.constant 0.000000e+00 : f32
          %max3A_428 = vector.broadcast %max3A_427 : f32 to vector<16xf32>
          %max3A_429 = arith.maximumf %add3A_426, %max3A_428 : vector<16xf32>
          %swap3A_430 = arith.index_cast %scan3A_327 : i32 to index
          %swap3A_431 = arith.constant 64 : index
          %swap3A_432 = tpu.vector_load %arg23[%swap3A_430, %swap3A_431] {strides = array<i32>} : memref<40x128xf32, #tpu.memory_space<vmem>>, vector<1x16xf32>,
          %swap3A_433 = vector.shape_cast %swap3A_432 : vector<1x16xf32> to vector<16xf32>
          %swap3A_434 = vector.shape_cast %max3A_429 : vector<16xf32> to vector<1x16xf32>
          tpu.vector_store %arg23[%swap3A_430, %swap3A_431], %swap3A_434 {strides = array<i32>} : memref<40x128xf32, #tpu.memory_space<vmem>>, vector<1x16xf32>,
          %get3A_435 = arith.index_cast %scan3A_327 : i32 to index
          %get3A_436 = arith.constant 80 : index
          %get3A_437 = tpu.vector_load %arg17[%get3A_435, %get3A_436] {strides = array<i32>} : memref<40x128xf32, #tpu.memory_space<vmem>>, vector<1x16xf32>,
          %get3A_438 = vector.shape_cast %get3A_437 : vector<1x16xf32> to vector<16xf32>
          %get3A_439 = arith.index_cast %scan3A_327 : i32 to index
          %get3A_440 = arith.constant 80 : index
          %get3A_441 = tpu.vector_load %arg19[%get3A_439, %get3A_440] {strides = array<i32>} : memref<40x128xf32, #tpu.memory_space<vmem>>, vector<1x16xf32>,
          %get3A_442 = vector.shape_cast %get3A_441 : vector<1x16xf32> to vector<16xf32>
          %add3A_443 = arith.addf %get3A_438, %get3A_442 : vector<16xf32>
          %get3A_444 = arith.index_cast %scan3A_327 : i32 to index
          %get3A_445 = arith.constant 80 : index
          %get3A_446 = tpu.vector_load %arg21[%get3A_444, %get3A_445] {strides = array<i32>} : memref<40x128xf32, #tpu.memory_space<vmem>>, vector<1x16xf32>,
          %get3A_447 = vector.shape_cast %get3A_446 : vector<1x16xf32> to vector<16xf32>
          %add3A_448 = arith.addf %add3A_443, %get3A_447 : vector<16xf32>
          %max3A_449 = arith.constant 0.000000e+00 : f32
          %max3A_450 = vector.broadcast %max3A_449 : f32 to vector<16xf32>
          %max3A_451 = arith.maximumf %add3A_448, %max3A_450 : vector<16xf32>
          %swap3A_452 = arith.index_cast %scan3A_327 : i32 to index
          %swap3A_453 = arith.constant 80 : index
          %swap3A_454 = tpu.vector_load %arg23[%swap3A_452, %swap3A_453] {strides = array<i32>} : memref<40x128xf32, #tpu.memory_space<vmem>>, vector<1x16xf32>,
          %swap3A_455 = vector.shape_cast %swap3A_454 : vector<1x16xf32> to vector<16xf32>
          %swap3A_456 = vector.shape_cast %max3A_451 : vector<16xf32> to vector<1x16xf32>
          tpu.vector_store %arg23[%swap3A_452, %swap3A_453], %swap3A_456 {strides = array<i32>} : memref<40x128xf32, #tpu.memory_space<vmem>>, vector<1x16xf32>,
          %get3A_457 = arith.index_cast %scan3A_327 : i32 to index
          %get3A_458 = arith.constant 96 : index
          %get3A_459 = tpu.vector_load %arg17[%get3A_457, %get3A_458] {strides = array<i32>} : memref<40x128xf32, #tpu.memory_space<vmem>>, vector<1x16xf32>,
          %get3A_460 = vector.shape_cast %get3A_459 : vector<1x16xf32> to vector<16xf32>
          %get3A_461 = arith.index_cast %scan3A_327 : i32 to index
          %get3A_462 = arith.constant 96 : index
          %get3A_463 = tpu.vector_load %arg19[%get3A_461, %get3A_462] {strides = array<i32>} : memref<40x128xf32, #tpu.memory_space<vmem>>, vector<1x16xf32>,
          %get3A_464 = vector.shape_cast %get3A_463 : vector<1x16xf32> to vector<16xf32>
          %add3A_465 = arith.addf %get3A_460, %get3A_464 : vector<16xf32>
          %get3A_466 = arith.index_cast %scan3A_327 : i32 to index
          %get3A_467 = arith.constant 96 : index
          %get3A_468 = tpu.vector_load %arg21[%get3A_466, %get3A_467] {strides = array<i32>} : memref<40x128xf32, #tpu.memory_space<vmem>>, vector<1x16xf32>,
          %get3A_469 = vector.shape_cast %get3A_468 : vector<1x16xf32> to vector<16xf32>
          %add3A_470 = arith.addf %add3A_465, %get3A_469 : vector<16xf32>
          %max3A_471 = arith.constant 0.000000e+00 : f32
          %max3A_472 = vector.broadcast %max3A_471 : f32 to vector<16xf32>
          %max3A_473 = arith.maximumf %add3A_470, %max3A_472 : vector<16xf32>
          %swap3A_474 = arith.index_cast %scan3A_327 : i32 to index
          %swap3A_475 = arith.constant 96 : index
          %swap3A_476 = tpu.vector_load %arg23[%swap3A_474, %swap3A_475] {strides = array<i32>} : memref<40x128xf32, #tpu.memory_space<vmem>>, vector<1x16xf32>,
          %swap3A_477 = vector.shape_cast %swap3A_476 : vector<1x16xf32> to vector<16xf32>
          %swap3A_478 = vector.shape_cast %max3A_473 : vector<16xf32> to vector<1x16xf32>
          tpu.vector_store %arg23[%swap3A_474, %swap3A_475], %swap3A_478 {strides = array<i32>} : memref<40x128xf32, #tpu.memory_space<vmem>>, vector<1x16xf32>,
          %get3A_479 = arith.index_cast %scan3A_327 : i32 to index
          %get3A_480 = arith.constant 112 : index
          %get3A_481 = tpu.vector_load %arg17[%get3A_479, %get3A_480] {strides = array<i32>} : memref<40x128xf32, #tpu.memory_space<vmem>>, vector<1x16xf32>,
          %get3A_482 = vector.shape_cast %get3A_481 : vector<1x16xf32> to vector<16xf32>
          %get3A_483 = arith.index_cast %scan3A_327 : i32 to index
          %get3A_484 = arith.constant 112 : index
          %get3A_485 = tpu.vector_load %arg19[%get3A_483, %get3A_484] {strides = array<i32>} : memref<40x128xf32, #tpu.memory_space<vmem>>, vector<1x16xf32>,
          %get3A_486 = vector.shape_cast %get3A_485 : vector<1x16xf32> to vector<16xf32>
          %add3A_487 = arith.addf %get3A_482, %get3A_486 : vector<16xf32>
          %get3A_488 = arith.index_cast %scan3A_327 : i32 to index
          %get3A_489 = arith.constant 112 : index
          %get3A_490 = tpu.vector_load %arg21[%get3A_488, %get3A_489] {strides = array<i32>} : memref<40x128xf32, #tpu.memory_space<vmem>>, vector<1x16xf32>,
          %get3A_491 = vector.shape_cast %get3A_490 : vector<1x16xf32> to vector<16xf32>
          %add3A_492 = arith.addf %add3A_487, %get3A_491 : vector<16xf32>
          %max3A_493 = arith.constant 0.000000e+00 : f32
          %max3A_494 = vector.broadcast %max3A_493 : f32 to vector<16xf32>
          %max3A_495 = arith.maximumf %add3A_492, %max3A_494 : vector<16xf32>
          %swap3A_496 = arith.index_cast %scan3A_327 : i32 to index
          %swap3A_497 = arith.constant 112 : index
          %swap3A_498 = tpu.vector_load %arg23[%swap3A_496, %swap3A_497] {strides = array<i32>} : memref<40x128xf32, #tpu.memory_space<vmem>>, vector<1x16xf32>,
          %swap3A_499 = vector.shape_cast %swap3A_498 : vector<1x16xf32> to vector<16xf32>
          %swap3A_500 = vector.shape_cast %max3A_495 : vector<16xf32> to vector<1x16xf32>
          tpu.vector_store %arg23[%swap3A_496, %swap3A_497], %swap3A_500 {strides = array<i32>} : memref<40x128xf32, #tpu.memory_space<vmem>>, vector<1x16xf32>,
        }
        %scan3A_323 = arith.constant 40 : i32
        %dma_start3A_324 = arith.constant 0 : i32
        %dma_start3A_325 = arith.constant 0 : i32
        %dma_start3A_326 = tpu.memref_slice %arg25[%dma_start3A_324, %dma_start3A_325] : memref<10240x128xf32, #tpu.memory_space<vmem_shared>> -> memref<10240x128xf32, #tpu.memory_space<vmem_shared>>
        tpu.enqueue_indirect_dma source(%arg23 : memref<40x128xf32, #tpu.memory_space<vmem>>) target(%dma_start3A_326 : memref<10240x128xf32, #tpu.memory_space<vmem_shared>>) offsets(%arg9 : memref<40xi32, #tpu.memory_space<vmem>>) semaphore(%arg37 : memref<!tpu.dma_semaphore, #tpu.memory_space<semaphore_mem>>) {add = true}
      } else {
      }
      %mul3A_240 = arith.constant 4 : i32
      %mul3A_241 = arith.muli %mul3A_240, %scan3A_173 : i32
      %add3A_242 = arith.constant 2 : i32
      %add3A_243 = arith.addi %mul3A_241, %add3A_242 : i32
      %mul3A_244 = arith.constant 40 : i32
      %mul3A_245 = arith.muli %add3A_243, %mul3A_244 : i32
      %add3A_246 = arith.addi %mul3A_2, %mul3A_245 : i32
      %ge3A_247 = arith.constant 1 : i32
      %ge3A_248 = arith.cmpi sge, %add3A_243, %ge3A_247 : i32
      %lt3A_249 = arith.constant 250 : i32
      %lt3A_250 = arith.cmpi slt, %add3A_243, %lt3A_249 : i32
      %and3A_251 = arith.andi %ge3A_248, %lt3A_250 : i1
      %convert_element_type3A_252 = arith.extui %and3A_251 : i1 to i32
      %cond3A_253 = arith.constant 0 : i32
      %cond3A_254 = arith.cmpi ne, %convert_element_type3A_252, %cond3A_253 : i32
      scf.if %cond3A_254 {
        %dma_wait3A_308 = arith.constant 0 : i32
        %dma_wait3A_309 = arith.constant 0 : i32
        %dma_wait3A_310 = tpu.memref_slice %arg25[%dma_wait3A_308, %dma_wait3A_309] : memref<10240x128xf32, #tpu.memory_space<vmem_shared>> -> memref<10240x128xf32, #tpu.memory_space<vmem_shared>>
        tpu.wait_indirect_dma semaphore(%arg37 : memref<!tpu.dma_semaphore, #tpu.memory_space<semaphore_mem>>) src(%arg23 : memref<40x128xf32, #tpu.memory_space<vmem>>) dst(%dma_wait3A_310 : memref<10240x128xf32, #tpu.memory_space<vmem_shared>>)
      } else {
      }
      %add3A_255 = arith.constant 2 : i32
      %add3A_256 = arith.addi %add3A_243, %add3A_255 : i32
      %lt3A_257 = arith.constant 250 : i32
      %lt3A_258 = arith.cmpi slt, %add3A_256, %lt3A_257 : i32
      %convert_element_type3A_259 = arith.extui %lt3A_258 : i1 to i32
      %cond3A_260 = arith.constant 0 : i32
      %cond3A_261 = arith.cmpi ne, %convert_element_type3A_259, %cond3A_260 : i32
      scf.if %cond3A_261 {
        %add3A_308 = arith.constant 80 : i32
        %add3A_309 = arith.addi %add3A_246, %add3A_308 : i32
        %dma_start3A_310 = tpu.memref_slice %arg5[%add3A_309] : memref<320000xi32, #tpu.memory_space<hbm>> -> memref<40xi32, #tpu.memory_space<hbm>>
        %dma_start3A_311 = tpu.memref_slice %arg5[%add3A_309] : memref<320000xi32, #tpu.memory_space<hbm>> -> memref<40xi32, #tpu.memory_space<hbm>>
        tpu.enqueue_dma source(%dma_start3A_311 : memref<40xi32, #tpu.memory_space<hbm>>) target(%arg8 : memref<40xi32, #tpu.memory_space<vmem>>) target_semaphore(%arg26 : memref<!tpu.dma_semaphore, #tpu.memory_space<semaphore_mem>>)
        %dma_start3A_312 = tpu.memref_slice %arg6[%add3A_309] : memref<320000xi32, #tpu.memory_space<hbm>> -> memref<40xi32, #tpu.memory_space<hbm>>
        %dma_start3A_313 = tpu.memref_slice %arg6[%add3A_309] : memref<320000xi32, #tpu.memory_space<hbm>> -> memref<40xi32, #tpu.memory_space<hbm>>
        tpu.enqueue_dma source(%dma_start3A_313 : memref<40xi32, #tpu.memory_space<hbm>>) target(%arg12 : memref<40xi32, #tpu.memory_space<vmem>>) target_semaphore(%arg26 : memref<!tpu.dma_semaphore, #tpu.memory_space<semaphore_mem>>)
      } else {
      }
      %add3A_262 = arith.constant 1 : i32
      %add3A_263 = arith.addi %add3A_243, %add3A_262 : i32
      %lt3A_264 = arith.constant 250 : i32
      %lt3A_265 = arith.cmpi slt, %add3A_263, %lt3A_264 : i32
      %convert_element_type3A_266 = arith.extui %lt3A_265 : i1 to i32
      %cond3A_267 = arith.constant 0 : i32
      %cond3A_268 = arith.cmpi ne, %convert_element_type3A_266, %cond3A_267 : i32
      scf.if %cond3A_268 {
        %add3A_308 = arith.constant 40 : i32
        %add3A_309 = arith.addi %add3A_246, %add3A_308 : i32
        %dma_wait3A_310 = tpu.memref_slice %arg5[%add3A_309] : memref<320000xi32, #tpu.memory_space<hbm>> -> memref<40xi32, #tpu.memory_space<hbm>>
        %dma_wait3A_311 = tpu.memref_slice %arg5[%add3A_309] : memref<320000xi32, #tpu.memory_space<hbm>> -> memref<40xi32, #tpu.memory_space<hbm>>
        tpu.wait_dma2 semaphore(%arg29 : memref<!tpu.dma_semaphore, #tpu.memory_space<semaphore_mem>>) src(%dma_wait3A_311 : memref<40xi32, #tpu.memory_space<hbm>>) dst(%arg11 : memref<40xi32, #tpu.memory_space<vmem>>)
        %dma_wait3A_312 = tpu.memref_slice %arg6[%add3A_309] : memref<320000xi32, #tpu.memory_space<hbm>> -> memref<40xi32, #tpu.memory_space<hbm>>
        %dma_wait3A_313 = tpu.memref_slice %arg6[%add3A_309] : memref<320000xi32, #tpu.memory_space<hbm>> -> memref<40xi32, #tpu.memory_space<hbm>>
        tpu.wait_dma2 semaphore(%arg29 : memref<!tpu.dma_semaphore, #tpu.memory_space<semaphore_mem>>) src(%dma_wait3A_313 : memref<40xi32, #tpu.memory_space<hbm>>) dst(%arg15 : memref<40xi32, #tpu.memory_space<vmem>>)
        %add3A_314 = arith.constant 40 : i32
        %add3A_315 = arith.addi %add3A_246, %add3A_314 : i32
        %dma_start3A_316 = arith.constant 0 : i32
        %dma_start3A_317 = arith.constant 0 : i32
        %dma_start3A_318 = tpu.memref_slice %arg2[%dma_start3A_316, %dma_start3A_317] : memref<10000x128xf32, #tpu.memory_space<hbm>> -> memref<10000x128xf32, #tpu.memory_space<hbm>>
        tpu.enqueue_indirect_dma source(%dma_start3A_318 : memref<10000x128xf32, #tpu.memory_space<hbm>>) target(%arg17 : memref<40x128xf32, #tpu.memory_space<vmem>>) offsets(%arg11 : memref<40xi32, #tpu.memory_space<vmem>>) semaphore(%arg31 : memref<!tpu.dma_semaphore, #tpu.memory_space<semaphore_mem>>)
        %dma_start3A_319 = arith.constant 0 : i32
        %dma_start3A_320 = arith.constant 0 : i32
        %dma_start3A_321 = tpu.memref_slice %arg3[%dma_start3A_319, %dma_start3A_320] : memref<10000x128xf32, #tpu.memory_space<hbm>> -> memref<10000x128xf32, #tpu.memory_space<hbm>>
        tpu.enqueue_indirect_dma source(%dma_start3A_321 : memref<10000x128xf32, #tpu.memory_space<hbm>>) target(%arg19 : memref<40x128xf32, #tpu.memory_space<vmem>>) offsets(%arg15 : memref<40xi32, #tpu.memory_space<vmem>>) semaphore(%arg33 : memref<!tpu.dma_semaphore, #tpu.memory_space<semaphore_mem>>)
        %dma_start3A_322 = arith.constant 0 : i32
        %dma_start3A_323 = tpu.memref_slice %arg4[%add3A_315, %dma_start3A_322] : memref<320000x128xf32, #tpu.memory_space<hbm>> -> memref<40x128xf32, #tpu.memory_space<hbm>>
        %dma_start3A_324 = arith.constant 0 : i32
        %dma_start3A_325 = tpu.memref_slice %arg4[%add3A_315, %dma_start3A_324] : memref<320000x128xf32, #tpu.memory_space<hbm>> -> memref<40x128xf32, #tpu.memory_space<hbm>>
        tpu.enqueue_dma source(%dma_start3A_325 : memref<40x128xf32, #tpu.memory_space<hbm>>) target(%arg21 : memref<40x128xf32, #tpu.memory_space<vmem>>) target_semaphore(%arg35 : memref<!tpu.dma_semaphore, #tpu.memory_space<semaphore_mem>>)
      } else {
      }
      %lt3A_269 = arith.constant 250 : i32
      %lt3A_270 = arith.cmpi slt, %add3A_243, %lt3A_269 : i32
      %convert_element_type3A_271 = arith.extui %lt3A_270 : i1 to i32
      %cond3A_272 = arith.constant 0 : i32
      %cond3A_273 = arith.cmpi ne, %convert_element_type3A_271, %cond3A_272 : i32
      scf.if %cond3A_273 {
        %dma_wait3A_308 = arith.constant 0 : i32
        %dma_wait3A_309 = arith.constant 0 : i32
        %dma_wait3A_310 = tpu.memref_slice %arg2[%dma_wait3A_308, %dma_wait3A_309] : memref<10000x128xf32, #tpu.memory_space<hbm>> -> memref<10000x128xf32, #tpu.memory_space<hbm>>
        tpu.wait_indirect_dma semaphore(%arg30 : memref<!tpu.dma_semaphore, #tpu.memory_space<semaphore_mem>>) src(%dma_wait3A_310 : memref<10000x128xf32, #tpu.memory_space<hbm>>) dst(%arg16 : memref<40x128xf32, #tpu.memory_space<vmem>>)
        %dma_wait3A_311 = arith.constant 0 : i32
        %dma_wait3A_312 = arith.constant 0 : i32
        %dma_wait3A_313 = tpu.memref_slice %arg3[%dma_wait3A_311, %dma_wait3A_312] : memref<10000x128xf32, #tpu.memory_space<hbm>> -> memref<10000x128xf32, #tpu.memory_space<hbm>>
        tpu.wait_indirect_dma semaphore(%arg32 : memref<!tpu.dma_semaphore, #tpu.memory_space<semaphore_mem>>) src(%dma_wait3A_313 : memref<10000x128xf32, #tpu.memory_space<hbm>>) dst(%arg18 : memref<40x128xf32, #tpu.memory_space<vmem>>)
        %dma_wait3A_314 = arith.constant 0 : i32
        %dma_wait3A_315 = tpu.memref_slice %arg4[%add3A_246, %dma_wait3A_314] : memref<320000x128xf32, #tpu.memory_space<hbm>> -> memref<40x128xf32, #tpu.memory_space<hbm>>
        %dma_wait3A_316 = arith.constant 0 : i32
        %dma_wait3A_317 = tpu.memref_slice %arg4[%add3A_246, %dma_wait3A_316] : memref<320000x128xf32, #tpu.memory_space<hbm>> -> memref<40x128xf32, #tpu.memory_space<hbm>>
        tpu.wait_dma2 semaphore(%arg34 : memref<!tpu.dma_semaphore, #tpu.memory_space<semaphore_mem>>) src(%dma_wait3A_317 : memref<40x128xf32, #tpu.memory_space<hbm>>) dst(%arg20 : memref<40x128xf32, #tpu.memory_space<vmem>>)
        %scan3A_318 = arith.constant 0 : i32
        %scan3A_319 = arith.constant 0 : i32
        %scan3A_320 = arith.constant 40 : i32
        %scan3A_321 = arith.addi %scan3A_319, %scan3A_320 : i32
        %scan3A_322 = arith.constant 1 : i32
        scf.for %scan3A_327 = %scan3A_319 to %scan3A_321 step %scan3A_322  : i32 {
          %get3A = arith.index_cast %scan3A_327 : i32 to index
          %get3A_328 = arith.constant 0 : index
          %get3A_329 = tpu.vector_load %arg16[%get3A, %get3A_328] {strides = array<i32>} : memref<40x128xf32, #tpu.memory_space<vmem>>, vector<1x16xf32>,
          %get3A_330 = vector.shape_cast %get3A_329 : vector<1x16xf32> to vector<16xf32>
          %get3A_331 = arith.index_cast %scan3A_327 : i32 to index
          %get3A_332 = arith.constant 0 : index
          %get3A_333 = tpu.vector_load %arg18[%get3A_331, %get3A_332] {strides = array<i32>} : memref<40x128xf32, #tpu.memory_space<vmem>>, vector<1x16xf32>,
          %get3A_334 = vector.shape_cast %get3A_333 : vector<1x16xf32> to vector<16xf32>
          %add3A_335 = arith.addf %get3A_330, %get3A_334 : vector<16xf32>
          %get3A_336 = arith.index_cast %scan3A_327 : i32 to index
          %get3A_337 = arith.constant 0 : index
          %get3A_338 = tpu.vector_load %arg20[%get3A_336, %get3A_337] {strides = array<i32>} : memref<40x128xf32, #tpu.memory_space<vmem>>, vector<1x16xf32>,
          %get3A_339 = vector.shape_cast %get3A_338 : vector<1x16xf32> to vector<16xf32>
          %add3A_340 = arith.addf %add3A_335, %get3A_339 : vector<16xf32>
          %max3A = arith.constant 0.000000e+00 : f32
          %max3A_341 = vector.broadcast %max3A : f32 to vector<16xf32>
          %max3A_342 = arith.maximumf %add3A_340, %max3A_341 : vector<16xf32>
          %swap3A = arith.index_cast %scan3A_327 : i32 to index
          %swap3A_343 = arith.constant 0 : index
          %swap3A_344 = tpu.vector_load %arg22[%swap3A, %swap3A_343] {strides = array<i32>} : memref<40x128xf32, #tpu.memory_space<vmem>>, vector<1x16xf32>,
          %swap3A_345 = vector.shape_cast %swap3A_344 : vector<1x16xf32> to vector<16xf32>
          %swap3A_346 = vector.shape_cast %max3A_342 : vector<16xf32> to vector<1x16xf32>
          tpu.vector_store %arg22[%swap3A, %swap3A_343], %swap3A_346 {strides = array<i32>} : memref<40x128xf32, #tpu.memory_space<vmem>>, vector<1x16xf32>,
          %get3A_347 = arith.index_cast %scan3A_327 : i32 to index
          %get3A_348 = arith.constant 16 : index
          %get3A_349 = tpu.vector_load %arg16[%get3A_347, %get3A_348] {strides = array<i32>} : memref<40x128xf32, #tpu.memory_space<vmem>>, vector<1x16xf32>,
          %get3A_350 = vector.shape_cast %get3A_349 : vector<1x16xf32> to vector<16xf32>
          %get3A_351 = arith.index_cast %scan3A_327 : i32 to index
          %get3A_352 = arith.constant 16 : index
          %get3A_353 = tpu.vector_load %arg18[%get3A_351, %get3A_352] {strides = array<i32>} : memref<40x128xf32, #tpu.memory_space<vmem>>, vector<1x16xf32>,
          %get3A_354 = vector.shape_cast %get3A_353 : vector<1x16xf32> to vector<16xf32>
          %add3A_355 = arith.addf %get3A_350, %get3A_354 : vector<16xf32>
          %get3A_356 = arith.index_cast %scan3A_327 : i32 to index
          %get3A_357 = arith.constant 16 : index
          %get3A_358 = tpu.vector_load %arg20[%get3A_356, %get3A_357] {strides = array<i32>} : memref<40x128xf32, #tpu.memory_space<vmem>>, vector<1x16xf32>,
          %get3A_359 = vector.shape_cast %get3A_358 : vector<1x16xf32> to vector<16xf32>
          %add3A_360 = arith.addf %add3A_355, %get3A_359 : vector<16xf32>
          %max3A_361 = arith.constant 0.000000e+00 : f32
          %max3A_362 = vector.broadcast %max3A_361 : f32 to vector<16xf32>
          %max3A_363 = arith.maximumf %add3A_360, %max3A_362 : vector<16xf32>
          %swap3A_364 = arith.index_cast %scan3A_327 : i32 to index
          %swap3A_365 = arith.constant 16 : index
          %swap3A_366 = tpu.vector_load %arg22[%swap3A_364, %swap3A_365] {strides = array<i32>} : memref<40x128xf32, #tpu.memory_space<vmem>>, vector<1x16xf32>,
          %swap3A_367 = vector.shape_cast %swap3A_366 : vector<1x16xf32> to vector<16xf32>
          %swap3A_368 = vector.shape_cast %max3A_363 : vector<16xf32> to vector<1x16xf32>
          tpu.vector_store %arg22[%swap3A_364, %swap3A_365], %swap3A_368 {strides = array<i32>} : memref<40x128xf32, #tpu.memory_space<vmem>>, vector<1x16xf32>,
          %get3A_369 = arith.index_cast %scan3A_327 : i32 to index
          %get3A_370 = arith.constant 32 : index
          %get3A_371 = tpu.vector_load %arg16[%get3A_369, %get3A_370] {strides = array<i32>} : memref<40x128xf32, #tpu.memory_space<vmem>>, vector<1x16xf32>,
          %get3A_372 = vector.shape_cast %get3A_371 : vector<1x16xf32> to vector<16xf32>
          %get3A_373 = arith.index_cast %scan3A_327 : i32 to index
          %get3A_374 = arith.constant 32 : index
          %get3A_375 = tpu.vector_load %arg18[%get3A_373, %get3A_374] {strides = array<i32>} : memref<40x128xf32, #tpu.memory_space<vmem>>, vector<1x16xf32>,
          %get3A_376 = vector.shape_cast %get3A_375 : vector<1x16xf32> to vector<16xf32>
          %add3A_377 = arith.addf %get3A_372, %get3A_376 : vector<16xf32>
          %get3A_378 = arith.index_cast %scan3A_327 : i32 to index
          %get3A_379 = arith.constant 32 : index
          %get3A_380 = tpu.vector_load %arg20[%get3A_378, %get3A_379] {strides = array<i32>} : memref<40x128xf32, #tpu.memory_space<vmem>>, vector<1x16xf32>,
          %get3A_381 = vector.shape_cast %get3A_380 : vector<1x16xf32> to vector<16xf32>
          %add3A_382 = arith.addf %add3A_377, %get3A_381 : vector<16xf32>
          %max3A_383 = arith.constant 0.000000e+00 : f32
          %max3A_384 = vector.broadcast %max3A_383 : f32 to vector<16xf32>
          %max3A_385 = arith.maximumf %add3A_382, %max3A_384 : vector<16xf32>
          %swap3A_386 = arith.index_cast %scan3A_327 : i32 to index
          %swap3A_387 = arith.constant 32 : index
          %swap3A_388 = tpu.vector_load %arg22[%swap3A_386, %swap3A_387] {strides = array<i32>} : memref<40x128xf32, #tpu.memory_space<vmem>>, vector<1x16xf32>,
          %swap3A_389 = vector.shape_cast %swap3A_388 : vector<1x16xf32> to vector<16xf32>
          %swap3A_390 = vector.shape_cast %max3A_385 : vector<16xf32> to vector<1x16xf32>
          tpu.vector_store %arg22[%swap3A_386, %swap3A_387], %swap3A_390 {strides = array<i32>} : memref<40x128xf32, #tpu.memory_space<vmem>>, vector<1x16xf32>,
          %get3A_391 = arith.index_cast %scan3A_327 : i32 to index
          %get3A_392 = arith.constant 48 : index
          %get3A_393 = tpu.vector_load %arg16[%get3A_391, %get3A_392] {strides = array<i32>} : memref<40x128xf32, #tpu.memory_space<vmem>>, vector<1x16xf32>,
          %get3A_394 = vector.shape_cast %get3A_393 : vector<1x16xf32> to vector<16xf32>
          %get3A_395 = arith.index_cast %scan3A_327 : i32 to index
          %get3A_396 = arith.constant 48 : index
          %get3A_397 = tpu.vector_load %arg18[%get3A_395, %get3A_396] {strides = array<i32>} : memref<40x128xf32, #tpu.memory_space<vmem>>, vector<1x16xf32>,
          %get3A_398 = vector.shape_cast %get3A_397 : vector<1x16xf32> to vector<16xf32>
          %add3A_399 = arith.addf %get3A_394, %get3A_398 : vector<16xf32>
          %get3A_400 = arith.index_cast %scan3A_327 : i32 to index
          %get3A_401 = arith.constant 48 : index
          %get3A_402 = tpu.vector_load %arg20[%get3A_400, %get3A_401] {strides = array<i32>} : memref<40x128xf32, #tpu.memory_space<vmem>>, vector<1x16xf32>,
          %get3A_403 = vector.shape_cast %get3A_402 : vector<1x16xf32> to vector<16xf32>
          %add3A_404 = arith.addf %add3A_399, %get3A_403 : vector<16xf32>
          %max3A_405 = arith.constant 0.000000e+00 : f32
          %max3A_406 = vector.broadcast %max3A_405 : f32 to vector<16xf32>
          %max3A_407 = arith.maximumf %add3A_404, %max3A_406 : vector<16xf32>
          %swap3A_408 = arith.index_cast %scan3A_327 : i32 to index
          %swap3A_409 = arith.constant 48 : index
          %swap3A_410 = tpu.vector_load %arg22[%swap3A_408, %swap3A_409] {strides = array<i32>} : memref<40x128xf32, #tpu.memory_space<vmem>>, vector<1x16xf32>,
          %swap3A_411 = vector.shape_cast %swap3A_410 : vector<1x16xf32> to vector<16xf32>
          %swap3A_412 = vector.shape_cast %max3A_407 : vector<16xf32> to vector<1x16xf32>
          tpu.vector_store %arg22[%swap3A_408, %swap3A_409], %swap3A_412 {strides = array<i32>} : memref<40x128xf32, #tpu.memory_space<vmem>>, vector<1x16xf32>,
          %get3A_413 = arith.index_cast %scan3A_327 : i32 to index
          %get3A_414 = arith.constant 64 : index
          %get3A_415 = tpu.vector_load %arg16[%get3A_413, %get3A_414] {strides = array<i32>} : memref<40x128xf32, #tpu.memory_space<vmem>>, vector<1x16xf32>,
          %get3A_416 = vector.shape_cast %get3A_415 : vector<1x16xf32> to vector<16xf32>
          %get3A_417 = arith.index_cast %scan3A_327 : i32 to index
          %get3A_418 = arith.constant 64 : index
          %get3A_419 = tpu.vector_load %arg18[%get3A_417, %get3A_418] {strides = array<i32>} : memref<40x128xf32, #tpu.memory_space<vmem>>, vector<1x16xf32>,
          %get3A_420 = vector.shape_cast %get3A_419 : vector<1x16xf32> to vector<16xf32>
          %add3A_421 = arith.addf %get3A_416, %get3A_420 : vector<16xf32>
          %get3A_422 = arith.index_cast %scan3A_327 : i32 to index
          %get3A_423 = arith.constant 64 : index
          %get3A_424 = tpu.vector_load %arg20[%get3A_422, %get3A_423] {strides = array<i32>} : memref<40x128xf32, #tpu.memory_space<vmem>>, vector<1x16xf32>,
          %get3A_425 = vector.shape_cast %get3A_424 : vector<1x16xf32> to vector<16xf32>
          %add3A_426 = arith.addf %add3A_421, %get3A_425 : vector<16xf32>
          %max3A_427 = arith.constant 0.000000e+00 : f32
          %max3A_428 = vector.broadcast %max3A_427 : f32 to vector<16xf32>
          %max3A_429 = arith.maximumf %add3A_426, %max3A_428 : vector<16xf32>
          %swap3A_430 = arith.index_cast %scan3A_327 : i32 to index
          %swap3A_431 = arith.constant 64 : index
          %swap3A_432 = tpu.vector_load %arg22[%swap3A_430, %swap3A_431] {strides = array<i32>} : memref<40x128xf32, #tpu.memory_space<vmem>>, vector<1x16xf32>,
          %swap3A_433 = vector.shape_cast %swap3A_432 : vector<1x16xf32> to vector<16xf32>
          %swap3A_434 = vector.shape_cast %max3A_429 : vector<16xf32> to vector<1x16xf32>
          tpu.vector_store %arg22[%swap3A_430, %swap3A_431], %swap3A_434 {strides = array<i32>} : memref<40x128xf32, #tpu.memory_space<vmem>>, vector<1x16xf32>,
          %get3A_435 = arith.index_cast %scan3A_327 : i32 to index
          %get3A_436 = arith.constant 80 : index
          %get3A_437 = tpu.vector_load %arg16[%get3A_435, %get3A_436] {strides = array<i32>} : memref<40x128xf32, #tpu.memory_space<vmem>>, vector<1x16xf32>,
          %get3A_438 = vector.shape_cast %get3A_437 : vector<1x16xf32> to vector<16xf32>
          %get3A_439 = arith.index_cast %scan3A_327 : i32 to index
          %get3A_440 = arith.constant 80 : index
          %get3A_441 = tpu.vector_load %arg18[%get3A_439, %get3A_440] {strides = array<i32>} : memref<40x128xf32, #tpu.memory_space<vmem>>, vector<1x16xf32>,
          %get3A_442 = vector.shape_cast %get3A_441 : vector<1x16xf32> to vector<16xf32>
          %add3A_443 = arith.addf %get3A_438, %get3A_442 : vector<16xf32>
          %get3A_444 = arith.index_cast %scan3A_327 : i32 to index
          %get3A_445 = arith.constant 80 : index
          %get3A_446 = tpu.vector_load %arg20[%get3A_444, %get3A_445] {strides = array<i32>} : memref<40x128xf32, #tpu.memory_space<vmem>>, vector<1x16xf32>,
          %get3A_447 = vector.shape_cast %get3A_446 : vector<1x16xf32> to vector<16xf32>
          %add3A_448 = arith.addf %add3A_443, %get3A_447 : vector<16xf32>
          %max3A_449 = arith.constant 0.000000e+00 : f32
          %max3A_450 = vector.broadcast %max3A_449 : f32 to vector<16xf32>
          %max3A_451 = arith.maximumf %add3A_448, %max3A_450 : vector<16xf32>
          %swap3A_452 = arith.index_cast %scan3A_327 : i32 to index
          %swap3A_453 = arith.constant 80 : index
          %swap3A_454 = tpu.vector_load %arg22[%swap3A_452, %swap3A_453] {strides = array<i32>} : memref<40x128xf32, #tpu.memory_space<vmem>>, vector<1x16xf32>,
          %swap3A_455 = vector.shape_cast %swap3A_454 : vector<1x16xf32> to vector<16xf32>
          %swap3A_456 = vector.shape_cast %max3A_451 : vector<16xf32> to vector<1x16xf32>
          tpu.vector_store %arg22[%swap3A_452, %swap3A_453], %swap3A_456 {strides = array<i32>} : memref<40x128xf32, #tpu.memory_space<vmem>>, vector<1x16xf32>,
          %get3A_457 = arith.index_cast %scan3A_327 : i32 to index
          %get3A_458 = arith.constant 96 : index
          %get3A_459 = tpu.vector_load %arg16[%get3A_457, %get3A_458] {strides = array<i32>} : memref<40x128xf32, #tpu.memory_space<vmem>>, vector<1x16xf32>,
          %get3A_460 = vector.shape_cast %get3A_459 : vector<1x16xf32> to vector<16xf32>
          %get3A_461 = arith.index_cast %scan3A_327 : i32 to index
          %get3A_462 = arith.constant 96 : index
          %get3A_463 = tpu.vector_load %arg18[%get3A_461, %get3A_462] {strides = array<i32>} : memref<40x128xf32, #tpu.memory_space<vmem>>, vector<1x16xf32>,
          %get3A_464 = vector.shape_cast %get3A_463 : vector<1x16xf32> to vector<16xf32>
          %add3A_465 = arith.addf %get3A_460, %get3A_464 : vector<16xf32>
          %get3A_466 = arith.index_cast %scan3A_327 : i32 to index
          %get3A_467 = arith.constant 96 : index
          %get3A_468 = tpu.vector_load %arg20[%get3A_466, %get3A_467] {strides = array<i32>} : memref<40x128xf32, #tpu.memory_space<vmem>>, vector<1x16xf32>,
          %get3A_469 = vector.shape_cast %get3A_468 : vector<1x16xf32> to vector<16xf32>
          %add3A_470 = arith.addf %add3A_465, %get3A_469 : vector<16xf32>
          %max3A_471 = arith.constant 0.000000e+00 : f32
          %max3A_472 = vector.broadcast %max3A_471 : f32 to vector<16xf32>
          %max3A_473 = arith.maximumf %add3A_470, %max3A_472 : vector<16xf32>
          %swap3A_474 = arith.index_cast %scan3A_327 : i32 to index
          %swap3A_475 = arith.constant 96 : index
          %swap3A_476 = tpu.vector_load %arg22[%swap3A_474, %swap3A_475] {strides = array<i32>} : memref<40x128xf32, #tpu.memory_space<vmem>>, vector<1x16xf32>,
          %swap3A_477 = vector.shape_cast %swap3A_476 : vector<1x16xf32> to vector<16xf32>
          %swap3A_478 = vector.shape_cast %max3A_473 : vector<16xf32> to vector<1x16xf32>
          tpu.vector_store %arg22[%swap3A_474, %swap3A_475], %swap3A_478 {strides = array<i32>} : memref<40x128xf32, #tpu.memory_space<vmem>>, vector<1x16xf32>,
          %get3A_479 = arith.index_cast %scan3A_327 : i32 to index
          %get3A_480 = arith.constant 112 : index
          %get3A_481 = tpu.vector_load %arg16[%get3A_479, %get3A_480] {strides = array<i32>} : memref<40x128xf32, #tpu.memory_space<vmem>>, vector<1x16xf32>,
          %get3A_482 = vector.shape_cast %get3A_481 : vector<1x16xf32> to vector<16xf32>
          %get3A_483 = arith.index_cast %scan3A_327 : i32 to index
          %get3A_484 = arith.constant 112 : index
          %get3A_485 = tpu.vector_load %arg18[%get3A_483, %get3A_484] {strides = array<i32>} : memref<40x128xf32, #tpu.memory_space<vmem>>, vector<1x16xf32>,
          %get3A_486 = vector.shape_cast %get3A_485 : vector<1x16xf32> to vector<16xf32>
          %add3A_487 = arith.addf %get3A_482, %get3A_486 : vector<16xf32>
          %get3A_488 = arith.index_cast %scan3A_327 : i32 to index
          %get3A_489 = arith.constant 112 : index
          %get3A_490 = tpu.vector_load %arg20[%get3A_488, %get3A_489] {strides = array<i32>} : memref<40x128xf32, #tpu.memory_space<vmem>>, vector<1x16xf32>,
          %get3A_491 = vector.shape_cast %get3A_490 : vector<1x16xf32> to vector<16xf32>
          %add3A_492 = arith.addf %add3A_487, %get3A_491 : vector<16xf32>
          %max3A_493 = arith.constant 0.000000e+00 : f32
          %max3A_494 = vector.broadcast %max3A_493 : f32 to vector<16xf32>
          %max3A_495 = arith.maximumf %add3A_492, %max3A_494 : vector<16xf32>
          %swap3A_496 = arith.index_cast %scan3A_327 : i32 to index
          %swap3A_497 = arith.constant 112 : index
          %swap3A_498 = tpu.vector_load %arg22[%swap3A_496, %swap3A_497] {strides = array<i32>} : memref<40x128xf32, #tpu.memory_space<vmem>>, vector<1x16xf32>,
          %swap3A_499 = vector.shape_cast %swap3A_498 : vector<1x16xf32> to vector<16xf32>
          %swap3A_500 = vector.shape_cast %max3A_495 : vector<16xf32> to vector<1x16xf32>
          tpu.vector_store %arg22[%swap3A_496, %swap3A_497], %swap3A_500 {strides = array<i32>} : memref<40x128xf32, #tpu.memory_space<vmem>>, vector<1x16xf32>,
        }
        %scan3A_323 = arith.constant 40 : i32
        %dma_start3A_324 = arith.constant 0 : i32
        %dma_start3A_325 = arith.constant 0 : i32
        %dma_start3A_326 = tpu.memref_slice %arg25[%dma_start3A_324, %dma_start3A_325] : memref<10240x128xf32, #tpu.memory_space<vmem_shared>> -> memref<10240x128xf32, #tpu.memory_space<vmem_shared>>
        tpu.enqueue_indirect_dma source(%arg22 : memref<40x128xf32, #tpu.memory_space<vmem>>) target(%dma_start3A_326 : memref<10240x128xf32, #tpu.memory_space<vmem_shared>>) offsets(%arg10 : memref<40xi32, #tpu.memory_space<vmem>>) semaphore(%arg36 : memref<!tpu.dma_semaphore, #tpu.memory_space<semaphore_mem>>) {add = true}
      } else {
      }
      %mul3A_274 = arith.constant 4 : i32
      %mul3A_275 = arith.muli %mul3A_274, %scan3A_173 : i32
      %add3A_276 = arith.constant 3 : i32
      %add3A_277 = arith.addi %mul3A_275, %add3A_276 : i32
      %mul3A_278 = arith.constant 40 : i32
      %mul3A_279 = arith.muli %add3A_277, %mul3A_278 : i32
      %add3A_280 = arith.addi %mul3A_2, %mul3A_279 : i32
      %ge3A_281 = arith.constant 1 : i32
      %ge3A_282 = arith.cmpi sge, %add3A_277, %ge3A_281 : i32
      %lt3A_283 = arith.constant 250 : i32
      %lt3A_284 = arith.cmpi slt, %add3A_277, %lt3A_283 : i32
      %and3A_285 = arith.andi %ge3A_282, %lt3A_284 : i1
      %convert_element_type3A_286 = arith.extui %and3A_285 : i1 to i32
      %cond3A_287 = arith.constant 0 : i32
      %cond3A_288 = arith.cmpi ne, %convert_element_type3A_286, %cond3A_287 : i32
      scf.if %cond3A_288 {
        %dma_wait3A_308 = arith.constant 0 : i32
        %dma_wait3A_309 = arith.constant 0 : i32
        %dma_wait3A_310 = tpu.memref_slice %arg25[%dma_wait3A_308, %dma_wait3A_309] : memref<10240x128xf32, #tpu.memory_space<vmem_shared>> -> memref<10240x128xf32, #tpu.memory_space<vmem_shared>>
        tpu.wait_indirect_dma semaphore(%arg36 : memref<!tpu.dma_semaphore, #tpu.memory_space<semaphore_mem>>) src(%arg22 : memref<40x128xf32, #tpu.memory_space<vmem>>) dst(%dma_wait3A_310 : memref<10240x128xf32, #tpu.memory_space<vmem_shared>>)
      } else {
      }
      %add3A_289 = arith.constant 2 : i32
      %add3A_290 = arith.addi %add3A_277, %add3A_289 : i32
      %lt3A_291 = arith.constant 250 : i32
      %lt3A_292 = arith.cmpi slt, %add3A_290, %lt3A_291 : i32
      %convert_element_type3A_293 = arith.extui %lt3A_292 : i1 to i32
      %cond3A_294 = arith.constant 0 : i32
      %cond3A_295 = arith.cmpi ne, %convert_element_type3A_293, %cond3A_294 : i32
      scf.if %cond3A_295 {
        %add3A_308 = arith.constant 80 : i32
        %add3A_309 = arith.addi %add3A_280, %add3A_308 : i32
        %dma_start3A_310 = tpu.memref_slice %arg5[%add3A_309] : memref<320000xi32, #tpu.memory_space<hbm>> -> memref<40xi32, #tpu.memory_space<hbm>>
        %dma_start3A_311 = tpu.memref_slice %arg5[%add3A_309] : memref<320000xi32, #tpu.memory_space<hbm>> -> memref<40xi32, #tpu.memory_space<hbm>>
        tpu.enqueue_dma source(%dma_start3A_311 : memref<40xi32, #tpu.memory_space<hbm>>) target(%arg9 : memref<40xi32, #tpu.memory_space<vmem>>) target_semaphore(%arg27 : memref<!tpu.dma_semaphore, #tpu.memory_space<semaphore_mem>>)
        %dma_start3A_312 = tpu.memref_slice %arg6[%add3A_309] : memref<320000xi32, #tpu.memory_space<hbm>> -> memref<40xi32, #tpu.memory_space<hbm>>
        %dma_start3A_313 = tpu.memref_slice %arg6[%add3A_309] : memref<320000xi32, #tpu.memory_space<hbm>> -> memref<40xi32, #tpu.memory_space<hbm>>
        tpu.enqueue_dma source(%dma_start3A_313 : memref<40xi32, #tpu.memory_space<hbm>>) target(%arg13 : memref<40xi32, #tpu.memory_space<vmem>>) target_semaphore(%arg27 : memref<!tpu.dma_semaphore, #tpu.memory_space<semaphore_mem>>)
      } else {
      }
      %add3A_296 = arith.constant 1 : i32
      %add3A_297 = arith.addi %add3A_277, %add3A_296 : i32
      %lt3A_298 = arith.constant 250 : i32
      %lt3A_299 = arith.cmpi slt, %add3A_297, %lt3A_298 : i32
      %convert_element_type3A_300 = arith.extui %lt3A_299 : i1 to i32
      %cond3A_301 = arith.constant 0 : i32
      %cond3A_302 = arith.cmpi ne, %convert_element_type3A_300, %cond3A_301 : i32
      scf.if %cond3A_302 {
        %add3A_308 = arith.constant 40 : i32
        %add3A_309 = arith.addi %add3A_280, %add3A_308 : i32
        %dma_wait3A_310 = tpu.memref_slice %arg5[%add3A_309] : memref<320000xi32, #tpu.memory_space<hbm>> -> memref<40xi32, #tpu.memory_space<hbm>>
        %dma_wait3A_311 = tpu.memref_slice %arg5[%add3A_309] : memref<320000xi32, #tpu.memory_space<hbm>> -> memref<40xi32, #tpu.memory_space<hbm>>
        tpu.wait_dma2 semaphore(%arg26 : memref<!tpu.dma_semaphore, #tpu.memory_space<semaphore_mem>>) src(%dma_wait3A_311 : memref<40xi32, #tpu.memory_space<hbm>>) dst(%arg8 : memref<40xi32, #tpu.memory_space<vmem>>)
        %dma_wait3A_312 = tpu.memref_slice %arg6[%add3A_309] : memref<320000xi32, #tpu.memory_space<hbm>> -> memref<40xi32, #tpu.memory_space<hbm>>
        %dma_wait3A_313 = tpu.memref_slice %arg6[%add3A_309] : memref<320000xi32, #tpu.memory_space<hbm>> -> memref<40xi32, #tpu.memory_space<hbm>>
        tpu.wait_dma2 semaphore(%arg26 : memref<!tpu.dma_semaphore, #tpu.memory_space<semaphore_mem>>) src(%dma_wait3A_313 : memref<40xi32, #tpu.memory_space<hbm>>) dst(%arg12 : memref<40xi32, #tpu.memory_space<vmem>>)
        %add3A_314 = arith.constant 40 : i32
        %add3A_315 = arith.addi %add3A_280, %add3A_314 : i32
        %dma_start3A_316 = arith.constant 0 : i32
        %dma_start3A_317 = arith.constant 0 : i32
        %dma_start3A_318 = tpu.memref_slice %arg2[%dma_start3A_316, %dma_start3A_317] : memref<10000x128xf32, #tpu.memory_space<hbm>> -> memref<10000x128xf32, #tpu.memory_space<hbm>>
        tpu.enqueue_indirect_dma source(%dma_start3A_318 : memref<10000x128xf32, #tpu.memory_space<hbm>>) target(%arg16 : memref<40x128xf32, #tpu.memory_space<vmem>>) offsets(%arg8 : memref<40xi32, #tpu.memory_space<vmem>>) semaphore(%arg30 : memref<!tpu.dma_semaphore, #tpu.memory_space<semaphore_mem>>)
        %dma_start3A_319 = arith.constant 0 : i32
        %dma_start3A_320 = arith.constant 0 : i32
        %dma_start3A_321 = tpu.memref_slice %arg3[%dma_start3A_319, %dma_start3A_320] : memref<10000x128xf32, #tpu.memory_space<hbm>> -> memref<10000x128xf32, #tpu.memory_space<hbm>>
        tpu.enqueue_indirect_dma source(%dma_start3A_321 : memref<10000x128xf32, #tpu.memory_space<hbm>>) target(%arg18 : memref<40x128xf32, #tpu.memory_space<vmem>>) offsets(%arg12 : memref<40xi32, #tpu.memory_space<vmem>>) semaphore(%arg32 : memref<!tpu.dma_semaphore, #tpu.memory_space<semaphore_mem>>)
        %dma_start3A_322 = arith.constant 0 : i32
        %dma_start3A_323 = tpu.memref_slice %arg4[%add3A_315, %dma_start3A_322] : memref<320000x128xf32, #tpu.memory_space<hbm>> -> memref<40x128xf32, #tpu.memory_space<hbm>>
        %dma_start3A_324 = arith.constant 0 : i32
        %dma_start3A_325 = tpu.memref_slice %arg4[%add3A_315, %dma_start3A_324] : memref<320000x128xf32, #tpu.memory_space<hbm>> -> memref<40x128xf32, #tpu.memory_space<hbm>>
        tpu.enqueue_dma source(%dma_start3A_325 : memref<40x128xf32, #tpu.memory_space<hbm>>) target(%arg20 : memref<40x128xf32, #tpu.memory_space<vmem>>) target_semaphore(%arg34 : memref<!tpu.dma_semaphore, #tpu.memory_space<semaphore_mem>>)
      } else {
      }
      %lt3A_303 = arith.constant 250 : i32
      %lt3A_304 = arith.cmpi slt, %add3A_277, %lt3A_303 : i32
      %convert_element_type3A_305 = arith.extui %lt3A_304 : i1 to i32
      %cond3A_306 = arith.constant 0 : i32
      %cond3A_307 = arith.cmpi ne, %convert_element_type3A_305, %cond3A_306 : i32
      scf.if %cond3A_307 {
        %dma_wait3A_308 = arith.constant 0 : i32
        %dma_wait3A_309 = arith.constant 0 : i32
        %dma_wait3A_310 = tpu.memref_slice %arg2[%dma_wait3A_308, %dma_wait3A_309] : memref<10000x128xf32, #tpu.memory_space<hbm>> -> memref<10000x128xf32, #tpu.memory_space<hbm>>
        tpu.wait_indirect_dma semaphore(%arg31 : memref<!tpu.dma_semaphore, #tpu.memory_space<semaphore_mem>>) src(%dma_wait3A_310 : memref<10000x128xf32, #tpu.memory_space<hbm>>) dst(%arg17 : memref<40x128xf32, #tpu.memory_space<vmem>>)
        %dma_wait3A_311 = arith.constant 0 : i32
        %dma_wait3A_312 = arith.constant 0 : i32
        %dma_wait3A_313 = tpu.memref_slice %arg3[%dma_wait3A_311, %dma_wait3A_312] : memref<10000x128xf32, #tpu.memory_space<hbm>> -> memref<10000x128xf32, #tpu.memory_space<hbm>>
        tpu.wait_indirect_dma semaphore(%arg33 : memref<!tpu.dma_semaphore, #tpu.memory_space<semaphore_mem>>) src(%dma_wait3A_313 : memref<10000x128xf32, #tpu.memory_space<hbm>>) dst(%arg19 : memref<40x128xf32, #tpu.memory_space<vmem>>)
        %dma_wait3A_314 = arith.constant 0 : i32
        %dma_wait3A_315 = tpu.memref_slice %arg4[%add3A_280, %dma_wait3A_314] : memref<320000x128xf32, #tpu.memory_space<hbm>> -> memref<40x128xf32, #tpu.memory_space<hbm>>
        %dma_wait3A_316 = arith.constant 0 : i32
        %dma_wait3A_317 = tpu.memref_slice %arg4[%add3A_280, %dma_wait3A_316] : memref<320000x128xf32, #tpu.memory_space<hbm>> -> memref<40x128xf32, #tpu.memory_space<hbm>>
        tpu.wait_dma2 semaphore(%arg35 : memref<!tpu.dma_semaphore, #tpu.memory_space<semaphore_mem>>) src(%dma_wait3A_317 : memref<40x128xf32, #tpu.memory_space<hbm>>) dst(%arg21 : memref<40x128xf32, #tpu.memory_space<vmem>>)
        %scan3A_318 = arith.constant 0 : i32
        %scan3A_319 = arith.constant 0 : i32
        %scan3A_320 = arith.constant 40 : i32
        %scan3A_321 = arith.addi %scan3A_319, %scan3A_320 : i32
        %scan3A_322 = arith.constant 1 : i32
        scf.for %scan3A_327 = %scan3A_319 to %scan3A_321 step %scan3A_322  : i32 {
          %get3A = arith.index_cast %scan3A_327 : i32 to index
          %get3A_328 = arith.constant 0 : index
          %get3A_329 = tpu.vector_load %arg17[%get3A, %get3A_328] {strides = array<i32>} : memref<40x128xf32, #tpu.memory_space<vmem>>, vector<1x16xf32>,
          %get3A_330 = vector.shape_cast %get3A_329 : vector<1x16xf32> to vector<16xf32>
          %get3A_331 = arith.index_cast %scan3A_327 : i32 to index
          %get3A_332 = arith.constant 0 : index
          %get3A_333 = tpu.vector_load %arg19[%get3A_331, %get3A_332] {strides = array<i32>} : memref<40x128xf32, #tpu.memory_space<vmem>>, vector<1x16xf32>,
          %get3A_334 = vector.shape_cast %get3A_333 : vector<1x16xf32> to vector<16xf32>
          %add3A_335 = arith.addf %get3A_330, %get3A_334 : vector<16xf32>
          %get3A_336 = arith.index_cast %scan3A_327 : i32 to index
          %get3A_337 = arith.constant 0 : index
          %get3A_338 = tpu.vector_load %arg21[%get3A_336, %get3A_337] {strides = array<i32>} : memref<40x128xf32, #tpu.memory_space<vmem>>, vector<1x16xf32>,
          %get3A_339 = vector.shape_cast %get3A_338 : vector<1x16xf32> to vector<16xf32>
          %add3A_340 = arith.addf %add3A_335, %get3A_339 : vector<16xf32>
          %max3A = arith.constant 0.000000e+00 : f32
          %max3A_341 = vector.broadcast %max3A : f32 to vector<16xf32>
          %max3A_342 = arith.maximumf %add3A_340, %max3A_341 : vector<16xf32>
          %swap3A = arith.index_cast %scan3A_327 : i32 to index
          %swap3A_343 = arith.constant 0 : index
          %swap3A_344 = tpu.vector_load %arg23[%swap3A, %swap3A_343] {strides = array<i32>} : memref<40x128xf32, #tpu.memory_space<vmem>>, vector<1x16xf32>,
          %swap3A_345 = vector.shape_cast %swap3A_344 : vector<1x16xf32> to vector<16xf32>
          %swap3A_346 = vector.shape_cast %max3A_342 : vector<16xf32> to vector<1x16xf32>
          tpu.vector_store %arg23[%swap3A, %swap3A_343], %swap3A_346 {strides = array<i32>} : memref<40x128xf32, #tpu.memory_space<vmem>>, vector<1x16xf32>,
          %get3A_347 = arith.index_cast %scan3A_327 : i32 to index
          %get3A_348 = arith.constant 16 : index
          %get3A_349 = tpu.vector_load %arg17[%get3A_347, %get3A_348] {strides = array<i32>} : memref<40x128xf32, #tpu.memory_space<vmem>>, vector<1x16xf32>,
          %get3A_350 = vector.shape_cast %get3A_349 : vector<1x16xf32> to vector<16xf32>
          %get3A_351 = arith.index_cast %scan3A_327 : i32 to index
          %get3A_352 = arith.constant 16 : index
          %get3A_353 = tpu.vector_load %arg19[%get3A_351, %get3A_352] {strides = array<i32>} : memref<40x128xf32, #tpu.memory_space<vmem>>, vector<1x16xf32>,
          %get3A_354 = vector.shape_cast %get3A_353 : vector<1x16xf32> to vector<16xf32>
          %add3A_355 = arith.addf %get3A_350, %get3A_354 : vector<16xf32>
          %get3A_356 = arith.index_cast %scan3A_327 : i32 to index
          %get3A_357 = arith.constant 16 : index
          %get3A_358 = tpu.vector_load %arg21[%get3A_356, %get3A_357] {strides = array<i32>} : memref<40x128xf32, #tpu.memory_space<vmem>>, vector<1x16xf32>,
          %get3A_359 = vector.shape_cast %get3A_358 : vector<1x16xf32> to vector<16xf32>
          %add3A_360 = arith.addf %add3A_355, %get3A_359 : vector<16xf32>
          %max3A_361 = arith.constant 0.000000e+00 : f32
          %max3A_362 = vector.broadcast %max3A_361 : f32 to vector<16xf32>
          %max3A_363 = arith.maximumf %add3A_360, %max3A_362 : vector<16xf32>
          %swap3A_364 = arith.index_cast %scan3A_327 : i32 to index
          %swap3A_365 = arith.constant 16 : index
          %swap3A_366 = tpu.vector_load %arg23[%swap3A_364, %swap3A_365] {strides = array<i32>} : memref<40x128xf32, #tpu.memory_space<vmem>>, vector<1x16xf32>,
          %swap3A_367 = vector.shape_cast %swap3A_366 : vector<1x16xf32> to vector<16xf32>
          %swap3A_368 = vector.shape_cast %max3A_363 : vector<16xf32> to vector<1x16xf32>
          tpu.vector_store %arg23[%swap3A_364, %swap3A_365], %swap3A_368 {strides = array<i32>} : memref<40x128xf32, #tpu.memory_space<vmem>>, vector<1x16xf32>,
          %get3A_369 = arith.index_cast %scan3A_327 : i32 to index
          %get3A_370 = arith.constant 32 : index
          %get3A_371 = tpu.vector_load %arg17[%get3A_369, %get3A_370] {strides = array<i32>} : memref<40x128xf32, #tpu.memory_space<vmem>>, vector<1x16xf32>,
          %get3A_372 = vector.shape_cast %get3A_371 : vector<1x16xf32> to vector<16xf32>
          %get3A_373 = arith.index_cast %scan3A_327 : i32 to index
          %get3A_374 = arith.constant 32 : index
          %get3A_375 = tpu.vector_load %arg19[%get3A_373, %get3A_374] {strides = array<i32>} : memref<40x128xf32, #tpu.memory_space<vmem>>, vector<1x16xf32>,
          %get3A_376 = vector.shape_cast %get3A_375 : vector<1x16xf32> to vector<16xf32>
          %add3A_377 = arith.addf %get3A_372, %get3A_376 : vector<16xf32>
          %get3A_378 = arith.index_cast %scan3A_327 : i32 to index
          %get3A_379 = arith.constant 32 : index
          %get3A_380 = tpu.vector_load %arg21[%get3A_378, %get3A_379] {strides = array<i32>} : memref<40x128xf32, #tpu.memory_space<vmem>>, vector<1x16xf32>,
          %get3A_381 = vector.shape_cast %get3A_380 : vector<1x16xf32> to vector<16xf32>
          %add3A_382 = arith.addf %add3A_377, %get3A_381 : vector<16xf32>
          %max3A_383 = arith.constant 0.000000e+00 : f32
          %max3A_384 = vector.broadcast %max3A_383 : f32 to vector<16xf32>
          %max3A_385 = arith.maximumf %add3A_382, %max3A_384 : vector<16xf32>
          %swap3A_386 = arith.index_cast %scan3A_327 : i32 to index
          %swap3A_387 = arith.constant 32 : index
          %swap3A_388 = tpu.vector_load %arg23[%swap3A_386, %swap3A_387] {strides = array<i32>} : memref<40x128xf32, #tpu.memory_space<vmem>>, vector<1x16xf32>,
          %swap3A_389 = vector.shape_cast %swap3A_388 : vector<1x16xf32> to vector<16xf32>
          %swap3A_390 = vector.shape_cast %max3A_385 : vector<16xf32> to vector<1x16xf32>
          tpu.vector_store %arg23[%swap3A_386, %swap3A_387], %swap3A_390 {strides = array<i32>} : memref<40x128xf32, #tpu.memory_space<vmem>>, vector<1x16xf32>,
          %get3A_391 = arith.index_cast %scan3A_327 : i32 to index
          %get3A_392 = arith.constant 48 : index
          %get3A_393 = tpu.vector_load %arg17[%get3A_391, %get3A_392] {strides = array<i32>} : memref<40x128xf32, #tpu.memory_space<vmem>>, vector<1x16xf32>,
          %get3A_394 = vector.shape_cast %get3A_393 : vector<1x16xf32> to vector<16xf32>
          %get3A_395 = arith.index_cast %scan3A_327 : i32 to index
          %get3A_396 = arith.constant 48 : index
          %get3A_397 = tpu.vector_load %arg19[%get3A_395, %get3A_396] {strides = array<i32>} : memref<40x128xf32, #tpu.memory_space<vmem>>, vector<1x16xf32>,
          %get3A_398 = vector.shape_cast %get3A_397 : vector<1x16xf32> to vector<16xf32>
          %add3A_399 = arith.addf %get3A_394, %get3A_398 : vector<16xf32>
          %get3A_400 = arith.index_cast %scan3A_327 : i32 to index
          %get3A_401 = arith.constant 48 : index
          %get3A_402 = tpu.vector_load %arg21[%get3A_400, %get3A_401] {strides = array<i32>} : memref<40x128xf32, #tpu.memory_space<vmem>>, vector<1x16xf32>,
          %get3A_403 = vector.shape_cast %get3A_402 : vector<1x16xf32> to vector<16xf32>
          %add3A_404 = arith.addf %add3A_399, %get3A_403 : vector<16xf32>
          %max3A_405 = arith.constant 0.000000e+00 : f32
          %max3A_406 = vector.broadcast %max3A_405 : f32 to vector<16xf32>
          %max3A_407 = arith.maximumf %add3A_404, %max3A_406 : vector<16xf32>
          %swap3A_408 = arith.index_cast %scan3A_327 : i32 to index
          %swap3A_409 = arith.constant 48 : index
          %swap3A_410 = tpu.vector_load %arg23[%swap3A_408, %swap3A_409] {strides = array<i32>} : memref<40x128xf32, #tpu.memory_space<vmem>>, vector<1x16xf32>,
          %swap3A_411 = vector.shape_cast %swap3A_410 : vector<1x16xf32> to vector<16xf32>
          %swap3A_412 = vector.shape_cast %max3A_407 : vector<16xf32> to vector<1x16xf32>
          tpu.vector_store %arg23[%swap3A_408, %swap3A_409], %swap3A_412 {strides = array<i32>} : memref<40x128xf32, #tpu.memory_space<vmem>>, vector<1x16xf32>,
          %get3A_413 = arith.index_cast %scan3A_327 : i32 to index
          %get3A_414 = arith.constant 64 : index
          %get3A_415 = tpu.vector_load %arg17[%get3A_413, %get3A_414] {strides = array<i32>} : memref<40x128xf32, #tpu.memory_space<vmem>>, vector<1x16xf32>,
          %get3A_416 = vector.shape_cast %get3A_415 : vector<1x16xf32> to vector<16xf32>
          %get3A_417 = arith.index_cast %scan3A_327 : i32 to index
          %get3A_418 = arith.constant 64 : index
          %get3A_419 = tpu.vector_load %arg19[%get3A_417, %get3A_418] {strides = array<i32>} : memref<40x128xf32, #tpu.memory_space<vmem>>, vector<1x16xf32>,
          %get3A_420 = vector.shape_cast %get3A_419 : vector<1x16xf32> to vector<16xf32>
          %add3A_421 = arith.addf %get3A_416, %get3A_420 : vector<16xf32>
          %get3A_422 = arith.index_cast %scan3A_327 : i32 to index
          %get3A_423 = arith.constant 64 : index
          %get3A_424 = tpu.vector_load %arg21[%get3A_422, %get3A_423] {strides = array<i32>} : memref<40x128xf32, #tpu.memory_space<vmem>>, vector<1x16xf32>,
          %get3A_425 = vector.shape_cast %get3A_424 : vector<1x16xf32> to vector<16xf32>
          %add3A_426 = arith.addf %add3A_421, %get3A_425 : vector<16xf32>
          %max3A_427 = arith.constant 0.000000e+00 : f32
          %max3A_428 = vector.broadcast %max3A_427 : f32 to vector<16xf32>
          %max3A_429 = arith.maximumf %add3A_426, %max3A_428 : vector<16xf32>
          %swap3A_430 = arith.index_cast %scan3A_327 : i32 to index
          %swap3A_431 = arith.constant 64 : index
          %swap3A_432 = tpu.vector_load %arg23[%swap3A_430, %swap3A_431] {strides = array<i32>} : memref<40x128xf32, #tpu.memory_space<vmem>>, vector<1x16xf32>,
          %swap3A_433 = vector.shape_cast %swap3A_432 : vector<1x16xf32> to vector<16xf32>
          %swap3A_434 = vector.shape_cast %max3A_429 : vector<16xf32> to vector<1x16xf32>
          tpu.vector_store %arg23[%swap3A_430, %swap3A_431], %swap3A_434 {strides = array<i32>} : memref<40x128xf32, #tpu.memory_space<vmem>>, vector<1x16xf32>,
          %get3A_435 = arith.index_cast %scan3A_327 : i32 to index
          %get3A_436 = arith.constant 80 : index
          %get3A_437 = tpu.vector_load %arg17[%get3A_435, %get3A_436] {strides = array<i32>} : memref<40x128xf32, #tpu.memory_space<vmem>>, vector<1x16xf32>,
          %get3A_438 = vector.shape_cast %get3A_437 : vector<1x16xf32> to vector<16xf32>
          %get3A_439 = arith.index_cast %scan3A_327 : i32 to index
          %get3A_440 = arith.constant 80 : index
          %get3A_441 = tpu.vector_load %arg19[%get3A_439, %get3A_440] {strides = array<i32>} : memref<40x128xf32, #tpu.memory_space<vmem>>, vector<1x16xf32>,
          %get3A_442 = vector.shape_cast %get3A_441 : vector<1x16xf32> to vector<16xf32>
          %add3A_443 = arith.addf %get3A_438, %get3A_442 : vector<16xf32>
          %get3A_444 = arith.index_cast %scan3A_327 : i32 to index
          %get3A_445 = arith.constant 80 : index
          %get3A_446 = tpu.vector_load %arg21[%get3A_444, %get3A_445] {strides = array<i32>} : memref<40x128xf32, #tpu.memory_space<vmem>>, vector<1x16xf32>,
          %get3A_447 = vector.shape_cast %get3A_446 : vector<1x16xf32> to vector<16xf32>
          %add3A_448 = arith.addf %add3A_443, %get3A_447 : vector<16xf32>
          %max3A_449 = arith.constant 0.000000e+00 : f32
          %max3A_450 = vector.broadcast %max3A_449 : f32 to vector<16xf32>
          %max3A_451 = arith.maximumf %add3A_448, %max3A_450 : vector<16xf32>
          %swap3A_452 = arith.index_cast %scan3A_327 : i32 to index
          %swap3A_453 = arith.constant 80 : index
          %swap3A_454 = tpu.vector_load %arg23[%swap3A_452, %swap3A_453] {strides = array<i32>} : memref<40x128xf32, #tpu.memory_space<vmem>>, vector<1x16xf32>,
          %swap3A_455 = vector.shape_cast %swap3A_454 : vector<1x16xf32> to vector<16xf32>
          %swap3A_456 = vector.shape_cast %max3A_451 : vector<16xf32> to vector<1x16xf32>
          tpu.vector_store %arg23[%swap3A_452, %swap3A_453], %swap3A_456 {strides = array<i32>} : memref<40x128xf32, #tpu.memory_space<vmem>>, vector<1x16xf32>,
          %get3A_457 = arith.index_cast %scan3A_327 : i32 to index
          %get3A_458 = arith.constant 96 : index
          %get3A_459 = tpu.vector_load %arg17[%get3A_457, %get3A_458] {strides = array<i32>} : memref<40x128xf32, #tpu.memory_space<vmem>>, vector<1x16xf32>,
          %get3A_460 = vector.shape_cast %get3A_459 : vector<1x16xf32> to vector<16xf32>
          %get3A_461 = arith.index_cast %scan3A_327 : i32 to index
          %get3A_462 = arith.constant 96 : index
          %get3A_463 = tpu.vector_load %arg19[%get3A_461, %get3A_462] {strides = array<i32>} : memref<40x128xf32, #tpu.memory_space<vmem>>, vector<1x16xf32>,
          %get3A_464 = vector.shape_cast %get3A_463 : vector<1x16xf32> to vector<16xf32>
          %add3A_465 = arith.addf %get3A_460, %get3A_464 : vector<16xf32>
          %get3A_466 = arith.index_cast %scan3A_327 : i32 to index
          %get3A_467 = arith.constant 96 : index
          %get3A_468 = tpu.vector_load %arg21[%get3A_466, %get3A_467] {strides = array<i32>} : memref<40x128xf32, #tpu.memory_space<vmem>>, vector<1x16xf32>,
          %get3A_469 = vector.shape_cast %get3A_468 : vector<1x16xf32> to vector<16xf32>
          %add3A_470 = arith.addf %add3A_465, %get3A_469 : vector<16xf32>
          %max3A_471 = arith.constant 0.000000e+00 : f32
          %max3A_472 = vector.broadcast %max3A_471 : f32 to vector<16xf32>
          %max3A_473 = arith.maximumf %add3A_470, %max3A_472 : vector<16xf32>
          %swap3A_474 = arith.index_cast %scan3A_327 : i32 to index
          %swap3A_475 = arith.constant 96 : index
          %swap3A_476 = tpu.vector_load %arg23[%swap3A_474, %swap3A_475] {strides = array<i32>} : memref<40x128xf32, #tpu.memory_space<vmem>>, vector<1x16xf32>,
          %swap3A_477 = vector.shape_cast %swap3A_476 : vector<1x16xf32> to vector<16xf32>
          %swap3A_478 = vector.shape_cast %max3A_473 : vector<16xf32> to vector<1x16xf32>
          tpu.vector_store %arg23[%swap3A_474, %swap3A_475], %swap3A_478 {strides = array<i32>} : memref<40x128xf32, #tpu.memory_space<vmem>>, vector<1x16xf32>,
          %get3A_479 = arith.index_cast %scan3A_327 : i32 to index
          %get3A_480 = arith.constant 112 : index
          %get3A_481 = tpu.vector_load %arg17[%get3A_479, %get3A_480] {strides = array<i32>} : memref<40x128xf32, #tpu.memory_space<vmem>>, vector<1x16xf32>,
          %get3A_482 = vector.shape_cast %get3A_481 : vector<1x16xf32> to vector<16xf32>
          %get3A_483 = arith.index_cast %scan3A_327 : i32 to index
          %get3A_484 = arith.constant 112 : index
          %get3A_485 = tpu.vector_load %arg19[%get3A_483, %get3A_484] {strides = array<i32>} : memref<40x128xf32, #tpu.memory_space<vmem>>, vector<1x16xf32>,
          %get3A_486 = vector.shape_cast %get3A_485 : vector<1x16xf32> to vector<16xf32>
          %add3A_487 = arith.addf %get3A_482, %get3A_486 : vector<16xf32>
          %get3A_488 = arith.index_cast %scan3A_327 : i32 to index
          %get3A_489 = arith.constant 112 : index
          %get3A_490 = tpu.vector_load %arg21[%get3A_488, %get3A_489] {strides = array<i32>} : memref<40x128xf32, #tpu.memory_space<vmem>>, vector<1x16xf32>,
          %get3A_491 = vector.shape_cast %get3A_490 : vector<1x16xf32> to vector<16xf32>
          %add3A_492 = arith.addf %add3A_487, %get3A_491 : vector<16xf32>
          %max3A_493 = arith.constant 0.000000e+00 : f32
          %max3A_494 = vector.broadcast %max3A_493 : f32 to vector<16xf32>
          %max3A_495 = arith.maximumf %add3A_492, %max3A_494 : vector<16xf32>
          %swap3A_496 = arith.index_cast %scan3A_327 : i32 to index
          %swap3A_497 = arith.constant 112 : index
          %swap3A_498 = tpu.vector_load %arg23[%swap3A_496, %swap3A_497] {strides = array<i32>} : memref<40x128xf32, #tpu.memory_space<vmem>>, vector<1x16xf32>,
          %swap3A_499 = vector.shape_cast %swap3A_498 : vector<1x16xf32> to vector<16xf32>
          %swap3A_500 = vector.shape_cast %max3A_495 : vector<16xf32> to vector<1x16xf32>
          tpu.vector_store %arg23[%swap3A_496, %swap3A_497], %swap3A_500 {strides = array<i32>} : memref<40x128xf32, #tpu.memory_space<vmem>>, vector<1x16xf32>,
        }
        %scan3A_323 = arith.constant 40 : i32
        %dma_start3A_324 = arith.constant 0 : i32
        %dma_start3A_325 = arith.constant 0 : i32
        %dma_start3A_326 = tpu.memref_slice %arg25[%dma_start3A_324, %dma_start3A_325] : memref<10240x128xf32, #tpu.memory_space<vmem_shared>> -> memref<10240x128xf32, #tpu.memory_space<vmem_shared>>
        tpu.enqueue_indirect_dma source(%arg23 : memref<40x128xf32, #tpu.memory_space<vmem>>) target(%dma_start3A_326 : memref<10240x128xf32, #tpu.memory_space<vmem_shared>>) offsets(%arg11 : memref<40xi32, #tpu.memory_space<vmem>>) semaphore(%arg37 : memref<!tpu.dma_semaphore, #tpu.memory_space<semaphore_mem>>) {add = true}
      } else {
      }
    }
    %scan3A_99 = arith.constant 63 : i32
    %dma_wait3A_100 = arith.constant 0 : i32
    %dma_wait3A_101 = arith.constant 0 : i32
    %dma_wait3A_102 = tpu.memref_slice %arg25[%dma_wait3A_100, %dma_wait3A_101] : memref<10240x128xf32, #tpu.memory_space<vmem_shared>> -> memref<10240x128xf32, #tpu.memory_space<vmem_shared>>
    tpu.wait_indirect_dma semaphore(%arg37 : memref<!tpu.dma_semaphore, #tpu.memory_space<semaphore_mem>>) src(%arg23 : memref<40x128xf32, #tpu.memory_space<vmem>>) dst(%dma_wait3A_102 : memref<10240x128xf32, #tpu.memory_space<vmem_shared>>)
    %barrier3A_103 = arith.constant 0 : index
    tpu.barrier barrier_id(%barrier3A_103)
    %mul3A_104 = arith.constant 640 : i32
    %mul3A_105 = arith.muli %arg1, %mul3A_104 : i32
    %add3A_106 = arith.constant 0 : i32
    %add3A_107 = arith.addi %mul3A_105, %add3A_106 : i32
    %lt3A = arith.constant 10000 : i32
    %lt3A_108 = arith.cmpi slt, %add3A_107, %lt3A : i32
    %convert_element_type3A = arith.extui %lt3A_108 : i1 to i32
    %cond3A = arith.constant 0 : i32
    %cond3A_109 = arith.cmpi ne, %convert_element_type3A, %cond3A : i32
    scf.if %cond3A_109 {
      "tpu.region"() ({
        %run_scoped3A = tpu.sem_alloc : memref<!tpu.dma_semaphore, #tpu.memory_space<semaphore_mem>>
        %dma_start3A_173 = arith.constant 0 : i32
        %dma_start3A_174 = tpu.memref_slice %arg7[%arg0, %add3A_107, %dma_start3A_173] : memref<2x10000x128xf32, #tpu.memory_space<hbm>> -> memref<1x80x128xf32, #tpu.memory_space<hbm>>
        %dma_start3A_175 = tpu.memref_squeeze %dma_start3A_174 : memref<1x80x128xf32, #tpu.memory_space<hbm>> -> memref<80x128xf32, #tpu.memory_space<hbm>>
        %dma_start3A_176 = arith.constant 0 : i32
        %dma_start3A_177 = tpu.memref_slice %arg25[%add3A_107, %dma_start3A_176] : memref<10240x128xf32, #tpu.memory_space<vmem_shared>> -> memref<80x128xf32, #tpu.memory_space<vmem_shared>>
        tpu.enqueue_dma source(%dma_start3A_177 : memref<80x128xf32, #tpu.memory_space<vmem_shared>>) target(%dma_start3A_175 : memref<80x128xf32, #tpu.memory_space<hbm>>) target_semaphore(%run_scoped3A : memref<!tpu.dma_semaphore, #tpu.memory_space<semaphore_mem>>)
        %dma_wait3A_178 = arith.constant 0 : i32
        %dma_wait3A_179 = tpu.memref_slice %arg7[%arg0, %add3A_107, %dma_wait3A_178] : memref<2x10000x128xf32, #tpu.memory_space<hbm>> -> memref<1x80x128xf32, #tpu.memory_space<hbm>>
        %dma_wait3A_180 = tpu.memref_squeeze %dma_wait3A_179 : memref<1x80x128xf32, #tpu.memory_space<hbm>> -> memref<80x128xf32, #tpu.memory_space<hbm>>
        %dma_wait3A_181 = arith.constant 0 : i32
        %dma_wait3A_182 = tpu.memref_slice %arg25[%add3A_107, %dma_wait3A_181] : memref<10240x128xf32, #tpu.memory_space<vmem_shared>> -> memref<80x128xf32, #tpu.memory_space<vmem_shared>>
        tpu.wait_dma2 semaphore(%run_scoped3A : memref<!tpu.dma_semaphore, #tpu.memory_space<semaphore_mem>>) src(%dma_wait3A_182 : memref<80x128xf32, #tpu.memory_space<vmem_shared>>) dst(%dma_wait3A_180 : memref<80x128xf32, #tpu.memory_space<hbm>>)
        tpu.yield
      }) : () -> ()
    } else {
    }
    %mul3A_110 = arith.constant 640 : i32
    %mul3A_111 = arith.muli %arg1, %mul3A_110 : i32
    %add3A_112 = arith.constant 80 : i32
    %add3A_113 = arith.addi %mul3A_111, %add3A_112 : i32
    %lt3A_114 = arith.constant 10000 : i32
    %lt3A_115 = arith.cmpi slt, %add3A_113, %lt3A_114 : i32
    %convert_element_type3A_116 = arith.extui %lt3A_115 : i1 to i32
    %cond3A_117 = arith.constant 0 : i32
    %cond3A_118 = arith.cmpi ne, %convert_element_type3A_116, %cond3A_117 : i32
    scf.if %cond3A_118 {
      "tpu.region"() ({
        %run_scoped3A = tpu.sem_alloc : memref<!tpu.dma_semaphore, #tpu.memory_space<semaphore_mem>>
        %dma_start3A_173 = arith.constant 0 : i32
        %dma_start3A_174 = tpu.memref_slice %arg7[%arg0, %add3A_113, %dma_start3A_173] : memref<2x10000x128xf32, #tpu.memory_space<hbm>> -> memref<1x80x128xf32, #tpu.memory_space<hbm>>
        %dma_start3A_175 = tpu.memref_squeeze %dma_start3A_174 : memref<1x80x128xf32, #tpu.memory_space<hbm>> -> memref<80x128xf32, #tpu.memory_space<hbm>>
        %dma_start3A_176 = arith.constant 0 : i32
        %dma_start3A_177 = tpu.memref_slice %arg25[%add3A_113, %dma_start3A_176] : memref<10240x128xf32, #tpu.memory_space<vmem_shared>> -> memref<80x128xf32, #tpu.memory_space<vmem_shared>>
        tpu.enqueue_dma source(%dma_start3A_177 : memref<80x128xf32, #tpu.memory_space<vmem_shared>>) target(%dma_start3A_175 : memref<80x128xf32, #tpu.memory_space<hbm>>) target_semaphore(%run_scoped3A : memref<!tpu.dma_semaphore, #tpu.memory_space<semaphore_mem>>)
        %dma_wait3A_178 = arith.constant 0 : i32
        %dma_wait3A_179 = tpu.memref_slice %arg7[%arg0, %add3A_113, %dma_wait3A_178] : memref<2x10000x128xf32, #tpu.memory_space<hbm>> -> memref<1x80x128xf32, #tpu.memory_space<hbm>>
        %dma_wait3A_180 = tpu.memref_squeeze %dma_wait3A_179 : memref<1x80x128xf32, #tpu.memory_space<hbm>> -> memref<80x128xf32, #tpu.memory_space<hbm>>
        %dma_wait3A_181 = arith.constant 0 : i32
        %dma_wait3A_182 = tpu.memref_slice %arg25[%add3A_113, %dma_wait3A_181] : memref<10240x128xf32, #tpu.memory_space<vmem_shared>> -> memref<80x128xf32, #tpu.memory_space<vmem_shared>>
        tpu.wait_dma2 semaphore(%run_scoped3A : memref<!tpu.dma_semaphore, #tpu.memory_space<semaphore_mem>>) src(%dma_wait3A_182 : memref<80x128xf32, #tpu.memory_space<vmem_shared>>) dst(%dma_wait3A_180 : memref<80x128xf32, #tpu.memory_space<hbm>>)
        tpu.yield
      }) : () -> ()
    } else {
    }
    %mul3A_119 = arith.constant 640 : i32
    %mul3A_120 = arith.muli %arg1, %mul3A_119 : i32
    %add3A_121 = arith.constant 160 : i32
    %add3A_122 = arith.addi %mul3A_120, %add3A_121 : i32
    %lt3A_123 = arith.constant 10000 : i32
    %lt3A_124 = arith.cmpi slt, %add3A_122, %lt3A_123 : i32
    %convert_element_type3A_125 = arith.extui %lt3A_124 : i1 to i32
    %cond3A_126 = arith.constant 0 : i32
    %cond3A_127 = arith.cmpi ne, %convert_element_type3A_125, %cond3A_126 : i32
    scf.if %cond3A_127 {
      "tpu.region"() ({
        %run_scoped3A = tpu.sem_alloc : memref<!tpu.dma_semaphore, #tpu.memory_space<semaphore_mem>>
        %dma_start3A_173 = arith.constant 0 : i32
        %dma_start3A_174 = tpu.memref_slice %arg7[%arg0, %add3A_122, %dma_start3A_173] : memref<2x10000x128xf32, #tpu.memory_space<hbm>> -> memref<1x80x128xf32, #tpu.memory_space<hbm>>
        %dma_start3A_175 = tpu.memref_squeeze %dma_start3A_174 : memref<1x80x128xf32, #tpu.memory_space<hbm>> -> memref<80x128xf32, #tpu.memory_space<hbm>>
        %dma_start3A_176 = arith.constant 0 : i32
        %dma_start3A_177 = tpu.memref_slice %arg25[%add3A_122, %dma_start3A_176] : memref<10240x128xf32, #tpu.memory_space<vmem_shared>> -> memref<80x128xf32, #tpu.memory_space<vmem_shared>>
        tpu.enqueue_dma source(%dma_start3A_177 : memref<80x128xf32, #tpu.memory_space<vmem_shared>>) target(%dma_start3A_175 : memref<80x128xf32, #tpu.memory_space<hbm>>) target_semaphore(%run_scoped3A : memref<!tpu.dma_semaphore, #tpu.memory_space<semaphore_mem>>)
        %dma_wait3A_178 = arith.constant 0 : i32
        %dma_wait3A_179 = tpu.memref_slice %arg7[%arg0, %add3A_122, %dma_wait3A_178] : memref<2x10000x128xf32, #tpu.memory_space<hbm>> -> memref<1x80x128xf32, #tpu.memory_space<hbm>>
        %dma_wait3A_180 = tpu.memref_squeeze %dma_wait3A_179 : memref<1x80x128xf32, #tpu.memory_space<hbm>> -> memref<80x128xf32, #tpu.memory_space<hbm>>
        %dma_wait3A_181 = arith.constant 0 : i32
        %dma_wait3A_182 = tpu.memref_slice %arg25[%add3A_122, %dma_wait3A_181] : memref<10240x128xf32, #tpu.memory_space<vmem_shared>> -> memref<80x128xf32, #tpu.memory_space<vmem_shared>>
        tpu.wait_dma2 semaphore(%run_scoped3A : memref<!tpu.dma_semaphore, #tpu.memory_space<semaphore_mem>>) src(%dma_wait3A_182 : memref<80x128xf32, #tpu.memory_space<vmem_shared>>) dst(%dma_wait3A_180 : memref<80x128xf32, #tpu.memory_space<hbm>>)
        tpu.yield
      }) : () -> ()
    } else {
    }
    %mul3A_128 = arith.constant 640 : i32
    %mul3A_129 = arith.muli %arg1, %mul3A_128 : i32
    %add3A_130 = arith.constant 240 : i32
    %add3A_131 = arith.addi %mul3A_129, %add3A_130 : i32
    %lt3A_132 = arith.constant 10000 : i32
    %lt3A_133 = arith.cmpi slt, %add3A_131, %lt3A_132 : i32
    %convert_element_type3A_134 = arith.extui %lt3A_133 : i1 to i32
    %cond3A_135 = arith.constant 0 : i32
    %cond3A_136 = arith.cmpi ne, %convert_element_type3A_134, %cond3A_135 : i32
    scf.if %cond3A_136 {
      "tpu.region"() ({
        %run_scoped3A = tpu.sem_alloc : memref<!tpu.dma_semaphore, #tpu.memory_space<semaphore_mem>>
        %dma_start3A_173 = arith.constant 0 : i32
        %dma_start3A_174 = tpu.memref_slice %arg7[%arg0, %add3A_131, %dma_start3A_173] : memref<2x10000x128xf32, #tpu.memory_space<hbm>> -> memref<1x80x128xf32, #tpu.memory_space<hbm>>
        %dma_start3A_175 = tpu.memref_squeeze %dma_start3A_174 : memref<1x80x128xf32, #tpu.memory_space<hbm>> -> memref<80x128xf32, #tpu.memory_space<hbm>>
        %dma_start3A_176 = arith.constant 0 : i32
        %dma_start3A_177 = tpu.memref_slice %arg25[%add3A_131, %dma_start3A_176] : memref<10240x128xf32, #tpu.memory_space<vmem_shared>> -> memref<80x128xf32, #tpu.memory_space<vmem_shared>>
        tpu.enqueue_dma source(%dma_start3A_177 : memref<80x128xf32, #tpu.memory_space<vmem_shared>>) target(%dma_start3A_175 : memref<80x128xf32, #tpu.memory_space<hbm>>) target_semaphore(%run_scoped3A : memref<!tpu.dma_semaphore, #tpu.memory_space<semaphore_mem>>)
        %dma_wait3A_178 = arith.constant 0 : i32
        %dma_wait3A_179 = tpu.memref_slice %arg7[%arg0, %add3A_131, %dma_wait3A_178] : memref<2x10000x128xf32, #tpu.memory_space<hbm>> -> memref<1x80x128xf32, #tpu.memory_space<hbm>>
        %dma_wait3A_180 = tpu.memref_squeeze %dma_wait3A_179 : memref<1x80x128xf32, #tpu.memory_space<hbm>> -> memref<80x128xf32, #tpu.memory_space<hbm>>
        %dma_wait3A_181 = arith.constant 0 : i32
        %dma_wait3A_182 = tpu.memref_slice %arg25[%add3A_131, %dma_wait3A_181] : memref<10240x128xf32, #tpu.memory_space<vmem_shared>> -> memref<80x128xf32, #tpu.memory_space<vmem_shared>>
        tpu.wait_dma2 semaphore(%run_scoped3A : memref<!tpu.dma_semaphore, #tpu.memory_space<semaphore_mem>>) src(%dma_wait3A_182 : memref<80x128xf32, #tpu.memory_space<vmem_shared>>) dst(%dma_wait3A_180 : memref<80x128xf32, #tpu.memory_space<hbm>>)
        tpu.yield
      }) : () -> ()
    } else {
    }
    %mul3A_137 = arith.constant 640 : i32
    %mul3A_138 = arith.muli %arg1, %mul3A_137 : i32
    %add3A_139 = arith.constant 320 : i32
    %add3A_140 = arith.addi %mul3A_138, %add3A_139 : i32
    %lt3A_141 = arith.constant 10000 : i32
    %lt3A_142 = arith.cmpi slt, %add3A_140, %lt3A_141 : i32
    %convert_element_type3A_143 = arith.extui %lt3A_142 : i1 to i32
    %cond3A_144 = arith.constant 0 : i32
    %cond3A_145 = arith.cmpi ne, %convert_element_type3A_143, %cond3A_144 : i32
    scf.if %cond3A_145 {
      "tpu.region"() ({
        %run_scoped3A = tpu.sem_alloc : memref<!tpu.dma_semaphore, #tpu.memory_space<semaphore_mem>>
        %dma_start3A_173 = arith.constant 0 : i32
        %dma_start3A_174 = tpu.memref_slice %arg7[%arg0, %add3A_140, %dma_start3A_173] : memref<2x10000x128xf32, #tpu.memory_space<hbm>> -> memref<1x80x128xf32, #tpu.memory_space<hbm>>
        %dma_start3A_175 = tpu.memref_squeeze %dma_start3A_174 : memref<1x80x128xf32, #tpu.memory_space<hbm>> -> memref<80x128xf32, #tpu.memory_space<hbm>>
        %dma_start3A_176 = arith.constant 0 : i32
        %dma_start3A_177 = tpu.memref_slice %arg25[%add3A_140, %dma_start3A_176] : memref<10240x128xf32, #tpu.memory_space<vmem_shared>> -> memref<80x128xf32, #tpu.memory_space<vmem_shared>>
        tpu.enqueue_dma source(%dma_start3A_177 : memref<80x128xf32, #tpu.memory_space<vmem_shared>>) target(%dma_start3A_175 : memref<80x128xf32, #tpu.memory_space<hbm>>) target_semaphore(%run_scoped3A : memref<!tpu.dma_semaphore, #tpu.memory_space<semaphore_mem>>)
        %dma_wait3A_178 = arith.constant 0 : i32
        %dma_wait3A_179 = tpu.memref_slice %arg7[%arg0, %add3A_140, %dma_wait3A_178] : memref<2x10000x128xf32, #tpu.memory_space<hbm>> -> memref<1x80x128xf32, #tpu.memory_space<hbm>>
        %dma_wait3A_180 = tpu.memref_squeeze %dma_wait3A_179 : memref<1x80x128xf32, #tpu.memory_space<hbm>> -> memref<80x128xf32, #tpu.memory_space<hbm>>
        %dma_wait3A_181 = arith.constant 0 : i32
        %dma_wait3A_182 = tpu.memref_slice %arg25[%add3A_140, %dma_wait3A_181] : memref<10240x128xf32, #tpu.memory_space<vmem_shared>> -> memref<80x128xf32, #tpu.memory_space<vmem_shared>>
        tpu.wait_dma2 semaphore(%run_scoped3A : memref<!tpu.dma_semaphore, #tpu.memory_space<semaphore_mem>>) src(%dma_wait3A_182 : memref<80x128xf32, #tpu.memory_space<vmem_shared>>) dst(%dma_wait3A_180 : memref<80x128xf32, #tpu.memory_space<hbm>>)
        tpu.yield
      }) : () -> ()
    } else {
    }
    %mul3A_146 = arith.constant 640 : i32
    %mul3A_147 = arith.muli %arg1, %mul3A_146 : i32
    %add3A_148 = arith.constant 400 : i32
    %add3A_149 = arith.addi %mul3A_147, %add3A_148 : i32
    %lt3A_150 = arith.constant 10000 : i32
    %lt3A_151 = arith.cmpi slt, %add3A_149, %lt3A_150 : i32
    %convert_element_type3A_152 = arith.extui %lt3A_151 : i1 to i32
    %cond3A_153 = arith.constant 0 : i32
    %cond3A_154 = arith.cmpi ne, %convert_element_type3A_152, %cond3A_153 : i32
    scf.if %cond3A_154 {
      "tpu.region"() ({
        %run_scoped3A = tpu.sem_alloc : memref<!tpu.dma_semaphore, #tpu.memory_space<semaphore_mem>>
        %dma_start3A_173 = arith.constant 0 : i32
        %dma_start3A_174 = tpu.memref_slice %arg7[%arg0, %add3A_149, %dma_start3A_173] : memref<2x10000x128xf32, #tpu.memory_space<hbm>> -> memref<1x80x128xf32, #tpu.memory_space<hbm>>
        %dma_start3A_175 = tpu.memref_squeeze %dma_start3A_174 : memref<1x80x128xf32, #tpu.memory_space<hbm>> -> memref<80x128xf32, #tpu.memory_space<hbm>>
        %dma_start3A_176 = arith.constant 0 : i32
        %dma_start3A_177 = tpu.memref_slice %arg25[%add3A_149, %dma_start3A_176] : memref<10240x128xf32, #tpu.memory_space<vmem_shared>> -> memref<80x128xf32, #tpu.memory_space<vmem_shared>>
        tpu.enqueue_dma source(%dma_start3A_177 : memref<80x128xf32, #tpu.memory_space<vmem_shared>>) target(%dma_start3A_175 : memref<80x128xf32, #tpu.memory_space<hbm>>) target_semaphore(%run_scoped3A : memref<!tpu.dma_semaphore, #tpu.memory_space<semaphore_mem>>)
        %dma_wait3A_178 = arith.constant 0 : i32
        %dma_wait3A_179 = tpu.memref_slice %arg7[%arg0, %add3A_149, %dma_wait3A_178] : memref<2x10000x128xf32, #tpu.memory_space<hbm>> -> memref<1x80x128xf32, #tpu.memory_space<hbm>>
        %dma_wait3A_180 = tpu.memref_squeeze %dma_wait3A_179 : memref<1x80x128xf32, #tpu.memory_space<hbm>> -> memref<80x128xf32, #tpu.memory_space<hbm>>
        %dma_wait3A_181 = arith.constant 0 : i32
        %dma_wait3A_182 = tpu.memref_slice %arg25[%add3A_149, %dma_wait3A_181] : memref<10240x128xf32, #tpu.memory_space<vmem_shared>> -> memref<80x128xf32, #tpu.memory_space<vmem_shared>>
        tpu.wait_dma2 semaphore(%run_scoped3A : memref<!tpu.dma_semaphore, #tpu.memory_space<semaphore_mem>>) src(%dma_wait3A_182 : memref<80x128xf32, #tpu.memory_space<vmem_shared>>) dst(%dma_wait3A_180 : memref<80x128xf32, #tpu.memory_space<hbm>>)
        tpu.yield
      }) : () -> ()
    } else {
    }
    %mul3A_155 = arith.constant 640 : i32
    %mul3A_156 = arith.muli %arg1, %mul3A_155 : i32
    %add3A_157 = arith.constant 480 : i32
    %add3A_158 = arith.addi %mul3A_156, %add3A_157 : i32
    %lt3A_159 = arith.constant 10000 : i32
    %lt3A_160 = arith.cmpi slt, %add3A_158, %lt3A_159 : i32
    %convert_element_type3A_161 = arith.extui %lt3A_160 : i1 to i32
    %cond3A_162 = arith.constant 0 : i32
    %cond3A_163 = arith.cmpi ne, %convert_element_type3A_161, %cond3A_162 : i32
    scf.if %cond3A_163 {
      "tpu.region"() ({
        %run_scoped3A = tpu.sem_alloc : memref<!tpu.dma_semaphore, #tpu.memory_space<semaphore_mem>>
        %dma_start3A_173 = arith.constant 0 : i32
        %dma_start3A_174 = tpu.memref_slice %arg7[%arg0, %add3A_158, %dma_start3A_173] : memref<2x10000x128xf32, #tpu.memory_space<hbm>> -> memref<1x80x128xf32, #tpu.memory_space<hbm>>
        %dma_start3A_175 = tpu.memref_squeeze %dma_start3A_174 : memref<1x80x128xf32, #tpu.memory_space<hbm>> -> memref<80x128xf32, #tpu.memory_space<hbm>>
        %dma_start3A_176 = arith.constant 0 : i32
        %dma_start3A_177 = tpu.memref_slice %arg25[%add3A_158, %dma_start3A_176] : memref<10240x128xf32, #tpu.memory_space<vmem_shared>> -> memref<80x128xf32, #tpu.memory_space<vmem_shared>>
        tpu.enqueue_dma source(%dma_start3A_177 : memref<80x128xf32, #tpu.memory_space<vmem_shared>>) target(%dma_start3A_175 : memref<80x128xf32, #tpu.memory_space<hbm>>) target_semaphore(%run_scoped3A : memref<!tpu.dma_semaphore, #tpu.memory_space<semaphore_mem>>)
        %dma_wait3A_178 = arith.constant 0 : i32
        %dma_wait3A_179 = tpu.memref_slice %arg7[%arg0, %add3A_158, %dma_wait3A_178] : memref<2x10000x128xf32, #tpu.memory_space<hbm>> -> memref<1x80x128xf32, #tpu.memory_space<hbm>>
        %dma_wait3A_180 = tpu.memref_squeeze %dma_wait3A_179 : memref<1x80x128xf32, #tpu.memory_space<hbm>> -> memref<80x128xf32, #tpu.memory_space<hbm>>
        %dma_wait3A_181 = arith.constant 0 : i32
        %dma_wait3A_182 = tpu.memref_slice %arg25[%add3A_158, %dma_wait3A_181] : memref<10240x128xf32, #tpu.memory_space<vmem_shared>> -> memref<80x128xf32, #tpu.memory_space<vmem_shared>>
        tpu.wait_dma2 semaphore(%run_scoped3A : memref<!tpu.dma_semaphore, #tpu.memory_space<semaphore_mem>>) src(%dma_wait3A_182 : memref<80x128xf32, #tpu.memory_space<vmem_shared>>) dst(%dma_wait3A_180 : memref<80x128xf32, #tpu.memory_space<hbm>>)
        tpu.yield
      }) : () -> ()
    } else {
    }
    %mul3A_164 = arith.constant 640 : i32
    %mul3A_165 = arith.muli %arg1, %mul3A_164 : i32
    %add3A_166 = arith.constant 560 : i32
    %add3A_167 = arith.addi %mul3A_165, %add3A_166 : i32
    %lt3A_168 = arith.constant 10000 : i32
    %lt3A_169 = arith.cmpi slt, %add3A_167, %lt3A_168 : i32
    %convert_element_type3A_170 = arith.extui %lt3A_169 : i1 to i32
    %cond3A_171 = arith.constant 0 : i32
    %cond3A_172 = arith.cmpi ne, %convert_element_type3A_170, %cond3A_171 : i32
    scf.if %cond3A_172 {
      "tpu.region"() ({
        %run_scoped3A = tpu.sem_alloc : memref<!tpu.dma_semaphore, #tpu.memory_space<semaphore_mem>>
        %dma_start3A_173 = arith.constant 0 : i32
        %dma_start3A_174 = tpu.memref_slice %arg7[%arg0, %add3A_167, %dma_start3A_173] : memref<2x10000x128xf32, #tpu.memory_space<hbm>> -> memref<1x80x128xf32, #tpu.memory_space<hbm>>
        %dma_start3A_175 = tpu.memref_squeeze %dma_start3A_174 : memref<1x80x128xf32, #tpu.memory_space<hbm>> -> memref<80x128xf32, #tpu.memory_space<hbm>>
        %dma_start3A_176 = arith.constant 0 : i32
        %dma_start3A_177 = tpu.memref_slice %arg25[%add3A_167, %dma_start3A_176] : memref<10240x128xf32, #tpu.memory_space<vmem_shared>> -> memref<80x128xf32, #tpu.memory_space<vmem_shared>>
        tpu.enqueue_dma source(%dma_start3A_177 : memref<80x128xf32, #tpu.memory_space<vmem_shared>>) target(%dma_start3A_175 : memref<80x128xf32, #tpu.memory_space<hbm>>) target_semaphore(%run_scoped3A : memref<!tpu.dma_semaphore, #tpu.memory_space<semaphore_mem>>)
        %dma_wait3A_178 = arith.constant 0 : i32
        %dma_wait3A_179 = tpu.memref_slice %arg7[%arg0, %add3A_167, %dma_wait3A_178] : memref<2x10000x128xf32, #tpu.memory_space<hbm>> -> memref<1x80x128xf32, #tpu.memory_space<hbm>>
        %dma_wait3A_180 = tpu.memref_squeeze %dma_wait3A_179 : memref<1x80x128xf32, #tpu.memory_space<hbm>> -> memref<80x128xf32, #tpu.memory_space<hbm>>
        %dma_wait3A_181 = arith.constant 0 : i32
        %dma_wait3A_182 = tpu.memref_slice %arg25[%add3A_167, %dma_wait3A_181] : memref<10240x128xf32, #tpu.memory_space<vmem_shared>> -> memref<80x128xf32, #tpu.memory_space<vmem_shared>>
        tpu.wait_dma2 semaphore(%run_scoped3A : memref<!tpu.dma_semaphore, #tpu.memory_space<semaphore_mem>>) src(%dma_wait3A_182 : memref<80x128xf32, #tpu.memory_space<vmem_shared>>) dst(%dma_wait3A_180 : memref<80x128xf32, #tpu.memory_space<hbm>>)
        tpu.yield
      }) : () -> ()
    } else {
    }
    return
  }
}

module attributes {stable_mosaic.version = 14 : i64} {
  func.func @_edges_body(%arg0: i32, %arg1: memref<4x3200xf32, #tpu.memory_space<vmem>>, %arg2: memref<16x3200xf32, #tpu.memory_space<vmem>>, %arg3: memref<4x128xf32, #tpu.memory_space<vmem>>, %arg4: memref<16x128xf32, #tpu.memory_space<vmem>>, %arg5: memref<1x128xf32, #tpu.memory_space<vmem>>, %arg6: memref<3200x128xf32, #tpu.memory_space<vmem>>) attributes {dimension_semantics = [#tpu.dimension_semantics<arbitrary>], iteration_bounds = array<i64: 100>, scalar_prefetch = 0 : i64, scratch_operands = 0 : i64, tpu.core_type = #tpu.core_type<tc>, window_params = [{transform_indices = @transform_0, window_bounds = array<i64: 4, 3200>}, {transform_indices = @transform_1, window_bounds = array<i64: 16, 3200>}, {pipeline_mode = #tpu.pipeline_mode<synchronous>, transform_indices = @transform_2, window_bounds = array<i64: 4, 128>}, {pipeline_mode = #tpu.pipeline_mode<synchronous>, transform_indices = @transform_3, window_bounds = array<i64: 16, 128>}, {pipeline_mode = #tpu.pipeline_mode<synchronous>, transform_indices = @transform_4, window_bounds = array<i64: 1, 128>}, {transform_indices = @transform_5, window_bounds = array<i64: 3200, 128>}]} {
    %get3A = arith.constant 0 : index
    %get3A_0 = arith.constant 0 : index
    %get3A_1 = vector.load %arg1[%get3A, %get3A_0] : memref<4x3200xf32, #tpu.memory_space<vmem>>, vector<4x3200xf32>
    %get3A_2 = arith.constant 0 : index
    %get3A_3 = arith.constant 0 : index
    %get3A_4 = vector.load %arg3[%get3A_2, %get3A_3] : memref<4x128xf32, #tpu.memory_space<vmem>>, vector<4x128xf32>
    %dot_general3A = arith.constant dense<0.000000e+00> : vector<3200x128xf32>
    %dot_general3A_5 = tpu.matmul %get3A_1, %get3A_4, %dot_general3A {dimension_numbers = #tpu.dot_dimension_numbers<[0], [0], [1], [1], [0, 1, 1, 1], [], []>, transpose_lhs_hint = false} : vector<4x3200xf32>, vector<4x128xf32>, vector<3200x128xf32> -> vector<3200x128xf32>
    %get3A_6 = arith.constant 0 : index
    %get3A_7 = arith.constant 0 : index
    %get3A_8 = vector.load %arg2[%get3A_6, %get3A_7] : memref<16x3200xf32, #tpu.memory_space<vmem>>, vector<16x3200xf32>
    %get3A_9 = arith.constant 0 : index
    %get3A_10 = arith.constant 0 : index
    %get3A_11 = vector.load %arg4[%get3A_9, %get3A_10] : memref<16x128xf32, #tpu.memory_space<vmem>>, vector<16x128xf32>
    %dot_general3A_12 = arith.constant dense<0.000000e+00> : vector<3200x128xf32>
    %dot_general3A_13 = tpu.matmul %get3A_8, %get3A_11, %dot_general3A_12 {dimension_numbers = #tpu.dot_dimension_numbers<[0], [0], [1], [1], [0, 1, 1, 1], [], []>, transpose_lhs_hint = false} : vector<16x3200xf32>, vector<16x128xf32>, vector<3200x128xf32> -> vector<3200x128xf32>
    %add3A = arith.addf %dot_general3A_5, %dot_general3A_13 : vector<3200x128xf32>
    %get3A_14 = arith.constant 0 : index
    %get3A_15 = arith.constant 0 : index
    %get3A_16 = vector.load %arg5[%get3A_14, %get3A_15] : memref<1x128xf32, #tpu.memory_space<vmem>>, vector<1x128xf32>
    %add3A_17 = vector.broadcast %get3A_16 : vector<1x128xf32> to vector<3200x128xf32>
    %add3A_18 = arith.addf %add3A, %add3A_17 : vector<3200x128xf32>
    %swap3A = arith.constant 0 : index
    %swap3A_19 = arith.constant 0 : index
    %swap3A_20 = vector.load %arg6[%swap3A, %swap3A_19] : memref<3200x128xf32, #tpu.memory_space<vmem>>, vector<3200x128xf32>
    tpu.vector_store %arg6[%swap3A, %swap3A_19], %add3A_18 {strides = array<i32>} : memref<3200x128xf32, #tpu.memory_space<vmem>>, vector<3200x128xf32>,
    return
  }
  func.func @transform_0(%arg0: i32) -> (i32, i32) {
    %c0_i32 = arith.constant 0 : i32
    %c0_i32_0 = arith.constant 0 : i32
    return %c0_i32, %arg0 : i32, i32
  }
  func.func @transform_1(%arg0: i32) -> (i32, i32) {
    %c0_i32 = arith.constant 0 : i32
    %c0_i32_0 = arith.constant 0 : i32
    return %c0_i32, %arg0 : i32, i32
  }
  func.func @transform_2(%arg0: i32) -> (i32, i32) {
    %c0_i32 = arith.constant 0 : i32
    %c0_i32_0 = arith.constant 0 : i32
    %c0_i32_1 = arith.constant 0 : i32
    return %c0_i32, %c0_i32_0 : i32, i32
  }
  func.func @transform_3(%arg0: i32) -> (i32, i32) {
    %c0_i32 = arith.constant 0 : i32
    %c0_i32_0 = arith.constant 0 : i32
    %c0_i32_1 = arith.constant 0 : i32
    return %c0_i32, %c0_i32_0 : i32, i32
  }
  func.func @transform_4(%arg0: i32) -> (i32, i32) {
    %c0_i32 = arith.constant 0 : i32
    %c0_i32_0 = arith.constant 0 : i32
    %c0_i32_1 = arith.constant 0 : i32
    return %c0_i32, %c0_i32_0 : i32, i32
  }
  func.func @transform_5(%arg0: i32) -> (i32, i32) {
    %c0_i32 = arith.constant 0 : i32
    %c0_i32_0 = arith.constant 0 : i32
    return %arg0, %c0_i32 : i32, i32
  }
}

module attributes {stable_mosaic.version = 14 : i64} {
  func.func @_nodes0_body(%arg0: i32, %arg1: memref<400x128xf32, #tpu.memory_space<vmem>>, %arg2: memref<400x1xf32, #tpu.memory_space<vmem>>, %arg3: memref<128x128xf32, #tpu.memory_space<vmem>>, %arg4: memref<1x128xf32, #tpu.memory_space<vmem>>, %arg5: memref<128x128xf32, #tpu.memory_space<vmem>>, %arg6: memref<128x128xf32, #tpu.memory_space<vmem>>, %arg7: memref<400x128xf32, #tpu.memory_space<vmem>>, %arg8: memref<400x128xf32, #tpu.memory_space<vmem>>, %arg9: memref<1x128xf32, #tpu.memory_space<vmem>>, %arg10: memref<1x1xf32, #tpu.memory_space<vmem>>) attributes {dimension_semantics = [#tpu.dimension_semantics<arbitrary>], iteration_bounds = array<i64: 25>, scalar_prefetch = 0 : i64, scratch_operands = 0 : i64, tpu.core_type = #tpu.core_type<tc>, window_params = [{transform_indices = @transform_0, window_bounds = array<i64: 400, 128>}, {transform_indices = @transform_1, window_bounds = array<i64: 400, 1>}, {pipeline_mode = #tpu.pipeline_mode<synchronous>, transform_indices = @transform_2, window_bounds = array<i64: 128, 128>}, {pipeline_mode = #tpu.pipeline_mode<synchronous>, transform_indices = @transform_3, window_bounds = array<i64: 1, 128>}, {pipeline_mode = #tpu.pipeline_mode<synchronous>, transform_indices = @transform_4, window_bounds = array<i64: 128, 128>}, {pipeline_mode = #tpu.pipeline_mode<synchronous>, transform_indices = @transform_5, window_bounds = array<i64: 128, 128>}, {transform_indices = @transform_6, window_bounds = array<i64: 400, 128>}, {transform_indices = @transform_7, window_bounds = array<i64: 400, 128>}, {pipeline_mode = #tpu.pipeline_mode<synchronous>, transform_indices = @transform_8, window_bounds = array<i64: 1, 128>}, {pipeline_mode = #tpu.pipeline_mode<synchronous>, transform_indices = @transform_9, window_bounds = array<i64: 1, 1>}]} {
    %get3A = arith.constant 0 : index
    %get3A_0 = arith.constant 0 : index
    %get3A_1 = vector.load %arg1[%get3A, %get3A_0] : memref<400x128xf32, #tpu.memory_space<vmem>>, vector<400x128xf32>
    %get3A_2 = arith.constant 0 : index
    %get3A_3 = arith.constant 0 : index
    %get3A_4 = vector.load %arg3[%get3A_2, %get3A_3] : memref<128x128xf32, #tpu.memory_space<vmem>>, vector<128x128xf32>
    %dot_general3A = arith.constant dense<0.000000e+00> : vector<400x128xf32>
    %dot_general3A_5 = tpu.matmul %get3A_1, %get3A_4, %dot_general3A {dimension_numbers = #tpu.dot_dimension_numbers<[1], [0], [0], [1], [0, 0, 1, 1], [], []>, transpose_lhs_hint = false} : vector<400x128xf32>, vector<128x128xf32>, vector<400x128xf32> -> vector<400x128xf32>
    %get3A_6 = arith.constant 0 : index
    %get3A_7 = arith.constant 0 : index
    %get3A_8 = vector.load %arg4[%get3A_6, %get3A_7] : memref<1x128xf32, #tpu.memory_space<vmem>>, vector<1x128xf32>
    %add3A = vector.broadcast %get3A_8 : vector<1x128xf32> to vector<400x128xf32>
    %add3A_9 = arith.addf %dot_general3A_5, %add3A : vector<400x128xf32>
    %max3A = arith.constant 0.000000e+00 : f32
    %max3A_10 = vector.broadcast %max3A : f32 to vector<400x128xf32>
    %max3A_11 = arith.maximumf %add3A_9, %max3A_10 : vector<400x128xf32>
    %get3A_12 = arith.constant 0 : index
    %get3A_13 = arith.constant 0 : index
    %get3A_14 = vector.load %arg2[%get3A_12, %get3A_13] : memref<400x1xf32, #tpu.memory_space<vmem>>, vector<400x1xf32>
    %mul3A = vector.broadcast %get3A_14 : vector<400x1xf32> to vector<400x128xf32>
    %mul3A_15 = arith.mulf %max3A_11, %mul3A : vector<400x128xf32>
    %get3A_16 = arith.constant 0 : index
    %get3A_17 = arith.constant 0 : index
    %get3A_18 = vector.load %arg5[%get3A_16, %get3A_17] : memref<128x128xf32, #tpu.memory_space<vmem>>, vector<128x128xf32>
    %dot_general3A_19 = arith.constant dense<0.000000e+00> : vector<400x128xf32>
    %dot_general3A_20 = tpu.matmul %mul3A_15, %get3A_18, %dot_general3A_19 {dimension_numbers = #tpu.dot_dimension_numbers<[1], [0], [0], [1], [0, 0, 1, 1], [], []>, transpose_lhs_hint = false} : vector<400x128xf32>, vector<128x128xf32>, vector<400x128xf32> -> vector<400x128xf32>
    %swap3A = arith.constant 0 : index
    %swap3A_21 = arith.constant 0 : index
    %swap3A_22 = vector.load %arg7[%swap3A, %swap3A_21] : memref<400x128xf32, #tpu.memory_space<vmem>>, vector<400x128xf32>
    tpu.vector_store %arg7[%swap3A, %swap3A_21], %dot_general3A_20 {strides = array<i32>} : memref<400x128xf32, #tpu.memory_space<vmem>>, vector<400x128xf32>,
    %get3A_23 = arith.constant 0 : index
    %get3A_24 = arith.constant 0 : index
    %get3A_25 = vector.load %arg6[%get3A_23, %get3A_24] : memref<128x128xf32, #tpu.memory_space<vmem>>, vector<128x128xf32>
    %dot_general3A_26 = arith.constant dense<0.000000e+00> : vector<400x128xf32>
    %dot_general3A_27 = tpu.matmul %mul3A_15, %get3A_25, %dot_general3A_26 {dimension_numbers = #tpu.dot_dimension_numbers<[1], [0], [0], [1], [0, 0, 1, 1], [], []>, transpose_lhs_hint = false} : vector<400x128xf32>, vector<128x128xf32>, vector<400x128xf32> -> vector<400x128xf32>
    %swap3A_28 = arith.constant 0 : index
    %swap3A_29 = arith.constant 0 : index
    %swap3A_30 = vector.load %arg8[%swap3A_28, %swap3A_29] : memref<400x128xf32, #tpu.memory_space<vmem>>, vector<400x128xf32>
    tpu.vector_store %arg8[%swap3A_28, %swap3A_29], %dot_general3A_27 {strides = array<i32>} : memref<400x128xf32, #tpu.memory_space<vmem>>, vector<400x128xf32>,
    %eq3A = arith.constant 0 : i32
    %eq3A_31 = arith.cmpi eq, %arg0, %eq3A : i32
    %convert_element_type3A = arith.extui %eq3A_31 : i1 to i32
    %cond3A = arith.constant 0 : i32
    %cond3A_32 = arith.cmpi ne, %convert_element_type3A, %cond3A : i32
    scf.if %cond3A_32 {
      %broadcast_in_dim3A_54 = arith.constant 0.000000e+00 : f32
      %broadcast_in_dim3A_55 = vector.broadcast %broadcast_in_dim3A_54 : f32 to vector<1x128xf32>
      %swap3A_56 = arith.constant 0 : index
      %swap3A_57 = arith.constant 0 : index
      %swap3A_58 = vector.load %arg9[%swap3A_56, %swap3A_57] : memref<1x128xf32, #tpu.memory_space<vmem>>, vector<1x128xf32>
      tpu.vector_store %arg9[%swap3A_56, %swap3A_57], %broadcast_in_dim3A_55 {strides = array<i32>} : memref<1x128xf32, #tpu.memory_space<vmem>>, vector<1x128xf32>,
      %broadcast_in_dim3A_59 = arith.constant 0.000000e+00 : f32
      %broadcast_in_dim3A_60 = vector.broadcast %broadcast_in_dim3A_59 : f32 to vector<1x1xf32>
      %swap3A_61 = arith.constant 0 : index
      %swap3A_62 = arith.constant 0 : index
      %swap3A_63 = vector.load %arg10[%swap3A_61, %swap3A_62] : memref<1x1xf32, #tpu.memory_space<vmem>>, vector<1x1xf32>
      tpu.vector_store %arg10[%swap3A_61, %swap3A_62], %broadcast_in_dim3A_60 {strides = array<i32>} : memref<1x1xf32, #tpu.memory_space<vmem>>, vector<1x1xf32>,
    } else {
    }
    %get3A_33 = arith.constant 0 : index
    %get3A_34 = arith.constant 0 : index
    %get3A_35 = vector.load %arg9[%get3A_33, %get3A_34] : memref<1x128xf32, #tpu.memory_space<vmem>>, vector<1x128xf32>
    %reduce_sum3A = arith.constant dense<0.000000e+00> : vector<128xf32>
    %reduce_sum3A_36 = vector.multi_reduction <add>, %mul3A_15, %reduce_sum3A [0] : vector<400x128xf32> to vector<128xf32>
    %broadcast_in_dim3A = vector.shape_cast %reduce_sum3A_36 : vector<128xf32> to vector<1x128xf32>
    %add3A_37 = arith.addf %get3A_35, %broadcast_in_dim3A : vector<1x128xf32>
    %swap3A_38 = arith.constant 0 : index
    %swap3A_39 = arith.constant 0 : index
    %swap3A_40 = vector.load %arg9[%swap3A_38, %swap3A_39] : memref<1x128xf32, #tpu.memory_space<vmem>>, vector<1x128xf32>
    tpu.vector_store %arg9[%swap3A_38, %swap3A_39], %add3A_37 {strides = array<i32>} : memref<1x128xf32, #tpu.memory_space<vmem>>, vector<1x128xf32>,
    %get3A_41 = arith.constant 0 : index
    %get3A_42 = arith.constant 0 : index
    %get3A_43 = vector.load %arg10[%get3A_41, %get3A_42] : memref<1x1xf32, #tpu.memory_space<vmem>>, vector<1x1xf32>
    %get3A_44 = arith.constant 0 : index
    %get3A_45 = arith.constant 0 : index
    %get3A_46 = vector.load %arg2[%get3A_44, %get3A_45] : memref<400x1xf32, #tpu.memory_space<vmem>>, vector<400x1xf32>
    %reduce_sum3A_47 = arith.constant dense<0.000000e+00> : vector<1xf32>
    %reduce_sum3A_48 = vector.multi_reduction <add>, %get3A_46, %reduce_sum3A_47 [0] : vector<400x1xf32> to vector<1xf32>
    %broadcast_in_dim3A_49 = vector.shape_cast %reduce_sum3A_48 : vector<1xf32> to vector<1x1xf32>
    %add3A_50 = arith.addf %get3A_43, %broadcast_in_dim3A_49 : vector<1x1xf32>
    %swap3A_51 = arith.constant 0 : index
    %swap3A_52 = arith.constant 0 : index
    %swap3A_53 = vector.load %arg10[%swap3A_51, %swap3A_52] : memref<1x1xf32, #tpu.memory_space<vmem>>, vector<1x1xf32>
    tpu.vector_store %arg10[%swap3A_51, %swap3A_52], %add3A_50 {strides = array<i32>} : memref<1x1xf32, #tpu.memory_space<vmem>>, vector<1x1xf32>,
    return
  }
  func.func @transform_0(%arg0: i32) -> (i32, i32) {
    %c0_i32 = arith.constant 0 : i32
    %c0_i32_0 = arith.constant 0 : i32
    return %arg0, %c0_i32 : i32, i32
  }
  func.func @transform_1(%arg0: i32) -> (i32, i32) {
    %c0_i32 = arith.constant 0 : i32
    %c0_i32_0 = arith.constant 0 : i32
    return %arg0, %c0_i32 : i32, i32
  }
  func.func @transform_2(%arg0: i32) -> (i32, i32) {
    %c0_i32 = arith.constant 0 : i32
    %c0_i32_0 = arith.constant 0 : i32
    %c0_i32_1 = arith.constant 0 : i32
    return %c0_i32, %c0_i32_0 : i32, i32
  }
  func.func @transform_3(%arg0: i32) -> (i32, i32) {
    %c0_i32 = arith.constant 0 : i32
    %c0_i32_0 = arith.constant 0 : i32
    %c0_i32_1 = arith.constant 0 : i32
    return %c0_i32, %c0_i32_0 : i32, i32
  }
  func.func @transform_4(%arg0: i32) -> (i32, i32) {
    %c0_i32 = arith.constant 0 : i32
    %c0_i32_0 = arith.constant 0 : i32
    %c0_i32_1 = arith.constant 0 : i32
    return %c0_i32, %c0_i32_0 : i32, i32
  }
  func.func @transform_5(%arg0: i32) -> (i32, i32) {
    %c0_i32 = arith.constant 0 : i32
    %c0_i32_0 = arith.constant 0 : i32
    %c0_i32_1 = arith.constant 0 : i32
    return %c0_i32, %c0_i32_0 : i32, i32
  }
  func.func @transform_6(%arg0: i32) -> (i32, i32) {
    %c0_i32 = arith.constant 0 : i32
    %c0_i32_0 = arith.constant 0 : i32
    return %arg0, %c0_i32 : i32, i32
  }
  func.func @transform_7(%arg0: i32) -> (i32, i32) {
    %c0_i32 = arith.constant 0 : i32
    %c0_i32_0 = arith.constant 0 : i32
    return %arg0, %c0_i32 : i32, i32
  }
  func.func @transform_8(%arg0: i32) -> (i32, i32) {
    %c0_i32 = arith.constant 0 : i32
    %c0_i32_0 = arith.constant 0 : i32
    %c0_i32_1 = arith.constant 0 : i32
    return %c0_i32, %c0_i32_0 : i32, i32
  }
  func.func @transform_9(%arg0: i32) -> (i32, i32) {
    %c0_i32 = arith.constant 0 : i32
    %c0_i32_0 = arith.constant 0 : i32
    %c0_i32_1 = arith.constant 0 : i32
    return %c0_i32, %c0_i32_0 : i32, i32
  }
}

module attributes {stable_mosaic.version = 14 : i64} {
  func.func @_nodes1_body(%arg0: i32, %arg1: memref<2x400x128xf32, #tpu.memory_space<vmem>>, %arg2: memref<128x128xf32, #tpu.memory_space<vmem>>, %arg3: memref<128x128xf32, #tpu.memory_space<vmem>>, %arg4: memref<400x128xf32, #tpu.memory_space<vmem>>, %arg5: memref<400x128xf32, #tpu.memory_space<vmem>>, %arg6: memref<1x128xf32, #tpu.memory_space<vmem>>) attributes {dimension_semantics = [#tpu.dimension_semantics<arbitrary>], iteration_bounds = array<i64: 25>, scalar_prefetch = 0 : i64, scratch_operands = 0 : i64, tpu.core_type = #tpu.core_type<tc>, window_params = [{transform_indices = @transform_0, window_bounds = array<i64: 2, 400, 128>}, {pipeline_mode = #tpu.pipeline_mode<synchronous>, transform_indices = @transform_1, window_bounds = array<i64: 128, 128>}, {pipeline_mode = #tpu.pipeline_mode<synchronous>, transform_indices = @transform_2, window_bounds = array<i64: 128, 128>}, {transform_indices = @transform_3, window_bounds = array<i64: 400, 128>}, {transform_indices = @transform_4, window_bounds = array<i64: 400, 128>}, {pipeline_mode = #tpu.pipeline_mode<synchronous>, transform_indices = @transform_5, window_bounds = array<i64: 1, 128>}]} {
    %get3A = arith.constant 0 : index
    %get3A_0 = arith.constant 0 : index
    %get3A_1 = arith.constant 0 : index
    %get3A_2 = vector.load %arg1[%get3A, %get3A_0, %get3A_1] : memref<2x400x128xf32, #tpu.memory_space<vmem>>, vector<1x400x128xf32>
    %get3A_3 = vector.shape_cast %get3A_2 : vector<1x400x128xf32> to vector<400x128xf32>
    %get3A_4 = arith.constant 1 : index
    %get3A_5 = arith.constant 0 : index
    %get3A_6 = arith.constant 0 : index
    %get3A_7 = vector.load %arg1[%get3A_4, %get3A_5, %get3A_6] : memref<2x400x128xf32, #tpu.memory_space<vmem>>, vector<1x400x128xf32>
    %get3A_8 = vector.shape_cast %get3A_7 : vector<1x400x128xf32> to vector<400x128xf32>
    %add3A = arith.addf %get3A_3, %get3A_8 : vector<400x128xf32>
    %get3A_9 = arith.constant 0 : index
    %get3A_10 = arith.constant 0 : index
    %get3A_11 = vector.load %arg2[%get3A_9, %get3A_10] : memref<128x128xf32, #tpu.memory_space<vmem>>, vector<128x128xf32>
    %dot_general3A = arith.constant dense<0.000000e+00> : vector<400x128xf32>
    %dot_general3A_12 = tpu.matmul %add3A, %get3A_11, %dot_general3A {dimension_numbers = #tpu.dot_dimension_numbers<[1], [0], [0], [1], [0, 0, 1, 1], [], []>, transpose_lhs_hint = false} : vector<400x128xf32>, vector<128x128xf32>, vector<400x128xf32> -> vector<400x128xf32>
    %swap3A = arith.constant 0 : index
    %swap3A_13 = arith.constant 0 : index
    %swap3A_14 = vector.load %arg4[%swap3A, %swap3A_13] : memref<400x128xf32, #tpu.memory_space<vmem>>, vector<400x128xf32>
    tpu.vector_store %arg4[%swap3A, %swap3A_13], %dot_general3A_12 {strides = array<i32>} : memref<400x128xf32, #tpu.memory_space<vmem>>, vector<400x128xf32>,
    %get3A_15 = arith.constant 0 : index
    %get3A_16 = arith.constant 0 : index
    %get3A_17 = vector.load %arg3[%get3A_15, %get3A_16] : memref<128x128xf32, #tpu.memory_space<vmem>>, vector<128x128xf32>
    %dot_general3A_18 = arith.constant dense<0.000000e+00> : vector<400x128xf32>
    %dot_general3A_19 = tpu.matmul %add3A, %get3A_17, %dot_general3A_18 {dimension_numbers = #tpu.dot_dimension_numbers<[1], [0], [0], [1], [0, 0, 1, 1], [], []>, transpose_lhs_hint = false} : vector<400x128xf32>, vector<128x128xf32>, vector<400x128xf32> -> vector<400x128xf32>
    %swap3A_20 = arith.constant 0 : index
    %swap3A_21 = arith.constant 0 : index
    %swap3A_22 = vector.load %arg5[%swap3A_20, %swap3A_21] : memref<400x128xf32, #tpu.memory_space<vmem>>, vector<400x128xf32>
    tpu.vector_store %arg5[%swap3A_20, %swap3A_21], %dot_general3A_19 {strides = array<i32>} : memref<400x128xf32, #tpu.memory_space<vmem>>, vector<400x128xf32>,
    %eq3A = arith.constant 0 : i32
    %eq3A_23 = arith.cmpi eq, %arg0, %eq3A : i32
    %convert_element_type3A = arith.extui %eq3A_23 : i1 to i32
    %cond3A = arith.constant 0 : i32
    %cond3A_24 = arith.cmpi ne, %convert_element_type3A, %cond3A : i32
    scf.if %cond3A_24 {
      %broadcast_in_dim3A_33 = arith.constant 0.000000e+00 : f32
      %broadcast_in_dim3A_34 = vector.broadcast %broadcast_in_dim3A_33 : f32 to vector<1x128xf32>
      %swap3A_35 = arith.constant 0 : index
      %swap3A_36 = arith.constant 0 : index
      %swap3A_37 = vector.load %arg6[%swap3A_35, %swap3A_36] : memref<1x128xf32, #tpu.memory_space<vmem>>, vector<1x128xf32>
      tpu.vector_store %arg6[%swap3A_35, %swap3A_36], %broadcast_in_dim3A_34 {strides = array<i32>} : memref<1x128xf32, #tpu.memory_space<vmem>>, vector<1x128xf32>,
    } else {
    }
    %get3A_25 = arith.constant 0 : index
    %get3A_26 = arith.constant 0 : index
    %get3A_27 = vector.load %arg6[%get3A_25, %get3A_26] : memref<1x128xf32, #tpu.memory_space<vmem>>, vector<1x128xf32>
    %reduce_sum3A = arith.constant dense<0.000000e+00> : vector<128xf32>
    %reduce_sum3A_28 = vector.multi_reduction <add>, %add3A, %reduce_sum3A [0] : vector<400x128xf32> to vector<128xf32>
    %broadcast_in_dim3A = vector.shape_cast %reduce_sum3A_28 : vector<128xf32> to vector<1x128xf32>
    %add3A_29 = arith.addf %get3A_27, %broadcast_in_dim3A : vector<1x128xf32>
    %swap3A_30 = arith.constant 0 : index
    %swap3A_31 = arith.constant 0 : index
    %swap3A_32 = vector.load %arg6[%swap3A_30, %swap3A_31] : memref<1x128xf32, #tpu.memory_space<vmem>>, vector<1x128xf32>
    tpu.vector_store %arg6[%swap3A_30, %swap3A_31], %add3A_29 {strides = array<i32>} : memref<1x128xf32, #tpu.memory_space<vmem>>, vector<1x128xf32>,
    return
  }
  func.func @transform_0(%arg0: i32) -> (i32, i32, i32) {
    %c0_i32 = arith.constant 0 : i32
    %c0_i32_0 = arith.constant 0 : i32
    %c0_i32_1 = arith.constant 0 : i32
    return %c0_i32, %arg0, %c0_i32_0 : i32, i32, i32
  }
  func.func @transform_1(%arg0: i32) -> (i32, i32) {
    %c0_i32 = arith.constant 0 : i32
    %c0_i32_0 = arith.constant 0 : i32
    %c0_i32_1 = arith.constant 0 : i32
    return %c0_i32, %c0_i32_0 : i32, i32
  }
  func.func @transform_2(%arg0: i32) -> (i32, i32) {
    %c0_i32 = arith.constant 0 : i32
    %c0_i32_0 = arith.constant 0 : i32
    %c0_i32_1 = arith.constant 0 : i32
    return %c0_i32, %c0_i32_0 : i32, i32
  }
  func.func @transform_3(%arg0: i32) -> (i32, i32) {
    %c0_i32 = arith.constant 0 : i32
    %c0_i32_0 = arith.constant 0 : i32
    return %arg0, %c0_i32 : i32, i32
  }
  func.func @transform_4(%arg0: i32) -> (i32, i32) {
    %c0_i32 = arith.constant 0 : i32
    %c0_i32_0 = arith.constant 0 : i32
    return %arg0, %c0_i32 : i32, i32
  }
  func.func @transform_5(%arg0: i32) -> (i32, i32) {
    %c0_i32 = arith.constant 0 : i32
    %c0_i32_0 = arith.constant 0 : i32
    %c0_i32_1 = arith.constant 0 : i32
    return %c0_i32, %c0_i32_0 : i32, i32
  }
}

module attributes {stable_mosaic.version = 14 : i64} {
  func.func @_final_body(%arg0: i32, %arg1: memref<32x8x128xf32, #tpu.memory_space<vmem>>, %arg2: memref<1x128xf32, #tpu.memory_space<vmem>>, %arg3: memref<1x128xf32, #tpu.memory_space<vmem>>, %arg4: memref<1x1xf32, #tpu.memory_space<vmem>>, %arg5: memref<128x128xf32, #tpu.memory_space<vmem>>, %arg6: memref<128x128xf32, #tpu.memory_space<vmem>>, %arg7: memref<128x128xf32, #tpu.memory_space<vmem>>, %arg8: memref<1x128xf32, #tpu.memory_space<vmem>>, %arg9: memref<1x128xf32, #tpu.memory_space<vmem>>) attributes {dimension_semantics = [#tpu.dimension_semantics<arbitrary>], iteration_bounds = array<i64: 1>, scalar_prefetch = 0 : i64, scratch_operands = 0 : i64, tpu.core_type = #tpu.core_type<tc>, window_params = [{pipeline_mode = #tpu.pipeline_mode<synchronous>, transform_indices = @transform_0, window_bounds = array<i64: 32, 8, 128>}, {pipeline_mode = #tpu.pipeline_mode<synchronous>, transform_indices = @transform_1, window_bounds = array<i64: 1, 128>}, {pipeline_mode = #tpu.pipeline_mode<synchronous>, transform_indices = @transform_2, window_bounds = array<i64: 1, 128>}, {pipeline_mode = #tpu.pipeline_mode<synchronous>, transform_indices = @transform_3, window_bounds = array<i64: 1, 1>}, {pipeline_mode = #tpu.pipeline_mode<synchronous>, transform_indices = @transform_4, window_bounds = array<i64: 128, 128>}, {pipeline_mode = #tpu.pipeline_mode<synchronous>, transform_indices = @transform_5, window_bounds = array<i64: 128, 128>}, {pipeline_mode = #tpu.pipeline_mode<synchronous>, transform_indices = @transform_6, window_bounds = array<i64: 128, 128>}, {pipeline_mode = #tpu.pipeline_mode<synchronous>, transform_indices = @transform_7, window_bounds = array<i64: 1, 128>}, {pipeline_mode = #tpu.pipeline_mode<synchronous>, transform_indices = @transform_8, window_bounds = array<i64: 1, 128>}]} {
    %get3A = arith.constant 0 : index
    %get3A_0 = arith.constant 0 : index
    %get3A_1 = arith.constant 0 : index
    %get3A_2 = vector.load %arg1[%get3A, %get3A_0, %get3A_1] : memref<32x8x128xf32, #tpu.memory_space<vmem>>, vector<32x1x128xf32>
    %get3A_3 = vector.shape_cast %get3A_2 : vector<32x1x128xf32> to vector<32x128xf32>
    %reduce_sum3A = arith.constant dense<0.000000e+00> : vector<128xf32>
    %reduce_sum3A_4 = vector.multi_reduction <add>, %get3A_3, %reduce_sum3A [0] : vector<32x128xf32> to vector<128xf32>
    %broadcast_in_dim3A = vector.shape_cast %reduce_sum3A_4 : vector<128xf32> to vector<1x128xf32>
    %get3A_5 = arith.constant 0 : index
    %get3A_6 = arith.constant 0 : index
    %get3A_7 = vector.load %arg2[%get3A_5, %get3A_6] : memref<1x128xf32, #tpu.memory_space<vmem>>, vector<1x128xf32>
    %get3A_8 = arith.constant 0 : index
    %get3A_9 = arith.constant 0 : index
    %get3A_10 = vector.load %arg5[%get3A_8, %get3A_9] : memref<128x128xf32, #tpu.memory_space<vmem>>, vector<128x128xf32>
    %dot_general3A = arith.constant dense<0.000000e+00> : vector<1x128xf32>
    %dot_general3A_11 = tpu.matmul %get3A_7, %get3A_10, %dot_general3A {dimension_numbers = #tpu.dot_dimension_numbers<[1], [0], [0], [1], [0, 0, 1, 1], [], []>, transpose_lhs_hint = false} : vector<1x128xf32>, vector<128x128xf32>, vector<1x128xf32> -> vector<1x128xf32>
    %get3A_12 = arith.constant 0 : index
    %get3A_13 = arith.constant 0 : index
    %get3A_14 = vector.load %arg3[%get3A_12, %get3A_13] : memref<1x128xf32, #tpu.memory_space<vmem>>, vector<1x128xf32>
    %get3A_15 = arith.constant 0 : index
    %get3A_16 = arith.constant 0 : index
    %get3A_17 = vector.load %arg6[%get3A_15, %get3A_16] : memref<128x128xf32, #tpu.memory_space<vmem>>, vector<128x128xf32>
    %dot_general3A_18 = arith.constant dense<0.000000e+00> : vector<1x128xf32>
    %dot_general3A_19 = tpu.matmul %get3A_14, %get3A_17, %dot_general3A_18 {dimension_numbers = #tpu.dot_dimension_numbers<[1], [0], [0], [1], [0, 0, 1, 1], [], []>, transpose_lhs_hint = false} : vector<1x128xf32>, vector<128x128xf32>, vector<1x128xf32> -> vector<1x128xf32>
    %add3A = arith.addf %dot_general3A_11, %dot_general3A_19 : vector<1x128xf32>
    %get3A_20 = arith.constant 0 : index
    %get3A_21 = arith.constant 0 : index
    %get3A_22 = vector.load %arg7[%get3A_20, %get3A_21] : memref<128x128xf32, #tpu.memory_space<vmem>>, vector<128x128xf32>
    %dot_general3A_23 = arith.constant dense<0.000000e+00> : vector<1x128xf32>
    %dot_general3A_24 = tpu.matmul %broadcast_in_dim3A, %get3A_22, %dot_general3A_23 {dimension_numbers = #tpu.dot_dimension_numbers<[1], [0], [0], [1], [0, 0, 1, 1], [], []>, transpose_lhs_hint = false} : vector<1x128xf32>, vector<128x128xf32>, vector<1x128xf32> -> vector<1x128xf32>
    %add3A_25 = arith.addf %add3A, %dot_general3A_24 : vector<1x128xf32>
    %get3A_26 = arith.constant 0 : index
    %get3A_27 = arith.constant 0 : index
    %get3A_28 = vector.load %arg4[%get3A_26, %get3A_27] : memref<1x1xf32, #tpu.memory_space<vmem>>, vector<1x1xf32>
    %div3A = vector.broadcast %get3A_28 : vector<1x1xf32> to vector<1x128xf32>
    %div3A_29 = arith.divf %add3A_25, %div3A : vector<1x128xf32>
    %get3A_30 = arith.constant 0 : index
    %get3A_31 = arith.constant 0 : index
    %get3A_32 = vector.load %arg8[%get3A_30, %get3A_31] : memref<1x128xf32, #tpu.memory_space<vmem>>, vector<1x128xf32>
    %add3A_33 = arith.addf %div3A_29, %get3A_32 : vector<1x128xf32>
    %max3A = arith.constant 0.000000e+00 : f32
    %max3A_34 = vector.broadcast %max3A : f32 to vector<1x128xf32>
    %max3A_35 = arith.maximumf %add3A_33, %max3A_34 : vector<1x128xf32>
    %swap3A = arith.constant 0 : index
    %swap3A_36 = arith.constant 0 : index
    %swap3A_37 = vector.load %arg9[%swap3A, %swap3A_36] : memref<1x128xf32, #tpu.memory_space<vmem>>, vector<1x128xf32>
    tpu.vector_store %arg9[%swap3A, %swap3A_36], %max3A_35 {strides = array<i32>} : memref<1x128xf32, #tpu.memory_space<vmem>>, vector<1x128xf32>,
    return
  }
  func.func @transform_0(%arg0: i32) -> (i32, i32, i32) {
    %c0_i32 = arith.constant 0 : i32
    %c0_i32_0 = arith.constant 0 : i32
    %c0_i32_1 = arith.constant 0 : i32
    %c0_i32_2 = arith.constant 0 : i32
    return %c0_i32, %c0_i32_0, %c0_i32_1 : i32, i32, i32
  }
  func.func @transform_1(%arg0: i32) -> (i32, i32) {
    %c0_i32 = arith.constant 0 : i32
    %c0_i32_0 = arith.constant 0 : i32
    %c0_i32_1 = arith.constant 0 : i32
    return %c0_i32, %c0_i32_0 : i32, i32
  }
  func.func @transform_2(%arg0: i32) -> (i32, i32) {
    %c0_i32 = arith.constant 0 : i32
    %c0_i32_0 = arith.constant 0 : i32
    %c0_i32_1 = arith.constant 0 : i32
    return %c0_i32, %c0_i32_0 : i32, i32
  }
  func.func @transform_3(%arg0: i32) -> (i32, i32) {
    %c0_i32 = arith.constant 0 : i32
    %c0_i32_0 = arith.constant 0 : i32
    %c0_i32_1 = arith.constant 0 : i32
    return %c0_i32, %c0_i32_0 : i32, i32
  }
  func.func @transform_4(%arg0: i32) -> (i32, i32) {
    %c0_i32 = arith.constant 0 : i32
    %c0_i32_0 = arith.constant 0 : i32
    %c0_i32_1 = arith.constant 0 : i32
    return %c0_i32, %c0_i32_0 : i32, i32
  }
  func.func @transform_5(%arg0: i32) -> (i32, i32) {
    %c0_i32 = arith.constant 0 : i32
    %c0_i32_0 = arith.constant 0 : i32
    %c0_i32_1 = arith.constant 0 : i32
    return %c0_i32, %c0_i32_0 : i32, i32
  }
  func.func @transform_6(%arg0: i32) -> (i32, i32) {
    %c0_i32 = arith.constant 0 : i32
    %c0_i32_0 = arith.constant 0 : i32
    %c0_i32_1 = arith.constant 0 : i32
    return %c0_i32, %c0_i32_0 : i32, i32
  }
  func.func @transform_7(%arg0: i32) -> (i32, i32) {
    %c0_i32 = arith.constant 0 : i32
    %c0_i32_0 = arith.constant 0 : i32
    %c0_i32_1 = arith.constant 0 : i32
    return %c0_i32, %c0_i32_0 : i32, i32
  }
  func.func @transform_8(%arg0: i32) -> (i32, i32) {
    %c0_i32 = arith.constant 0 : i32
    %c0_i32_0 = arith.constant 0 : i32
    %c0_i32_1 = arith.constant 0 : i32
    return %c0_i32, %c0_i32_0 : i32, i32
  }
}

</mosaic_0001>

<sc_bundles>
// kernel: kernel.12.cloned.1.call-start
scs
__scs_entry_jumppad:
0x0: {  	(pc) =	sbr.rel $0x88, $3  }
0x1: {  	(tag) =	ssettag $0x0;
	lr =	simm.s32 $0x1  }
0x2: {  	[smem:$0x3F94] =	sst lr;
	_ =	strace $0xD0000000  }
0x3: {  	_ = 	snop  }
0x4: {  	_ = 	snop  }
0x5: {  	_ = 	snop  }
0x6: {  	_ = 	snop  }
0x7: {  	_ = 	snop  }
__scs_overlays_trampoline_lowered:
0x8: {  	[smem:$0x3FA3] =	sst s0  }
0x9: {  	[smem:$0x3FA4] =	sst s1  }
0xa: {  	[smem:$0x3FA5] =	sst s2  }
0xb: {  	[smem:$0x3FA6] =	sst s3  }
0xc: {  	[smem:$0x3FA7] =	sst s4  }
0xd: {  	[smem:$0x3FA8] =	sst s5  }
0xe: {  	[smem:$0x3FA9] =	sst s6  }
0xf: {  	[smem:$0x3FAA] =	sst s7  }
0x10: {  	[smem:$0x3FAB] =	sst s8  }
0x11: {  	[smem:$0x3FAC] =	sst s9;
	s0 =	simm.s32 @!p0 $0x0  }
0x12: {  	s1 =	sld [smem:$0x3F92];
	s0 =	simm.s32 @p0 $0x1  }
0x13: {  	[smem:$0x3FAD] =	sst s0;
	s0 =	simm.s32 @!p1 $0x0  }
0x14: {  	s2 =	sld [smem:$0x3F91];
	s0 =	simm.s32 @p1 $0x1  }
0x15: {  	[smem:$0x3FAE] =	sst s0;
	s0 =	simm.s32 @!p2 $0x0  }
0x16: {  	s3 =	sld [smem:$0x3FDB];
	s0 =	simm.s32 @p2 $0x1  }
0x17: {  	s4 =	simm.s32 $0x1BF5;
	[smem:$0x3FB0] =	sst s0  }
0x18: {  	s0 =	sld [smem:$0x3F93];
	_ =	swait.ge [sflag:s4], $0x0  }
0x19: {  	s7 =	sld [smem:$0x3F94]  }
0x1a: {  	s8 =	sadd.s32 $0xFFFFE003, lr  }
0x1b: {  	s9 =	sadd.s32 $0xFFFFFEF7, lr;
	s5 =	simm.s32 $0xFFFFFFFF;
	p2 =	slt.u32 s8, $0xFFFFF086  }
0x1c: {  	p1 =	slt.u32 s9, $0xF7A;
	s5 =	simm.s32 @!p2 $0x0  }
0x1d: {  	s5 =	simm.s32 @p1 $0x1;
	p0 =	seq.s32 s7, s2  }
0x1e: {  	s7 =	smul.u32 @!p0 $0xF7A, s2;
	p2 =	seq.s32 @!p0 s5, $0x0  }
0x1f: {  	s9 =	smul.u32 $0xF7A, s1;
	s8 =	simm.s32 @!p0 $0x1BF5;
	p2 =	por !p2, p0  }
0x20: {  	[sflag:s8] =	ssyncset.s32 @!p0 $0xFFFFF086;
	s6 =	sadd.s32 @!p0 s3, s7;
	s7 =	simm.s32 @!p0 $0x108  }
0x21: {  	s3 =	sadd.s32 s3, s9;
	s6 =	sadd.s32 @!p0 $0x88, s6;
	s7 =	simm.s32 @p2 $0x1082  }
0x22: {  	[simem:s7], [sflag:s8] =	dma.local @!p0 [hbm:s6], $0xF7A  }
0x23: {  	s9 =	sor.u32 $0xD0000000, s2;
	s6 =	simm.s32 $0x108;
	_ =	swait.ge @!p0 [sflag:s8], $0x0  }
0x24: {  	s3 =	sadd.s32 $0x88, s3;
	s6 =	simm.s32 @!p1 $0x1082;
	[sflag:s4] =	ssyncset.s32 $0xFFFFF086  }
0x25: {  	[simem:s6], [sflag:s4] =	dma.local [hbm:s3], $0xF7A  }
0x26: {  	[smem:$0x3F94] =	sst s1;
	(tag) =	ssettag s2;
	_ =	strace s9  }
0x27: {  	s1 =	sld [smem:$0x3FA4]  }
0x28: {  	s2 =	sld [smem:$0x3FA5]  }
0x29: {  	s4 =	sld [smem:$0x3FA7]  }
0x2a: {  	p0 =	seq.s32 s5, $0x0;
	s5 =	sld [smem:$0x3FA8]  }
0x2b: {  	s6 =	sld [smem:$0x3FA9]  }
0x2c: {  	s7 =	sld [smem:$0x3FAA]  }
0x2d: {  	s3 =	simm.s32 $0x108;
	s8 =	sld [smem:$0x3FAB]  }
0x2e: {  	s3 =	simm.s32 @!p0 $0x1082;
	s9 =	sld [smem:$0x3FAC]  }
0x2f: {  	lr =	sadd.s32 s0, s3;
	s0 =	sld [smem:$0x3FA3]  }
0x30: {  	s3 =	sld [smem:$0x3FA6]  }
0x31: {  	[smem:$0x3FAF] =	sst s10  }
0x32: {  	s10 =	sld [smem:$0x3FAD];
	_ =	sdelay $0x3  }
0x33: {  	p0 =	seq.s32 s10, $0x1;
	s10 =	sld [smem:$0x3FAF];
	_ =	sdelay $0x3  }
0x34: {  	[smem:$0x3FAF] =	sst s10  }
0x35: {  	s10 =	sld [smem:$0x3FAE];
	_ =	sdelay $0x3  }
0x36: {  	p1 =	seq.s32 s10, $0x1;
	s10 =	sld [smem:$0x3FAF];
	_ =	sdelay $0x3  }
0x37: {  	[smem:$0x3FAF] =	sst s10  }
0x38: {  	s10 =	sld [smem:$0x3FB0]  }
0x39: {  	_ = 	snop;
	(pc) =	sbr.ind lr, $3  }
0x3a: {  	_ = 	snop  }
0x3b: {  	_ = 	snop  }
0x3c: {  	p2 =	seq.s32 s10, $0x1;
	s10 =	sld [smem:$0x3FAF]  }
0x3d: {  	_ =	shalt  }
0x3e: {  	_ =	shalt  }
0x3f: {  	_ =	shalt  }
0x40: {  	_ =	shalt  }
0x41: {  	_ =	shalt  }
0x42: {  	_ =	shalt  }
0x43: {  	_ =	shalt  }
0x44: {  	_ =	shalt  }
0x45: {  	_ =	shalt  }
0x46: {  	_ =	shalt  }
0x47: {  	_ =	shalt  }
0x48: {  	_ =	shalt  }
0x49: {  	_ =	shalt  }
0x4a: {  	_ =	shalt  }
0x4b: {  	_ =	shalt  }
0x4c: {  	_ =	shalt  }
0x4d: {  	_ =	shalt  }
0x4e: {  	_ =	shalt  }
0x4f: {  	_ =	shalt  }
0x50: {  	_ =	shalt  }
0x51: {  	_ =	shalt  }
0x52: {  	_ =	shalt  }
0x53: {  	_ =	shalt  }
0x54: {  	_ =	shalt  }
0x55: {  	_ =	shalt  }
0x56: {  	_ =	shalt  }
0x57: {  	_ =	shalt  }
0x58: {  	_ =	shalt  }
0x59: {  	_ =	shalt  }
0x5a: {  	_ =	shalt  }
0x5b: {  	_ =	shalt  }
0x5c: {  	_ =	shalt  }
0x5d: {  	_ =	shalt  }
0x5e: {  	_ =	shalt  }
0x5f: {  	_ =	shalt  }
0x60: {  	_ =	shalt  }
0x61: {  	_ =	shalt  }
0x62: {  	_ =	shalt  }
0x63: {  	_ =	shalt  }
0x64: {  	_ =	shalt  }
0x65: {  	_ =	shalt  }
0x66: {  	_ =	shalt  }
0x67: {  	_ =	shalt  }
0x68: {  	_ =	shalt  }
0x69: {  	_ =	shalt  }
0x6a: {  	_ =	shalt  }
0x6b: {  	_ =	shalt  }
0x6c: {  	_ =	shalt  }
0x6d: {  	_ =	shalt  }
0x6e: {  	_ =	shalt  }
0x6f: {  	_ =	shalt  }
0x70: {  	_ =	shalt  }
0x71: {  	_ =	shalt  }
0x72: {  	_ =	shalt  }
0x73: {  	_ =	shalt  }
0x74: {  	_ =	shalt  }
0x75: {  	_ =	shalt  }
0x76: {  	_ =	shalt  }
0x77: {  	_ =	shalt  }
0x78: {  	_ =	shalt  }
0x79: {  	_ =	shalt  }
0x7a: {  	_ =	shalt  }
0x7b: {  	_ =	shalt  }
0x7c: {  	_ =	shalt  }
0x7d: {  	_ =	shalt  }
0x7e: {  	_ =	shalt  }
0x7f: {  	_ =	shalt  }
0x80: {  	_ =	shalt  }
0x81: {  	_ =	shalt  }
0x82: {  	_ =	shalt  }
0x83: {  	_ =	shalt  }
0x84: {  	_ =	shalt  }
0x85: {  	_ =	shalt  }
0x86: {  	_ =	shalt  }
0x87: {  	_ =	shalt  }
.Lfunc_end0:
.L_simem_size_0:
called_computation.1_lowered:
.L_overlay_start_0:
0x88: {  	s2 =	sld [smem:$0x3FD9]  }
0x89: {  	s3 =	sld [smem:$0x3FFE];
	_ =	sdelay $0x1  }
0x8a: {  	s1 =	srdreg.scid  }
0x8b: {  	s0 =	sand.u32 $0x1, s1  }
0x8c: {  	s16 =	sshll.u32 s0, $0xA;
	s2 =	sadd.s32 s3, s2  }
0x8d: {  	s2 =	sadd.s32 s2, s16  }
0x8e: {  	[smem:$0x3FBB] =	sst s2  }
0x8f: {  	_ = 	snop  }
0x90: {  	(tm) =	ssettm $0x1  }
0x91: {  	s17 =	sld [smem:$0x3FFB];
	_ =	sdelay $0x3  }
0x92: {  	_ =	strace s17  }
0x93: {  	s2 =	sld [smem:$0x3FFC];
	_ =	sdelay $0x3  }
0x94: {  	_ =	strace s2  }
0x95: {  	s2 =	sld [smem:$0x3FFD];
	_ =	sdelay $0x3  }
0x96: {  	_ =	strace s2  }
0x97: {  	_ =	strace $0x8FFFFFFF  }
0x98: {  	s18 =	sld [smem:$0x3FDB];
	_ =	sdelay $0x1  }
0x99: {  	s19 =	simm.s32 $_scs_section_size  }
0x9a: {  	s4 =	simm.s32 $_size__tile_overlayer_lowered;
	s5 =	simm.s32 $_tile_overlayer_lowered  }
0x9b: {  	s22 =	simm.s32 $0x1BFF;
	s21 =	sshll.u32 s5, $0x1;
	s2 =	sadd.s32 s19, s18  }
0x9c: {  	s6 =	simm.s32 $0x0;
	s20 =	sshll.u32 s4, $0x1;
	s4 =	sadd.s32 s21, s2  }
0x9d: {  	[timem:s6], [sflag:s22] =	dma.local [hbm:s4], s20  }
0x9e: {  	_ =	swait.ge [sflag:s22], s20  }
0x9f: {  	s3 =	ssub.s32 $0x0, s20;
	[sflag:s22] =	ssyncset.done $0x0  }
0xa0: {  	[sflag:s22] =	ssyncadd.s32 s3;
	_ =	sdelay $0x1  }
0xa1: {  	s23 =	simm.s32 $0x1B8B  }
0xa2: {  	_ =	swait.ge [sflag:s23], $0x1  }
0xa3: {  	[sflag:s23] =	ssyncset.done $0x0  }
0xa4: {  	s25 =	simm.s32 $0x1B8E;
	s24 =	sld [smem:$0x3FFE];
	[sflag:s23] =	ssyncadd.s32 $0xFFFFFFFF  }
0xa5: {  	s26 =	simm.s32 $execute0_lowered;
	[smem:$0x3FD2] =	sst s25  }
0xa6: {  	s4 =	sshll.u32 s26, $0x1;
	_ =	strace $0x80000049;
	[dreg:$0x1] =	wrdreg $0xFFFFFFFF  }
0xa7: {  	s28 =	simm.s32 $_size_execute0_lowered;
	s2 =	sadd.s32 s2, s4;
	[dreg:$0x0] =	wrdreg $0x0  }
0xa8: {  	s4 =	sshll.u32 s28, $0x1;
	[dreg:$0x2] =	wrdreg s2  }
0xa9: {  	[dreg:$0x3] =	wrdreg s4  }
0xaa: {  	[dreg:$0x4] =	wrdreg $0xC0  }
0xab: {  	_ =	task [dreg:s6], $0x5FFFF  }
0xac: {  	[dreg:$0x1] =	wrdreg $0xFFFFFFFF  }
0xad: {  	[dreg:$0x0] =	wrdreg $0x60  }
0xae: {  	[dreg:$0x2] =	wrdreg s24  }
0xaf: {  	[dreg:$0x3] =	wrdreg $0x9  }
0xb0: {  	_ =	task.clear_ibuf [dreg:s6], $0x4FFFF;
	_ =	strace $0x90000049  }
0xb1: {  	s29 =	simm.s32 $0x9;
	_ =	strace $0x8000004B  }
0xb2: {  	_ =	swait.ge [sflag:s29], $0x1  }
0xb3: {  	[sflag:s29] =	ssyncadd.s32 $0xFFFFFFFF  }
0xb4: {  	_ =	strace $0x9000004B  }
0xb5: {  	_ =	sfence  }
0xb6: {  	s30 =	sld [smem:$0x0];
	_ =	sdelay $0x2  }
0xb7: {  	s31 =	sshll.u32 s1, $0xD;
	s1 =	sshrl.u32 s1, $0x2  }
0xb8: {  	s3 =	sand.u32 $0x4000, s31;
	s1 =	sadd.s32 s1, s30  }
0xb9: {  	s0 =	sor.u32 s3, s0;
	s1 =	sshll.u32 s1, $0x11  }
0xba: {  	s0 =	sor.u32 s1, s0  }
0xbb: {  	s0 =	sadd.s32 $0x8F2B, s0  }
0xbc: {  	[sflag:s0] =	ssyncadd.remote.s32 $0x1  }
0xbd: {  	_ =	sfence.sel $0xFFFF  }
0xbe: {  	[dreg:$0x0] =	wrdreg $0xFFFFFFFF;
	(pc) =	sbr.abs _section_cstart, $3  }
0xbf: {  	[dreg:$0x1] =	wrdreg $0xFFFFFFFF  }
0xc0: {  	_ =	task.clear_ibuf [dreg:s6], $0x2FFFF;
	_ =	strace $0x9FFFFFFF  }
0xc1: {  	(tm) =	ssettm $0x7FFFFFFF  }
tec
execute0_lowered:
.L_overlay_start_1:
0x0: {  	(tag) =	ssettag $0x1  }
0x1: {  	s0 =	rddreg [dreg:$0x0];
	s13 =	simm.s32 $0x0  }
0x2: {  	s1 =	srdreg.scid;
	s7 =	stileid.u32;
	s28 =	simm.s32 $0x5400  }
0x3: {  	s31 =	simm.s32 $0x2;
	s18 =	simm.s32 $0x3;
	s19 =	simm.s32 $0x6  }
0x4: {  	s17 =	simm.s32 $0x0;
	[smem:$0x7FF] =	sst s13;
	s1 =	sand.u32 $0x1, s1  }
0x5: {  	s3 =	sadd.s32 $0x4F9A00, s0;
	s4 =	sadd.s32 $0x520C00, s0;
	s6 =	sshll.u32 s1, $0x4  }
0x6: {  	s2 =	sadd.s32 $0x596000, s0;
	s5 =	sadd.s32 $0xDA00, s0;
	s6 =	sor.u32 s7, s6  }
0x7: {  	_ =	strace $0x8000004A;
	s1 =	ssub.s32 $0x2, s1;
	s12 =	smul.u32 $0x2710, s6  }
0x8: {  	s9 =	sshrl.u32 s1, $0x1;
	s7 =	sadd.s32 $0x3C00, s0;
	s10 =	smul.u32 $0x27100, s6  }
0x9: {  	s8 =	sshll.u32 s6, $0x7;
	s1 =	ssub.s32 s1, s9;
	s6 =	smul.u32 $0x138800, s6  }
0xa: {  	s8 =	sadd.s32 s8, s0;
	s30 =	smax.u32 s1, $0x1;
	s1 =	simm.s32 $0x8  }
0xb: {  	s20 =	sshrl.u32 s12, $0x3;
	s11 =	sadd.s32 $0x28, s12;
	[dreg:$0x2] =	wrdreg s12  }
0xc: {  	s23 =	sadd.s32 s2, s10;
	s24 =	sshrl.u32 s6, $0x3;
	[dreg:$0xd] =	wrdreg s30  }
0xd: {  	s25 =	sadd.s32 $0x50, s12;
	s26 =	sadd.s32 $0x78, s12;
	[dreg:$0x3] =	wrdreg s11  }
0xe: {  	s29 =	sadd.s32 $0x547E00, s8;
	s10 =	simm.s32 $0x5;
	[dreg:$0x8] =	wrdreg s23  }
0xf: {  	s12 =	simm.s32 $0x9;
	s6 =	simm.s32 $0xA;
	[dreg:$0x9] =	wrdreg s25  }
0x10: {  	s8 =	simm.s32 $0x4;
	s14 =	sadd.s32 s5, s20;
	[dreg:$0xa] =	wrdreg s26  }
0x11: {  	s11 =	sshrl.u32 s11, $0x3;
	s9 =	sadd.s32 s7, s20;
	[dreg:$0xc] =	wrdreg s29  }
0x12: {  	s20 =	simm.s32 $0x200;
	s23 =	simm.s32 $0x1;
	[dreg:$0x4] =	wrdreg s14  }
0x13: {  	s25 =	simm.s32 $0x400;
	s26 =	simm.s32 $0x2C00;
	[dreg:$0x5] =	wrdreg s9  }
0x14: {  	s21 =	sadd.s32 s5, s11;
	s22 =	sadd.s32 s7, s11;
	s14 =	sadd.s32 $0x596280, s0  }
0x15: {  	s0 =	sadd.s32 s2, s24;
	s24 =	simm.s32 $0x28;
	s2 =	simm.s32 $0x4000  }
0x16: {  	s9 =	simm.s32 $0x6800;
	s11 =	simm.s32 $0x7;
	[dreg:$0x6] =	wrdreg s21  }
0x17: {  	[dreg:$0x7] =	wrdreg s22;
	s0 =	sadd.s32 $0x26E80, s0;
	s21 =	simm.s32 $0x80  }
0x18: {  	s22 =	simm.s32 $0x280;
	[dreg:$0xb] =	wrdreg s0;
	s0 =	simm.s32 $0x1800  }
.LBB2_1:
0x19: {  	[dreg:$0xe] =	wrdreg s17  }
0x1a: {  	s15 =	rddreg [dreg:$0x4]  }
0x1b: {  	[tilespmem:s13], [sflag:$0x1] =	stream.linear.gather [hbm4b:s15+s13], $0x28, $0x38;
	[tilespmem:$0x8000] =	vst v63  }
0x1c: {  	s16 =	rddreg [dreg:$0x5]  }
0x1d: {  	[tilespmem:s20], [sflag:$0x1] =	stream.linear.gather [hbm4b:s16+s13], $0x28, $0x38;
	[tilespmem:$0x8000] =	vst v63  }
0x1e: {  	s17 =	rddreg [dreg:$0x6]  }
0x1f: {  	[tilespmem:s21], [sflag:$0x2] =	stream.linear.gather [hbm4b:s17+s13], $0x28, $0x38;
	[tilespmem:$0x8000] =	vst v63  }
0x20: {  	s29 =	rddreg [dreg:$0x7]  }
0x21: {  	[tilespmem:s22], [sflag:$0x2] =	stream.linear.gather [hbm4b:s29+s13], $0x28, $0x38;
	[tilespmem:$0x8000] =	vst v63  }
0x22: {  	_ =	swait.ge [sflag:s23], $0x28  }
0x23: {  	[sflag:s23] =	ssyncset.done $0x0  }
0x24: {  	[sflag:s23] =	ssyncadd.s32 $0xFFFFFFD8  }
0x25: {  	_ =	swait.ge [sflag:s23], $0x28  }
0x26: {  	[sflag:s23] =	ssyncset.done $0x0  }
0x27: {  	[sflag:s23] =	ssyncadd.s32 $0xFFFFFFD8  }
0x28: {  	[tilespmem:s25], [sflag:$0x5] =	stream.indirect.gather [hbm4b:s3+s24], $0x80, s13, s24, $0xb8;
	[tilespmem:$0x8000] =	vst v63  }
0x29: {  	_ = 	snop  }
0x2a: {  	v0 =	vimm.f32 $0.0e+00;
	v7 =	vimm.f32 $0.0e+00;
	[tilespmem:s26], [sflag:$0x7] =	stream.indirect.gather [hbm4b:s4+s24], $0x80, s20, s24, $0xb8;
	[tilespmem:$0x8000] =	vst v63  }
0x2b: {  	v1 =	vimm.f32 $0.0e+00;
	v3 =	vimm.f32 $0.0e+00;
	v2 =	vimm.f32 $0.0e+00;
	s15 =	simm.s32 $0x0;
	s30 =	rddreg [dreg:$0x8]  }
0x2c: {  	v4 =	vimm.f32 $0.0e+00;
	v5 =	vimm.f32 $0.0e+00;
	v6 =	vimm.f32 $0.0e+00;
	[tilespmem:s28], [sflag:$0x9] =	stream.linear.gather [hbm4b:s30+s13], $0x1400, $0x38;
	[tilespmem:$0x8000] =	vst v63  }
.LBB2_2:
0x2d: {  	s16 =	smul.u32 $0xA0, s15  }
0x2e: {  	s13 =	rddreg [dreg:$0x2]  }
0x2f: {  	s29 =	sadd.s32 s13, s16  }
0x30: {  	s30 =	sshrl.u32 s29, $0x3  }
0x31: {  	s30 =	sadd.s32 $0xA, s30  }
0x32: {  	s17 =	simm.s32 $0x0;
	s25 =	simm.s32 $0x100;
	s13 =	sadd.s32 s5, s30  }
0x33: {  	[tilespmem:s25], [sflag:$0x3] =	stream.linear.gather [hbm4b:s13+s17], $0x28, $0x38;
	[tilespmem:$0x8000] =	vst v63  }
0x34: {  	s13 =	sadd.s32 s7, s30;
	s25 =	simm.s32 $0x300  }
0x35: {  	[tilespmem:s25], [sflag:$0x3] =	stream.linear.gather [hbm4b:s13+s17], $0x28, $0x38;
	[tilespmem:$0x8000] =	vst v63  }
0x36: {  	_ =	swait.ge [sflag:s31], $0x28  }
0x37: {  	[sflag:s31] =	ssyncset.done $0x0  }
0x38: {  	[sflag:s31] =	ssyncadd.s32 $0xFFFFFFD8  }
0x39: {  	_ =	swait.ge [sflag:s31], $0x28  }
0x3a: {  	[sflag:s31] =	ssyncset.done $0x0  }
0x3b: {  	[sflag:s31] =	ssyncadd.s32 $0xFFFFFFD8  }
0x3c: {  	[tilespmem:s0], [sflag:$0x6] =	stream.indirect.gather [hbm4b:s3+s24], $0x80, s21, s24, $0xb8;
	[tilespmem:$0x8000] =	vst v63  }
0x3d: {  	s25 =	sshll.u32 s29, $0x4  }
0x3e: {  	[tilespmem:s2], [sflag:$0x8] =	stream.indirect.gather [hbm4b:s4+s24], $0x80, s22, s24, $0xb8;
	[tilespmem:$0x8000] =	vst v63  }
0x3f: {  	s13 =	sadd.s32 s25, s14  }
0x40: {  	[tilespmem:s9], [sflag:$0xA] =	stream.linear.gather [hbm4b:s13+s17], $0x1400, $0x38;
	[tilespmem:$0x8000] =	vst v63  }
0x41: {  	_ =	swait.ge [sflag:s10], $0x1400  }
0x42: {  	[sflag:s10] =	ssyncset.done $0x0  }
0x43: {  	[sflag:s10] =	ssyncadd.s32 $0xFFFFEC00  }
0x44: {  	_ =	swait.ge [sflag:s11], $0x1400  }
0x45: {  	[sflag:s11] =	ssyncset.done $0x0  }
0x46: {  	[sflag:s11] =	ssyncadd.s32 $0xFFFFEC00  }
0x47: {  	_ =	swait.ge [sflag:s12], $0x1400  }
0x48: {  	[sflag:s12] =	ssyncset.done $0x0  }
0x49: {  	s25 =	simm.s32 $0x0;
	[sflag:s12] =	ssyncadd.s32 $0xFFFFEC00  }
0x4a: {  	v8 =	vld [tilespmem:s25+$0x470]  }
0x4b: {  	v9 =	vld [tilespmem:s25+$0x2C70]  }
0x4c: {  	v10 =	vld [tilespmem:s25+$0x400]  }
0x4d: {  	v11 =	vld [tilespmem:s25+$0x5470]  }
0x4e: {  	v12 =	vld [tilespmem:s25+$0x2C00]  }
0x4f: {  	v13 =	vld [tilespmem:s25+$0x410]  }
0x50: {  	v14 =	vld [tilespmem:s25+$0x2C10]  }
0x51: {  	v15 =	vld [tilespmem:s25+$0x420]  }
0x52: {  	v17 =	vld [tilespmem:s25+$0x2C20]  }
0x53: {  	v18 =	vld [tilespmem:s25+$0x430]  }
0x54: {  	v19 =	vld [tilespmem:s25+$0x2C30]  }
0x55: {  	v20 =	vld [tilespmem:s25+$0x440]  }
0x56: {  	v21 =	vld [tilespmem:s25+$0x2C40]  }
0x57: {  	v22 =	vld [tilespmem:s25+$0x450]  }
0x58: {  	v23 =	vld [tilespmem:s25+$0x2C50]  }
0x59: {  	v24 =	vld [tilespmem:s25+$0x460]  }
0x5a: {  	v26 =	vld [tilespmem:s25+$0x5410]  }
0x5b: {  	v8 =	vadd.f32 v9, v8;
	v9 =	vld [tilespmem:s25+$0x5400]  }
0x5c: {  	v25 =	vld [tilespmem:s25+$0x2C60];
	v10 =	vadd.f32 v12, v10  }
0x5d: {  	v27 =	vld [tilespmem:s25+$0x5420];
	v12 =	vadd.f32 v14, v13;
	v8 =	vadd.f32 v11, v8  }
0x5e: {  	v16 =	vld [tilespmem:s25+$0x5430];
	v28 =	vadd.f32 v17, v15  }
0x5f: {  	v14 =	vld [tilespmem:s25+$0x5440];
	v11 =	vadd.f32 v19, v18;
	v17 =	vadd.f32 v26, v12;
	v8 =	vmax.f32 v8, $0.0e+00  }
0x60: {  	v13 =	vld [tilespmem:s25+$0x5450];
	v7 =	vadd.f32 v8, v7;
	v18 =	vadd.f32 v9, v10  }
0x61: {  	s29 =	simm.s32 $0x80;
	v15 =	vld [tilespmem:s25+$0x5460];
	v8 =	vadd.f32 v21, v20;
	v9 =	vadd.f32 v23, v22  }
0x62: {  	s30 =	simm.s32 $0x400;
	v12 =	vld [tilespmem:s29+$0x470];
	v10 =	vadd.f32 v25, v24;
	v19 =	vmax.f32 v18, $0.0e+00;
	v18 =	vadd.f32 v27, v28  }
.LBB2_3:
0x63: {  	p0 =	sne.s32 s30, $0x4E00;
	v20 =	vld [tilespmem:s29+$0x2C70];
	v6 =	vadd.f32 v19, v6;
	v17 =	vmax.f32 v17, $0.0e+00;
	v11 =	vadd.f32 v16, v11  }
0x64: {  	v16 =	vld [tilespmem:s29+$0x400];
	v5 =	vadd.f32 v17, v5;
	v17 =	vmax.f32 v18, $0.0e+00;
	v8 =	vadd.f32 v14, v8  }
0x65: {  	v14 =	vld [tilespmem:s29+$0x5470];
	v4 =	vadd.f32 v17, v4;
	v11 =	vmax.f32 v11, $0.0e+00;
	v9 =	vadd.f32 v13, v9  }
0x66: {  	v13 =	vld [tilespmem:s29+$0x2C00];
	v2 =	vadd.f32 v11, v2;
	v8 =	vmax.f32 v8, $0.0e+00;
	v10 =	vadd.f32 v15, v10  }
0x67: {  	v11 =	vld [tilespmem:s29+$0x410];
	v3 =	vadd.f32 v8, v3;
	v8 =	vmax.f32 v9, $0.0e+00  }
0x68: {  	v9 =	vld [tilespmem:s29+$0x2C10];
	v12 =	vadd.f32 v20, v12;
	v1 =	vadd.f32 v8, v1;
	v8 =	vmax.f32 v10, $0.0e+00  }
0x69: {  	v10 =	vld [tilespmem:s29+$0x420];
	v0 =	vadd.f32 v8, v0  }
0x6a: {  	v8 =	vld [tilespmem:s29+$0x2C20];
	v12 =	vadd.f32 v14, v12  }
0x6b: {  	v13 =	vadd.f32 v13, v16;
	v14 =	vld [tilespmem:s29+$0x430]  }
0x6c: {  	v15 =	vld [tilespmem:s29+$0x2C30];
	v12 =	vmax.f32 v12, $0.0e+00  }
0x6d: {  	v17 =	vadd.f32 v9, v11;
	v9 =	vld [tilespmem:s29+$0x440];
	v7 =	vadd.f32 v12, v7  }
0x6e: {  	v12 =	vld [tilespmem:s29+$0x2C40]  }
0x6f: {  	v18 =	vadd.f32 v8, v10;
	v10 =	vld [tilespmem:s29+$0x450]  }
0x70: {  	v16 =	vld [tilespmem:s29+$0x2C50]  }
0x71: {  	v11 =	vadd.f32 v15, v14;
	v15 =	vld [tilespmem:s29+$0x460]  }
0x72: {  	v19 =	vld [tilespmem:s29+$0x2C60]  }
0x73: {  	v20 =	vld [tilespmem:s29+$0x5400];
	v8 =	vadd.f32 v12, v9  }
0x74: {  	v12 =	vld [tilespmem:s29+$0x5410]  }
0x75: {  	v21 =	vld [tilespmem:s29+$0x5420];
	v9 =	vadd.f32 v16, v10  }
.Ltmp0:
0x76: {  	v16 =	vld [tilespmem:s29+$0x5430];
	(pc) =	sbr.rel @p0 .LBB2_3-.Ltmp0, $4  }
0x77: {  	v14 =	vld [tilespmem:s29+$0x5440];
	v10 =	vadd.f32 v19, v15  }
0x78: {  	v19 =	vadd.f32 v20, v13;
	v13 =	vld [tilespmem:s29+$0x5450]  }
0x79: {  	v17 =	vadd.f32 v12, v17;
	v15 =	vld [tilespmem:s29+$0x5460];
	s29 =	sshra.s32 s30, $0x2  }
0x7a: {  	s30 =	sadd.s32 $0x200, s30;
	v12 =	vld [tilespmem:s29+$0x470];
	v19 =	vmax.f32 v19, $0.0e+00;
	v18 =	vadd.f32 v21, v18  }
0x7b: {  	v20 =	vld [tilespmem:s29+$0x2C70]  }
0x7c: {  	v21 =	vld [tilespmem:s29+$0x400]  }
0x7d: {  	v22 =	vld [tilespmem:s29+$0x5470]  }
0x7e: {  	v23 =	vld [tilespmem:s29+$0x2C00]  }
0x7f: {  	v24 =	vld [tilespmem:s29+$0x410]  }
0x80: {  	v25 =	vld [tilespmem:s29+$0x2C10]  }
0x81: {  	v26 =	vld [tilespmem:s29+$0x420]  }
0x82: {  	v27 =	vld [tilespmem:s29+$0x2C20]  }
0x83: {  	v28 =	vld [tilespmem:s29+$0x430]  }
0x84: {  	v29 =	vld [tilespmem:s29+$0x2C30]  }
0x85: {  	v30 =	vld [tilespmem:s29+$0x440]  }
0x86: {  	v31 =	vld [tilespmem:s29+$0x2C40]  }
0x87: {  	v32 =	vld [tilespmem:s29+$0x450]  }
0x88: {  	v33 =	vld [tilespmem:s29+$0x2C50]  }
0x89: {  	v34 =	vld [tilespmem:s29+$0x460]  }
0x8a: {  	v35 =	vld [tilespmem:s29+$0x2C60]  }
0x8b: {  	v36 =	vld [tilespmem:s29+$0x5400]  }
0x8c: {  	v37 =	vld [tilespmem:s29+$0x5410]  }
0x8d: {  	v38 =	vld [tilespmem:s29+$0x5420];
	s13 =	rddreg [dreg:$0x3]  }
0x8e: {  	v39 =	vld [tilespmem:s29+$0x5430];
	s13 =	sadd.s32 s16, s13  }
0x8f: {  	v40 =	vld [tilespmem:s29+$0x5440];
	s17 =	sshrl.u32 s13, $0x3  }
0x90: {  	v41 =	vld [tilespmem:s29+$0x5450];
	s17 =	sadd.s32 $0xA, s17  }
0x91: {  	v42 =	vld [tilespmem:s29+$0x5460];
	s30 =	simm.s32 $0x0;
	s25 =	simm.s32 $0x180;
	s29 =	sadd.s32 s5, s17  }
0x92: {  	[tilespmem:s25], [sflag:$0x4] =	stream.linear.gather [hbm4b:s29+s30], $0x28, $0x38;
	[tilespmem:$0x8000] =	vst v63  }
0x93: {  	s17 =	sadd.s32 s7, s17;
	s25 =	simm.s32 $0x380  }
0x94: {  	[tilespmem:s25], [sflag:$0x4] =	stream.linear.gather [hbm4b:s17+s30], $0x28, $0x38;
	[tilespmem:$0x8000] =	vst v63  }
0x95: {  	_ =	swait.ge [sflag:s18], $0x28  }
0x96: {  	[sflag:s18] =	ssyncset.done $0x0  }
0x97: {  	[sflag:s18] =	ssyncadd.s32 $0xFFFFFFD8  }
0x98: {  	_ =	swait.ge [sflag:s18], $0x28  }
0x99: {  	[sflag:s18] =	ssyncset.done $0x0  }
0x9a: {  	s17 =	simm.s32 $0x100;
	s25 =	simm.s32 $0x400;
	[sflag:s18] =	ssyncadd.s32 $0xFFFFFFD8  }
0x9b: {  	[tilespmem:s25], [sflag:$0x5] =	stream.indirect.gather [hbm4b:s3+s24], $0x80, s17, s24, $0xb8;
	[tilespmem:$0x8000] =	vst v63  }
0x9c: {  	s13 =	sshll.u32 s13, $0x4;
	s17 =	simm.s32 $0x300  }
0x9d: {  	[tilespmem:s26], [sflag:$0x7] =	stream.indirect.gather [hbm4b:s4+s24], $0x80, s17, s24, $0xb8;
	[tilespmem:$0x8000] =	vst v63  }
0x9e: {  	s13 =	sadd.s32 s13, s14  }
0x9f: {  	[tilespmem:s28], [sflag:$0x9] =	stream.linear.gather [hbm4b:s13+s30], $0x1400, $0x38;
	[tilespmem:$0x8000] =	vst v63  }
0xa0: {  	_ =	swait.ge [sflag:s19], $0x1400  }
0xa1: {  	[sflag:s19] =	ssyncset.done $0x0  }
0xa2: {  	[sflag:s19] =	ssyncadd.s32 $0xFFFFEC00  }
0xa3: {  	_ =	swait.ge [sflag:s1], $0x1400  }
0xa4: {  	[sflag:s1] =	ssyncset.done $0x0  }
0xa5: {  	[sflag:s1] =	ssyncadd.s32 $0xFFFFEC00  }
0xa6: {  	_ =	swait.ge [sflag:s6], $0x1400  }
0xa7: {  	[sflag:s6] =	ssyncset.done $0x0  }
0xa8: {  	v17 =	vmax.f32 v17, $0.0e+00;
	s30 =	simm.s32 $0x0;
	[sflag:s6] =	ssyncadd.s32 $0xFFFFEC00  }
0xa9: {  	v11 =	vadd.f32 v16, v11;
	v5 =	vadd.f32 v17, v5;
	v17 =	vld [tilespmem:s30+$0x1870]  }
0xaa: {  	v8 =	vadd.f32 v14, v8;
	v14 =	vld [tilespmem:s30+$0x4070]  }
0xab: {  	v6 =	vadd.f32 v19, v6;
	v9 =	vadd.f32 v13, v9;
	v11 =	vmax.f32 v11, $0.0e+00;
	v13 =	vld [tilespmem:s30+$0x1800]  }
0xac: {  	v10 =	vadd.f32 v15, v10;
	v8 =	vmax.f32 v8, $0.0e+00;
	v12 =	vadd.f32 v20, v12;
	v15 =	vld [tilespmem:s30+$0x6870]  }
0xad: {  	v16 =	vmax.f32 v18, $0.0e+00;
	v2 =	vadd.f32 v11, v2;
	v8 =	vadd.f32 v8, v3;
	v11 =	vld [tilespmem:s30+$0x4000]  }
0xae: {  	v3 =	vmax.f32 v9, $0.0e+00;
	v9 =	vmax.f32 v10, $0.0e+00;
	v10 =	vadd.f32 v22, v12;
	v12 =	vld [tilespmem:s30+$0x1810]  }
0xaf: {  	v4 =	vadd.f32 v16, v4;
	v1 =	vadd.f32 v3, v1;
	v16 =	vld [tilespmem:s30+$0x4010]  }
0xb0: {  	v9 =	vadd.f32 v9, v0;
	v0 =	vadd.f32 v23, v21;
	v18 =	vld [tilespmem:s30+$0x1820]  }
0xb1: {  	v52 =	vadd.f32 v31, v30;
	v3 =	vmax.f32 v10, $0.0e+00;
	v10 =	vadd.f32 v25, v24;
	v20 =	vld [tilespmem:s30+$0x4020]  }
0xb2: {  	v0 =	vadd.f32 v36, v0;
	v19 =	vadd.f32 v3, v7;
	v51 =	vld [tilespmem:s30+$0x1830]  }
0xb3: {  	v3 =	vadd.f32 v27, v26;
	v10 =	vadd.f32 v37, v10;
	v53 =	vld [tilespmem:s30+$0x4030]  }
0xb4: {  	v54 =	vadd.f32 v33, v32;
	v7 =	vadd.f32 v29, v28;
	v0 =	vmax.f32 v0, $0.0e+00;
	v56 =	vld [tilespmem:s30+$0x1840]  }
0xb5: {  	v6 =	vadd.f32 v0, v6;
	v55 =	vadd.f32 v38, v3;
	v0 =	vmax.f32 v10, $0.0e+00;
	v10 =	vld [tilespmem:s30+$0x4040]  }
0xb6: {  	v57 =	vadd.f32 v35, v34;
	v7 =	vadd.f32 v39, v7;
	v58 =	vld [tilespmem:s30+$0x1850]  }
0xb7: {  	v24 =	vadd.f32 v41, v54;
	v3 =	vadd.f32 v0, v5;
	v0 =	vmax.f32 v55, $0.0e+00;
	v59 =	vld [tilespmem:s30+$0x4050]  }
0xb8: {  	v5 =	vadd.f32 v40, v52;
	v4 =	vadd.f32 v0, v4;
	v0 =	vmax.f32 v7, $0.0e+00;
	v60 =	vld [tilespmem:s30+$0x4060]  }
0xb9: {  	v0 =	vadd.f32 v0, v2;
	v2 =	vadd.f32 v42, v57;
	v61 =	vld [tilespmem:s30+$0x6800]  }
0xba: {  	v62 =	vld [tilespmem:s30+$0x6810];
	v7 =	vadd.f32 v14, v17;
	v14 =	vmax.f32 v24, $0.0e+00;
	v12 =	vadd.f32 v16, v12  }
0xbb: {  	v5 =	vmax.f32 v5, $0.0e+00;
	v17 =	vld [tilespmem:s30+$0x1860];
	v18 =	vadd.f32 v20, v18;
	v1 =	vadd.f32 v14, v1  }
0xbc: {  	v2 =	vmax.f32 v2, $0.0e+00;
	v63 =	vld [tilespmem:s30+$0x6820];
	v15 =	vadd.f32 v15, v7;
	v7 =	vadd.f32 v5, v8  }
0xbd: {  	v16 =	vld [tilespmem:s30+$0x6830];
	v5 =	vadd.f32 v2, v9;
	v9 =	vadd.f32 v11, v13  }
0xbe: {  	v14 =	vld [tilespmem:s30+$0x6840];
	v11 =	vadd.f32 v53, v51;
	v8 =	vadd.f32 v10, v56;
	v2 =	vmax.f32 v15, $0.0e+00  }
0xbf: {  	v13 =	vld [tilespmem:s30+$0x6850];
	v2 =	vadd.f32 v2, v19;
	v19 =	vadd.f32 v61, v9  }
0xc0: {  	s29 =	simm.s32 $0x80;
	v15 =	vld [tilespmem:s30+$0x6860];
	v10 =	vadd.f32 v60, v17;
	v17 =	vadd.f32 v62, v12  }
0xc1: {  	v18 =	vadd.f32 v63, v18;
	s30 =	simm.s32 $0x400;
	v9 =	vadd.f32 v59, v58;
	v12 =	vld [tilespmem:s29+$0x1870];
	v19 =	vmax.f32 v19, $0.0e+00  }
.LBB2_5:
0xc2: {  	p0 =	sne.s32 s30, $0x4E00;
	v20 =	vld [tilespmem:s29+$0x4070];
	v6 =	vadd.f32 v19, v6;
	v17 =	vmax.f32 v17, $0.0e+00;
	v11 =	vadd.f32 v16, v11  }
0xc3: {  	v16 =	vld [tilespmem:s29+$0x1800];
	v3 =	vadd.f32 v17, v3;
	v17 =	vmax.f32 v18, $0.0e+00;
	v8 =	vadd.f32 v14, v8  }
0xc4: {  	v14 =	vld [tilespmem:s29+$0x6870];
	v4 =	vadd.f32 v17, v4;
	v11 =	vmax.f32 v11, $0.0e+00;
	v9 =	vadd.f32 v13, v9  }
0xc5: {  	v13 =	vld [tilespmem:s29+$0x4000];
	v0 =	vadd.f32 v11, v0;
	v8 =	vmax.f32 v8, $0.0e+00;
	v10 =	vadd.f32 v15, v10  }
0xc6: {  	v11 =	vld [tilespmem:s29+$0x1810];
	v7 =	vadd.f32 v8, v7;
	v8 =	vmax.f32 v9, $0.0e+00  }
0xc7: {  	v9 =	vld [tilespmem:s29+$0x4010];
	v12 =	vadd.f32 v20, v12;
	v1 =	vadd.f32 v8, v1;
	v8 =	vmax.f32 v10, $0.0e+00  }
0xc8: {  	v10 =	vld [tilespmem:s29+$0x1820];
	v5 =	vadd.f32 v8, v5  }
0xc9: {  	v8 =	vld [tilespmem:s29+$0x4020];
	v12 =	vadd.f32 v14, v12  }
0xca: {  	v13 =	vadd.f32 v13, v16;
	v14 =	vld [tilespmem:s29+$0x1830]  }
0xcb: {  	v15 =	vld [tilespmem:s29+$0x4030];
	v12 =	vmax.f32 v12, $0.0e+00  }
0xcc: {  	v17 =	vadd.f32 v9, v11;
	v9 =	vld [tilespmem:s29+$0x1840];
	v2 =	vadd.f32 v12, v2  }
0xcd: {  	v12 =	vld [tilespmem:s29+$0x4040]  }
0xce: {  	v18 =	vadd.f32 v8, v10;
	v10 =	vld [tilespmem:s29+$0x1850]  }
0xcf: {  	v16 =	vld [tilespmem:s29+$0x4050]  }
0xd0: {  	v11 =	vadd.f32 v15, v14;
	v15 =	vld [tilespmem:s29+$0x1860]  }
0xd1: {  	v19 =	vld [tilespmem:s29+$0x4060]  }
0xd2: {  	v20 =	vld [tilespmem:s29+$0x6800];
	v8 =	vadd.f32 v12, v9  }
0xd3: {  	v12 =	vld [tilespmem:s29+$0x6810]  }
0xd4: {  	v21 =	vld [tilespmem:s29+$0x6820];
	v9 =	vadd.f32 v16, v10  }
.Ltmp1:
0xd5: {  	v16 =	vld [tilespmem:s29+$0x6830];
	(pc) =	sbr.rel @p0 .LBB2_5-.Ltmp1, $4  }
0xd6: {  	v14 =	vld [tilespmem:s29+$0x6840];
	v10 =	vadd.f32 v19, v15  }
0xd7: {  	v19 =	vadd.f32 v20, v13;
	v13 =	vld [tilespmem:s29+$0x6850]  }
0xd8: {  	v17 =	vadd.f32 v12, v17;
	v15 =	vld [tilespmem:s29+$0x6860];
	s29 =	sshra.s32 s30, $0x2  }
0xd9: {  	s30 =	sadd.s32 $0x200, s30;
	v12 =	vld [tilespmem:s29+$0x1870];
	v19 =	vmax.f32 v19, $0.0e+00;
	v18 =	vadd.f32 v21, v18  }
0xda: {  	v20 =	vld [tilespmem:s29+$0x4070]  }
0xdb: {  	v21 =	vld [tilespmem:s29+$0x1800]  }
0xdc: {  	v22 =	vld [tilespmem:s29+$0x6870]  }
0xdd: {  	v23 =	vld [tilespmem:s29+$0x4000]  }
0xde: {  	v24 =	vld [tilespmem:s29+$0x1810]  }
0xdf: {  	v25 =	vld [tilespmem:s29+$0x4010]  }
0xe0: {  	v26 =	vld [tilespmem:s29+$0x1820]  }
0xe1: {  	v27 =	vld [tilespmem:s29+$0x4020]  }
0xe2: {  	v28 =	vld [tilespmem:s29+$0x1830]  }
0xe3: {  	v29 =	vld [tilespmem:s29+$0x4030]  }
0xe4: {  	v30 =	vld [tilespmem:s29+$0x1840]  }
0xe5: {  	v31 =	vld [tilespmem:s29+$0x4040]  }
0xe6: {  	v32 =	vld [tilespmem:s29+$0x1850]  }
0xe7: {  	v33 =	vld [tilespmem:s29+$0x4050]  }
0xe8: {  	v34 =	vld [tilespmem:s29+$0x1860]  }
0xe9: {  	v35 =	vld [tilespmem:s29+$0x4060]  }
0xea: {  	v36 =	vld [tilespmem:s29+$0x6800]  }
0xeb: {  	v37 =	vld [tilespmem:s29+$0x6810]  }
0xec: {  	v38 =	vld [tilespmem:s29+$0x6820];
	s13 =	rddreg [dreg:$0x9]  }
0xed: {  	v39 =	vld [tilespmem:s29+$0x6830];
	s13 =	sadd.s32 s16, s13  }
0xee: {  	v40 =	vld [tilespmem:s29+$0x6840];
	s17 =	sshrl.u32 s13, $0x3  }
0xef: {  	v41 =	vld [tilespmem:s29+$0x6850];
	s17 =	sadd.s32 $0xA, s17  }
0xf0: {  	v42 =	vld [tilespmem:s29+$0x6860];
	s30 =	simm.s32 $0x0;
	s29 =	sadd.s32 s5, s17  }
0xf1: {  	[tilespmem:s30], [sflag:$0x1] =	stream.linear.gather [hbm4b:s29+s30], $0x28, $0x38;
	[tilespmem:$0x8000] =	vst v63  }
0xf2: {  	s17 =	sadd.s32 s7, s17  }
0xf3: {  	[tilespmem:s20], [sflag:$0x1] =	stream.linear.gather [hbm4b:s17+s30], $0x28, $0x38;
	[tilespmem:$0x8000] =	vst v63  }
0xf4: {  	_ =	swait.ge [sflag:s8], $0x28  }
0xf5: {  	[sflag:s8] =	ssyncset.done $0x0  }
0xf6: {  	[sflag:s8] =	ssyncadd.s32 $0xFFFFFFD8  }
0xf7: {  	_ =	swait.ge [sflag:s8], $0x28  }
0xf8: {  	[sflag:s8] =	ssyncset.done $0x0  }
0xf9: {  	s17 =	simm.s32 $0x180;
	[sflag:s8] =	ssyncadd.s32 $0xFFFFFFD8  }
0xfa: {  	[tilespmem:s0], [sflag:$0x6] =	stream.indirect.gather [hbm4b:s3+s24], $0x80, s17, s24, $0xb8;
	[tilespmem:$0x8000] =	vst v63  }
0xfb: {  	s13 =	sshll.u32 s13, $0x4;
	s17 =	simm.s32 $0x380  }
0xfc: {  	[tilespmem:s2], [sflag:$0x8] =	stream.indirect.gather [hbm4b:s4+s24], $0x80, s17, s24, $0xb8;
	[tilespmem:$0x8000] =	vst v63  }
0xfd: {  	s13 =	sadd.s32 s13, s14  }
0xfe: {  	[tilespmem:s9], [sflag:$0xA] =	stream.linear.gather [hbm4b:s13+s30], $0x1400, $0x38;
	[tilespmem:$0x8000] =	vst v63  }
0xff: {  	_ =	swait.ge [sflag:s10], $0x1400  }
0x100: {  	[sflag:s10] =	ssyncset.done $0x0  }
0x101: {  	[sflag:s10] =	ssyncadd.s32 $0xFFFFEC00  }
0x102: {  	_ =	swait.ge [sflag:s11], $0x1400  }
0x103: {  	[sflag:s11] =	ssyncset.done $0x0  }
0x104: {  	[sflag:s11] =	ssyncadd.s32 $0xFFFFEC00  }
0x105: {  	_ =	swait.ge [sflag:s12], $0x1400  }
0x106: {  	[sflag:s12] =	ssyncset.done $0x0  }
0x107: {  	v17 =	vmax.f32 v17, $0.0e+00;
	v11 =	vadd.f32 v16, v11;
	s30 =	simm.s32 $0x0;
	[sflag:s12] =	ssyncadd.s32 $0xFFFFEC00  }
0x108: {  	v3 =	vadd.f32 v17, v3;
	v8 =	vadd.f32 v14, v8;
	v17 =	vld [tilespmem:s30+$0x470]  }
0x109: {  	v6 =	vadd.f32 v19, v6;
	v10 =	vadd.f32 v15, v10;
	v14 =	vld [tilespmem:s30+$0x2C70]  }
0x10a: {  	v9 =	vadd.f32 v13, v9;
	v11 =	vmax.f32 v11, $0.0e+00;
	v8 =	vmax.f32 v8, $0.0e+00;
	v13 =	vld [tilespmem:s30+$0x400]  }
0x10b: {  	v0 =	vadd.f32 v11, v0;
	v12 =	vadd.f32 v20, v12;
	v10 =	vmax.f32 v10, $0.0e+00;
	v15 =	vld [tilespmem:s30+$0x5470]  }
0x10c: {  	v16 =	vmax.f32 v18, $0.0e+00;
	v7 =	vadd.f32 v8, v7;
	v5 =	vadd.f32 v10, v5;
	v8 =	vld [tilespmem:s30+$0x2C00]  }
0x10d: {  	v9 =	vmax.f32 v9, $0.0e+00;
	v10 =	vadd.f32 v23, v21;
	v11 =	vadd.f32 v22, v12;
	v12 =	vld [tilespmem:s30+$0x410]  }
0x10e: {  	v4 =	vadd.f32 v16, v4;
	v1 =	vadd.f32 v9, v1;
	v9 =	vld [tilespmem:s30+$0x2C10]  }
0x10f: {  	v16 =	vadd.f32 v25, v24;
	v10 =	vadd.f32 v36, v10;
	v11 =	vmax.f32 v11, $0.0e+00;
	v18 =	vld [tilespmem:s30+$0x420]  }
0x110: {  	v2 =	vadd.f32 v11, v2;
	v11 =	vadd.f32 v27, v26;
	v19 =	vld [tilespmem:s30+$0x2C20]  }
0x111: {  	v16 =	vadd.f32 v37, v16;
	v53 =	vld [tilespmem:s30+$0x430]  }
0x112: {  	v20 =	vadd.f32 v29, v28;
	v10 =	vmax.f32 v10, $0.0e+00;
	v11 =	vadd.f32 v38, v11;
	v55 =	vld [tilespmem:s30+$0x2C30]  }
0x113: {  	v56 =	vadd.f32 v33, v32;
	v6 =	vadd.f32 v10, v6;
	v10 =	vmax.f32 v16, $0.0e+00;
	v57 =	vld [tilespmem:s30+$0x440]  }
0x114: {  	v16 =	vadd.f32 v39, v20;
	v3 =	vadd.f32 v10, v3;
	v10 =	vmax.f32 v11, $0.0e+00;
	v20 =	vld [tilespmem:s30+$0x450]  }
0x115: {  	v54 =	vadd.f32 v31, v30;
	v4 =	vadd.f32 v10, v4;
	v10 =	vld [tilespmem:s30+$0x2C50]  }
0x116: {  	v58 =	vadd.f32 v35, v34;
	v60 =	vadd.f32 v41, v56;
	v61 =	vld [tilespmem:s30+$0x2C60]  }
0x117: {  	v16 =	vmax.f32 v16, $0.0e+00;
	v11 =	vadd.f32 v40, v54;
	v62 =	vld [tilespmem:s30+$0x5410];
	v14 =	vadd.f32 v14, v17  }
0x118: {  	v0 =	vadd.f32 v16, v0;
	v16 =	vadd.f32 v42, v58;
	v63 =	vld [tilespmem:s30+$0x5420]  }
0x119: {  	v22 =	vmax.f32 v60, $0.0e+00;
	v11 =	vmax.f32 v11, $0.0e+00;
	v14 =	vadd.f32 v15, v14;
	v15 =	vld [tilespmem:s30+$0x5400]  }
0x11a: {  	v1 =	vadd.f32 v22, v1;
	v7 =	vadd.f32 v11, v7;
	v11 =	vmax.f32 v16, $0.0e+00;
	v17 =	vld [tilespmem:s30+$0x460]  }
0x11b: {  	v5 =	vadd.f32 v11, v5;
	v59 =	vld [tilespmem:s30+$0x2C40];
	v13 =	vadd.f32 v8, v13  }
0x11c: {  	v16 =	vld [tilespmem:s30+$0x5430];
	v12 =	vadd.f32 v9, v12;
	v18 =	vadd.f32 v19, v18  }
0x11d: {  	v11 =	vadd.f32 v55, v53;
	v9 =	vadd.f32 v10, v20;
	v8 =	vmax.f32 v14, $0.0e+00;
	v14 =	vld [tilespmem:s30+$0x5440]  }
0x11e: {  	v18 =	vadd.f32 v63, v18;
	v19 =	vadd.f32 v15, v13;
	v13 =	vld [tilespmem:s30+$0x5450]  }
0x11f: {  	s29 =	simm.s32 $0x80;
	v10 =	vadd.f32 v61, v17;
	v17 =	vadd.f32 v62, v12;
	v15 =	vld [tilespmem:s30+$0x5460]  }
0x120: {  	v2 =	vadd.f32 v8, v2;
	v8 =	vadd.f32 v59, v57;
	v12 =	vld [tilespmem:s29+$0x470];
	s30 =	simm.s32 $0x400;
	v19 =	vmax.f32 v19, $0.0e+00  }
.LBB2_7:
0x121: {  	p0 =	sne.s32 s30, $0x4E00;
	v20 =	vld [tilespmem:s29+$0x2C70];
	v6 =	vadd.f32 v19, v6;
	v17 =	vmax.f32 v17, $0.0e+00;
	v11 =	vadd.f32 v16, v11  }
0x122: {  	v16 =	vld [tilespmem:s29+$0x400];
	v3 =	vadd.f32 v17, v3;
	v17 =	vmax.f32 v18, $0.0e+00;
	v8 =	vadd.f32 v14, v8  }
0x123: {  	v14 =	vld [tilespmem:s29+$0x5470];
	v4 =	vadd.f32 v17, v4;
	v11 =	vmax.f32 v11, $0.0e+00;
	v9 =	vadd.f32 v13, v9  }
0x124: {  	v13 =	vld [tilespmem:s29+$0x2C00];
	v0 =	vadd.f32 v11, v0;
	v8 =	vmax.f32 v8, $0.0e+00;
	v10 =	vadd.f32 v15, v10  }
0x125: {  	v11 =	vld [tilespmem:s29+$0x410];
	v7 =	vadd.f32 v8, v7;
	v8 =	vmax.f32 v9, $0.0e+00  }
0x126: {  	v9 =	vld [tilespmem:s29+$0x2C10];
	v12 =	vadd.f32 v20, v12;
	v1 =	vadd.f32 v8, v1;
	v8 =	vmax.f32 v10, $0.0e+00  }
0x127: {  	v10 =	vld [tilespmem:s29+$0x420];
	v5 =	vadd.f32 v8, v5  }
0x128: {  	v8 =	vld [tilespmem:s29+$0x2C20];
	v12 =	vadd.f32 v14, v12  }
0x129: {  	v13 =	vadd.f32 v13, v16;
	v14 =	vld [tilespmem:s29+$0x430]  }
0x12a: {  	v15 =	vld [tilespmem:s29+$0x2C30];
	v12 =	vmax.f32 v12, $0.0e+00  }
0x12b: {  	v17 =	vadd.f32 v9, v11;
	v9 =	vld [tilespmem:s29+$0x440];
	v2 =	vadd.f32 v12, v2  }
0x12c: {  	v12 =	vld [tilespmem:s29+$0x2C40]  }
0x12d: {  	v18 =	vadd.f32 v8, v10;
	v10 =	vld [tilespmem:s29+$0x450]  }
0x12e: {  	v16 =	vld [tilespmem:s29+$0x2C50]  }
0x12f: {  	v11 =	vadd.f32 v15, v14;
	v15 =	vld [tilespmem:s29+$0x460]  }
0x130: {  	v19 =	vld [tilespmem:s29+$0x2C60]  }
0x131: {  	v20 =	vld [tilespmem:s29+$0x5400];
	v8 =	vadd.f32 v12, v9  }
0x132: {  	v12 =	vld [tilespmem:s29+$0x5410]  }
0x133: {  	v21 =	vld [tilespmem:s29+$0x5420];
	v9 =	vadd.f32 v16, v10  }
.Ltmp2:
0x134: {  	v16 =	vld [tilespmem:s29+$0x5430];
	(pc) =	sbr.rel @p0 .LBB2_7-.Ltmp2, $4  }
0x135: {  	v14 =	vld [tilespmem:s29+$0x5440];
	v10 =	vadd.f32 v19, v15  }
0x136: {  	v19 =	vadd.f32 v20, v13;
	v13 =	vld [tilespmem:s29+$0x5450]  }
0x137: {  	v17 =	vadd.f32 v12, v17;
	v15 =	vld [tilespmem:s29+$0x5460];
	s29 =	sshra.s32 s30, $0x2  }
0x138: {  	s30 =	sadd.s32 $0x200, s30;
	v12 =	vld [tilespmem:s29+$0x470];
	v19 =	vmax.f32 v19, $0.0e+00;
	v18 =	vadd.f32 v21, v18  }
0x139: {  	v20 =	vld [tilespmem:s29+$0x2C70]  }
0x13a: {  	v21 =	vld [tilespmem:s29+$0x400]  }
0x13b: {  	v22 =	vld [tilespmem:s29+$0x5470]  }
0x13c: {  	v23 =	vld [tilespmem:s29+$0x2C00]  }
0x13d: {  	v24 =	vld [tilespmem:s29+$0x410]  }
0x13e: {  	v25 =	vld [tilespmem:s29+$0x2C10]  }
0x13f: {  	v26 =	vld [tilespmem:s29+$0x420]  }
0x140: {  	v27 =	vld [tilespmem:s29+$0x2C20]  }
0x141: {  	v28 =	vld [tilespmem:s29+$0x430]  }
0x142: {  	v29 =	vld [tilespmem:s29+$0x2C30]  }
0x143: {  	v30 =	vld [tilespmem:s29+$0x440]  }
0x144: {  	v31 =	vld [tilespmem:s29+$0x2C40]  }
0x145: {  	v32 =	vld [tilespmem:s29+$0x450]  }
0x146: {  	v33 =	vld [tilespmem:s29+$0x2C50]  }
0x147: {  	v34 =	vld [tilespmem:s29+$0x460]  }
0x148: {  	v35 =	vld [tilespmem:s29+$0x2C60]  }
0x149: {  	v36 =	vld [tilespmem:s29+$0x5400]  }
0x14a: {  	v37 =	vld [tilespmem:s29+$0x5410]  }
0x14b: {  	v38 =	vld [tilespmem:s29+$0x5420];
	s13 =	rddreg [dreg:$0xa]  }
0x14c: {  	v39 =	vld [tilespmem:s29+$0x5430];
	s13 =	sadd.s32 s16, s13  }
0x14d: {  	v40 =	vld [tilespmem:s29+$0x5440];
	s16 =	sshrl.u32 s13, $0x3  }
0x14e: {  	v41 =	vld [tilespmem:s29+$0x5450];
	s16 =	sadd.s32 $0xA, s16  }
0x14f: {  	v42 =	vld [tilespmem:s29+$0x5460];
	s29 =	simm.s32 $0x0;
	s17 =	sadd.s32 s5, s16  }
0x150: {  	[tilespmem:s21], [sflag:$0x2] =	stream.linear.gather [hbm4b:s17+s29], $0x28, $0x38;
	[tilespmem:$0x8000] =	vst v63  }
0x151: {  	s16 =	sadd.s32 s7, s16  }
0x152: {  	[tilespmem:s22], [sflag:$0x2] =	stream.linear.gather [hbm4b:s16+s29], $0x28, $0x38;
	[tilespmem:$0x8000] =	vst v63  }
0x153: {  	_ =	swait.ge [sflag:s23], $0x28  }
0x154: {  	[sflag:s23] =	ssyncset.done $0x0  }
0x155: {  	[sflag:s23] =	ssyncadd.s32 $0xFFFFFFD8  }
0x156: {  	_ =	swait.ge [sflag:s23], $0x28  }
0x157: {  	[sflag:s23] =	ssyncset.done $0x0  }
0x158: {  	[sflag:s23] =	ssyncadd.s32 $0xFFFFFFD8  }
0x159: {  	[tilespmem:s25], [sflag:$0x5] =	stream.indirect.gather [hbm4b:s3+s24], $0x80, s29, s24, $0xb8;
	[tilespmem:$0x8000] =	vst v63  }
0x15a: {  	s13 =	sshll.u32 s13, $0x4  }
0x15b: {  	[tilespmem:s26], [sflag:$0x7] =	stream.indirect.gather [hbm4b:s4+s24], $0x80, s20, s24, $0xb8;
	[tilespmem:$0x8000] =	vst v63  }
0x15c: {  	s13 =	sadd.s32 s13, s14  }
0x15d: {  	[tilespmem:s28], [sflag:$0x9] =	stream.linear.gather [hbm4b:s13+s29], $0x1400, $0x38;
	[tilespmem:$0x8000] =	vst v63  }
0x15e: {  	_ =	swait.ge [sflag:s19], $0x1400  }
0x15f: {  	[sflag:s19] =	ssyncset.done $0x0  }
0x160: {  	[sflag:s19] =	ssyncadd.s32 $0xFFFFEC00  }
0x161: {  	_ =	swait.ge [sflag:s1], $0x1400  }
0x162: {  	[sflag:s1] =	ssyncset.done $0x0  }
0x163: {  	[sflag:s1] =	ssyncadd.s32 $0xFFFFEC00  }
0x164: {  	_ =	swait.ge [sflag:s6], $0x1400  }
0x165: {  	[sflag:s6] =	ssyncset.done $0x0  }
0x166: {  	v17 =	vmax.f32 v17, $0.0e+00;
	s29 =	simm.s32 $0x0;
	[sflag:s6] =	ssyncadd.s32 $0xFFFFEC00  }
0x167: {  	v11 =	vadd.f32 v16, v11;
	v3 =	vadd.f32 v17, v3;
	v17 =	vld [tilespmem:s29+$0x1870]  }
0x168: {  	v8 =	vadd.f32 v14, v8;
	v14 =	vld [tilespmem:s29+$0x4070]  }
0x169: {  	v6 =	vadd.f32 v19, v6;
	v9 =	vadd.f32 v13, v9;
	v11 =	vmax.f32 v11, $0.0e+00;
	v13 =	vld [tilespmem:s29+$0x1800]  }
0x16a: {  	v10 =	vadd.f32 v15, v10;
	v8 =	vmax.f32 v8, $0.0e+00;
	v12 =	vadd.f32 v20, v12;
	v15 =	vld [tilespmem:s29+$0x6870]  }
0x16b: {  	v16 =	vmax.f32 v18, $0.0e+00;
	v11 =	vadd.f32 v11, v0;
	v7 =	vadd.f32 v8, v7;
	v8 =	vld [tilespmem:s29+$0x4000]  }
0x16c: {  	v0 =	vmax.f32 v9, $0.0e+00;
	v9 =	vmax.f32 v10, $0.0e+00;
	v10 =	vadd.f32 v22, v12;
	v12 =	vld [tilespmem:s29+$0x1810]  }
0x16d: {  	v4 =	vadd.f32 v16, v4;
	v16 =	vadd.f32 v0, v1;
	v18 =	vld [tilespmem:s29+$0x4010]  }
0x16e: {  	v0 =	vadd.f32 v23, v21;
	v51 =	vadd.f32 v31, v30;
	v1 =	vmax.f32 v10, $0.0e+00;
	v10 =	vld [tilespmem:s29+$0x1820]  }
0x16f: {  	v53 =	vadd.f32 v33, v32;
	v9 =	vadd.f32 v9, v5;
	v20 =	vld [tilespmem:s29+$0x4020]  }
0x170: {  	v5 =	vadd.f32 v25, v24;
	v0 =	vadd.f32 v36, v0;
	v50 =	vld [tilespmem:s29+$0x1830]  }
0x171: {  	v19 =	vadd.f32 v1, v2;
	v1 =	vadd.f32 v27, v26;
	v52 =	vld [tilespmem:s29+$0x4030]  }
0x172: {  	v5 =	vadd.f32 v37, v5;
	v2 =	vadd.f32 v29, v28;
	v55 =	vld [tilespmem:s29+$0x1840]  }
0x173: {  	v56 =	vadd.f32 v35, v34;
	v0 =	vmax.f32 v0, $0.0e+00;
	v54 =	vadd.f32 v38, v1;
	v57 =	vld [tilespmem:s29+$0x4040]  }
0x174: {  	v0 =	vadd.f32 v0, v6;
	v1 =	vmax.f32 v5, $0.0e+00;
	v5 =	vadd.f32 v39, v2;
	v58 =	vld [tilespmem:s29+$0x1850]  }
0x175: {  	v6 =	vadd.f32 v40, v51;
	v1 =	vadd.f32 v1, v3;
	v2 =	vmax.f32 v54, $0.0e+00;
	v59 =	vld [tilespmem:s29+$0x4050]  }
0x176: {  	v3 =	vmax.f32 v5, $0.0e+00;
	v2 =	vadd.f32 v2, v4;
	v4 =	vadd.f32 v41, v53;
	v60 =	vld [tilespmem:s29+$0x4060]  }
0x177: {  	v6 =	vmax.f32 v6, $0.0e+00;
	v3 =	vadd.f32 v3, v11;
	v11 =	vadd.f32 v42, v56;
	v61 =	vld [tilespmem:s29+$0x6800]  }
0x178: {  	v62 =	vld [tilespmem:s29+$0x6810];
	v5 =	vadd.f32 v14, v17;
	v14 =	vmax.f32 v4, $0.0e+00;
	v4 =	vadd.f32 v6, v7  }
0x179: {  	v17 =	vld [tilespmem:s29+$0x1860];
	v8 =	vadd.f32 v8, v13;
	v13 =	vadd.f32 v18, v12  }
0x17a: {  	v63 =	vld [tilespmem:s29+$0x6820];
	v18 =	vadd.f32 v20, v10;
	v15 =	vadd.f32 v15, v5  }
0x17b: {  	v6 =	vmax.f32 v11, $0.0e+00;
	v11 =	vadd.f32 v52, v50;
	v5 =	vadd.f32 v14, v16;
	v16 =	vld [tilespmem:s29+$0x6830]  }
0x17c: {  	v10 =	vadd.f32 v59, v58;
	v6 =	vadd.f32 v6, v9;
	v7 =	vmax.f32 v15, $0.0e+00;
	v15 =	vld [tilespmem:s29+$0x6840]  }
0x17d: {  	v14 =	vld [tilespmem:s29+$0x6850];
	v7 =	vadd.f32 v7, v19;
	v19 =	vadd.f32 v61, v8  }
0x17e: {  	s16 =	simm.s32 $0x80;
	v12 =	vld [tilespmem:s29+$0x6860];
	v8 =	vadd.f32 v60, v17;
	v17 =	vadd.f32 v62, v13  }
0x17f: {  	v9 =	vadd.f32 v57, v55;
	v18 =	vadd.f32 v63, v18;
	s29 =	simm.s32 $0x400;
	v13 =	vld [tilespmem:s16+$0x1870];
	v19 =	vmax.f32 v19, $0.0e+00  }
.LBB2_9:
0x180: {  	p0 =	sne.s32 s29, $0x4E00;
	v20 =	vld [tilespmem:s16+$0x4070];
	v0 =	vadd.f32 v19, v0;
	v17 =	vmax.f32 v17, $0.0e+00;
	v11 =	vadd.f32 v16, v11  }
0x181: {  	v16 =	vld [tilespmem:s16+$0x1800];
	v1 =	vadd.f32 v17, v1;
	v17 =	vmax.f32 v18, $0.0e+00;
	v9 =	vadd.f32 v15, v9  }
0x182: {  	v15 =	vld [tilespmem:s16+$0x6870];
	v2 =	vadd.f32 v17, v2;
	v11 =	vmax.f32 v11, $0.0e+00;
	v10 =	vadd.f32 v14, v10  }
0x183: {  	v14 =	vld [tilespmem:s16+$0x4000];
	v3 =	vadd.f32 v11, v3;
	v9 =	vmax.f32 v9, $0.0e+00;
	v8 =	vadd.f32 v12, v8  }
0x184: {  	v11 =	vld [tilespmem:s16+$0x1810];
	v4 =	vadd.f32 v9, v4;
	v9 =	vmax.f32 v10, $0.0e+00  }
0x185: {  	v10 =	vld [tilespmem:s16+$0x4010];
	v12 =	vadd.f32 v20, v13;
	v5 =	vadd.f32 v9, v5;
	v8 =	vmax.f32 v8, $0.0e+00  }
0x186: {  	v9 =	vld [tilespmem:s16+$0x1820];
	v6 =	vadd.f32 v8, v6  }
0x187: {  	v8 =	vld [tilespmem:s16+$0x4020];
	v12 =	vadd.f32 v15, v12  }
0x188: {  	v13 =	vadd.f32 v14, v16;
	v14 =	vld [tilespmem:s16+$0x1830]  }
0x189: {  	v15 =	vld [tilespmem:s16+$0x4030];
	v12 =	vmax.f32 v12, $0.0e+00  }
0x18a: {  	v17 =	vadd.f32 v10, v11;
	v10 =	vld [tilespmem:s16+$0x1840];
	v7 =	vadd.f32 v12, v7  }
0x18b: {  	v12 =	vld [tilespmem:s16+$0x4040]  }
0x18c: {  	v18 =	vadd.f32 v8, v9;
	v8 =	vld [tilespmem:s16+$0x1850]  }
0x18d: {  	v16 =	vld [tilespmem:s16+$0x4050]  }
0x18e: {  	v11 =	vadd.f32 v15, v14;
	v14 =	vld [tilespmem:s16+$0x1860]  }
0x18f: {  	v19 =	vld [tilespmem:s16+$0x4060]  }
0x190: {  	v20 =	vld [tilespmem:s16+$0x6800];
	v9 =	vadd.f32 v12, v10  }
0x191: {  	v12 =	vld [tilespmem:s16+$0x6810]  }
0x192: {  	v21 =	vld [tilespmem:s16+$0x6820];
	v10 =	vadd.f32 v16, v8  }
.Ltmp3:
0x193: {  	v16 =	vld [tilespmem:s16+$0x6830];
	(pc) =	sbr.rel @p0 .LBB2_9-.Ltmp3, $4  }
0x194: {  	v15 =	vld [tilespmem:s16+$0x6840];
	v8 =	vadd.f32 v19, v14  }
0x195: {  	v19 =	vadd.f32 v20, v13;
	v14 =	vld [tilespmem:s16+$0x6850]  }
0x196: {  	v17 =	vadd.f32 v12, v17;
	v12 =	vld [tilespmem:s16+$0x6860];
	s16 =	sshra.s32 s29, $0x2  }
0x197: {  	s29 =	sadd.s32 $0x200, s29;
	v13 =	vld [tilespmem:s16+$0x1870];
	v19 =	vmax.f32 v19, $0.0e+00;
	v18 =	vadd.f32 v21, v18  }
0x198: {  	v20 =	vld [tilespmem:s16+$0x4070]  }
0x199: {  	v21 =	vld [tilespmem:s16+$0x1800]  }
0x19a: {  	v22 =	vld [tilespmem:s16+$0x6870]  }
0x19b: {  	v23 =	vld [tilespmem:s16+$0x4000]  }
0x19c: {  	v24 =	vld [tilespmem:s16+$0x1810]  }
0x19d: {  	v25 =	vld [tilespmem:s16+$0x4010]  }
0x19e: {  	v26 =	vld [tilespmem:s16+$0x1820]  }
0x19f: {  	v27 =	vld [tilespmem:s16+$0x4020]  }
0x1a0: {  	v28 =	vld [tilespmem:s16+$0x1830]  }
0x1a1: {  	v29 =	vld [tilespmem:s16+$0x4030]  }
0x1a2: {  	v30 =	vld [tilespmem:s16+$0x1840]  }
0x1a3: {  	v31 =	vld [tilespmem:s16+$0x4040]  }
0x1a4: {  	v0 =	vadd.f32 v19, v0;
	v17 =	vmax.f32 v17, $0.0e+00;
	v46 =	vld [tilespmem:s16+$0x1850];
	v11 =	vadd.f32 v16, v11  }
0x1a5: {  	v48 =	vld [tilespmem:s16+$0x4050];
	v1 =	vadd.f32 v17, v1;
	v47 =	vmax.f32 v18, $0.0e+00;
	v9 =	vadd.f32 v15, v9  }
0x1a6: {  	v49 =	vld [tilespmem:s16+$0x1860];
	v2 =	vadd.f32 v47, v2;
	v10 =	vadd.f32 v14, v10  }
0x1a7: {  	v50 =	vld [tilespmem:s16+$0x4060];
	v11 =	vmax.f32 v11, $0.0e+00;
	v8 =	vadd.f32 v12, v8;
	v9 =	vmax.f32 v9, $0.0e+00  }
0x1a8: {  	v51 =	vld [tilespmem:s16+$0x6800];
	v3 =	vadd.f32 v11, v3;
	v10 =	vmax.f32 v10, $0.0e+00;
	v9 =	vadd.f32 v9, v4  }
0x1a9: {  	v53 =	vld [tilespmem:s16+$0x6810];
	v13 =	vadd.f32 v20, v13;
	v10 =	vadd.f32 v10, v5;
	v4 =	vmax.f32 v8, $0.0e+00  }
0x1aa: {  	v60 =	vld [tilespmem:s16+$0x6860];
	v55 =	vadd.f32 v25, v24;
	v8 =	vadd.f32 v4, v6  }
0x1ab: {  	v5 =	vld [tilespmem:s16+$0x6820];
	v4 =	vadd.f32 v23, v21;
	v52 =	vadd.f32 v22, v13  }
0x1ac: {  	v54 =	vld [tilespmem:s16+$0x6830];
	v57 =	vadd.f32 v29, v28;
	v59 =	vadd.f32 v31, v30  }
0x1ad: {  	v56 =	vld [tilespmem:s16+$0x6840];
	v14 =	vadd.f32 v50, v49;
	v4 =	vadd.f32 v51, v4;
	v6 =	vmax.f32 v52, $0.0e+00  }
0x1ae: {  	v58 =	vld [tilespmem:s16+$0x6850];
	v7 =	vadd.f32 v6, v7;
	v6 =	vadd.f32 v27, v26  }
0x1af: {  	v17 =	vadd.f32 v48, v46;
	v13 =	vadd.f32 v53, v55  }
0x1b0: {  	s15 =	sadd.s32 $0x1, s15;
	v11 =	vadd.f32 v60, v14;
	v4 =	vmax.f32 v4, $0.0e+00;
	v61 =	vadd.f32 v5, v6  }
0x1b1: {  	p0 =	sne.s32 s15, $0x3E;
	v6 =	vadd.f32 v4, v0;
	v0 =	vmax.f32 v13, $0.0e+00;
	v4 =	vadd.f32 v54, v57  }
.Ltmp4:
0x1b2: {  	v5 =	vadd.f32 v0, v1;
	v1 =	vadd.f32 v56, v59;
	(pc) =	sbr.rel @p0 .LBB2_2-.Ltmp4, $4  }
0x1b3: {  	v62 =	vadd.f32 v58, v17;
	v63 =	vmax.f32 v11, $0.0e+00;
	v0 =	vmax.f32 v61, $0.0e+00  }
0x1b4: {  	v12 =	vmax.f32 v4, $0.0e+00;
	v4 =	vadd.f32 v0, v2;
	v0 =	vmax.f32 v1, $0.0e+00  }
0x1b5: {  	v2 =	vadd.f32 v12, v3;
	v3 =	vadd.f32 v0, v9;
	v0 =	vmax.f32 v62, $0.0e+00  }
0x1b6: {  	v1 =	vadd.f32 v0, v10;
	v0 =	vadd.f32 v63, v8  }
0x1b7: {  	_ =	swait.ge [sflag:s31], $0x28  }
0x1b8: {  	[sflag:s31] =	ssyncset.done $0x0  }
0x1b9: {  	[sflag:s31] =	ssyncadd.s32 $0xFFFFFFD8  }
0x1ba: {  	_ =	swait.ge [sflag:s31], $0x28  }
0x1bb: {  	[sflag:s31] =	ssyncset.done $0x0  }
0x1bc: {  	[sflag:s31] =	ssyncadd.s32 $0xFFFFFFD8  }
0x1bd: {  	[tilespmem:s0], [sflag:$0x6] =	stream.indirect.gather [hbm4b:s3+s24], $0x80, s21, s24, $0xb8;
	[tilespmem:$0x8000] =	vst v63  }
0x1be: {  	_ = 	snop  }
0x1bf: {  	[tilespmem:s2], [sflag:$0x8] =	stream.indirect.gather [hbm4b:s4+s24], $0x80, s22, s24, $0xb8;
	[tilespmem:$0x8000] =	vst v63  }
0x1c0: {  	s13 =	simm.s32 $0x0;
	s15 =	rddreg [dreg:$0xb]  }
0x1c1: {  	[tilespmem:s9], [sflag:$0xA] =	stream.linear.gather [hbm4b:s15+s13], $0x1400, $0x38;
	[tilespmem:$0x8000] =	vst v63  }
0x1c2: {  	_ =	swait.ge [sflag:s10], $0x1400  }
0x1c3: {  	[sflag:s10] =	ssyncset.done $0x0  }
0x1c4: {  	[sflag:s10] =	ssyncadd.s32 $0xFFFFEC00  }
0x1c5: {  	_ =	swait.ge [sflag:s11], $0x1400  }
0x1c6: {  	[sflag:s11] =	ssyncset.done $0x0  }
0x1c7: {  	[sflag:s11] =	ssyncadd.s32 $0xFFFFEC00  }
0x1c8: {  	_ =	swait.ge [sflag:s12], $0x1400  }
0x1c9: {  	[sflag:s12] =	ssyncset.done $0x0  }
0x1ca: {  	s30 =	simm.s32 $0x0;
	[sflag:s12] =	ssyncadd.s32 $0xFFFFEC00  }
0x1cb: {  	v8 =	vld [tilespmem:s30+$0x470]  }
0x1cc: {  	v9 =	vld [tilespmem:s30+$0x2C70]  }
0x1cd: {  	v10 =	vld [tilespmem:s30+$0x400]  }
0x1ce: {  	v11 =	vld [tilespmem:s30+$0x5470]  }
0x1cf: {  	v12 =	vld [tilespmem:s30+$0x2C00]  }
0x1d0: {  	v13 =	vld [tilespmem:s30+$0x410]  }
0x1d1: {  	v14 =	vld [tilespmem:s30+$0x2C10]  }
0x1d2: {  	v15 =	vld [tilespmem:s30+$0x420]  }
0x1d3: {  	v17 =	vld [tilespmem:s30+$0x2C20]  }
0x1d4: {  	v18 =	vld [tilespmem:s30+$0x430]  }
0x1d5: {  	v19 =	vld [tilespmem:s30+$0x2C30]  }
0x1d6: {  	v20 =	vld [tilespmem:s30+$0x440]  }
0x1d7: {  	v21 =	vld [tilespmem:s30+$0x2C40]  }
0x1d8: {  	v22 =	vld [tilespmem:s30+$0x450]  }
0x1d9: {  	v23 =	vld [tilespmem:s30+$0x2C50]  }
0x1da: {  	v24 =	vld [tilespmem:s30+$0x460]  }
0x1db: {  	v26 =	vld [tilespmem:s30+$0x5410]  }
0x1dc: {  	v8 =	vadd.f32 v9, v8;
	v9 =	vld [tilespmem:s30+$0x5400]  }
0x1dd: {  	v25 =	vld [tilespmem:s30+$0x2C60];
	v10 =	vadd.f32 v12, v10  }
0x1de: {  	v27 =	vld [tilespmem:s30+$0x5420];
	v12 =	vadd.f32 v14, v13;
	v8 =	vadd.f32 v11, v8  }
0x1df: {  	v16 =	vld [tilespmem:s30+$0x5430];
	v28 =	vadd.f32 v17, v15  }
0x1e0: {  	v14 =	vld [tilespmem:s30+$0x5440];
	v11 =	vadd.f32 v19, v18;
	v17 =	vadd.f32 v26, v12;
	v8 =	vmax.f32 v8, $0.0e+00  }
0x1e1: {  	v13 =	vld [tilespmem:s30+$0x5450];
	v7 =	vadd.f32 v8, v7;
	v18 =	vadd.f32 v9, v10  }
0x1e2: {  	s15 =	simm.s32 $0x80;
	v15 =	vld [tilespmem:s30+$0x5460];
	v8 =	vadd.f32 v21, v20;
	v9 =	vadd.f32 v23, v22  }
0x1e3: {  	s16 =	simm.s32 $0x400;
	v12 =	vld [tilespmem:s15+$0x470];
	v10 =	vadd.f32 v25, v24;
	v19 =	vmax.f32 v18, $0.0e+00;
	v18 =	vadd.f32 v27, v28  }
.LBB2_12:
0x1e4: {  	p0 =	sne.s32 s16, $0x4E00;
	v20 =	vld [tilespmem:s15+$0x2C70];
	v6 =	vadd.f32 v19, v6;
	v17 =	vmax.f32 v17, $0.0e+00;
	v11 =	vadd.f32 v16, v11  }
0x1e5: {  	v16 =	vld [tilespmem:s15+$0x400];
	v5 =	vadd.f32 v17, v5;
	v17 =	vmax.f32 v18, $0.0e+00;
	v8 =	vadd.f32 v14, v8  }
0x1e6: {  	v14 =	vld [tilespmem:s15+$0x5470];
	v4 =	vadd.f32 v17, v4;
	v11 =	vmax.f32 v11, $0.0e+00;
	v9 =	vadd.f32 v13, v9  }
0x1e7: {  	v13 =	vld [tilespmem:s15+$0x2C00];
	v2 =	vadd.f32 v11, v2;
	v8 =	vmax.f32 v8, $0.0e+00;
	v10 =	vadd.f32 v15, v10  }
0x1e8: {  	v11 =	vld [tilespmem:s15+$0x410];
	v3 =	vadd.f32 v8, v3;
	v8 =	vmax.f32 v9, $0.0e+00  }
0x1e9: {  	v9 =	vld [tilespmem:s15+$0x2C10];
	v12 =	vadd.f32 v20, v12;
	v1 =	vadd.f32 v8, v1;
	v8 =	vmax.f32 v10, $0.0e+00  }
0x1ea: {  	v10 =	vld [tilespmem:s15+$0x420];
	v0 =	vadd.f32 v8, v0  }
0x1eb: {  	v8 =	vld [tilespmem:s15+$0x2C20];
	v12 =	vadd.f32 v14, v12  }
0x1ec: {  	v13 =	vadd.f32 v13, v16;
	v14 =	vld [tilespmem:s15+$0x430]  }
0x1ed: {  	v15 =	vld [tilespmem:s15+$0x2C30];
	v12 =	vmax.f32 v12, $0.0e+00  }
0x1ee: {  	v17 =	vadd.f32 v9, v11;
	v9 =	vld [tilespmem:s15+$0x440];
	v7 =	vadd.f32 v12, v7  }
0x1ef: {  	v12 =	vld [tilespmem:s15+$0x2C40]  }
0x1f0: {  	v18 =	vadd.f32 v8, v10;
	v10 =	vld [tilespmem:s15+$0x450]  }
0x1f1: {  	v16 =	vld [tilespmem:s15+$0x2C50]  }
0x1f2: {  	v11 =	vadd.f32 v15, v14;
	v15 =	vld [tilespmem:s15+$0x460]  }
0x1f3: {  	v19 =	vld [tilespmem:s15+$0x2C60]  }
0x1f4: {  	v20 =	vld [tilespmem:s15+$0x5400];
	v8 =	vadd.f32 v12, v9  }
0x1f5: {  	v12 =	vld [tilespmem:s15+$0x5410]  }
0x1f6: {  	v21 =	vld [tilespmem:s15+$0x5420];
	v9 =	vadd.f32 v16, v10  }
.Ltmp5:
0x1f7: {  	v16 =	vld [tilespmem:s15+$0x5430];
	(pc) =	sbr.rel @p0 .LBB2_12-.Ltmp5, $4  }
0x1f8: {  	v14 =	vld [tilespmem:s15+$0x5440];
	v10 =	vadd.f32 v19, v15  }
0x1f9: {  	v19 =	vadd.f32 v20, v13;
	v13 =	vld [tilespmem:s15+$0x5450]  }
0x1fa: {  	v17 =	vadd.f32 v12, v17;
	v15 =	vld [tilespmem:s15+$0x5460];
	s15 =	sshra.s32 s16, $0x2  }
0x1fb: {  	s16 =	sadd.s32 $0x200, s16;
	v12 =	vld [tilespmem:s15+$0x470];
	v19 =	vmax.f32 v19, $0.0e+00;
	v18 =	vadd.f32 v21, v18  }
0x1fc: {  	v20 =	vld [tilespmem:s15+$0x2C70]  }
0x1fd: {  	v21 =	vld [tilespmem:s15+$0x400]  }
0x1fe: {  	v22 =	vld [tilespmem:s15+$0x5470]  }
0x1ff: {  	v23 =	vld [tilespmem:s15+$0x2C00]  }
0x200: {  	v24 =	vld [tilespmem:s15+$0x410]  }
0x201: {  	v25 =	vld [tilespmem:s15+$0x2C10]  }
0x202: {  	v26 =	vld [tilespmem:s15+$0x420]  }
0x203: {  	v27 =	vld [tilespmem:s15+$0x2C20]  }
0x204: {  	v28 =	vld [tilespmem:s15+$0x430]  }
0x205: {  	v29 =	vld [tilespmem:s15+$0x2C30]  }
0x206: {  	v30 =	vld [tilespmem:s15+$0x440]  }
0x207: {  	v31 =	vld [tilespmem:s15+$0x2C40]  }
0x208: {  	v32 =	vld [tilespmem:s15+$0x450]  }
0x209: {  	v33 =	vld [tilespmem:s15+$0x2C50]  }
0x20a: {  	v34 =	vld [tilespmem:s15+$0x460]  }
0x20b: {  	v35 =	vld [tilespmem:s15+$0x2C60]  }
0x20c: {  	v36 =	vld [tilespmem:s15+$0x5400]  }
0x20d: {  	v37 =	vld [tilespmem:s15+$0x5410]  }
0x20e: {  	v38 =	vld [tilespmem:s15+$0x5420]  }
0x20f: {  	v39 =	vld [tilespmem:s15+$0x5430]  }
0x210: {  	v40 =	vld [tilespmem:s15+$0x5440]  }
0x211: {  	v41 =	vld [tilespmem:s15+$0x5450]  }
0x212: {  	v42 =	vld [tilespmem:s15+$0x5460];
	_ =	swait.ge [sflag:s19], $0x1400  }
0x213: {  	[sflag:s19] =	ssyncset.done $0x0  }
0x214: {  	[sflag:s19] =	ssyncadd.s32 $0xFFFFEC00  }
0x215: {  	_ =	swait.ge [sflag:s1], $0x1400  }
0x216: {  	[sflag:s1] =	ssyncset.done $0x0  }
0x217: {  	[sflag:s1] =	ssyncadd.s32 $0xFFFFEC00  }
0x218: {  	_ =	swait.ge [sflag:s6], $0x1400  }
0x219: {  	[sflag:s6] =	ssyncset.done $0x0  }
0x21a: {  	v17 =	vmax.f32 v17, $0.0e+00;
	s16 =	simm.s32 $0x0;
	[sflag:s6] =	ssyncadd.s32 $0xFFFFEC00  }
0x21b: {  	v11 =	vadd.f32 v16, v11;
	v5 =	vadd.f32 v17, v5;
	v17 =	vld [tilespmem:s16+$0x1870]  }
0x21c: {  	v16 =	vmax.f32 v18, $0.0e+00;
	v8 =	vadd.f32 v14, v8;
	v14 =	vld [tilespmem:s16+$0x4070]  }
0x21d: {  	v4 =	vadd.f32 v16, v4;
	v9 =	vadd.f32 v13, v9;
	v11 =	vmax.f32 v11, $0.0e+00;
	v13 =	vld [tilespmem:s16+$0x1800]  }
0x21e: {  	v10 =	vadd.f32 v15, v10;
	v8 =	vmax.f32 v8, $0.0e+00;
	v12 =	vadd.f32 v20, v12;
	v15 =	vld [tilespmem:s16+$0x6870]  }
0x21f: {  	v11 =	vadd.f32 v11, v2;
	v8 =	vadd.f32 v8, v3;
	v16 =	vld [tilespmem:s16+$0x4000]  }
0x220: {  	v2 =	vmax.f32 v9, $0.0e+00;
	v3 =	vmax.f32 v10, $0.0e+00;
	v9 =	vadd.f32 v22, v12;
	v10 =	vld [tilespmem:s16+$0x1810]  }
0x221: {  	v6 =	vadd.f32 v19, v6;
	v51 =	vadd.f32 v31, v30;
	v18 =	vld [tilespmem:s16+$0x4010]  }
0x222: {  	v12 =	vadd.f32 v2, v1;
	v1 =	vadd.f32 v23, v21;
	v2 =	vmax.f32 v9, $0.0e+00;
	v9 =	vld [tilespmem:s16+$0x1820]  }
0x223: {  	v53 =	vadd.f32 v33, v32;
	v0 =	vadd.f32 v3, v0;
	v20 =	vld [tilespmem:s16+$0x4020]  }
0x224: {  	v3 =	vadd.f32 v25, v24;
	v1 =	vadd.f32 v36, v1;
	v50 =	vld [tilespmem:s16+$0x1830]  }
0x225: {  	v55 =	vld [tilespmem:s16+$0x1840];
	v19 =	vadd.f32 v2, v7;
	v2 =	vadd.f32 v27, v26  }
0x226: {  	v3 =	vadd.f32 v37, v3;
	v57 =	vld [tilespmem:s16+$0x4040];
	v7 =	vadd.f32 v29, v28  }
0x227: {  	v56 =	vadd.f32 v35, v34;
	v52 =	vld [tilespmem:s16+$0x4030];
	v1 =	vmax.f32 v1, $0.0e+00;
	v54 =	vadd.f32 v38, v2  }
0x228: {  	v58 =	vld [tilespmem:s16+$0x1850];
	v2 =	vadd.f32 v1, v6;
	v1 =	vmax.f32 v3, $0.0e+00;
	v6 =	vadd.f32 v39, v7  }
0x229: {  	v59 =	vld [tilespmem:s16+$0x4050];
	v7 =	vadd.f32 v41, v53;
	v3 =	vadd.f32 v1, v5  }
0x22a: {  	v60 =	vld [tilespmem:s16+$0x4060];
	v5 =	vadd.f32 v40, v51;
	v18 =	vadd.f32 v18, v10  }
0x22b: {  	v61 =	vld [tilespmem:s16+$0x6800];
	v1 =	vmax.f32 v54, $0.0e+00;
	v20 =	vadd.f32 v20, v9;
	v10 =	vadd.f32 v57, v55  }
0x22c: {  	v62 =	vld [tilespmem:s16+$0x6810];
	v4 =	vadd.f32 v1, v4;
	v1 =	vmax.f32 v6, $0.0e+00;
	v6 =	vadd.f32 v14, v17  }
0x22d: {  	v17 =	vld [tilespmem:s16+$0x1860];
	v5 =	vmax.f32 v5, $0.0e+00;
	v1 =	vadd.f32 v1, v11;
	v11 =	vadd.f32 v42, v56  }
0x22e: {  	v63 =	vld [tilespmem:s16+$0x6820];
	v14 =	vmax.f32 v7, $0.0e+00;
	v7 =	vadd.f32 v5, v8;
	v15 =	vadd.f32 v15, v6  }
0x22f: {  	v5 =	vadd.f32 v14, v12;
	v8 =	vadd.f32 v16, v13;
	v16 =	vld [tilespmem:s16+$0x6830];
	v6 =	vmax.f32 v11, $0.0e+00  }
0x230: {  	v12 =	vadd.f32 v52, v50;
	v6 =	vadd.f32 v6, v0;
	v0 =	vmax.f32 v15, $0.0e+00;
	v15 =	vld [tilespmem:s16+$0x6840]  }
0x231: {  	v14 =	vld [tilespmem:s16+$0x6850];
	v0 =	vadd.f32 v0, v19;
	v19 =	vadd.f32 v61, v8  }
0x232: {  	s15 =	simm.s32 $0x80;
	v13 =	vld [tilespmem:s16+$0x6860];
	v8 =	vadd.f32 v60, v17;
	v17 =	vadd.f32 v62, v18  }
0x233: {  	s13 =	simm.s32 $0x0;
	s17 =	rddreg [dreg:$0xe];
	v9 =	vld [tilespmem:s15+$0x1870];
	v11 =	vadd.f32 v59, v58;
	s16 =	simm.s32 $0x400;
	v18 =	vadd.f32 v63, v20;
	v19 =	vmax.f32 v19, $0.0e+00  }
.LBB2_14:
0x234: {  	p0 =	sne.s32 s16, $0x4E00;
	v20 =	vld [tilespmem:s15+$0x4070];
	v2 =	vadd.f32 v19, v2;
	v17 =	vmax.f32 v17, $0.0e+00;
	v12 =	vadd.f32 v16, v12  }
0x235: {  	v16 =	vld [tilespmem:s15+$0x1800];
	v3 =	vadd.f32 v17, v3;
	v17 =	vmax.f32 v18, $0.0e+00;
	v10 =	vadd.f32 v15, v10  }
0x236: {  	v15 =	vld [tilespmem:s15+$0x6870];
	v4 =	vadd.f32 v17, v4;
	v12 =	vmax.f32 v12, $0.0e+00;
	v11 =	vadd.f32 v14, v11  }
0x237: {  	v14 =	vld [tilespmem:s15+$0x4000];
	v1 =	vadd.f32 v12, v1;
	v10 =	vmax.f32 v10, $0.0e+00;
	v8 =	vadd.f32 v13, v8  }
0x238: {  	v12 =	vld [tilespmem:s15+$0x1810];
	v7 =	vadd.f32 v10, v7;
	v10 =	vmax.f32 v11, $0.0e+00  }
0x239: {  	v11 =	vld [tilespmem:s15+$0x4010];
	v9 =	vadd.f32 v20, v9;
	v5 =	vadd.f32 v10, v5;
	v8 =	vmax.f32 v8, $0.0e+00  }
0x23a: {  	v10 =	vld [tilespmem:s15+$0x1820];
	v6 =	vadd.f32 v8, v6  }
0x23b: {  	v8 =	vld [tilespmem:s15+$0x4020];
	v9 =	vadd.f32 v15, v9  }
0x23c: {  	v13 =	vadd.f32 v14, v16;
	v14 =	vld [tilespmem:s15+$0x1830]  }
0x23d: {  	v15 =	vld [tilespmem:s15+$0x4030];
	v9 =	vmax.f32 v9, $0.0e+00  }
0x23e: {  	v17 =	vadd.f32 v11, v12;
	v11 =	vld [tilespmem:s15+$0x1840];
	v0 =	vadd.f32 v9, v0  }
0x23f: {  	v9 =	vld [tilespmem:s15+$0x4040]  }
0x240: {  	v18 =	vadd.f32 v8, v10;
	v8 =	vld [tilespmem:s15+$0x1850]  }
0x241: {  	v16 =	vld [tilespmem:s15+$0x4050]  }
0x242: {  	v12 =	vadd.f32 v15, v14;
	v14 =	vld [tilespmem:s15+$0x1860]  }
0x243: {  	v19 =	vld [tilespmem:s15+$0x4060]  }
0x244: {  	v20 =	vld [tilespmem:s15+$0x6800];
	v10 =	vadd.f32 v9, v11  }
0x245: {  	v9 =	vld [tilespmem:s15+$0x6810]  }
0x246: {  	v21 =	vld [tilespmem:s15+$0x6820];
	v11 =	vadd.f32 v16, v8  }
.Ltmp6:
0x247: {  	v16 =	vld [tilespmem:s15+$0x6830];
	(pc) =	sbr.rel @p0 .LBB2_14-.Ltmp6, $4  }
0x248: {  	v15 =	vld [tilespmem:s15+$0x6840];
	v8 =	vadd.f32 v19, v14  }
0x249: {  	v19 =	vadd.f32 v20, v13;
	v14 =	vld [tilespmem:s15+$0x6850]  }
0x24a: {  	v17 =	vadd.f32 v9, v17;
	v13 =	vld [tilespmem:s15+$0x6860];
	s15 =	sshra.s32 s16, $0x2  }
0x24b: {  	s16 =	sadd.s32 $0x200, s16;
	v9 =	vld [tilespmem:s15+$0x1870];
	v19 =	vmax.f32 v19, $0.0e+00;
	v18 =	vadd.f32 v21, v18  }
0x24c: {  	v20 =	vld [tilespmem:s15+$0x4070]  }
0x24d: {  	v21 =	vld [tilespmem:s15+$0x1800]  }
0x24e: {  	v22 =	vld [tilespmem:s15+$0x4000]  }
0x24f: {  	v23 =	vld [tilespmem:s15+$0x1810]  }
0x250: {  	v24 =	vld [tilespmem:s15+$0x4010]  }
0x251: {  	v25 =	vld [tilespmem:s15+$0x1820]  }
0x252: {  	v26 =	vld [tilespmem:s15+$0x4020]  }
0x253: {  	v27 =	vld [tilespmem:s15+$0x1830]  }
0x254: {  	v28 =	vld [tilespmem:s15+$0x4030]  }
0x255: {  	v29 =	vld [tilespmem:s15+$0x1840]  }
0x256: {  	v30 =	vld [tilespmem:s15+$0x4040]  }
0x257: {  	v34 =	vld [tilespmem:s15+$0x1850]  }
0x258: {  	v2 =	vadd.f32 v19, v2;
	v17 =	vmax.f32 v17, $0.0e+00;
	v12 =	vadd.f32 v16, v12;
	v36 =	vld [tilespmem:s15+$0x4050]  }
0x259: {  	v37 =	vld [tilespmem:s15+$0x1860];
	v3 =	vadd.f32 v17, v3;
	v35 =	vmax.f32 v18, $0.0e+00;
	v10 =	vadd.f32 v15, v10  }
0x25a: {  	v38 =	vld [tilespmem:s15+$0x4060];
	v4 =	vadd.f32 v35, v4;
	v11 =	vadd.f32 v14, v11;
	v12 =	vmax.f32 v12, $0.0e+00  }
0x25b: {  	v39 =	vld [tilespmem:s15+$0x6800];
	v10 =	vmax.f32 v10, $0.0e+00;
	v8 =	vadd.f32 v13, v8;
	v1 =	vadd.f32 v12, v1  }
0x25c: {  	v40 =	vld [tilespmem:s15+$0x6810];
	v7 =	vadd.f32 v10, v7;
	v11 =	vmax.f32 v11, $0.0e+00;
	v9 =	vadd.f32 v20, v9  }
0x25d: {  	v41 =	vld [tilespmem:s15+$0x6820];
	v5 =	vadd.f32 v11, v5;
	v42 =	vadd.f32 v22, v21  }
0x25e: {  	v44 =	vld [tilespmem:s15+$0x6830];
	v43 =	vadd.f32 v24, v23;
	v45 =	vadd.f32 v26, v25  }
0x25f: {  	v49 =	vld [tilespmem:s15+$0x6850];
	v46 =	vadd.f32 v28, v27;
	v48 =	vadd.f32 v30, v29  }
0x260: {  	v50 =	vld [tilespmem:s15+$0x6860];
	v15 =	vadd.f32 v36, v34;
	v10 =	vadd.f32 v39, v42  }
0x261: {  	v51 =	vld [tilespmem:s15+$0x6870];
	v8 =	vmax.f32 v8, $0.0e+00;
	v13 =	vadd.f32 v38, v37;
	v12 =	vadd.f32 v40, v43  }
0x262: {  	v47 =	vld [tilespmem:s15+$0x6840];
	v6 =	vadd.f32 v8, v6;
	v8 =	vadd.f32 v41, v45;
	v10 =	vmax.f32 v10, $0.0e+00  }
0x263: {  	v53 =	vadd.f32 v44, v46;
	v52 =	vmax.f32 v12, $0.0e+00;
	v2 =	vadd.f32 v10, v2  }
0x264: {  	v11 =	vadd.f32 v49, v15;
	v8 =	vmax.f32 v8, $0.0e+00;
	v3 =	vadd.f32 v52, v3  }
0x265: {  	v57 =	vadd.f32 v50, v13;
	v55 =	vmax.f32 v53, $0.0e+00;
	v4 =	vadd.f32 v8, v4;
	[tilespmem:$0x7C00] =	vst v2  }
0x266: {  	v58 =	vadd.f32 v51, v9;
	v59 =	vmax.f32 v11, $0.0e+00;
	v1 =	vadd.f32 v55, v1;
	[tilespmem:$0x7C10] =	vst v3  }
0x267: {  	v54 =	vadd.f32 v47, v48;
	v61 =	vmax.f32 v57, $0.0e+00;
	v60 =	vadd.f32 v59, v5;
	[tilespmem:$0x7C20] =	vst v4  }
0x268: {  	v62 =	vmax.f32 v58, $0.0e+00;
	v63 =	vadd.f32 v61, v6;
	[tilespmem:$0x7C30] =	vst v1  }
0x269: {  	v56 =	vmax.f32 v54, $0.0e+00;
	v0 =	vadd.f32 v62, v0;
	[tilespmem:$0x7C50] =	vst v60  }
0x26a: {  	v2 =	vadd.f32 v56, v7;
	[tilespmem:$0x7C60] =	vst v63  }
0x26b: {  	[tilespmem:$0x7C70] =	vst v0  }
0x26c: {  	s30 =	rddreg [dreg:$0xc];
	s16 =	simm.s32 $0x7C00;
	s29 =	simm.s32 $0xB;
	[tilespmem:$0x7C40] =	vst v2  }
0x26d: {  	[hbm4b:s30+s13] =	stream.linear.scatter [tilespmem:s16], [sflag:$0xB], $0x400, $0x38;
	[tilespmem:$0x8000] =	vst v63  }
0x26e: {  	_ =	swait.ge [sflag:s29], $0x400  }
0x26f: {  	s17 =	sadd.s32 $0x1, s17;
	s30 =	rddreg [dreg:$0xd]  }
0x270: {  	p0 =	sne.s32 s17, s30  }
.Ltmp7:
0x271: {  	_ = 	snop;
	(pc) =	sbr.rel @p0 .LBB2_1-.Ltmp7, $3  }
0x272: {  	_ =	sdelay $0x1  }
0x273: {  	[sflag:s29] =	ssyncset.done $0x0  }
0x274: {  	[sflag:s29] =	ssyncadd.s32 $0xFFFFFC00  }
0x275: {  	_ =	sfence.sel $0x180000  }
0x276: {  	[bflag:$0x0] =	sbarrier.arrive $0xFFFF  }
0x277: {  	_ =	strace $0x9000004A  }
0x278: {  	s0 =	stileid.u32;
	[bflag:$0x2] =	sbarrier.arrive $0xFFFF  }
0x279: {  	p0 =	sne.s32 s0, $0x0;
	s0 =	rddreg [dreg:$0x1]  }
0x27a: {  	s0 =	sadd.s32 @!p0 $0x100000, s0  }
0x27b: {  	[sflag:s0] =	ssyncadd.tile.s32 @!p0 $0x1;
	_ =	shalt  }
.Lfunc_end2:
_tile_overlayer_lowered:
.L_overlay_start_2:
0x27c: {  	(tag) =	ssettag $0x2  }
0x27d: {  	s0 =	rddreg [dreg:$0x0];
	s2 =	stileid.u32  }
0x27e: {  	s1 =	rddreg [dreg:$0x1];
	p0 =	sne.s32 s2, $0x0  }
0x27f: {  	s3 =	rddreg [dreg:$0x2];
	[bflag:$0x3] =	sbarrier.arrive $0xFFFF;
	s2 =	simm.s32 @!p0 $0x1C0B  }
0x280: {  	[timem:s3], [sflag:s2] =	dma.local @!p0 [hbm:s0], s1  }
0x281: {  	s0 =	simm.s32 @!p0 $0xB  }
0x282: {  	_ =	swait.ge @!p0 [sflag:s0], s1  }
0x283: {  	s1 =	ssub.s32 @!p0 $0x0, s1;
	[sflag:s0] =	ssyncset.done @!p0 $0x0  }
0x284: {  	[sflag:s0] =	ssyncadd.s32 @!p0 s1  }
0x285: {  	[bflag:$0x3] =	sbarrier.arrive $0xFFFF  }
0x286: {  	_ =	shalt  }

// kernel: kernel.9.cloned.1.call-start
scs
__scs_entry_jumppad:
0x0: {  	(pc) =	sbr.rel $0x88, $3  }
0x1: {  	(tag) =	ssettag $0x0;
	lr =	simm.s32 $0x1  }
0x2: {  	[smem:$0x3F94] =	sst lr;
	_ =	strace $0xD0000000  }
0x3: {  	_ = 	snop  }
0x4: {  	_ = 	snop  }
0x5: {  	_ = 	snop  }
0x6: {  	_ = 	snop  }
0x7: {  	_ = 	snop  }
__scs_overlays_trampoline_lowered:
0x8: {  	[smem:$0x3FA3] =	sst s0  }
0x9: {  	[smem:$0x3FA4] =	sst s1  }
0xa: {  	[smem:$0x3FA5] =	sst s2  }
0xb: {  	[smem:$0x3FA6] =	sst s3  }
0xc: {  	[smem:$0x3FA7] =	sst s4  }
0xd: {  	[smem:$0x3FA8] =	sst s5  }
0xe: {  	[smem:$0x3FA9] =	sst s6  }
0xf: {  	[smem:$0x3FAA] =	sst s7  }
0x10: {  	[smem:$0x3FAB] =	sst s8  }
0x11: {  	[smem:$0x3FAC] =	sst s9;
	s0 =	simm.s32 @!p0 $0x0  }
0x12: {  	s1 =	sld [smem:$0x3F92];
	s0 =	simm.s32 @p0 $0x1  }
0x13: {  	[smem:$0x3FAD] =	sst s0;
	s0 =	simm.s32 @!p1 $0x0  }
0x14: {  	s2 =	sld [smem:$0x3F91];
	s0 =	simm.s32 @p1 $0x1  }
0x15: {  	[smem:$0x3FAE] =	sst s0;
	s0 =	simm.s32 @!p2 $0x0  }
0x16: {  	s3 =	sld [smem:$0x3FDB];
	s0 =	simm.s32 @p2 $0x1  }
0x17: {  	s4 =	simm.s32 $0x1BF5;
	[smem:$0x3FB0] =	sst s0  }
0x18: {  	s0 =	sld [smem:$0x3F93];
	_ =	swait.ge [sflag:s4], $0x0  }
0x19: {  	s7 =	sld [smem:$0x3F94]  }
0x1a: {  	s8 =	sadd.s32 $0xFFFFE003, lr  }
0x1b: {  	s9 =	sadd.s32 $0xFFFFFEF7, lr;
	s5 =	simm.s32 $0xFFFFFFFF;
	p2 =	slt.u32 s8, $0xFFFFF086  }
0x1c: {  	p1 =	slt.u32 s9, $0xF7A;
	s5 =	simm.s32 @!p2 $0x0  }
0x1d: {  	s5 =	simm.s32 @p1 $0x1;
	p0 =	seq.s32 s7, s2  }
0x1e: {  	s7 =	smul.u32 @!p0 $0xF7A, s2;
	p2 =	seq.s32 @!p0 s5, $0x0  }
0x1f: {  	s9 =	smul.u32 $0xF7A, s1;
	s8 =	simm.s32 @!p0 $0x1BF5;
	p2 =	por !p2, p0  }
0x20: {  	[sflag:s8] =	ssyncset.s32 @!p0 $0xFFFFF086;
	s6 =	sadd.s32 @!p0 s3, s7;
	s7 =	simm.s32 @!p0 $0x108  }
0x21: {  	s3 =	sadd.s32 s3, s9;
	s6 =	sadd.s32 @!p0 $0x88, s6;
	s7 =	simm.s32 @p2 $0x1082  }
0x22: {  	[simem:s7], [sflag:s8] =	dma.local @!p0 [hbm:s6], $0xF7A  }
0x23: {  	s9 =	sor.u32 $0xD0000000, s2;
	s6 =	simm.s32 $0x108;
	_ =	swait.ge @!p0 [sflag:s8], $0x0  }
0x24: {  	s3 =	sadd.s32 $0x88, s3;
	s6 =	simm.s32 @!p1 $0x1082;
	[sflag:s4] =	ssyncset.s32 $0xFFFFF086  }
0x25: {  	[simem:s6], [sflag:s4] =	dma.local [hbm:s3], $0xF7A  }
0x26: {  	[smem:$0x3F94] =	sst s1;
	(tag) =	ssettag s2;
	_ =	strace s9  }
0x27: {  	s1 =	sld [smem:$0x3FA4]  }
0x28: {  	s2 =	sld [smem:$0x3FA5]  }
0x29: {  	s4 =	sld [smem:$0x3FA7]  }
0x2a: {  	p0 =	seq.s32 s5, $0x0;
	s5 =	sld [smem:$0x3FA8]  }
0x2b: {  	s6 =	sld [smem:$0x3FA9]  }
0x2c: {  	s7 =	sld [smem:$0x3FAA]  }
0x2d: {  	s3 =	simm.s32 $0x108;
	s8 =	sld [smem:$0x3FAB]  }
0x2e: {  	s3 =	simm.s32 @!p0 $0x1082;
	s9 =	sld [smem:$0x3FAC]  }
0x2f: {  	lr =	sadd.s32 s0, s3;
	s0 =	sld [smem:$0x3FA3]  }
0x30: {  	s3 =	sld [smem:$0x3FA6]  }
0x31: {  	[smem:$0x3FAF] =	sst s10  }
0x32: {  	s10 =	sld [smem:$0x3FAD];
	_ =	sdelay $0x3  }
0x33: {  	p0 =	seq.s32 s10, $0x1;
	s10 =	sld [smem:$0x3FAF];
	_ =	sdelay $0x3  }
0x34: {  	[smem:$0x3FAF] =	sst s10  }
0x35: {  	s10 =	sld [smem:$0x3FAE];
	_ =	sdelay $0x3  }
0x36: {  	p1 =	seq.s32 s10, $0x1;
	s10 =	sld [smem:$0x3FAF];
	_ =	sdelay $0x3  }
0x37: {  	[smem:$0x3FAF] =	sst s10  }
0x38: {  	s10 =	sld [smem:$0x3FB0]  }
0x39: {  	_ = 	snop;
	(pc) =	sbr.ind lr, $3  }
0x3a: {  	_ = 	snop  }
0x3b: {  	_ = 	snop  }
0x3c: {  	p2 =	seq.s32 s10, $0x1;
	s10 =	sld [smem:$0x3FAF]  }
0x3d: {  	_ =	shalt  }
0x3e: {  	_ =	shalt  }
0x3f: {  	_ =	shalt  }
0x40: {  	_ =	shalt  }
0x41: {  	_ =	shalt  }
0x42: {  	_ =	shalt  }
0x43: {  	_ =	shalt  }
0x44: {  	_ =	shalt  }
0x45: {  	_ =	shalt  }
0x46: {  	_ =	shalt  }
0x47: {  	_ =	shalt  }
0x48: {  	_ =	shalt  }
0x49: {  	_ =	shalt  }
0x4a: {  	_ =	shalt  }
0x4b: {  	_ =	shalt  }
0x4c: {  	_ =	shalt  }
0x4d: {  	_ =	shalt  }
0x4e: {  	_ =	shalt  }
0x4f: {  	_ =	shalt  }
0x50: {  	_ =	shalt  }
0x51: {  	_ =	shalt  }
0x52: {  	_ =	shalt  }
0x53: {  	_ =	shalt  }
0x54: {  	_ =	shalt  }
0x55: {  	_ =	shalt  }
0x56: {  	_ =	shalt  }
0x57: {  	_ =	shalt  }
0x58: {  	_ =	shalt  }
0x59: {  	_ =	shalt  }
0x5a: {  	_ =	shalt  }
0x5b: {  	_ =	shalt  }
0x5c: {  	_ =	shalt  }
0x5d: {  	_ =	shalt  }
0x5e: {  	_ =	shalt  }
0x5f: {  	_ =	shalt  }
0x60: {  	_ =	shalt  }
0x61: {  	_ =	shalt  }
0x62: {  	_ =	shalt  }
0x63: {  	_ =	shalt  }
0x64: {  	_ =	shalt  }
0x65: {  	_ =	shalt  }
0x66: {  	_ =	shalt  }
0x67: {  	_ =	shalt  }
0x68: {  	_ =	shalt  }
0x69: {  	_ =	shalt  }
0x6a: {  	_ =	shalt  }
0x6b: {  	_ =	shalt  }
0x6c: {  	_ =	shalt  }
0x6d: {  	_ =	shalt  }
0x6e: {  	_ =	shalt  }
0x6f: {  	_ =	shalt  }
0x70: {  	_ =	shalt  }
0x71: {  	_ =	shalt  }
0x72: {  	_ =	shalt  }
0x73: {  	_ =	shalt  }
0x74: {  	_ =	shalt  }
0x75: {  	_ =	shalt  }
0x76: {  	_ =	shalt  }
0x77: {  	_ =	shalt  }
0x78: {  	_ =	shalt  }
0x79: {  	_ =	shalt  }
0x7a: {  	_ =	shalt  }
0x7b: {  	_ =	shalt  }
0x7c: {  	_ =	shalt  }
0x7d: {  	_ =	shalt  }
0x7e: {  	_ =	shalt  }
0x7f: {  	_ =	shalt  }
0x80: {  	_ =	shalt  }
0x81: {  	_ =	shalt  }
0x82: {  	_ =	shalt  }
0x83: {  	_ =	shalt  }
0x84: {  	_ =	shalt  }
0x85: {  	_ =	shalt  }
0x86: {  	_ =	shalt  }
0x87: {  	_ =	shalt  }
.Lfunc_end0:
.L_simem_size_0:
called_computation_lowered:
.L_overlay_start_0:
0x88: {  	s2 =	sld [smem:$0x3FD9]  }
0x89: {  	s3 =	sld [smem:$0x3FFE];
	_ =	sdelay $0x1  }
0x8a: {  	s1 =	srdreg.scid  }
0x8b: {  	s0 =	sand.u32 $0x1, s1  }
0x8c: {  	s16 =	sshll.u32 s0, $0xA;
	s2 =	sadd.s32 s3, s2  }
0x8d: {  	s2 =	sadd.s32 s2, s16  }
0x8e: {  	[smem:$0x3FBB] =	sst s2  }
0x8f: {  	_ = 	snop  }
0x90: {  	(tm) =	ssettm $0x1  }
0x91: {  	s17 =	sld [smem:$0x3FFB];
	_ =	sdelay $0x3  }
0x92: {  	_ =	strace s17  }
0x93: {  	s2 =	sld [smem:$0x3FFC];
	_ =	sdelay $0x3  }
0x94: {  	_ =	strace s2  }
0x95: {  	s2 =	sld [smem:$0x3FFD];
	_ =	sdelay $0x3  }
0x96: {  	_ =	strace s2  }
0x97: {  	_ =	strace $0x8FFFFFFF  }
0x98: {  	s18 =	sld [smem:$0x3FDB];
	_ =	sdelay $0x1  }
0x99: {  	s19 =	simm.s32 $_scs_section_size  }
0x9a: {  	s4 =	simm.s32 $_size__tile_overlayer_lowered;
	s5 =	simm.s32 $_tile_overlayer_lowered  }
0x9b: {  	s22 =	simm.s32 $0x1BFF;
	s21 =	sshll.u32 s5, $0x1;
	s2 =	sadd.s32 s19, s18  }
0x9c: {  	s6 =	simm.s32 $0x0;
	s20 =	sshll.u32 s4, $0x1;
	s4 =	sadd.s32 s21, s2  }
0x9d: {  	[timem:s6], [sflag:s22] =	dma.local [hbm:s4], s20  }
0x9e: {  	_ =	swait.ge [sflag:s22], s20  }
0x9f: {  	s3 =	ssub.s32 $0x0, s20;
	[sflag:s22] =	ssyncset.done $0x0  }
0xa0: {  	[sflag:s22] =	ssyncadd.s32 s3;
	_ =	sdelay $0x1  }
0xa1: {  	s23 =	simm.s32 $0x1B8B  }
0xa2: {  	_ =	swait.ge [sflag:s23], $0x1  }
0xa3: {  	[sflag:s23] =	ssyncset.done $0x0  }
0xa4: {  	s25 =	simm.s32 $0x1B8E;
	s24 =	sld [smem:$0x3FFE];
	[sflag:s23] =	ssyncadd.s32 $0xFFFFFFFF  }
0xa5: {  	s26 =	simm.s32 $execute0_lowered;
	[smem:$0x3FD2] =	sst s25  }
0xa6: {  	s4 =	sshll.u32 s26, $0x1;
	_ =	strace $0x80000046;
	[dreg:$0x1] =	wrdreg $0xFFFFFFFF  }
0xa7: {  	s28 =	simm.s32 $_size_execute0_lowered;
	s2 =	sadd.s32 s2, s4;
	[dreg:$0x0] =	wrdreg $0x0  }
0xa8: {  	s4 =	sshll.u32 s28, $0x1;
	[dreg:$0x2] =	wrdreg s2  }
0xa9: {  	[dreg:$0x3] =	wrdreg s4  }
0xaa: {  	[dreg:$0x4] =	wrdreg $0xC0  }
0xab: {  	_ =	task [dreg:s6], $0x5FFFF  }
0xac: {  	[dreg:$0x1] =	wrdreg $0xFFFFFFFF  }
0xad: {  	[dreg:$0x0] =	wrdreg $0x60  }
0xae: {  	[dreg:$0x2] =	wrdreg s24  }
0xaf: {  	[dreg:$0x3] =	wrdreg $0xB8000  }
0xb0: {  	[dreg:$0x4] =	wrdreg $0x9  }
0xb1: {  	_ =	task.clear_ibuf [dreg:s6], $0x5FFFF;
	_ =	strace $0x90000046  }
0xb2: {  	s29 =	simm.s32 $0x9;
	_ =	strace $0x80000048  }
0xb3: {  	_ =	swait.ge [sflag:s29], $0x1  }
0xb4: {  	[sflag:s29] =	ssyncadd.s32 $0xFFFFFFFF  }
0xb5: {  	_ =	strace $0x90000048  }
0xb6: {  	_ =	sfence  }
0xb7: {  	s30 =	sld [smem:$0x0];
	_ =	sdelay $0x2  }
0xb8: {  	s31 =	sshll.u32 s1, $0xD;
	s1 =	sshrl.u32 s1, $0x2  }
0xb9: {  	s3 =	sand.u32 $0x4000, s31;
	s1 =	sadd.s32 s1, s30  }
0xba: {  	s0 =	sor.u32 s3, s0;
	s1 =	sshll.u32 s1, $0x11  }
0xbb: {  	s0 =	sor.u32 s1, s0  }
0xbc: {  	s0 =	sadd.s32 $0x8F2B, s0  }
0xbd: {  	[sflag:s0] =	ssyncadd.remote.s32 $0x1  }
0xbe: {  	_ =	sfence.sel $0xFFFF  }
0xbf: {  	[dreg:$0x0] =	wrdreg $0xFFFFFFFF;
	(pc) =	sbr.abs _section_cstart, $3  }
0xc0: {  	[dreg:$0x1] =	wrdreg $0xFFFFFFFF  }
0xc1: {  	_ =	task.clear_ibuf [dreg:s6], $0x2FFFF;
	_ =	strace $0x9FFFFFFF  }
0xc2: {  	(tm) =	ssettm $0x7FFFFFFF  }
0xc3: {  	_ =	shalt  }
tec
execute0_lowered:
.L_overlay_start_1:
0x0: {  	(tag) =	ssettag $0x1  }
0x1: {  	s0 =	srdreg.scid;
	s2 =	rddreg [dreg:$0x1]  }
0x2: {  	s20 =	stileid.u32;
	s1 =	sand.u32 $0x1, s0;
	s0 =	rddreg [dreg:$0x0]  }
0x3: {  	s10 =	smul.u32 $0x14000, s20;
	s3 =	sshll.u32 s1, $0x4;
	s7 =	ssub.s32 $0x2, s1  }
0x4: {  	s8 =	sadd.s32 $0x547E00, s0;
	s1 =	smul.u32 $0x138800, s1;
	s5 =	sor.u32 s20, s3  }
0x5: {  	s3 =	simm.s32 $0x0;
	s9 =	sshrl.u32 s7, $0x1;
	s11 =	sor.u32 $0x2800, s10  }
0x6: {  	s12 =	sadd.s32 $0x5000, s10;
	s13 =	sadd.s32 $0x7800, s10;
	s16 =	sadd.s32 $0xA000, s10  }
0x7: {  	s17 =	sadd.s32 $0xC800, s10;
	s18 =	sadd.s32 $0xF000, s10;
	s4 =	smul.u32 $0x27100, s5  }
0x8: {  	[smem:$0x7FF] =	sst s3;
	s5 =	smul.u32 $0x2710, s5;
	s7 =	ssub.s32 s7, s9  }
0x9: {  	s14 =	sadd.s32 s10, s1;
	s15 =	sadd.s32 s1, s11;
	s10 =	sadd.s32 $0x11800, s10  }
0xa: {  	s24 =	sadd.s32 s1, s12;
	s25 =	sadd.s32 s1, s13;
	s19 =	sadd.s32 s1, s16  }
0xb: {  	s21 =	sadd.s32 s1, s18;
	_ =	strace $0x80000047;
	s14 =	sshrl.u32 s14, $0x3  }
0xc: {  	s23 =	sshrl.u32 s15, $0x3;
	s15 =	sshrl.u32 s25, $0x3;
	s6 =	sadd.s32 s4, s0  }
0xd: {  	s4 =	sadd.s32 $0xDA00, s0;
	s14 =	sadd.s32 s8, s14;
	s26 =	sadd.s32 s8, s15  }
0xe: {  	s15 =	sshrl.u32 s19, $0x3;
	s19 =	sadd.s32 s1, s17;
	[dreg:$0x3] =	wrdreg s14  }
0xf: {  	s1 =	sadd.s32 s1, s10;
	s14 =	sadd.s32 s8, s23;
	[dreg:$0x6] =	wrdreg s26  }
0x10: {  	s1 =	sshrl.u32 s1, $0x3;
	s6 =	sadd.s32 $0x17800, s6;
	[dreg:$0x4] =	wrdreg s14  }
0x11: {  	s9 =	sshrl.u32 s5, $0x3;
	s1 =	sadd.s32 s8, s1;
	[dreg:$0xf] =	wrdreg s6  }
0x12: {  	s14 =	sshrl.u32 s24, $0x3;
	s24 =	sadd.s32 s4, s9;
	[dreg:$0xa] =	wrdreg s1  }
0x13: {  	s6 =	sadd.s32 s11, s2;
	[dreg:$0xb] =	wrdreg s24  }
0x14: {  	s11 =	sadd.s32 s16, s2;
	[dreg:$0x11] =	wrdreg s6  }
0x15: {  	s28 =	simm.s32 $0xA;
	s16 =	sadd.s32 s10, s2;
	[dreg:$0x14] =	wrdreg s11  }
0x16: {  	s23 =	smul.u32 $0x50000, s20;
	s14 =	sadd.s32 s8, s14;
	[dreg:$0x17] =	wrdreg s16  }
0x17: {  	[dreg:$0x5] =	wrdreg s14;
	s14 =	sadd.s32 s8, s15;
	s15 =	sshrl.u32 s21, $0x3  }
0x18: {  	s1 =	sshrl.u32 s23, $0x2;
	[dreg:$0x7] =	wrdreg s14;
	s22 =	sadd.s32 s8, s15  }
0x19: {  	s14 =	sshrl.u32 s19, $0x3;
	s19 =	sadd.s32 s1, s2;
	[dreg:$0x9] =	wrdreg s22  }
0x1a: {  	s15 =	sadd.s32 $0x3C00, s0;
	s14 =	sadd.s32 s8, s14;
	[dreg:$0x10] =	wrdreg s19  }
0x1b: {  	s29 =	simm.s32 $0x9000;
	s9 =	sadd.s32 s15, s9;
	[dreg:$0x8] =	wrdreg s14  }
0x1c: {  	p0 =	seq.s32 s20, $0xF;
	s20 =	sadd.s32 $0x3C00, s19;
	[dreg:$0xc] =	wrdreg s9  }
0x1d: {  	s30 =	sadd.s32 $0x4F9A00, s0;
	s21 =	sadd.s32 $0x6400, s19;
	[dreg:$0x1a] =	wrdreg s20  }
0x1e: {  	s31 =	sadd.s32 $0x520C00, s0;
	s22 =	sadd.s32 $0x8C00, s19;
	[dreg:$0x1b] =	wrdreg s21  }
0x1f: {  	s6 =	simm.s32 $0x2;
	s23 =	sadd.s32 $0xB400, s19;
	[dreg:$0x1c] =	wrdreg s22  }
0x20: {  	s1 =	sadd.s32 $0x17A80, s0;
	s24 =	sadd.s32 $0xDC00, s19;
	[dreg:$0x1d] =	wrdreg s23  }
0x21: {  	s0 =	simm.s32 $0xD;
	s9 =	sadd.s32 s13, s2;
	[dreg:$0x1e] =	wrdreg s24  }
0x22: {  	s14 =	sadd.s32 $0x28, s5;
	s13 =	sadd.s32 s18, s2;
	[dreg:$0x13] =	wrdreg s9  }
0x23: {  	s18 =	sadd.s32 $0x1400, s19;
	s25 =	sshrl.u32 s14, $0x3;
	[dreg:$0x16] =	wrdreg s13  }
0x24: {  	s20 =	simm.s32 $0x28;
	[dreg:$0x19] =	wrdreg s18;
	s26 =	sadd.s32 s4, s25  }
0x25: {  	s22 =	simm.s32 $0x9;
	s8 =	sadd.s32 s15, s25;
	[dreg:$0xd] =	wrdreg s26  }
0x26: {  	s23 =	simm.s32 $0x7C00;
	s25 =	sadd.s32 $0x10400, s19;
	[dreg:$0xe] =	wrdreg s8  }
0x27: {  	s24 =	simm.s32 $0xB;
	s8 =	sadd.s32 s12, s2;
	[dreg:$0x1f] =	wrdreg s25  }
.Ltmp0:
0x28: {  	s12 =	sadd.s32 s17, s2;
	[dreg:$0x12] =	wrdreg s8;
	(pc) =	sbr.rel .LBB2_1-.Ltmp0, $4  }
0x29: {  	s18 =	simm.s32 $0x280;
	s17 =	smax.u32 s7, $0x1;
	[dreg:$0x15] =	wrdreg s12  }
0x2a: {  	s13 =	simm.s32 $0x7;
	s26 =	sadd.s32 $0x12C00, s19;
	[dreg:$0x18] =	wrdreg s17  }
0x2b: {  	s9 =	simm.s32 $0x0;
	s25 =	simm.s32 $0x6;
	[smem:$0x7FD] =	sst s26  }
0x2c: {  	v0 =	vimm.f32 $0.0e+00;
	s17 =	simm.s32 $0x80;
	s12 =	simm.s32 $0x5;
	s26 =	simm.s32 $0x8  }
.LBB2_19:
0x2d: {  	s7 =	simm.s32 $0xC  }
0x2e: {  	_ =	swait.ge [sflag:s7], $0x1400  }
0x2f: {  	[sflag:s7] =	ssyncset.done $0x0  }
0x30: {  	[sflag:s7] =	ssyncadd.s32 $0xFFFFEC00  }
0x31: {  	s11 =	stileid.u32;
	[bflag:$0x0] =	sbarrier.arrive $0xFFFF  }
0x32: {  	s7 =	sshll.u32 s11, $0x6;
	s19 =	rddreg [dreg:$0x10]  }
0x33: {  	s7 =	sor.u32 $0x1C0D, s7;
	s9 =	rddreg [dreg:$0x3];
	s8 =	sshrl.u32 s19, $0x3  }
0x34: {  	[hbm:s9], [sflag:s7] =	dma.local [spmem:s8], $0x500  }
0x35: {  	_ =	swait.ge [sflag:s0], $0x500  }
0x36: {  	[sflag:s0] =	ssyncset.done $0x0;
	s16 =	rddreg [dreg:$0x11]  }
0x37: {  	s21 =	rddreg [dreg:$0x4];
	[sflag:s0] =	ssyncadd.s32 $0xFFFFFB00;
	s8 =	sshrl.u32 s16, $0x3  }
0x38: {  	[hbm:s21], [sflag:s7] =	dma.local [spmem:s8], $0x500  }
0x39: {  	_ =	swait.ge [sflag:s0], $0x500  }
0x3a: {  	[sflag:s0] =	ssyncset.done $0x0;
	s10 =	rddreg [dreg:$0x12]  }
0x3b: {  	s11 =	rddreg [dreg:$0x5];
	[sflag:s0] =	ssyncadd.s32 $0xFFFFFB00;
	s8 =	sshrl.u32 s10, $0x3  }
0x3c: {  	[hbm:s11], [sflag:s7] =	dma.local [spmem:s8], $0x500  }
0x3d: {  	_ =	swait.ge [sflag:s0], $0x500  }
0x3e: {  	[sflag:s0] =	ssyncset.done $0x0;
	s16 =	rddreg [dreg:$0x13]  }
0x3f: {  	s21 =	rddreg [dreg:$0x6];
	[sflag:s0] =	ssyncadd.s32 $0xFFFFFB00;
	s8 =	sshrl.u32 s16, $0x3  }
0x40: {  	[hbm:s21], [sflag:s7] =	dma.local [spmem:s8], $0x500  }
0x41: {  	_ =	swait.ge [sflag:s0], $0x500  }
0x42: {  	[sflag:s0] =	ssyncset.done $0x0;
	s10 =	rddreg [dreg:$0x14]  }
0x43: {  	s11 =	rddreg [dreg:$0x7];
	[sflag:s0] =	ssyncadd.s32 $0xFFFFFB00;
	s8 =	sshrl.u32 s10, $0x3  }
0x44: {  	[hbm:s11], [sflag:s7] =	dma.local [spmem:s8], $0x500  }
0x45: {  	_ =	swait.ge [sflag:s0], $0x500  }
0x46: {  	[sflag:s0] =	ssyncset.done $0x0;
	s8 =	rddreg [dreg:$0x15]  }
0x47: {  	s9 =	rddreg [dreg:$0x8];
	[sflag:s0] =	ssyncadd.s32 $0xFFFFFB00;
	s8 =	sshrl.u32 @!p0 s8, $0x3  }
0x48: {  	[hbm:s9], [sflag:s7] =	dma.local @!p0 [spmem:s8], $0x500  }
0x49: {  	s8 =	simm.s32 @!p0 $0xD  }
0x4a: {  	_ =	swait.ge @!p0 [sflag:s8], $0x500  }
0x4b: {  	[sflag:s8] =	ssyncset.done @!p0 $0x0;
	s9 =	rddreg [dreg:$0x16]  }
0x4c: {  	s10 =	rddreg [dreg:$0x9];
	[sflag:s8] =	ssyncadd.s32 @!p0 $0xFFFFFB00;
	s9 =	sshrl.u32 @!p0 s9, $0x3  }
0x4d: {  	[hbm:s10], [sflag:s7] =	dma.local @!p0 [spmem:s9], $0x500  }
0x4e: {  	_ =	swait.ge @!p0 [sflag:s8], $0x500  }
0x4f: {  	[sflag:s8] =	ssyncset.done @!p0 $0x0;
	s9 =	rddreg [dreg:$0x17]  }
0x50: {  	s10 =	rddreg [dreg:$0xa];
	[sflag:s8] =	ssyncadd.s32 @!p0 $0xFFFFFB00;
	s9 =	sshrl.u32 @!p0 s9, $0x3  }
0x51: {  	[hbm:s10], [sflag:s7] =	dma.local @!p0 [spmem:s9], $0x500  }
0x52: {  	_ =	swait.ge @!p0 [sflag:s8], $0x500  }
0x53: {  	s16 =	sld [smem:$0x7FC];
	_ =	sdelay $0x2  }
0x54: {  	s21 =	rddreg [dreg:$0x18];
	s9 =	sadd.s32 $0x1, s16  }
0x55: {  	p1 =	sne.s32 s9, s21  }
.Ltmp1:
0x56: {  	_ = 	snop;
	(pc) =	sbr.rel @!p1 .LBB2_20-.Ltmp1, $3  }
0x57: {  	_ =	sdelay $0x1  }
0x58: {  	[sflag:s8] =	ssyncset.done @!p0 $0x0  }
0x59: {  	[sflag:s8] =	ssyncadd.s32 @!p0 $0xFFFFFB00  }
.LBB2_1:
0x5a: {  	s7 =	rddreg [dreg:$0xb]  }
0x5b: {  	[tilespmem:s3], [sflag:$0x1] =	stream.linear.gather [hbm4b:s7+s3], $0x28, $0x38;
	[tilespmem:$0x1F800] =	vst v63  }
0x5c: {  	s10 =	rddreg [dreg:$0xc];
	s8 =	simm.s32 $0x200  }
0x5d: {  	[tilespmem:s8], [sflag:$0x1] =	stream.linear.gather [hbm4b:s10+s3], $0x28, $0x38;
	[tilespmem:$0x1F800] =	vst v63  }
0x5e: {  	s11 =	rddreg [dreg:$0xd]  }
0x5f: {  	[tilespmem:s17], [sflag:$0x2] =	stream.linear.gather [hbm4b:s11+s3], $0x28, $0x38;
	[tilespmem:$0x1F800] =	vst v63  }
0x60: {  	s16 =	rddreg [dreg:$0xe];
	s21 =	simm.s32 $0x1  }
0x61: {  	[tilespmem:s18], [sflag:$0x2] =	stream.linear.gather [hbm4b:s16+s3], $0x28, $0x38;
	[tilespmem:$0x1F800] =	vst v63  }
0x62: {  	_ =	swait.ge [sflag:s21], $0x28  }
0x63: {  	[sflag:s21] =	ssyncset.done $0x0  }
0x64: {  	[sflag:s21] =	ssyncadd.s32 $0xFFFFFFD8  }
0x65: {  	_ =	swait.ge [sflag:s21], $0x28  }
0x66: {  	[sflag:s21] =	ssyncset.done $0x0  }
0x67: {  	s10 =	simm.s32 $0x400;
	[sflag:s21] =	ssyncadd.s32 $0xFFFFFFD8  }
0x68: {  	[tilespmem:s10], [sflag:$0x5] =	stream.indirect.gather [hbm4b:s30+s20], $0x80, s3, s20, $0xb8;
	[tilespmem:$0x1F800] =	vst v63  }
0x69: {  	s7 =	simm.s32 $0x0;
	s11 =	simm.s32 $0x2C00  }
0x6a: {  	[tilespmem:s11], [sflag:$0x7] =	stream.indirect.gather [hbm4b:s31+s20], $0x80, s8, s20, $0xb8;
	[tilespmem:$0x1F800] =	vst v63  }
0x6b: {  	s16 =	rddreg [dreg:$0xf];
	s21 =	simm.s32 $0x5400;
	s8 =	simm.s32 $0x200  }
0x6c: {  	[tilespmem:s21], [sflag:$0x9] =	stream.linear.gather [hbm4b:s16+s3], $0x1400, $0x38;
	[tilespmem:$0x1F800] =	vst v63  }
.LBB2_2:
0x6d: {  	p1 =	sne.s32 s8, $0x4E00;
	[tilespmem:s7+$0xA470] =	vst v0  }
0x6e: {  	[tilespmem:s7+$0xA400] =	vst v0  }
0x6f: {  	[tilespmem:s7+$0xA410] =	vst v0  }
.Ltmp2:
0x70: {  	[tilespmem:s7+$0xA420] =	vst v0;
	(pc) =	sbr.rel @p1 .LBB2_2-.Ltmp2, $4  }
0x71: {  	[tilespmem:s7+$0xA430] =	vst v0  }
0x72: {  	[tilespmem:s7+$0xA440] =	vst v0  }
0x73: {  	[tilespmem:s7+$0xA450] =	vst v0  }
0x74: {  	[tilespmem:s7+$0xA460] =	vst v0;
	s7 =	sshra.s32 s8, $0x2;
	s8 =	sadd.s32 $0x200, s8  }
0x75: {  	[tilespmem:s7+$0xA470] =	vst v0  }
0x76: {  	[tilespmem:s7+$0xA400] =	vst v0  }
0x77: {  	[tilespmem:s7+$0xA410] =	vst v0  }
0x78: {  	[tilespmem:s7+$0xA420] =	vst v0  }
0x79: {  	[tilespmem:s7+$0xA430] =	vst v0  }
0x7a: {  	[tilespmem:s7+$0xA440] =	vst v0  }
0x7b: {  	[tilespmem:s7+$0xA450] =	vst v0  }
0x7c: {  	[smem:$0x7FC] =	sst s9;
	[tilespmem:s7+$0xA460] =	vst v0;
	s8 =	simm.s32 $0xA400  }
0x7d: {  	[spmem:s19] =	stream.linear.scatter [tilespmem:s8], [sflag:$0xD], $0x1400, $0x38;
	[tilespmem:$0x1F800] =	vst v63  }
0x7e: {  	_ =	swait.ge [sflag:s0], $0x1400  }
0x7f: {  	[sflag:s0] =	ssyncset.done $0x0  }
0x80: {  	s16 =	rddreg [dreg:$0x19];
	[sflag:s0] =	ssyncadd.s32 $0xFFFFEC00  }
0x81: {  	[spmem:s16] =	stream.linear.scatter [tilespmem:s8], [sflag:$0xD], $0x1400, $0x38;
	[tilespmem:$0x1F800] =	vst v63  }
0x82: {  	_ =	swait.ge [sflag:s0], $0x1400  }
0x83: {  	[sflag:s0] =	ssyncset.done $0x0  }
0x84: {  	s19 =	rddreg [dreg:$0x11];
	[sflag:s0] =	ssyncadd.s32 $0xFFFFEC00  }
0x85: {  	[spmem:s19] =	stream.linear.scatter [tilespmem:s8], [sflag:$0xD], $0x1400, $0x38;
	[tilespmem:$0x1F800] =	vst v63  }
0x86: {  	_ =	swait.ge [sflag:s0], $0x1400  }
0x87: {  	[sflag:s0] =	ssyncset.done $0x0  }
0x88: {  	s21 =	rddreg [dreg:$0x1a];
	[sflag:s0] =	ssyncadd.s32 $0xFFFFEC00  }
0x89: {  	[spmem:s21] =	stream.linear.scatter [tilespmem:s8], [sflag:$0xD], $0x1400, $0x38;
	[tilespmem:$0x1F800] =	vst v63  }
0x8a: {  	_ =	swait.ge [sflag:s0], $0x1400  }
0x8b: {  	[sflag:s0] =	ssyncset.done $0x0  }
0x8c: {  	s9 =	rddreg [dreg:$0x12];
	[sflag:s0] =	ssyncadd.s32 $0xFFFFEC00  }
0x8d: {  	[spmem:s9] =	stream.linear.scatter [tilespmem:s8], [sflag:$0xD], $0x1400, $0x38;
	[tilespmem:$0x1F800] =	vst v63  }
0x8e: {  	_ =	swait.ge [sflag:s0], $0x1400  }
0x8f: {  	[sflag:s0] =	ssyncset.done $0x0  }
0x90: {  	s10 =	rddreg [dreg:$0x1b];
	[sflag:s0] =	ssyncadd.s32 $0xFFFFEC00  }
0x91: {  	[spmem:s10] =	stream.linear.scatter [tilespmem:s8], [sflag:$0xD], $0x1400, $0x38;
	[tilespmem:$0x1F800] =	vst v63  }
0x92: {  	_ =	swait.ge [sflag:s0], $0x1400  }
0x93: {  	[sflag:s0] =	ssyncset.done $0x0  }
0x94: {  	s11 =	rddreg [dreg:$0x13];
	[sflag:s0] =	ssyncadd.s32 $0xFFFFEC00  }
0x95: {  	[spmem:s11] =	stream.linear.scatter [tilespmem:s8], [sflag:$0xD], $0x1400, $0x38;
	[tilespmem:$0x1F800] =	vst v63  }
0x96: {  	_ =	swait.ge [sflag:s0], $0x1400  }
0x97: {  	[sflag:s0] =	ssyncset.done $0x0  }
0x98: {  	s16 =	rddreg [dreg:$0x1c];
	[sflag:s0] =	ssyncadd.s32 $0xFFFFEC00  }
0x99: {  	[spmem:s16] =	stream.linear.scatter [tilespmem:s8], [sflag:$0xD], $0x1400, $0x38;
	[tilespmem:$0x1F800] =	vst v63  }
0x9a: {  	_ =	swait.ge [sflag:s0], $0x1400  }
0x9b: {  	[sflag:s0] =	ssyncset.done $0x0  }
0x9c: {  	s19 =	rddreg [dreg:$0x14];
	[sflag:s0] =	ssyncadd.s32 $0xFFFFEC00  }
0x9d: {  	[spmem:s19] =	stream.linear.scatter [tilespmem:s8], [sflag:$0xD], $0x1400, $0x38;
	[tilespmem:$0x1F800] =	vst v63  }
0x9e: {  	_ =	swait.ge [sflag:s0], $0x1400  }
0x9f: {  	[sflag:s0] =	ssyncset.done $0x0  }
0xa0: {  	s21 =	rddreg [dreg:$0x1d];
	[sflag:s0] =	ssyncadd.s32 $0xFFFFEC00  }
0xa1: {  	[spmem:s21] =	stream.linear.scatter [tilespmem:s8], [sflag:$0xD], $0x1400, $0x38;
	[tilespmem:$0x1F800] =	vst v63  }
0xa2: {  	_ =	swait.ge [sflag:s0], $0x1400  }
0xa3: {  	[sflag:s0] =	ssyncset.done $0x0  }
0xa4: {  	s9 =	rddreg [dreg:$0x15];
	[sflag:s0] =	ssyncadd.s32 $0xFFFFEC00  }
0xa5: {  	[spmem:s9] =	stream.linear.scatter [tilespmem:s8], [sflag:$0xD], $0x1400, $0x38;
	[tilespmem:$0x1F800] =	vst v63  }
0xa6: {  	_ =	swait.ge [sflag:s0], $0x1400  }
0xa7: {  	[sflag:s0] =	ssyncset.done $0x0  }
0xa8: {  	s10 =	rddreg [dreg:$0x1e];
	[sflag:s0] =	ssyncadd.s32 $0xFFFFEC00  }
0xa9: {  	[spmem:s10] =	stream.linear.scatter [tilespmem:s8], [sflag:$0xD], $0x1400, $0x38;
	[tilespmem:$0x1F800] =	vst v63  }
0xaa: {  	_ =	swait.ge [sflag:s0], $0x1400  }
0xab: {  	[sflag:s0] =	ssyncset.done $0x0  }
0xac: {  	s11 =	rddreg [dreg:$0x16];
	[sflag:s0] =	ssyncadd.s32 $0xFFFFEC00  }
0xad: {  	[spmem:s11] =	stream.linear.scatter [tilespmem:s8], [sflag:$0xD], $0x1400, $0x38;
	[tilespmem:$0x1F800] =	vst v63  }
0xae: {  	_ =	swait.ge [sflag:s0], $0x1400  }
0xaf: {  	[sflag:s0] =	ssyncset.done $0x0  }
0xb0: {  	s16 =	rddreg [dreg:$0x1f];
	[sflag:s0] =	ssyncadd.s32 $0xFFFFEC00  }
0xb1: {  	[spmem:s16] =	stream.linear.scatter [tilespmem:s8], [sflag:$0xD], $0x1400, $0x38;
	[tilespmem:$0x1F800] =	vst v63  }
0xb2: {  	_ =	swait.ge [sflag:s0], $0x1400  }
0xb3: {  	[sflag:s0] =	ssyncset.done $0x0  }
0xb4: {  	s19 =	rddreg [dreg:$0x17];
	[sflag:s0] =	ssyncadd.s32 $0xFFFFEC00  }
0xb5: {  	[spmem:s19] =	stream.linear.scatter [tilespmem:s8], [sflag:$0xD], $0x1400, $0x38;
	[tilespmem:$0x1F800] =	vst v63  }
0xb6: {  	_ =	swait.ge [sflag:s0], $0x1400  }
0xb7: {  	s21 =	sld [smem:$0x7FD]  }
0xb8: {  	[sflag:s0] =	ssyncset.done $0x0  }
0xb9: {  	[sflag:s0] =	ssyncadd.s32 $0xFFFFEC00  }
0xba: {  	[spmem:s21] =	stream.linear.scatter [tilespmem:s8], [sflag:$0xD], $0x1400, $0x38;
	[tilespmem:$0x1F800] =	vst v63  }
.Ltmp3:
0xbb: {  	_ =	swait.ge [sflag:s0], $0x1400;
	(pc) =	sbr.rel .LBB2_4-.Ltmp3, $4  }
0xbc: {  	[sflag:s0] =	ssyncset.done $0x0  }
0xbd: {  	[sflag:s0] =	ssyncadd.s32 $0xFFFFEC00  }
0xbe: {  	[bflag:$0x0] =	sbarrier.arrive $0xFFFF  }
0xbf: {  	s19 =	simm.s32 $0x0  }
.LBB2_18:
0xc0: {  	s19 =	sadd.s32 $0x1, s19  }
0xc1: {  	p1 =	sne.s32 s19, $0x3F  }
.Ltmp4:
0xc2: {  	_ = 	snop;
	(pc) =	sbr.rel @!p1 .LBB2_19-.Ltmp4, $1  }
0xc3: {  	_ =	sdelay $0x3  }
.LBB2_4:
0xc4: {  	s16 =	sshll.u32 s19, $0x2  }
0xc5: {  	s7 =	sadd.s32 $0xFFFFFFFF, s16  }
0xc6: {  	p1 =	sgt.u32 s7, $0xF8  }
0xc7: {  	s8 =	sor.u32 @!p1 $0x2, s16  }
0xc8: {  	p2 =	sgt.u32 @!p1 s8, $0xF9  }
0xc9: {  	p3 =	por p1, !p2  }
.Ltmp5:
0xca: {  	_ = 	snop;
	(pc) =	sbr.rel @!p3 .LBB2_6-.Ltmp5, $4  }
0xcb: {  	s9 =	simm.s32 @!p1 $0xC  }
0xcc: {  	s21 =	smul.u32 $0xA0, s19;
	_ =	swait.ge @!p1 [sflag:s9], $0x1400  }
0xcd: {  	[sflag:s9] =	ssyncset.done @!p1 $0x0  }
0xce: {  	s7 =	sadd.s32 s5, s21;
	p2 =	por @!p1 $0x0, $0x0;
	[sflag:s9] =	ssyncadd.s32 @!p1 $0xFFFFEC00  }
0xcf: {  	s9 =	sshrl.u32 s7, $0x3  }
0xd0: {  	s9 =	sadd.s32 $0xA, s9  }
0xd1: {  	s11 =	simm.s32 $0x100;
	s8 =	simm.s32 @p1 $0x2;
	s10 =	sadd.s32 s4, s9  }
0xd2: {  	[tilespmem:s11], [sflag:$0x3] =	stream.linear.gather [hbm4b:s10+s3], $0x28, $0x38;
	[tilespmem:$0x1F800] =	vst v63  }
0xd3: {  	p2 =	por $0x1, $0x1;
	s9 =	sadd.s32 s15, s9;
	s11 =	simm.s32 $0x300  }
0xd4: {  	[tilespmem:s11], [sflag:$0x3] =	stream.linear.gather [hbm4b:s9+s3], $0x28, $0x38;
	[tilespmem:$0x1F800] =	vst v63  }
.LBB2_6:
0xd5: {  	_ =	swait.ge [sflag:s6], $0x28  }
0xd6: {  	[sflag:s6] =	ssyncset.done $0x0  }
0xd7: {  	[sflag:s6] =	ssyncadd.s32 $0xFFFFFFD8  }
0xd8: {  	_ =	swait.ge [sflag:s6], $0x28  }
0xd9: {  	[sflag:s6] =	ssyncset.done $0x0  }
0xda: {  	s9 =	simm.s32 $0x1800;
	[sflag:s6] =	ssyncadd.s32 $0xFFFFFFD8  }
0xdb: {  	[tilespmem:s9], [sflag:$0x6] =	stream.indirect.gather [hbm4b:s30+s20], $0x80, s17, s20, $0xb8;
	[tilespmem:$0x1F800] =	vst v63  }
0xdc: {  	s10 =	simm.s32 $0x4000;
	s7 =	sshll.u32 s7, $0x4  }
0xdd: {  	[tilespmem:s10], [sflag:$0x8] =	stream.indirect.gather [hbm4b:s31+s20], $0x80, s18, s20, $0xb8;
	[tilespmem:$0x1F800] =	vst v63  }
0xde: {  	s11 =	simm.s32 $0x0;
	s7 =	sadd.s32 s7, s1;
	s10 =	simm.s32 $0x6800  }
0xdf: {  	[tilespmem:s10], [sflag:$0xA] =	stream.linear.gather [hbm4b:s7+s11], $0x1400, $0x38;
	[tilespmem:$0x1F800] =	vst v63  }
0xe0: {  	_ =	swait.ge [sflag:s12], $0x1400  }
0xe1: {  	[sflag:s12] =	ssyncset.done $0x0  }
0xe2: {  	[sflag:s12] =	ssyncadd.s32 $0xFFFFEC00  }
0xe3: {  	_ =	swait.ge [sflag:s13], $0x1400  }
0xe4: {  	[sflag:s13] =	ssyncset.done $0x0  }
0xe5: {  	[sflag:s13] =	ssyncadd.s32 $0xFFFFEC00  }
0xe6: {  	_ =	swait.ge [sflag:s22], $0x1400  }
0xe7: {  	[sflag:s22] =	ssyncset.done $0x0  }
0xe8: {  	s7 =	simm.s32 $0x0;
	[sflag:s22] =	ssyncadd.s32 $0xFFFFEC00  }
0xe9: {  	v1 =	vld [tilespmem:s7+$0x470]  }
0xea: {  	v2 =	vld [tilespmem:s7+$0x2C70]  }
0xeb: {  	v3 =	vld [tilespmem:s7+$0x400]  }
0xec: {  	v4 =	vld [tilespmem:s7+$0x5470]  }
0xed: {  	v5 =	vld [tilespmem:s7+$0x2C00]  }
0xee: {  	v6 =	vld [tilespmem:s7+$0x410]  }
0xef: {  	v7 =	vld [tilespmem:s7+$0x2C10]  }
0xf0: {  	v8 =	vld [tilespmem:s7+$0x2C20]  }
0xf1: {  	v10 =	vld [tilespmem:s7+$0x2C30]  }
0xf2: {  	v11 =	vld [tilespmem:s7+$0x440]  }
0xf3: {  	v12 =	vld [tilespmem:s7+$0x450]  }
0xf4: {  	v13 =	vld [tilespmem:s7+$0x2C50]  }
0xf5: {  	v14 =	vld [tilespmem:s7+$0x460];
	v1 =	vadd.f32 v2, v1  }
0xf6: {  	v15 =	vld [tilespmem:s7+$0x2C60]  }
0xf7: {  	v16 =	vld [tilespmem:s7+$0x5400];
	v1 =	vadd.f32 v4, v1  }
0xf8: {  	v2 =	vld [tilespmem:s7+$0x420]  }
0xf9: {  	v4 =	vld [tilespmem:s7+$0x430];
	v1 =	vmax.f32 v1, $0.0e+00  }
0xfa: {  	[tilespmem:s7+$0x7C70] =	vst v1;
	v1 =	vld [tilespmem:s7+$0x2C40]  }
0xfb: {  	v17 =	vld [tilespmem:s7+$0x5410]  }
0xfc: {  	v18 =	vld [tilespmem:s7+$0x5420]  }
0xfd: {  	v9 =	vld [tilespmem:s7+$0x5430];
	v3 =	vadd.f32 v5, v3;
	v19 =	vadd.f32 v7, v6  }
0xfe: {  	v20 =	vadd.f32 v8, v2;
	v8 =	vld [tilespmem:s7+$0x5440];
	v5 =	vadd.f32 v10, v4  }
0xff: {  	v7 =	vld [tilespmem:s7+$0x5450];
	v4 =	vadd.f32 v1, v11;
	v11 =	vadd.f32 v16, v3  }
0x100: {  	s9 =	simm.s32 $0x80;
	v6 =	vld [tilespmem:s7+$0x5460];
	v10 =	vadd.f32 v17, v19;
	v3 =	vadd.f32 v13, v12  }
0x101: {  	s10 =	simm.s32 $0x400;
	v2 =	vld [tilespmem:s9+$0x470];
	v1 =	vadd.f32 v15, v14;
	v12 =	vmax.f32 v11, $0.0e+00;
	v11 =	vadd.f32 v18, v20  }
.LBB2_7:
0x102: {  	p1 =	sne.s32 s10, $0x4E00;
	v13 =	vld [tilespmem:s9+$0x2C70];
	[tilespmem:s7+$0x7C00] =	vst v12;
	v10 =	vmax.f32 v10, $0.0e+00;
	v5 =	vadd.f32 v9, v5  }
0x103: {  	v9 =	vld [tilespmem:s9+$0x400];
	[tilespmem:s7+$0x7C10] =	vst v10;
	v10 =	vmax.f32 v11, $0.0e+00;
	v4 =	vadd.f32 v8, v4  }
0x104: {  	v8 =	vld [tilespmem:s9+$0x5470];
	[tilespmem:s7+$0x7C20] =	vst v10;
	v5 =	vmax.f32 v5, $0.0e+00;
	v3 =	vadd.f32 v7, v3  }
0x105: {  	v7 =	vld [tilespmem:s9+$0x2C00];
	[tilespmem:s7+$0x7C30] =	vst v5;
	v4 =	vmax.f32 v4, $0.0e+00;
	v1 =	vadd.f32 v6, v1  }
0x106: {  	v5 =	vld [tilespmem:s9+$0x410];
	[tilespmem:s7+$0x7C40] =	vst v4;
	v3 =	vmax.f32 v3, $0.0e+00  }
0x107: {  	v4 =	vld [tilespmem:s9+$0x2C10];
	v2 =	vadd.f32 v13, v2;
	[tilespmem:s7+$0x7C50] =	vst v3;
	v1 =	vmax.f32 v1, $0.0e+00  }
0x108: {  	v3 =	vld [tilespmem:s9+$0x420];
	[tilespmem:s7+$0x7C60] =	vst v1;
	s7 =	smov.u32 s9  }
0x109: {  	v1 =	vld [tilespmem:s7+$0x2C20];
	v2 =	vadd.f32 v8, v2  }
0x10a: {  	v6 =	vadd.f32 v7, v9;
	v7 =	vld [tilespmem:s7+$0x430]  }
0x10b: {  	v8 =	vld [tilespmem:s7+$0x2C30];
	v2 =	vmax.f32 v2, $0.0e+00  }
0x10c: {  	v10 =	vadd.f32 v4, v5;
	v4 =	vld [tilespmem:s7+$0x440];
	[tilespmem:s7+$0x7C70] =	vst v2  }
0x10d: {  	v2 =	vld [tilespmem:s7+$0x2C40]  }
0x10e: {  	v11 =	vadd.f32 v1, v3;
	v1 =	vld [tilespmem:s7+$0x450]  }
0x10f: {  	v3 =	vld [tilespmem:s7+$0x2C50]  }
0x110: {  	v5 =	vadd.f32 v8, v7;
	v7 =	vld [tilespmem:s7+$0x460]  }
0x111: {  	v12 =	vld [tilespmem:s7+$0x2C60]  }
0x112: {  	v13 =	vld [tilespmem:s7+$0x5400];
	v4 =	vadd.f32 v2, v4  }
0x113: {  	v2 =	vld [tilespmem:s7+$0x5410]  }
0x114: {  	v14 =	vld [tilespmem:s7+$0x5420];
	v3 =	vadd.f32 v3, v1  }
.Ltmp6:
0x115: {  	v9 =	vld [tilespmem:s7+$0x5430];
	(pc) =	sbr.rel @p1 .LBB2_7-.Ltmp6, $4  }
0x116: {  	v8 =	vld [tilespmem:s7+$0x5440];
	v1 =	vadd.f32 v12, v7  }
0x117: {  	v12 =	vadd.f32 v13, v6;
	v7 =	vld [tilespmem:s7+$0x5450]  }
0x118: {  	s9 =	sshra.s32 s10, $0x2;
	v10 =	vadd.f32 v2, v10;
	v6 =	vld [tilespmem:s7+$0x5460]  }
0x119: {  	s10 =	sadd.s32 $0x200, s10;
	v2 =	vld [tilespmem:s9+$0x470];
	v12 =	vmax.f32 v12, $0.0e+00;
	v11 =	vadd.f32 v14, v11  }
0x11a: {  	v13 =	vld [tilespmem:s9+$0x2C70];
	[tilespmem:s7+$0x7C00] =	vst v12;
	v10 =	vmax.f32 v10, $0.0e+00;
	v5 =	vadd.f32 v9, v5  }
0x11b: {  	v12 =	vld [tilespmem:s9+$0x400];
	[tilespmem:s7+$0x7C10] =	vst v10;
	v9 =	vmax.f32 v11, $0.0e+00;
	v4 =	vadd.f32 v8, v4  }
0x11c: {  	v10 =	vld [tilespmem:s9+$0x5470];
	[tilespmem:s7+$0x7C20] =	vst v9;
	v5 =	vmax.f32 v5, $0.0e+00;
	v3 =	vadd.f32 v7, v3  }
0x11d: {  	v8 =	vld [tilespmem:s9+$0x2C00];
	[tilespmem:s7+$0x7C30] =	vst v5;
	v4 =	vmax.f32 v4, $0.0e+00;
	v1 =	vadd.f32 v6, v1  }
0x11e: {  	v5 =	vld [tilespmem:s9+$0x410];
	[tilespmem:s7+$0x7C40] =	vst v4;
	v3 =	vmax.f32 v3, $0.0e+00  }
0x11f: {  	v4 =	vld [tilespmem:s9+$0x2C10];
	[tilespmem:s7+$0x7C50] =	vst v3;
	v1 =	vmax.f32 v1, $0.0e+00  }
0x120: {  	v3 =	vld [tilespmem:s9+$0x420];
	[tilespmem:s7+$0x7C60] =	vst v1  }
0x121: {  	v1 =	vld [tilespmem:s9+$0x2C20]  }
0x122: {  	v6 =	vld [tilespmem:s9+$0x430]  }
0x123: {  	v2 =	vadd.f32 v13, v2;
	v7 =	vld [tilespmem:s9+$0x2C30]  }
0x124: {  	v9 =	vld [tilespmem:s9+$0x440]  }
0x125: {  	v2 =	vadd.f32 v10, v2;
	v10 =	vld [tilespmem:s9+$0x450]  }
0x126: {  	v11 =	vld [tilespmem:s9+$0x2C50]  }
0x127: {  	v13 =	vld [tilespmem:s9+$0x460]  }
0x128: {  	v14 =	vld [tilespmem:s9+$0x2C60]  }
0x129: {  	v15 =	vld [tilespmem:s9+$0x5400]  }
0x12a: {  	v16 =	vld [tilespmem:s9+$0x5410]  }
0x12b: {  	v17 =	vld [tilespmem:s9+$0x5420];
	v2 =	vmax.f32 v2, $0.0e+00  }
0x12c: {  	[tilespmem:s9+$0x7C70] =	vst v2;
	v2 =	vld [tilespmem:s9+$0x2C40]  }
0x12d: {  	v8 =	vadd.f32 v8, v12;
	v12 =	vld [tilespmem:s9+$0x5430]  }
0x12e: {  	v4 =	vadd.f32 v4, v5;
	v5 =	vld [tilespmem:s9+$0x5440]  }
0x12f: {  	v1 =	vadd.f32 v1, v3;
	v3 =	vadd.f32 v15, v8;
	v8 =	vld [tilespmem:s9+$0x5450]  }
0x130: {  	v6 =	vadd.f32 v7, v6;
	v4 =	vadd.f32 v16, v4;
	v7 =	vld [tilespmem:s9+$0x5460]  }
0x131: {  	v3 =	vmax.f32 v3, $0.0e+00;
	v1 =	vadd.f32 v17, v1;
	v2 =	vadd.f32 v2, v9  }
0x132: {  	v9 =	vadd.f32 v11, v10;
	[tilespmem:s9+$0x7C00] =	vst v3;
	v3 =	vmax.f32 v4, $0.0e+00;
	v4 =	vadd.f32 v12, v6  }
0x133: {  	v6 =	vadd.f32 v14, v13;
	[tilespmem:s9+$0x7C10] =	vst v3;
	v1 =	vmax.f32 v1, $0.0e+00;
	v2 =	vadd.f32 v5, v2  }
0x134: {  	[tilespmem:s9+$0x7C20] =	vst v1;
	v1 =	vmax.f32 v4, $0.0e+00;
	v3 =	vadd.f32 v8, v9  }
0x135: {  	[tilespmem:s9+$0x7C30] =	vst v1;
	v1 =	vmax.f32 v2, $0.0e+00;
	v2 =	vadd.f32 v7, v6  }
0x136: {  	[tilespmem:s9+$0x7C40] =	vst v1;
	v1 =	vmax.f32 v3, $0.0e+00  }
0x137: {  	s16 =	sor.u32 $0x3, s16;
	[tilespmem:s9+$0x7C50] =	vst v1;
	v1 =	vmax.f32 v2, $0.0e+00  }
0x138: {  	p1 =	sgt.u32 s16, $0xF9;
	s7 =	sadd.s32 s21, s14;
	[tilespmem:s9+$0x7C60] =	vst v1  }
0x139: {  	[spmem:s2] =	stream.indirect.scatter.add.f32 [tilespmem:s23], [sflag:$0xB], $0x80, s3, s20, $0xb8;
	[tilespmem:$0x1F800] =	vst v63  }
0x13a: {  	s9 =	sshrl.u32 @!p1 s7, $0x3;
	_ =	swait.ge [sflag:s24], $0x1400  }
0x13b: {  	s11 =	simm.s32 @!p1 $0x180;
	s9 =	sadd.s32 @!p1 $0xA, s9;
	[sflag:s24] =	ssyncset.done $0x0  }
0x13c: {  	s21 =	simm.s32 @!p1 $0x0;
	s10 =	sadd.s32 @!p1 s4, s9;
	[sflag:s24] =	ssyncadd.s32 $0xFFFFEC00  }
0x13d: {  	[tilespmem:s11], [sflag:$0x4] =	stream.linear.gather @!p1 [hbm4b:s10+s21], $0x28, $0x38;
	[tilespmem:$0x1F800] =	vst v63  }
0x13e: {  	s9 =	sadd.s32 @!p1 s15, s9;
	s10 =	simm.s32 @!p1 $0x380  }
0x13f: {  	[tilespmem:s10], [sflag:$0x4] =	stream.linear.gather @!p1 [hbm4b:s9+s21], $0x28, $0x38;
	[tilespmem:$0x1F800] =	vst v63  }
0x140: {  	s9 =	simm.s32 @p2 $0x3  }
0x141: {  	_ =	swait.ge @p2 [sflag:s9], $0x28  }
0x142: {  	[sflag:s9] =	ssyncset.done @p2 $0x0  }
0x143: {  	[sflag:s9] =	ssyncadd.s32 @p2 $0xFFFFFFD8  }
0x144: {  	_ =	swait.ge @p2 [sflag:s9], $0x28  }
0x145: {  	s11 =	simm.s32 @p2 $0x400;
	[sflag:s9] =	ssyncset.done @p2 $0x0  }
0x146: {  	s10 =	simm.s32 @p2 $0x100;
	[sflag:s9] =	ssyncadd.s32 @p2 $0xFFFFFFD8;
	s9 =	simm.s32 @p2 $0x28  }
0x147: {  	[tilespmem:s11], [sflag:$0x5] =	stream.indirect.gather @p2 [hbm4b:s30+s9], $0x80, s10, s9, $0xb8;
	[tilespmem:$0x1F800] =	vst v63  }
0x148: {  	s7 =	sshll.u32 @p2 s7, $0x4;
	s10 =	simm.s32 @p2 $0x300;
	s11 =	simm.s32 @p2 $0x2C00  }
0x149: {  	[tilespmem:s11], [sflag:$0x7] =	stream.indirect.gather @p2 [hbm4b:s31+s9], $0x80, s10, s9, $0xb8;
	[tilespmem:$0x1F800] =	vst v63  }
0x14a: {  	s7 =	sadd.s32 @p2 s7, s1;
	s9 =	simm.s32 @p2 $0x0;
	s10 =	simm.s32 @p2 $0x5400  }
0x14b: {  	[tilespmem:s10], [sflag:$0x9] =	stream.linear.gather @p2 [hbm4b:s7+s9], $0x1400, $0x38;
	[tilespmem:$0x1F800] =	vst v63  }
0x14c: {  	_ =	swait.ge [sflag:s25], $0x1400  }
0x14d: {  	[sflag:s25] =	ssyncset.done $0x0  }
0x14e: {  	[sflag:s25] =	ssyncadd.s32 $0xFFFFEC00  }
0x14f: {  	_ =	swait.ge [sflag:s26], $0x1400  }
0x150: {  	[sflag:s26] =	ssyncset.done $0x0  }
0x151: {  	[sflag:s26] =	ssyncadd.s32 $0xFFFFEC00  }
0x152: {  	_ =	swait.ge [sflag:s28], $0x1400  }
0x153: {  	[sflag:s28] =	ssyncset.done $0x0  }
0x154: {  	s7 =	simm.s32 $0x0;
	[sflag:s28] =	ssyncadd.s32 $0xFFFFEC00  }
0x155: {  	v1 =	vld [tilespmem:s7+$0x1870]  }
0x156: {  	v2 =	vld [tilespmem:s7+$0x4070]  }
0x157: {  	v3 =	vld [tilespmem:s7+$0x1800]  }
0x158: {  	v4 =	vld [tilespmem:s7+$0x6870]  }
0x159: {  	v5 =	vld [tilespmem:s7+$0x4000]  }
0x15a: {  	v6 =	vld [tilespmem:s7+$0x1810]  }
0x15b: {  	v7 =	vld [tilespmem:s7+$0x4010]  }
0x15c: {  	v8 =	vld [tilespmem:s7+$0x4020]  }
0x15d: {  	v10 =	vld [tilespmem:s7+$0x4030]  }
0x15e: {  	v11 =	vld [tilespmem:s7+$0x1840]  }
0x15f: {  	v12 =	vld [tilespmem:s7+$0x1850]  }
0x160: {  	v13 =	vld [tilespmem:s7+$0x4050]  }
0x161: {  	v14 =	vld [tilespmem:s7+$0x1860];
	v1 =	vadd.f32 v2, v1  }
0x162: {  	v15 =	vld [tilespmem:s7+$0x4060]  }
0x163: {  	v62 =	vld [tilespmem:s7+$0x6800];
	v1 =	vadd.f32 v4, v1  }
0x164: {  	v2 =	vld [tilespmem:s7+$0x1820]  }
0x165: {  	v4 =	vld [tilespmem:s7+$0x1830];
	v1 =	vmax.f32 v1, $0.0e+00  }
0x166: {  	[tilespmem:s7+$0x9070] =	vst v1;
	v1 =	vld [tilespmem:s7+$0x4040]  }
0x167: {  	v63 =	vld [tilespmem:s7+$0x6810]  }
0x168: {  	v18 =	vld [tilespmem:s7+$0x6820]  }
0x169: {  	v9 =	vld [tilespmem:s7+$0x6830];
	v3 =	vadd.f32 v5, v3;
	v19 =	vadd.f32 v7, v6  }
0x16a: {  	v20 =	vadd.f32 v8, v2;
	v8 =	vld [tilespmem:s7+$0x6840];
	v5 =	vadd.f32 v10, v4  }
0x16b: {  	v7 =	vld [tilespmem:s7+$0x6850];
	v4 =	vadd.f32 v1, v11;
	v11 =	vadd.f32 v62, v3  }
0x16c: {  	s9 =	simm.s32 $0x80;
	v6 =	vld [tilespmem:s7+$0x6860];
	v10 =	vadd.f32 v63, v19;
	v3 =	vadd.f32 v13, v12  }
0x16d: {  	s10 =	simm.s32 $0x400;
	v2 =	vld [tilespmem:s9+$0x1870];
	v1 =	vadd.f32 v15, v14;
	v12 =	vmax.f32 v11, $0.0e+00;
	v11 =	vadd.f32 v18, v20  }
.LBB2_9:
0x16e: {  	p3 =	sne.s32 s10, $0x4E00;
	v13 =	vld [tilespmem:s9+$0x4070];
	[tilespmem:s7+$0x9000] =	vst v12;
	v10 =	vmax.f32 v10, $0.0e+00;
	v5 =	vadd.f32 v9, v5  }
0x16f: {  	v9 =	vld [tilespmem:s9+$0x1800];
	[tilespmem:s7+$0x9010] =	vst v10;
	v10 =	vmax.f32 v11, $0.0e+00;
	v4 =	vadd.f32 v8, v4  }
0x170: {  	v8 =	vld [tilespmem:s9+$0x6870];
	[tilespmem:s7+$0x9020] =	vst v10;
	v5 =	vmax.f32 v5, $0.0e+00;
	v3 =	vadd.f32 v7, v3  }
0x171: {  	v7 =	vld [tilespmem:s9+$0x4000];
	[tilespmem:s7+$0x9030] =	vst v5;
	v4 =	vmax.f32 v4, $0.0e+00;
	v1 =	vadd.f32 v6, v1  }
0x172: {  	v5 =	vld [tilespmem:s9+$0x1810];
	[tilespmem:s7+$0x9040] =	vst v4;
	v3 =	vmax.f32 v3, $0.0e+00  }
0x173: {  	v4 =	vld [tilespmem:s9+$0x4010];
	v2 =	vadd.f32 v13, v2;
	[tilespmem:s7+$0x9050] =	vst v3;
	v1 =	vmax.f32 v1, $0.0e+00  }
0x174: {  	v3 =	vld [tilespmem:s9+$0x1820];
	[tilespmem:s7+$0x9060] =	vst v1;
	s7 =	smov.u32 s9  }
0x175: {  	v1 =	vld [tilespmem:s7+$0x4020];
	v2 =	vadd.f32 v8, v2  }
0x176: {  	v6 =	vadd.f32 v7, v9;
	v7 =	vld [tilespmem:s7+$0x1830]  }
0x177: {  	v8 =	vld [tilespmem:s7+$0x4030];
	v2 =	vmax.f32 v2, $0.0e+00  }
0x178: {  	v10 =	vadd.f32 v4, v5;
	v4 =	vld [tilespmem:s7+$0x1840];
	[tilespmem:s7+$0x9070] =	vst v2  }
0x179: {  	v2 =	vld [tilespmem:s7+$0x4040]  }
0x17a: {  	v11 =	vadd.f32 v1, v3;
	v1 =	vld [tilespmem:s7+$0x1850]  }
0x17b: {  	v3 =	vld [tilespmem:s7+$0x4050]  }
0x17c: {  	v5 =	vadd.f32 v8, v7;
	v7 =	vld [tilespmem:s7+$0x1860]  }
0x17d: {  	v12 =	vld [tilespmem:s7+$0x4060]  }
0x17e: {  	v13 =	vld [tilespmem:s7+$0x6800];
	v4 =	vadd.f32 v2, v4  }
0x17f: {  	v2 =	vld [tilespmem:s7+$0x6810]  }
0x180: {  	v14 =	vld [tilespmem:s7+$0x6820];
	v3 =	vadd.f32 v3, v1  }
.Ltmp7:
0x181: {  	v9 =	vld [tilespmem:s7+$0x6830];
	(pc) =	sbr.rel @p3 .LBB2_9-.Ltmp7, $4  }
0x182: {  	v8 =	vld [tilespmem:s7+$0x6840];
	v1 =	vadd.f32 v12, v7  }
0x183: {  	v12 =	vadd.f32 v13, v6;
	v7 =	vld [tilespmem:s7+$0x6850]  }
0x184: {  	s9 =	sshra.s32 s10, $0x2;
	v10 =	vadd.f32 v2, v10;
	v6 =	vld [tilespmem:s7+$0x6860]  }
0x185: {  	s10 =	sadd.s32 $0x200, s10;
	v2 =	vld [tilespmem:s9+$0x1870];
	v12 =	vmax.f32 v12, $0.0e+00;
	v11 =	vadd.f32 v14, v11  }
0x186: {  	v13 =	vld [tilespmem:s9+$0x4070];
	[tilespmem:s7+$0x9000] =	vst v12;
	v10 =	vmax.f32 v10, $0.0e+00;
	v5 =	vadd.f32 v9, v5  }
0x187: {  	v12 =	vld [tilespmem:s9+$0x1800];
	[tilespmem:s7+$0x9010] =	vst v10;
	v50 =	vmax.f32 v11, $0.0e+00;
	v4 =	vadd.f32 v8, v4  }
0x188: {  	v10 =	vld [tilespmem:s9+$0x6870];
	[tilespmem:s7+$0x9020] =	vst v50;
	v5 =	vmax.f32 v5, $0.0e+00;
	v3 =	vadd.f32 v7, v3  }
0x189: {  	v51 =	vld [tilespmem:s9+$0x4000];
	[tilespmem:s7+$0x9030] =	vst v5;
	v4 =	vmax.f32 v4, $0.0e+00;
	v1 =	vadd.f32 v6, v1  }
0x18a: {  	v5 =	vld [tilespmem:s9+$0x1810];
	[tilespmem:s7+$0x9040] =	vst v4;
	v3 =	vmax.f32 v3, $0.0e+00  }
0x18b: {  	v4 =	vld [tilespmem:s9+$0x4010];
	[tilespmem:s7+$0x9050] =	vst v3;
	v1 =	vmax.f32 v1, $0.0e+00  }
0x18c: {  	v3 =	vld [tilespmem:s9+$0x1820];
	[tilespmem:s7+$0x9060] =	vst v1  }
0x18d: {  	v1 =	vld [tilespmem:s9+$0x4020]  }
0x18e: {  	v52 =	vld [tilespmem:s9+$0x1830]  }
0x18f: {  	v53 =	vld [tilespmem:s9+$0x4030]  }
0x190: {  	v9 =	vld [tilespmem:s9+$0x1840]  }
0x191: {  	v54 =	vld [tilespmem:s9+$0x1850]  }
0x192: {  	v55 =	vld [tilespmem:s9+$0x4050]  }
0x193: {  	v2 =	vadd.f32 v13, v2;
	v56 =	vld [tilespmem:s9+$0x1860]  }
0x194: {  	v14 =	vld [tilespmem:s9+$0x4060]  }
0x195: {  	v2 =	vadd.f32 v10, v2;
	v15 =	vld [tilespmem:s9+$0x6800]  }
0x196: {  	v16 =	vld [tilespmem:s9+$0x6810]  }
0x197: {  	v17 =	vld [tilespmem:s9+$0x6820];
	v2 =	vmax.f32 v2, $0.0e+00  }
0x198: {  	[tilespmem:s9+$0x9070] =	vst v2;
	v2 =	vld [tilespmem:s9+$0x4040]  }
0x199: {  	v57 =	vld [tilespmem:s9+$0x6830];
	v8 =	vadd.f32 v51, v12  }
0x19a: {  	v58 =	vld [tilespmem:s9+$0x6840];
	v4 =	vadd.f32 v4, v5  }
0x19b: {  	v59 =	vld [tilespmem:s9+$0x6850];
	v1 =	vadd.f32 v1, v3;
	v3 =	vadd.f32 v15, v8  }
0x19c: {  	v60 =	vld [tilespmem:s9+$0x6860];
	v6 =	vadd.f32 v53, v52;
	v4 =	vadd.f32 v16, v4  }
0x19d: {  	v1 =	vadd.f32 v17, v1;
	v3 =	vmax.f32 v3, $0.0e+00;
	v2 =	vadd.f32 v2, v9  }
0x19e: {  	v61 =	vadd.f32 v55, v54;
	v62 =	vadd.f32 v57, v6;
	[tilespmem:s9+$0x9000] =	vst v3;
	v3 =	vmax.f32 v4, $0.0e+00  }
0x19f: {  	v63 =	vadd.f32 v14, v56;
	[tilespmem:s9+$0x9010] =	vst v3;
	v1 =	vmax.f32 v1, $0.0e+00;
	v2 =	vadd.f32 v58, v2  }
0x1a0: {  	v3 =	vadd.f32 v59, v61;
	[tilespmem:s9+$0x9020] =	vst v1;
	v1 =	vmax.f32 v62, $0.0e+00  }
0x1a1: {  	[tilespmem:s9+$0x9030] =	vst v1;
	v1 =	vmax.f32 v2, $0.0e+00;
	v2 =	vadd.f32 v60, v63  }
0x1a2: {  	s21 =	smul.u32 $0x28, s8;
	[tilespmem:s9+$0x9040] =	vst v1;
	v1 =	vmax.f32 v3, $0.0e+00  }
0x1a3: {  	[tilespmem:s9+$0x9050] =	vst v1;
	v1 =	vmax.f32 v2, $0.0e+00  }
0x1a4: {  	s8 =	simm.s32 @p2 $0xC;
	p3 =	seq.s32 s19, $0x3E;
	s7 =	sadd.s32 s5, s21;
	[tilespmem:s9+$0x9060] =	vst v1  }
0x1a5: {  	[spmem:s2] =	stream.indirect.scatter.add.f32 [tilespmem:s29], [sflag:$0xC], $0x80, s17, s20, $0xb8;
	[tilespmem:$0x1F800] =	vst v63  }
0x1a6: {  	s9 =	sshrl.u32 @!p3 s7, $0x3;
	_ =	swait.ge @p2 [sflag:s8], $0x1400  }
0x1a7: {  	s9 =	sadd.s32 @!p3 $0xA, s9;
	[sflag:s8] =	ssyncset.done @p2 $0x0  }
0x1a8: {  	s10 =	sadd.s32 @!p3 s4, s9;
	[sflag:s8] =	ssyncadd.s32 @p2 $0xFFFFEC00;
	s8 =	simm.s32 @!p3 $0x0  }
0x1a9: {  	[tilespmem:s8], [sflag:$0x1] =	stream.linear.gather @!p3 [hbm4b:s10+s8], $0x28, $0x38;
	[tilespmem:$0x1F800] =	vst v63  }
0x1aa: {  	s21 =	simm.s32 @!p3 $0x200;
	s9 =	sadd.s32 @!p3 s15, s9  }
0x1ab: {  	[tilespmem:s21], [sflag:$0x1] =	stream.linear.gather @!p3 [hbm4b:s9+s8], $0x28, $0x38;
	[tilespmem:$0x1F800] =	vst v63  }
0x1ac: {  	s9 =	simm.s32 @!p1 $0x4  }
0x1ad: {  	_ =	swait.ge @!p1 [sflag:s9], $0x28  }
0x1ae: {  	[sflag:s9] =	ssyncset.done @!p1 $0x0  }
0x1af: {  	[sflag:s9] =	ssyncadd.s32 @!p1 $0xFFFFFFD8  }
0x1b0: {  	_ =	swait.ge @!p1 [sflag:s9], $0x28  }
0x1b1: {  	s11 =	simm.s32 @!p1 $0x1800;
	[sflag:s9] =	ssyncset.done @!p1 $0x0  }
0x1b2: {  	s10 =	simm.s32 @!p1 $0x180;
	[sflag:s9] =	ssyncadd.s32 @!p1 $0xFFFFFFD8;
	s9 =	simm.s32 @!p1 $0x28  }
0x1b3: {  	[tilespmem:s11], [sflag:$0x6] =	stream.indirect.gather @!p1 [hbm4b:s30+s9], $0x80, s10, s9, $0xb8;
	[tilespmem:$0x1F800] =	vst v63  }
.Ltmp8:
0x1b4: {  	_ = 	snop;
	(pc) =	sbr.rel @!p2 .LBB2_14-.Ltmp8, $4  }
0x1b5: {  	s7 =	sshll.u32 @!p1 s7, $0x4;
	s10 =	simm.s32 @!p1 $0x380;
	s11 =	simm.s32 @!p1 $0x4000  }
0x1b6: {  	[tilespmem:s11], [sflag:$0x8] =	stream.indirect.gather @!p1 [hbm4b:s31+s9], $0x80, s10, s9, $0xb8;
	[tilespmem:$0x1F800] =	vst v63  }
0x1b7: {  	s7 =	sadd.s32 @!p1 s7, s1;
	s9 =	simm.s32 @!p1 $0x0;
	s10 =	simm.s32 @!p1 $0x6800  }
0x1b8: {  	[tilespmem:s10], [sflag:$0xA] =	stream.linear.gather @!p1 [hbm4b:s7+s9], $0x1400, $0x38;
	[tilespmem:$0x1F800] =	vst v63  }
0x1b9: {  	_ =	swait.ge [sflag:s12], $0x1400  }
0x1ba: {  	[sflag:s12] =	ssyncset.done $0x0  }
0x1bb: {  	[sflag:s12] =	ssyncadd.s32 $0xFFFFEC00  }
0x1bc: {  	_ =	swait.ge [sflag:s13], $0x1400  }
0x1bd: {  	[sflag:s13] =	ssyncset.done $0x0  }
0x1be: {  	[sflag:s13] =	ssyncadd.s32 $0xFFFFEC00  }
0x1bf: {  	_ =	swait.ge [sflag:s22], $0x1400  }
0x1c0: {  	[sflag:s22] =	ssyncset.done $0x0  }
0x1c1: {  	s7 =	simm.s32 $0x0;
	[sflag:s22] =	ssyncadd.s32 $0xFFFFEC00  }
0x1c2: {  	v1 =	vld [tilespmem:s7+$0x470]  }
0x1c3: {  	v2 =	vld [tilespmem:s7+$0x2C70]  }
0x1c4: {  	v3 =	vld [tilespmem:s7+$0x400]  }
0x1c5: {  	v4 =	vld [tilespmem:s7+$0x5470]  }
0x1c6: {  	v5 =	vld [tilespmem:s7+$0x2C00]  }
0x1c7: {  	v6 =	vld [tilespmem:s7+$0x410]  }
0x1c8: {  	v7 =	vld [tilespmem:s7+$0x2C10]  }
0x1c9: {  	v8 =	vld [tilespmem:s7+$0x2C20]  }
0x1ca: {  	v10 =	vld [tilespmem:s7+$0x2C30]  }
0x1cb: {  	v11 =	vld [tilespmem:s7+$0x440]  }
0x1cc: {  	v12 =	vld [tilespmem:s7+$0x450]  }
0x1cd: {  	v13 =	vld [tilespmem:s7+$0x2C50]  }
0x1ce: {  	v14 =	vld [tilespmem:s7+$0x460];
	v1 =	vadd.f32 v2, v1  }
0x1cf: {  	v15 =	vld [tilespmem:s7+$0x2C60]  }
0x1d0: {  	v16 =	vld [tilespmem:s7+$0x5400];
	v1 =	vadd.f32 v4, v1  }
0x1d1: {  	v2 =	vld [tilespmem:s7+$0x420]  }
0x1d2: {  	v4 =	vld [tilespmem:s7+$0x430];
	v1 =	vmax.f32 v1, $0.0e+00  }
0x1d3: {  	[tilespmem:s7+$0x7C70] =	vst v1;
	v1 =	vld [tilespmem:s7+$0x2C40]  }
0x1d4: {  	v17 =	vld [tilespmem:s7+$0x5410]  }
0x1d5: {  	v18 =	vld [tilespmem:s7+$0x5420]  }
0x1d6: {  	v9 =	vld [tilespmem:s7+$0x5430];
	v3 =	vadd.f32 v5, v3;
	v19 =	vadd.f32 v7, v6  }
0x1d7: {  	v20 =	vadd.f32 v8, v2;
	v8 =	vld [tilespmem:s7+$0x5440];
	v5 =	vadd.f32 v10, v4  }
0x1d8: {  	v7 =	vld [tilespmem:s7+$0x5450];
	v4 =	vadd.f32 v1, v11;
	v11 =	vadd.f32 v16, v3  }
0x1d9: {  	s9 =	simm.s32 $0x80;
	v6 =	vld [tilespmem:s7+$0x5460];
	v10 =	vadd.f32 v17, v19;
	v3 =	vadd.f32 v13, v12  }
0x1da: {  	s10 =	simm.s32 $0x400;
	v2 =	vld [tilespmem:s9+$0x470];
	v1 =	vadd.f32 v15, v14;
	v12 =	vmax.f32 v11, $0.0e+00;
	v11 =	vadd.f32 v18, v20  }
.LBB2_12:
0x1db: {  	p2 =	sne.s32 s10, $0x4E00;
	v13 =	vld [tilespmem:s9+$0x2C70];
	[tilespmem:s7+$0x7C00] =	vst v12;
	v10 =	vmax.f32 v10, $0.0e+00;
	v5 =	vadd.f32 v9, v5  }
0x1dc: {  	v9 =	vld [tilespmem:s9+$0x400];
	[tilespmem:s7+$0x7C10] =	vst v10;
	v10 =	vmax.f32 v11, $0.0e+00;
	v4 =	vadd.f32 v8, v4  }
0x1dd: {  	v8 =	vld [tilespmem:s9+$0x5470];
	[tilespmem:s7+$0x7C20] =	vst v10;
	v5 =	vmax.f32 v5, $0.0e+00;
	v3 =	vadd.f32 v7, v3  }
0x1de: {  	v7 =	vld [tilespmem:s9+$0x2C00];
	[tilespmem:s7+$0x7C30] =	vst v5;
	v4 =	vmax.f32 v4, $0.0e+00;
	v1 =	vadd.f32 v6, v1  }
0x1df: {  	v5 =	vld [tilespmem:s9+$0x410];
	[tilespmem:s7+$0x7C40] =	vst v4;
	v3 =	vmax.f32 v3, $0.0e+00  }
0x1e0: {  	v4 =	vld [tilespmem:s9+$0x2C10];
	v2 =	vadd.f32 v13, v2;
	[tilespmem:s7+$0x7C50] =	vst v3;
	v1 =	vmax.f32 v1, $0.0e+00  }
0x1e1: {  	v3 =	vld [tilespmem:s9+$0x420];
	[tilespmem:s7+$0x7C60] =	vst v1;
	s7 =	smov.u32 s9  }
0x1e2: {  	v1 =	vld [tilespmem:s7+$0x2C20];
	v2 =	vadd.f32 v8, v2  }
0x1e3: {  	v6 =	vadd.f32 v7, v9;
	v7 =	vld [tilespmem:s7+$0x430]  }
0x1e4: {  	v8 =	vld [tilespmem:s7+$0x2C30];
	v2 =	vmax.f32 v2, $0.0e+00  }
0x1e5: {  	v10 =	vadd.f32 v4, v5;
	v4 =	vld [tilespmem:s7+$0x440];
	[tilespmem:s7+$0x7C70] =	vst v2  }
0x1e6: {  	v2 =	vld [tilespmem:s7+$0x2C40]  }
0x1e7: {  	v11 =	vadd.f32 v1, v3;
	v1 =	vld [tilespmem:s7+$0x450]  }
0x1e8: {  	v3 =	vld [tilespmem:s7+$0x2C50]  }
0x1e9: {  	v5 =	vadd.f32 v8, v7;
	v7 =	vld [tilespmem:s7+$0x460]  }
0x1ea: {  	v12 =	vld [tilespmem:s7+$0x2C60]  }
0x1eb: {  	v13 =	vld [tilespmem:s7+$0x5400];
	v4 =	vadd.f32 v2, v4  }
0x1ec: {  	v2 =	vld [tilespmem:s7+$0x5410]  }
0x1ed: {  	v14 =	vld [tilespmem:s7+$0x5420];
	v3 =	vadd.f32 v3, v1  }
.Ltmp9:
0x1ee: {  	v9 =	vld [tilespmem:s7+$0x5430];
	(pc) =	sbr.rel @p2 .LBB2_12-.Ltmp9, $4  }
0x1ef: {  	v8 =	vld [tilespmem:s7+$0x5440];
	v1 =	vadd.f32 v12, v7  }
0x1f0: {  	v12 =	vadd.f32 v13, v6;
	v7 =	vld [tilespmem:s7+$0x5450]  }
0x1f1: {  	s9 =	sshra.s32 s10, $0x2;
	v10 =	vadd.f32 v2, v10;
	v6 =	vld [tilespmem:s7+$0x5460]  }
0x1f2: {  	s10 =	sadd.s32 $0x200, s10;
	v2 =	vld [tilespmem:s9+$0x470];
	v12 =	vmax.f32 v12, $0.0e+00;
	v11 =	vadd.f32 v14, v11  }
0x1f3: {  	v13 =	vld [tilespmem:s9+$0x2C70];
	[tilespmem:s7+$0x7C00] =	vst v12;
	v10 =	vmax.f32 v10, $0.0e+00;
	v5 =	vadd.f32 v9, v5  }
0x1f4: {  	v12 =	vld [tilespmem:s9+$0x400];
	[tilespmem:s7+$0x7C10] =	vst v10;
	v50 =	vmax.f32 v11, $0.0e+00;
	v4 =	vadd.f32 v8, v4  }
0x1f5: {  	v10 =	vld [tilespmem:s9+$0x5470];
	[tilespmem:s7+$0x7C20] =	vst v50;
	v5 =	vmax.f32 v5, $0.0e+00;
	v3 =	vadd.f32 v7, v3  }
0x1f6: {  	v51 =	vld [tilespmem:s9+$0x2C00];
	[tilespmem:s7+$0x7C30] =	vst v5;
	v4 =	vmax.f32 v4, $0.0e+00;
	v1 =	vadd.f32 v6, v1  }
0x1f7: {  	v5 =	vld [tilespmem:s9+$0x410];
	[tilespmem:s7+$0x7C40] =	vst v4;
	v3 =	vmax.f32 v3, $0.0e+00  }
0x1f8: {  	v4 =	vld [tilespmem:s9+$0x2C10];
	[tilespmem:s7+$0x7C50] =	vst v3;
	v1 =	vmax.f32 v1, $0.0e+00  }
0x1f9: {  	v3 =	vld [tilespmem:s9+$0x420];
	[tilespmem:s7+$0x7C60] =	vst v1  }
0x1fa: {  	v1 =	vld [tilespmem:s9+$0x2C20]  }
0x1fb: {  	v52 =	vld [tilespmem:s9+$0x430]  }
0x1fc: {  	v53 =	vld [tilespmem:s9+$0x2C30]  }
0x1fd: {  	v9 =	vld [tilespmem:s9+$0x440]  }
0x1fe: {  	v54 =	vld [tilespmem:s9+$0x450]  }
0x1ff: {  	v55 =	vld [tilespmem:s9+$0x2C50]  }
0x200: {  	v2 =	vadd.f32 v13, v2;
	v56 =	vld [tilespmem:s9+$0x460]  }
0x201: {  	v14 =	vld [tilespmem:s9+$0x2C60]  }
0x202: {  	v2 =	vadd.f32 v10, v2;
	v15 =	vld [tilespmem:s9+$0x5400]  }
0x203: {  	v16 =	vld [tilespmem:s9+$0x5410]  }
0x204: {  	v17 =	vld [tilespmem:s9+$0x5420];
	v2 =	vmax.f32 v2, $0.0e+00  }
0x205: {  	[tilespmem:s9+$0x7C70] =	vst v2;
	v2 =	vld [tilespmem:s9+$0x2C40]  }
0x206: {  	v57 =	vld [tilespmem:s9+$0x5430];
	v8 =	vadd.f32 v51, v12  }
0x207: {  	v58 =	vld [tilespmem:s9+$0x5440];
	v4 =	vadd.f32 v4, v5  }
0x208: {  	v59 =	vld [tilespmem:s9+$0x5450];
	v1 =	vadd.f32 v1, v3;
	v3 =	vadd.f32 v15, v8  }
0x209: {  	v60 =	vld [tilespmem:s9+$0x5460];
	v6 =	vadd.f32 v53, v52;
	v4 =	vadd.f32 v16, v4  }
0x20a: {  	v1 =	vadd.f32 v17, v1;
	v3 =	vmax.f32 v3, $0.0e+00;
	v2 =	vadd.f32 v2, v9  }
0x20b: {  	v61 =	vadd.f32 v55, v54;
	v62 =	vadd.f32 v57, v6;
	[tilespmem:s9+$0x7C00] =	vst v3;
	v3 =	vmax.f32 v4, $0.0e+00  }
0x20c: {  	v63 =	vadd.f32 v14, v56;
	[tilespmem:s9+$0x7C10] =	vst v3;
	v1 =	vmax.f32 v1, $0.0e+00;
	v2 =	vadd.f32 v58, v2  }
0x20d: {  	v3 =	vadd.f32 v59, v61;
	[tilespmem:s9+$0x7C20] =	vst v1;
	v1 =	vmax.f32 v62, $0.0e+00  }
0x20e: {  	[tilespmem:s9+$0x7C30] =	vst v1;
	v1 =	vmax.f32 v2, $0.0e+00;
	v2 =	vadd.f32 v60, v63  }
0x20f: {  	[tilespmem:s9+$0x7C40] =	vst v1;
	v1 =	vmax.f32 v3, $0.0e+00  }
0x210: {  	[tilespmem:s9+$0x7C50] =	vst v1;
	v1 =	vmax.f32 v2, $0.0e+00  }
0x211: {  	s11 =	simm.s32 $0x100;
	[tilespmem:s9+$0x7C60] =	vst v1  }
0x212: {  	[spmem:s2] =	stream.indirect.scatter.add.f32 [tilespmem:s23], [sflag:$0xB], $0x80, s11, s20, $0xb8;
	[tilespmem:$0x1F800] =	vst v63  }
.LBB2_14:
0x213: {  	s7 =	smul.u32 $0x28, s16;
	_ =	sdelay $0x1  }
0x214: {  	s9 =	simm.s32 @!p1 $0xB;
	s7 =	sadd.s32 s5, s7  }
0x215: {  	_ =	swait.ge @!p1 [sflag:s9], $0x1400;
	s10 =	sshrl.u32 @!p3 s7, $0x3  }
0x216: {  	[sflag:s9] =	ssyncset.done @!p1 $0x0;
	s10 =	sadd.s32 @!p3 $0xA, s10  }
0x217: {  	s11 =	simm.s32 @!p3 $0x80;
	[sflag:s9] =	ssyncadd.s32 @!p1 $0xFFFFEC00;
	s9 =	sadd.s32 @!p3 s4, s10  }
0x218: {  	[tilespmem:s11], [sflag:$0x2] =	stream.linear.gather @!p3 [hbm4b:s9+s8], $0x28, $0x38;
	[tilespmem:$0x1F800] =	vst v63  }
0x219: {  	s9 =	sadd.s32 @!p3 s15, s10;
	s10 =	simm.s32 @!p3 $0x280  }
0x21a: {  	[tilespmem:s10], [sflag:$0x2] =	stream.linear.gather @!p3 [hbm4b:s9+s8], $0x28, $0x38;
	[tilespmem:$0x1F800] =	vst v63  }
0x21b: {  	s9 =	simm.s32 @!p3 $0x1  }
0x21c: {  	_ =	swait.ge @!p3 [sflag:s9], $0x28  }
0x21d: {  	[sflag:s9] =	ssyncset.done @!p3 $0x0  }
0x21e: {  	[sflag:s9] =	ssyncadd.s32 @!p3 $0xFFFFFFD8  }
0x21f: {  	_ =	swait.ge @!p3 [sflag:s9], $0x28  }
0x220: {  	[sflag:s9] =	ssyncset.done @!p3 $0x0  }
0x221: {  	s10 =	simm.s32 @!p3 $0x400;
	[sflag:s9] =	ssyncadd.s32 @!p3 $0xFFFFFFD8;
	s9 =	simm.s32 @!p3 $0x28  }
0x222: {  	[tilespmem:s10], [sflag:$0x5] =	stream.indirect.gather @!p3 [hbm4b:s30+s9], $0x80, s8, s9, $0xb8;
	[tilespmem:$0x1F800] =	vst v63  }
.Ltmp10:
0x223: {  	_ = 	snop;
	(pc) =	sbr.rel @p1 .LBB2_18-.Ltmp10, $4  }
0x224: {  	s7 =	sshll.u32 @!p3 s7, $0x4;
	s10 =	simm.s32 @!p3 $0x2C00  }
0x225: {  	[tilespmem:s10], [sflag:$0x7] =	stream.indirect.gather @!p3 [hbm4b:s31+s9], $0x80, s21, s9, $0xb8;
	[tilespmem:$0x1F800] =	vst v63  }
0x226: {  	s7 =	sadd.s32 @!p3 s7, s1;
	s9 =	simm.s32 @!p3 $0x5400  }
0x227: {  	[tilespmem:s9], [sflag:$0x9] =	stream.linear.gather @!p3 [hbm4b:s7+s8], $0x1400, $0x38;
	[tilespmem:$0x1F800] =	vst v63  }
0x228: {  	_ =	swait.ge [sflag:s25], $0x1400  }
0x229: {  	[sflag:s25] =	ssyncset.done $0x0  }
0x22a: {  	[sflag:s25] =	ssyncadd.s32 $0xFFFFEC00  }
0x22b: {  	_ =	swait.ge [sflag:s26], $0x1400  }
0x22c: {  	[sflag:s26] =	ssyncset.done $0x0  }
0x22d: {  	[sflag:s26] =	ssyncadd.s32 $0xFFFFEC00  }
0x22e: {  	_ =	swait.ge [sflag:s28], $0x1400  }
0x22f: {  	[sflag:s28] =	ssyncset.done $0x0  }
0x230: {  	s7 =	simm.s32 $0x0;
	[sflag:s28] =	ssyncadd.s32 $0xFFFFEC00  }
0x231: {  	v1 =	vld [tilespmem:s7+$0x1870]  }
0x232: {  	v2 =	vld [tilespmem:s7+$0x4070]  }
0x233: {  	v3 =	vld [tilespmem:s7+$0x1800]  }
0x234: {  	v4 =	vld [tilespmem:s7+$0x6870]  }
0x235: {  	v5 =	vld [tilespmem:s7+$0x4000]  }
0x236: {  	v6 =	vld [tilespmem:s7+$0x1810]  }
0x237: {  	v7 =	vld [tilespmem:s7+$0x4010]  }
0x238: {  	v8 =	vld [tilespmem:s7+$0x4020]  }
0x239: {  	v10 =	vld [tilespmem:s7+$0x4030]  }
0x23a: {  	v11 =	vld [tilespmem:s7+$0x1840]  }
0x23b: {  	v12 =	vld [tilespmem:s7+$0x1850]  }
0x23c: {  	v13 =	vld [tilespmem:s7+$0x4050]  }
0x23d: {  	v14 =	vld [tilespmem:s7+$0x1860];
	v1 =	vadd.f32 v2, v1  }
0x23e: {  	v15 =	vld [tilespmem:s7+$0x4060]  }
0x23f: {  	v16 =	vld [tilespmem:s7+$0x6800];
	v1 =	vadd.f32 v4, v1  }
0x240: {  	v2 =	vld [tilespmem:s7+$0x1820]  }
0x241: {  	v4 =	vld [tilespmem:s7+$0x1830];
	v1 =	vmax.f32 v1, $0.0e+00  }
0x242: {  	[tilespmem:s7+$0x9070] =	vst v1;
	v1 =	vld [tilespmem:s7+$0x4040]  }
0x243: {  	v17 =	vld [tilespmem:s7+$0x6810]  }
0x244: {  	v18 =	vld [tilespmem:s7+$0x6820]  }
0x245: {  	v9 =	vld [tilespmem:s7+$0x6830];
	v3 =	vadd.f32 v5, v3;
	v19 =	vadd.f32 v7, v6  }
0x246: {  	v20 =	vadd.f32 v8, v2;
	v8 =	vld [tilespmem:s7+$0x6840];
	v5 =	vadd.f32 v10, v4  }
0x247: {  	v7 =	vld [tilespmem:s7+$0x6850];
	v4 =	vadd.f32 v1, v11;
	v11 =	vadd.f32 v16, v3  }
0x248: {  	s8 =	simm.s32 $0x80;
	v6 =	vld [tilespmem:s7+$0x6860];
	v10 =	vadd.f32 v17, v19;
	v3 =	vadd.f32 v13, v12  }
0x249: {  	s9 =	simm.s32 $0x400;
	v2 =	vld [tilespmem:s8+$0x1870];
	v1 =	vadd.f32 v15, v14;
	v12 =	vmax.f32 v11, $0.0e+00;
	v11 =	vadd.f32 v18, v20  }
.LBB2_16:
0x24a: {  	p1 =	sne.s32 s9, $0x4E00;
	v13 =	vld [tilespmem:s8+$0x4070];
	[tilespmem:s7+$0x9000] =	vst v12;
	v10 =	vmax.f32 v10, $0.0e+00;
	v5 =	vadd.f32 v9, v5  }
0x24b: {  	v9 =	vld [tilespmem:s8+$0x1800];
	[tilespmem:s7+$0x9010] =	vst v10;
	v10 =	vmax.f32 v11, $0.0e+00;
	v4 =	vadd.f32 v8, v4  }
0x24c: {  	v8 =	vld [tilespmem:s8+$0x6870];
	[tilespmem:s7+$0x9020] =	vst v10;
	v5 =	vmax.f32 v5, $0.0e+00;
	v3 =	vadd.f32 v7, v3  }
0x24d: {  	v7 =	vld [tilespmem:s8+$0x4000];
	[tilespmem:s7+$0x9030] =	vst v5;
	v4 =	vmax.f32 v4, $0.0e+00;
	v1 =	vadd.f32 v6, v1  }
0x24e: {  	v5 =	vld [tilespmem:s8+$0x1810];
	[tilespmem:s7+$0x9040] =	vst v4;
	v3 =	vmax.f32 v3, $0.0e+00  }
0x24f: {  	v4 =	vld [tilespmem:s8+$0x4010];
	v2 =	vadd.f32 v13, v2;
	[tilespmem:s7+$0x9050] =	vst v3;
	v1 =	vmax.f32 v1, $0.0e+00  }
0x250: {  	v3 =	vld [tilespmem:s8+$0x1820];
	[tilespmem:s7+$0x9060] =	vst v1;
	s7 =	smov.u32 s8  }
0x251: {  	v1 =	vld [tilespmem:s7+$0x4020];
	v2 =	vadd.f32 v8, v2  }
0x252: {  	v6 =	vadd.f32 v7, v9;
	v7 =	vld [tilespmem:s7+$0x1830]  }
0x253: {  	v8 =	vld [tilespmem:s7+$0x4030];
	v2 =	vmax.f32 v2, $0.0e+00  }
0x254: {  	v10 =	vadd.f32 v4, v5;
	v4 =	vld [tilespmem:s7+$0x1840];
	[tilespmem:s7+$0x9070] =	vst v2  }
0x255: {  	v2 =	vld [tilespmem:s7+$0x4040]  }
0x256: {  	v11 =	vadd.f32 v1, v3;
	v1 =	vld [tilespmem:s7+$0x1850]  }
0x257: {  	v3 =	vld [tilespmem:s7+$0x4050]  }
0x258: {  	v5 =	vadd.f32 v8, v7;
	v7 =	vld [tilespmem:s7+$0x1860]  }
0x259: {  	v12 =	vld [tilespmem:s7+$0x4060]  }
0x25a: {  	v13 =	vld [tilespmem:s7+$0x6800];
	v4 =	vadd.f32 v2, v4  }
0x25b: {  	v2 =	vld [tilespmem:s7+$0x6810]  }
0x25c: {  	v14 =	vld [tilespmem:s7+$0x6820];
	v3 =	vadd.f32 v3, v1  }
.Ltmp11:
0x25d: {  	v9 =	vld [tilespmem:s7+$0x6830];
	(pc) =	sbr.rel @p1 .LBB2_16-.Ltmp11, $4  }
0x25e: {  	v8 =	vld [tilespmem:s7+$0x6840];
	v1 =	vadd.f32 v12, v7  }
0x25f: {  	v12 =	vadd.f32 v13, v6;
	v7 =	vld [tilespmem:s7+$0x6850]  }
0x260: {  	s8 =	sshra.s32 s9, $0x2;
	v10 =	vadd.f32 v2, v10;
	v6 =	vld [tilespmem:s7+$0x6860]  }
0x261: {  	s9 =	sadd.s32 $0x200, s9;
	v2 =	vld [tilespmem:s8+$0x1870];
	v12 =	vmax.f32 v12, $0.0e+00;
	v11 =	vadd.f32 v14, v11  }
0x262: {  	v13 =	vld [tilespmem:s8+$0x4070];
	[tilespmem:s7+$0x9000] =	vst v12;
	v10 =	vmax.f32 v10, $0.0e+00;
	v5 =	vadd.f32 v9, v5  }
0x263: {  	v12 =	vld [tilespmem:s8+$0x1800];
	[tilespmem:s7+$0x9010] =	vst v10;
	v50 =	vmax.f32 v11, $0.0e+00;
	v4 =	vadd.f32 v8, v4  }
0x264: {  	v10 =	vld [tilespmem:s8+$0x6870];
	[tilespmem:s7+$0x9020] =	vst v50;
	v5 =	vmax.f32 v5, $0.0e+00;
	v3 =	vadd.f32 v7, v3  }
0x265: {  	v51 =	vld [tilespmem:s8+$0x4000];
	[tilespmem:s7+$0x9030] =	vst v5;
	v4 =	vmax.f32 v4, $0.0e+00;
	v1 =	vadd.f32 v6, v1  }
0x266: {  	v5 =	vld [tilespmem:s8+$0x1810];
	[tilespmem:s7+$0x9040] =	vst v4;
	v3 =	vmax.f32 v3, $0.0e+00  }
0x267: {  	v4 =	vld [tilespmem:s8+$0x4010];
	[tilespmem:s7+$0x9050] =	vst v3;
	v1 =	vmax.f32 v1, $0.0e+00  }
0x268: {  	v3 =	vld [tilespmem:s8+$0x1820];
	[tilespmem:s7+$0x9060] =	vst v1  }
0x269: {  	v1 =	vld [tilespmem:s8+$0x4020]  }
0x26a: {  	v52 =	vld [tilespmem:s8+$0x1830]  }
0x26b: {  	v53 =	vld [tilespmem:s8+$0x4030]  }
0x26c: {  	v9 =	vld [tilespmem:s8+$0x1840]  }
0x26d: {  	v54 =	vld [tilespmem:s8+$0x1850]  }
0x26e: {  	v55 =	vld [tilespmem:s8+$0x4050]  }
0x26f: {  	v2 =	vadd.f32 v13, v2;
	v56 =	vld [tilespmem:s8+$0x1860]  }
0x270: {  	v14 =	vld [tilespmem:s8+$0x4060]  }
0x271: {  	v2 =	vadd.f32 v10, v2;
	v15 =	vld [tilespmem:s8+$0x6800]  }
0x272: {  	v16 =	vld [tilespmem:s8+$0x6810]  }
0x273: {  	v17 =	vld [tilespmem:s8+$0x6820];
	v2 =	vmax.f32 v2, $0.0e+00  }
0x274: {  	[tilespmem:s8+$0x9070] =	vst v2;
	v2 =	vld [tilespmem:s8+$0x4040]  }
0x275: {  	v57 =	vld [tilespmem:s8+$0x6830];
	v8 =	vadd.f32 v51, v12  }
0x276: {  	v58 =	vld [tilespmem:s8+$0x6840];
	v4 =	vadd.f32 v4, v5  }
0x277: {  	v59 =	vld [tilespmem:s8+$0x6850];
	v1 =	vadd.f32 v1, v3;
	v3 =	vadd.f32 v15, v8  }
0x278: {  	v60 =	vld [tilespmem:s8+$0x6860];
	v6 =	vadd.f32 v53, v52;
	v4 =	vadd.f32 v16, v4  }
0x279: {  	v1 =	vadd.f32 v17, v1;
	v3 =	vmax.f32 v3, $0.0e+00;
	v2 =	vadd.f32 v2, v9  }
0x27a: {  	v61 =	vadd.f32 v55, v54;
	v62 =	vadd.f32 v57, v6;
	[tilespmem:s8+$0x9000] =	vst v3;
	v3 =	vmax.f32 v4, $0.0e+00  }
0x27b: {  	v63 =	vadd.f32 v14, v56;
	[tilespmem:s8+$0x9010] =	vst v3;
	v1 =	vmax.f32 v1, $0.0e+00;
	v2 =	vadd.f32 v58, v2  }
0x27c: {  	v3 =	vadd.f32 v59, v61;
	[tilespmem:s8+$0x9020] =	vst v1;
	v1 =	vmax.f32 v62, $0.0e+00  }
.Ltmp12:
0x27d: {  	[tilespmem:s8+$0x9030] =	vst v1;
	v1 =	vmax.f32 v2, $0.0e+00;
	v2 =	vadd.f32 v60, v63;
	(pc) =	sbr.rel .LBB2_18-.Ltmp12, $4  }
0x27e: {  	[tilespmem:s8+$0x9040] =	vst v1;
	v1 =	vmax.f32 v3, $0.0e+00  }
0x27f: {  	[tilespmem:s8+$0x9050] =	vst v1;
	v1 =	vmax.f32 v2, $0.0e+00  }
0x280: {  	s21 =	simm.s32 $0x180;
	[tilespmem:s8+$0x9060] =	vst v1  }
0x281: {  	[spmem:s2] =	stream.indirect.scatter.add.f32 [tilespmem:s29], [sflag:$0xC], $0x80, s21, s20, $0xb8;
	[tilespmem:$0x1F800] =	vst v63  }
.LBB2_20:
0x282: {  	_ =	sfence.sel $0x180000  }
0x283: {  	[bflag:$0x0] =	sbarrier.arrive $0xFFFF  }
0x284: {  	_ =	strace $0x90000047  }
0x285: {  	s0 =	stileid.u32;
	[bflag:$0x2] =	sbarrier.arrive $0xFFFF  }
0x286: {  	p0 =	sne.s32 s0, $0x0;
	s0 =	rddreg [dreg:$0x2]  }
0x287: {  	s0 =	sadd.s32 @!p0 $0x100000, s0  }
0x288: {  	[sflag:s0] =	ssyncadd.tile.s32 @!p0 $0x1;
	_ =	shalt  }
.Lfunc_end2:
_tile_overlayer_lowered:
.L_overlay_start_2:
0x289: {  	(tag) =	ssettag $0x2  }
0x28a: {  	s0 =	rddreg [dreg:$0x0];
	s2 =	stileid.u32  }
0x28b: {  	s1 =	rddreg [dreg:$0x1];
	p0 =	sne.s32 s2, $0x0  }
0x28c: {  	s3 =	rddreg [dreg:$0x2];
	[bflag:$0x3] =	sbarrier.arrive $0xFFFF;
	s2 =	simm.s32 @!p0 $0x1C0D  }
0x28d: {  	[timem:s3], [sflag:s2] =	dma.local @!p0 [hbm:s0], s1  }
0x28e: {  	s0 =	simm.s32 @!p0 $0xD  }
0x28f: {  	_ =	swait.ge @!p0 [sflag:s0], s1  }
0x290: {  	s1 =	ssub.s32 @!p0 $0x0, s1;
	[sflag:s0] =	ssyncset.done @!p0 $0x0  }
0x291: {  	[sflag:s0] =	ssyncadd.s32 @!p0 s1  }
0x292: {  	[bflag:$0x3] =	sbarrier.arrive $0xFFFF  }
0x293: {  	_ =	shalt  }

</sc_bundles>
